<compile_context>
chip_gen: v7x
topology: tpu7x:2x2x1
jax: 0.10.2.dev20260603
libtpu: 0.0.44.dev20260713+nightly
codegen_flags: <defaults>
</compile_context>

<pallas_src>
import functools

import jax
import jax.numpy as jnp
from jax import lax
from jax.experimental import pallas as pl
from jax.experimental.pallas import tpu as pltpu
from jax.experimental.pallas import tpu_sc as plsc

F32 = jnp.float32
NC, NS = 2, 16
NW = NC * NS

N1 = 10000
E1 = 320000
EP1 = 327680
EP = 2 * EP1
NPAD = 10240
SEGP = 128



GROUP = 8
OP = 128
HALF = 512


def _sc_gather(D, B, n_groups, active_wids):
    mesh = plsc.VectorSubcoreMesh(core_axis_name="c", subcore_axis_name="s")

    @functools.partial(
        pl.kernel, mesh=mesh,
        out_type=jax.ShapeDtypeStruct((B, D), F32),
        scratch_types=[
            pltpu.VMEM((GROUP, OP), jnp.int32),
            pltpu.VMEM((HALF, D), F32),
            pltpu.SemaphoreType.DMA,
        ],
    )
    def k(table_hbm, idx_hbm, out_hbm, idx_v, rows_v, sem):
        wid = lax.axis_index("s") * NC + lax.axis_index("c")
        idx_row0 = wid * (n_groups * GROUP)

        def body(j, carry):
            r0 = idx_row0 + j * GROUP
            pltpu.sync_copy(idx_hbm.at[pl.ds(r0, GROUP)], idx_v)
            for half in range(2):
                cps = [
                    pltpu.async_copy(table_hbm.at[idx_v.at[half * 4 + kk]],
                                     rows_v.at[pl.ds(kk * OP, OP)], sem)
                    for kk in range(4)
                ]
                for c in cps:
                    c.wait()
                pltpu.sync_copy(
                    rows_v, out_hbm.at[pl.ds((r0 + half * 4) * OP, HALF)])
            return carry

        @pl.when(wid < active_wids)
        def _():
            lax.fori_loop(0, n_groups, body, 0)

    return k


def _sc_segsum(B, D, npad, n_groups, active_sids):
    zr = npad // NS
    mesh = plsc.VectorSubcoreMesh(core_axis_name="c", subcore_axis_name="s")

    @functools.partial(
        pl.kernel, mesh=mesh,
        out_type=jax.ShapeDtypeStruct((NC * npad, D), F32),
        scratch_types=[
            pltpu.VMEM((GROUP, OP), jnp.int32),
            pltpu.VMEM((OP, D), F32),
            pltpu.VMEM((OP, D), F32),
            pltpu.SemaphoreType.DMA,
            pltpu.SemaphoreType.DMA,
            pltpu.VMEM_SHARED((npad, D), F32),
        ],
    )
    def k(vals_hbm, idx_hbm, zeros_hbm, out_hbm, idx_v, vb0, vb1,
          sem_l, sem_s, acc_sh):
        cid = lax.axis_index("c")
        sid = lax.axis_index("s")
        pltpu.sync_copy(zeros_hbm.at[pl.ds(sid * zr, zr)],
                        acc_sh.at[pl.ds(sid * zr, zr)])
        plsc.subcore_barrier()
        idx_row0 = (cid * active_sids + sid) * (n_groups * GROUP)

        vbufs = (vb0, vb1)

        def body(j, carry):
            r0 = idx_row0 + j * GROUP
            pltpu.sync_copy(idx_hbm.at[pl.ds(r0, GROUP)], idx_v)
            loads = {}
            scats = {}
            for kk in range(2):
                loads[kk] = pltpu.async_copy(
                    vals_hbm.at[pl.ds((r0 + kk) * OP, OP)], vbufs[kk], sem_l)
            for kk in range(GROUP):
                loads[kk].wait()
                scats[kk] = pltpu.async_copy(
                    vbufs[kk % 2], acc_sh.at[idx_v.at[kk]], sem_s, add=True)
                if kk + 2 < GROUP:
                    scats[kk].wait()
                    loads[kk + 2] = pltpu.async_copy(
                        vals_hbm.at[pl.ds((r0 + kk + 2) * OP, OP)],
                        vbufs[kk % 2], sem_l)
            scats[GROUP - 2].wait()
            scats[GROUP - 1].wait()
            return carry

        @pl.when(sid < active_sids)
        def _():
            lax.fori_loop(0, n_groups, body, 0)

        plsc.subcore_barrier()
        pltpu.sync_copy(acc_sh.at[pl.ds(sid * zr, zr)],
                        out_hbm.at[pl.ds(cid * npad + sid * zr, zr)])

    return k


_gather_edges = _sc_gather(128, EP, 20, 32)
_gather_z = _sc_gather(128, NPAD, 1, 10)
_segsum_edges = _sc_segsum(EP, 128, NPAD, 20, 16)
_segsum_nodes = _sc_segsum(2 * NPAD, 128, SEGP, 1, 10)



def _mm(x, w, bm):
    M, K = x.shape
    N = w.shape[1]

    def body(x_ref, w_ref, o_ref):
        o_ref[...] = jnp.dot(x_ref[...], w_ref[...],
                             preferred_element_type=F32)

    return pl.pallas_call(
        body, grid=(M // bm,),
        in_specs=[pl.BlockSpec((bm, K), lambda i: (i, 0)),
                  pl.BlockSpec((K, N), lambda i: (0, 0))],
        out_specs=pl.BlockSpec((bm, N), lambda i: (i, 0)),
        out_shape=jax.ShapeDtypeStruct((M, N), F32),
    )(x, w)


def _edge_base(xs, ecat, w2, b):
    bm = 2048

    def body(xs_ref, ea_ref, w2_ref, b_ref, base_ref, msg_ref):
        base = xs_ref[...] + jnp.dot(ea_ref[...], w2_ref[...],
                                     preferred_element_type=F32) + b_ref[...]
        base_ref[...] = base
        msg_ref[...] = jnp.maximum(base, 0.0)

    return pl.pallas_call(
        body, grid=(EP // bm,),
        in_specs=[pl.BlockSpec((bm, 128), lambda i: (i, 0)),
                  pl.BlockSpec((bm, 16), lambda i: (i, 0)),
                  pl.BlockSpec((16, 128), lambda i: (0, 0)),
                  pl.BlockSpec((1, 128), lambda i: (0, 0))],
        out_specs=[pl.BlockSpec((bm, 128), lambda i: (i, 0)),
                   pl.BlockSpec((bm, 128), lambda i: (i, 0))],
        out_shape=[jax.ShapeDtypeStruct((EP, 128), F32),
                   jax.ShapeDtypeStruct((EP, 128), F32)],
    )(xs, ecat, w2, b)


def _relu_add(base, g):
    bm = 2048

    def body(b_ref, g_ref, o_ref):
        o_ref[...] = jnp.maximum(b_ref[...] + g_ref[...], 0.0)

    return pl.pallas_call(
        body, grid=(EP // bm,),
        in_specs=[pl.BlockSpec((bm, 128), lambda i: (i, 0)),
                  pl.BlockSpec((bm, 128), lambda i: (i, 0))],
        out_specs=pl.BlockSpec((bm, 128), lambda i: (i, 0)),
        out_shape=jax.ShapeDtypeStruct((EP, 128), F32),
    )(base, g)


def _readout(xcat, s3d, u1, u2, b):
    bm = 400

    def body(x_ref, s_ref, u1_ref, u2_ref, b_ref, o_ref):
        h = (jnp.dot(x_ref[...], u1_ref[...], preferred_element_type=F32)
             + jnp.dot(s_ref[0], u2_ref[...], preferred_element_type=F32)
             + b_ref[...])
        o_ref[0] = jnp.maximum(h, 0.0)

    return pl.pallas_call(
        body, grid=(2 * N1 // bm,),
        in_specs=[pl.BlockSpec((bm, 128), lambda i: (i, 0)),
                  pl.BlockSpec((1, bm, 128), lambda i: (i // 25, i % 25, 0)),
                  pl.BlockSpec((128, 128), lambda i: (0, 0)),
                  pl.BlockSpec((128, 128), lambda i: (0, 0)),
                  pl.BlockSpec((1, 128), lambda i: (0, 0))],
        out_specs=pl.BlockSpec((1, bm, 128), lambda i: (i // 25, i % 25, 0)),
        out_shape=jax.ShapeDtypeStruct((2, NPAD, 128), F32),
    )(xcat, s3d, u1, u2, b)


def _head(p3d, noise_pad, w_mu, b_mu, w_lv, b_lv):
    def body(p_ref, n_ref, wm_ref, bm_ref, wl_ref, bl_ref, z_ref, kl_ref):
        p = p_ref[...]
        delta = p[0, :64] - p[1, :64]
        mu = jnp.dot(delta, wm_ref[...], preferred_element_type=F32) + bm_ref[...]
        lv = jnp.dot(delta, wl_ref[...], preferred_element_type=F32) + bl_ref[...]
        z = jnp.exp(0.5 * lv) * (mu + n_ref[...])
        mask = lax.broadcasted_iota(jnp.int32, (64, 64), 0) < 50
        zm = jnp.where(mask, z, 0.0)
        z_ref[...] = jnp.concatenate([zm, jnp.zeros((64, 64), F32)], axis=1)
        t = jnp.where(mask, 1.0 + lv - mu * mu - jnp.exp(lv), 0.0)
        kl_ref[...] = jnp.full((8, 128), -0.5 * jnp.sum(t) / 50.0, F32)

    return pl.pallas_call(
        body, grid=(1,),
        in_specs=[pl.BlockSpec((2, SEGP, 128), lambda i: (0, 0, 0)),
                  pl.BlockSpec((64, 64), lambda i: (0, 0)),
                  pl.BlockSpec((128, 64), lambda i: (0, 0)),
                  pl.BlockSpec((1, 64), lambda i: (0, 0)),
                  pl.BlockSpec((128, 64), lambda i: (0, 0)),
                  pl.BlockSpec((1, 64), lambda i: (0, 0))],
        out_specs=[pl.BlockSpec((64, 128), lambda i: (0, 0)),
                   pl.BlockSpec((8, 128), lambda i: (0, 0))],
        out_shape=[jax.ShapeDtypeStruct((64, 128), F32),
                   jax.ShapeDtypeStruct((8, 128), F32)],
    )(p3d, noise_pad, w_mu, b_mu, w_lv, b_lv)


def _decoder(hx, zn, w3, w4, b2):
    bm = 1000

    def body(h_ref, z_ref, w3_ref, w4_ref, b_ref, o_ref):
        o_ref[...] = jnp.maximum(
            jnp.dot(h_ref[...], w3_ref[...], preferred_element_type=F32)
            + jnp.dot(z_ref[...][:, :64], w4_ref[...],
                      preferred_element_type=F32)
            + b_ref[...], 0.0)

    return pl.pallas_call(
        body, grid=(N1 // bm,),
        in_specs=[pl.BlockSpec((bm, 128), lambda i: (i, 0)),
                  pl.BlockSpec((bm, 128), lambda i: (i, 0)),
                  pl.BlockSpec((128, 128), lambda i: (0, 0)),
                  pl.BlockSpec((64, 128), lambda i: (0, 0)),
                  pl.BlockSpec((1, 128), lambda i: (0, 0))],
        out_specs=pl.BlockSpec((bm, 128), lambda i: (i, 0)),
        out_shape=jax.ShapeDtypeStruct((N1, 128), F32),
    )(hx, zn, w3, w4, b2)



def kernel(x_X, eattr_X, x_Y, eattr_Y, noise, g1_w1, g1_w2, g1_w3, g1_b,
           g2_u1, g2_u2, g2_b, w_mu, b_mu, w_lv, b_lv, w3, w4, b2,
           edge_index_X, edge_index_Y, gid_X, gid_Y):
    pad_e = EP1 - E1
    zpad = jnp.zeros((pad_e,), jnp.int32)
    trash = jnp.full((pad_e,), NPAD - 1, jnp.int32)
    srcX, dstX = edge_index_X[0], edge_index_X[1]
    srcY, dstY = edge_index_Y[0], edge_index_Y[1]
    src_xe = jnp.concatenate([srcX, zpad, srcY + N1, zpad]).reshape(-1, 128)
    src_a = jnp.concatenate([srcX, zpad, srcY + NPAD, zpad]).reshape(-1, 128)
    dst = jnp.concatenate([dstX, trash, dstY, trash]).reshape(-1, 128)
    gpad = jnp.full((NPAD - N1,), SEGP - 1, jnp.int32)
    gid_cat = jnp.concatenate([gid_X, gpad, gid_Y, gpad]).reshape(-1, 128)
    gid_zidx = jnp.concatenate(
        [gid_X, jnp.zeros((NPAD - N1,), jnp.int32)]).reshape(-1, 128)

    zeros_node = jnp.zeros((NPAD, 128), F32)
    zeros_seg = jnp.zeros((SEGP, 128), F32)
    xcat = jnp.concatenate([x_X, x_Y])
    epad = jnp.zeros((pad_e, 16), F32)
    ecat = jnp.concatenate([eattr_X, epad, eattr_Y, epad])
    noise_pad = jnp.pad(noise, ((0, 14), (0, 0)))

    xe = _mm(xcat, g1_w1, 1000)
    xs = _gather_edges(xe, src_xe)
    base, msg = _edge_base(xs, ecat, g1_w2, g1_b)
    s = None
    for it in range(3):
        s = _segsum_edges(msg, dst, zeros_node)
        if it < 2:
            a = _mm(s, g1_w3, 1024)
            g = _gather_edges(a, src_a)
            msg = _relu_add(base, g)

    h = _readout(xcat, s.reshape(2, NPAD, 128), g2_u1, g2_u2, g2_b)
    hp = h.reshape(2 * NPAD, 128)
    p = _segsum_nodes(hp, gid_cat, zeros_seg)
    z, klb = _head(p.reshape(2, SEGP, 128), noise_pad, w_mu,
                   b_mu.reshape(1, 64), w_lv, b_lv.reshape(1, 64))
    zn = _gather_z(z, gid_zidx)
    x_tilde = _decoder(hp[:N1], zn[:N1], w3, w4, b2)
    return (x_tilde, klb[0, 0])

# --- scband reference (transcript-rebuilt; emitter-appended) ---
"""Pipeline reference for scband-graph2-graph-43276090474920 (READ-ONLY COPY).

The authoritative reference and input builder live on the scoring server;
editing this copy changes nothing except your own understanding.
"""

import jax, jax.numpy as jnp
import numpy as np

N_NODES = 10000
N_EDGES = 320000
D_NDATA = 128
D_EDATA = 16
D_MSG = 128
D_X = 128
D_Z = 64
N_ITERS = 3
BATCH = 50


def setup_inputs(seed: int = 0):
    key = jax.random.key(seed)
    ks = jax.random.split(key, 32)
    u = lambda k, shape, s: jax.random.uniform(k, shape, dtype=jnp.float32) * s
    inp = {}
    inp["x_X"] = jax.random.normal(ks[0], (N_NODES, D_NDATA), dtype=jnp.float32)
    inp["eattr_X"] = jax.random.normal(ks[1], (N_EDGES, D_EDATA), dtype=jnp.float32)
    inp["x_Y"] = jax.random.normal(ks[2], (N_NODES, D_NDATA), dtype=jnp.float32)
    inp["eattr_Y"] = jax.random.normal(ks[3], (N_EDGES, D_EDATA), dtype=jnp.float32)
    inp["noise"] = jax.random.uniform(ks[4], (BATCH, D_Z), dtype=jnp.float32)
    inp["g1_w1"] = u(ks[5], (D_NDATA, D_MSG), 5e-4)
    inp["g1_w2"] = u(ks[6], (D_EDATA, D_MSG), 5e-4)
    inp["g1_w3"] = u(ks[7], (D_MSG, D_MSG), 5e-4)
    inp["g1_b"] = jnp.zeros((1, D_MSG), jnp.float32)
    inp["g2_u1"] = u(ks[8], (D_NDATA, D_X), 0.05)
    inp["g2_u2"] = u(ks[9], (D_MSG, D_X), 0.05)
    inp["g2_b"] = jnp.zeros((1, D_X), jnp.float32)
    inp["w_mu"] = u(ks[10], (D_X, D_Z), 0.001)
    inp["b_mu"] = jnp.zeros((D_Z,), jnp.float32)
    inp["w_lv"] = u(ks[11], (D_X, D_Z), 0.001)
    inp["b_lv"] = jnp.zeros((D_Z,), jnp.float32)
    inp["w3"] = u(ks[12], (D_X, D_X), 0.05)
    inp["w4"] = u(ks[13], (D_Z, D_X), 0.05)
    inp["b2"] = jnp.zeros((1, D_X), jnp.float32)
    inp["edge_index_X"] = jax.random.randint(ks[14], (2, N_EDGES), 0, N_NODES, dtype=jnp.int32)
    inp["edge_index_Y"] = jax.random.randint(ks[15], (2, N_EDGES), 0, N_NODES, dtype=jnp.int32)
    inp["gid_X"] = jnp.sort(jax.random.randint(ks[16], (N_NODES,), 0, BATCH, dtype=jnp.int32))
    inp["gid_Y"] = jnp.sort(jax.random.randint(ks[17], (N_NODES,), 0, BATCH, dtype=jnp.int32))
    return inp


def _encode(x, eattr, edge_index, g1_w1, g1_w2, g1_w3, g1_b, g2_u1, g2_u2, g2_b):
    # G1 message passing (n_itersG rounds), then G2 readout, as in G2GEncoder
    src = edge_index[0]
    dst = edge_index[1]
    base = x[src] @ g1_w1 + eattr @ g1_w2 + g1_b  # f_src @ w1 + f @ w2 + b
    msg = jnp.zeros((eattr.shape[0], g1_w3.shape[0]), dtype=x.dtype)
    for _ in range(N_ITERS):
        sum_in = jax.ops.segment_sum(msg, dst, num_segments=N_NODES)
        msg = jax.nn.relu(base + sum_in[src] @ g1_w3)  # sum_msg @ w3
    sum_msg = jax.ops.segment_sum(msg, dst, num_segments=N_NODES)
    return jax.nn.relu(x @ g2_u1 + sum_msg @ g2_u2 + g2_b)  # G2: f @ u1 + sum_msg @ u2 + b


def reference(x_X, eattr_X, x_Y, eattr_Y, noise, g1_w1, g1_w2, g1_w3, g1_b, g2_u1, g2_u2, g2_b, w_mu, b_mu, w_lv, b_lv, w3, w4, b2, edge_index_X, edge_index_Y, gid_X, gid_Y):
    hx = _encode(x_X, eattr_X, edge_index_X, g1_w1, g1_w2, g1_w3, g1_b, g2_u1, g2_u2, g2_b)
    hy = _encode(x_Y, eattr_Y, edge_index_Y, g1_w1, g1_w2, g1_w3, g1_b, g2_u1, g2_u2, g2_b)
    # delta = dgl.sum_nodes(X, 'x') - dgl.sum_nodes(Y, 'x')
    delta = jax.ops.segment_sum(hx, gid_X, num_segments=BATCH) - jax.ops.segment_sum(hy, gid_Y, num_segments=BATCH)
    mu = delta @ w_mu + b_mu
    logvar = delta @ w_lv + b_lv
    z = jnp.exp(logvar) ** 0.5 * (mu + noise)
    # th.repeat_interleave(z, batch_num_nodes, 0): gid is sorted so gather by graph id
    z_nodes = z[gid_X]
    x_tilde = jax.nn.relu(hx @ w3 + z_nodes @ w4 + b2)
    kl = -0.5 * jnp.sum(1.0 + logvar - mu ** 2 - jnp.exp(logvar)) / BATCH
    return (x_tilde, kl)

if __name__ == "__main__":
    import jax
    _d = setup_inputs()
    print(jax.jit(kernel)(*tuple(_d.values())))

</pallas_src>

<mosaic_0001>
#map = affine_map<(d0, d1) -> (0, 0)>
module attributes {stable_mosaic.version = 14 : i64} {
  func.func @k(%arg0: i32, %arg1: i32, %arg2: memref<20480x128xf32, #tpu.memory_space<hbm>>, %arg3: memref<5120x128xi32, #tpu.memory_space<hbm>>, %arg4: memref<655360x128xf32, #tpu.memory_space<hbm>>, %arg5: memref<8x128xi32, #tpu.memory_space<vmem>>, %arg6: memref<512x128xf32, #tpu.memory_space<vmem>>, %arg7: memref<!tpu.dma_semaphore, #tpu.memory_space<semaphore_mem>>) attributes {dimension_semantics = [#tpu.dimension_semantics<core_parallel>, #tpu.dimension_semantics<subcore_parallel>], iteration_bounds = array<i64: 2, 16>, scalar_prefetch = 0 : i64, scratch_operands = 3 : i64, tpu.core_type = #tpu.core_type<sc_vector_subcore>, window_params = [{transform_indices = #map}, {transform_indices = #map}, {transform_indices = #map}]} {
    %mul3A = arith.constant 2 : i32
    %mul3A_0 = arith.muli %arg1, %mul3A : i32
    %add3A = arith.addi %mul3A_0, %arg0 : i32
    %mul3A_1 = arith.constant 160 : i32
    %mul3A_2 = arith.muli %add3A, %mul3A_1 : i32
    %lt3A = arith.constant 32 : i32
    %lt3A_3 = arith.cmpi slt, %add3A, %lt3A : i32
    %convert_element_type3A = arith.extui %lt3A_3 : i1 to i32
    %cond3A = arith.constant 0 : i32
    %cond3A_4 = arith.cmpi ne, %convert_element_type3A, %cond3A : i32
    scf.if %cond3A_4 {
      %scan3A = arith.constant 0 : i32
      %scan3A_5 = arith.constant 0 : i32
      %scan3A_6 = arith.constant 20 : i32
      %scan3A_7 = arith.addi %scan3A_5, %scan3A_6 : i32
      %scan3A_8 = arith.constant 1 : i32
      scf.for %scan3A_10 = %scan3A_5 to %scan3A_7 step %scan3A_8  : i32 {
        %mul3A_11 = arith.constant 8 : i32
        %mul3A_12 = arith.muli %scan3A_10, %mul3A_11 : i32
        %add3A_13 = arith.addi %mul3A_2, %mul3A_12 : i32
        "tpu.region"() ({
          %run_scoped3A = tpu.sem_alloc : memref<!tpu.dma_semaphore, #tpu.memory_space<semaphore_mem>>
          %dma_start3A_180 = arith.constant 0 : i32
          %dma_start3A_181 = tpu.memref_slice %arg3[%add3A_13, %dma_start3A_180] : memref<5120x128xi32, #tpu.memory_space<hbm>> -> memref<8x128xi32, #tpu.memory_space<hbm>>
          %dma_start3A_182 = arith.constant 0 : i32
          %dma_start3A_183 = tpu.memref_slice %arg3[%add3A_13, %dma_start3A_182] : memref<5120x128xi32, #tpu.memory_space<hbm>> -> memref<8x128xi32, #tpu.memory_space<hbm>>
          tpu.enqueue_dma source(%dma_start3A_183 : memref<8x128xi32, #tpu.memory_space<hbm>>) target(%arg5 : memref<8x128xi32, #tpu.memory_space<vmem>>) target_semaphore(%run_scoped3A : memref<!tpu.dma_semaphore, #tpu.memory_space<semaphore_mem>>)
          %dma_wait3A_184 = arith.constant 0 : i32
          %dma_wait3A_185 = tpu.memref_slice %arg3[%add3A_13, %dma_wait3A_184] : memref<5120x128xi32, #tpu.memory_space<hbm>> -> memref<8x128xi32, #tpu.memory_space<hbm>>
          %dma_wait3A_186 = arith.constant 0 : i32
          %dma_wait3A_187 = tpu.memref_slice %arg3[%add3A_13, %dma_wait3A_186] : memref<5120x128xi32, #tpu.memory_space<hbm>> -> memref<8x128xi32, #tpu.memory_space<hbm>>
          tpu.wait_dma2 semaphore(%run_scoped3A : memref<!tpu.dma_semaphore, #tpu.memory_space<semaphore_mem>>) src(%dma_wait3A_187 : memref<8x128xi32, #tpu.memory_space<hbm>>) dst(%arg5 : memref<8x128xi32, #tpu.memory_space<vmem>>)
          tpu.yield
        }) : () -> ()
        %dma_start3A = arith.constant 0 : i32
        %dma_start3A_14 = arith.constant 0 : i32
        %dma_start3A_15 = arith.constant 0 : i32
        %dma_start3A_16 = tpu.memref_slice %arg6[%dma_start3A_14, %dma_start3A_15] : memref<512x128xf32, #tpu.memory_space<vmem>> -> memref<128x128xf32, #tpu.memory_space<vmem>>
        %dma_start3A_17 = arith.constant 0 : i32
        %dma_start3A_18 = tpu.memref_slice %arg5[%dma_start3A, %dma_start3A_17] : memref<8x128xi32, #tpu.memory_space<vmem>> -> memref<1x128xi32, #tpu.memory_space<vmem>>
        %dma_start3A_19 = tpu.memref_squeeze %dma_start3A_18 : memref<1x128xi32, #tpu.memory_space<vmem>> -> memref<128xi32, #tpu.memory_space<vmem>>
        %dma_start3A_20 = arith.constant 0 : i32
        %dma_start3A_21 = arith.constant 0 : i32
        %dma_start3A_22 = tpu.memref_slice %arg2[%dma_start3A_20, %dma_start3A_21] : memref<20480x128xf32, #tpu.memory_space<hbm>> -> memref<20480x128xf32, #tpu.memory_space<hbm>>
        tpu.enqueue_indirect_dma source(%dma_start3A_22 : memref<20480x128xf32, #tpu.memory_space<hbm>>) target(%dma_start3A_16 : memref<128x128xf32, #tpu.memory_space<vmem>>) offsets(%dma_start3A_19 : memref<128xi32, #tpu.memory_space<vmem>>) semaphore(%arg7 : memref<!tpu.dma_semaphore, #tpu.memory_space<semaphore_mem>>)
        %dma_start3A_23 = arith.constant 1 : i32
        %dma_start3A_24 = arith.constant 128 : i32
        %dma_start3A_25 = arith.constant 0 : i32
        %dma_start3A_26 = tpu.memref_slice %arg6[%dma_start3A_24, %dma_start3A_25] : memref<512x128xf32, #tpu.memory_space<vmem>> -> memref<128x128xf32, #tpu.memory_space<vmem>>
        %dma_start3A_27 = arith.constant 0 : i32
        %dma_start3A_28 = tpu.memref_slice %arg5[%dma_start3A_23, %dma_start3A_27] : memref<8x128xi32, #tpu.memory_space<vmem>> -> memref<1x128xi32, #tpu.memory_space<vmem>>
        %dma_start3A_29 = tpu.memref_squeeze %dma_start3A_28 : memref<1x128xi32, #tpu.memory_space<vmem>> -> memref<128xi32, #tpu.memory_space<vmem>>
        %dma_start3A_30 = arith.constant 0 : i32
        %dma_start3A_31 = arith.constant 0 : i32
        %dma_start3A_32 = tpu.memref_slice %arg2[%dma_start3A_30, %dma_start3A_31] : memref<20480x128xf32, #tpu.memory_space<hbm>> -> memref<20480x128xf32, #tpu.memory_space<hbm>>
        tpu.enqueue_indirect_dma source(%dma_start3A_32 : memref<20480x128xf32, #tpu.memory_space<hbm>>) target(%dma_start3A_26 : memref<128x128xf32, #tpu.memory_space<vmem>>) offsets(%dma_start3A_29 : memref<128xi32, #tpu.memory_space<vmem>>) semaphore(%arg7 : memref<!tpu.dma_semaphore, #tpu.memory_space<semaphore_mem>>)
        %dma_start3A_33 = arith.constant 2 : i32
        %dma_start3A_34 = arith.constant 256 : i32
        %dma_start3A_35 = arith.constant 0 : i32
        %dma_start3A_36 = tpu.memref_slice %arg6[%dma_start3A_34, %dma_start3A_35] : memref<512x128xf32, #tpu.memory_space<vmem>> -> memref<128x128xf32, #tpu.memory_space<vmem>>
        %dma_start3A_37 = arith.constant 0 : i32
        %dma_start3A_38 = tpu.memref_slice %arg5[%dma_start3A_33, %dma_start3A_37] : memref<8x128xi32, #tpu.memory_space<vmem>> -> memref<1x128xi32, #tpu.memory_space<vmem>>
        %dma_start3A_39 = tpu.memref_squeeze %dma_start3A_38 : memref<1x128xi32, #tpu.memory_space<vmem>> -> memref<128xi32, #tpu.memory_space<vmem>>
        %dma_start3A_40 = arith.constant 0 : i32
        %dma_start3A_41 = arith.constant 0 : i32
        %dma_start3A_42 = tpu.memref_slice %arg2[%dma_start3A_40, %dma_start3A_41] : memref<20480x128xf32, #tpu.memory_space<hbm>> -> memref<20480x128xf32, #tpu.memory_space<hbm>>
        tpu.enqueue_indirect_dma source(%dma_start3A_42 : memref<20480x128xf32, #tpu.memory_space<hbm>>) target(%dma_start3A_36 : memref<128x128xf32, #tpu.memory_space<vmem>>) offsets(%dma_start3A_39 : memref<128xi32, #tpu.memory_space<vmem>>) semaphore(%arg7 : memref<!tpu.dma_semaphore, #tpu.memory_space<semaphore_mem>>)
        %dma_start3A_43 = arith.constant 3 : i32
        %dma_start3A_44 = arith.constant 384 : i32
        %dma_start3A_45 = arith.constant 0 : i32
        %dma_start3A_46 = tpu.memref_slice %arg6[%dma_start3A_44, %dma_start3A_45] : memref<512x128xf32, #tpu.memory_space<vmem>> -> memref<128x128xf32, #tpu.memory_space<vmem>>
        %dma_start3A_47 = arith.constant 0 : i32
        %dma_start3A_48 = tpu.memref_slice %arg5[%dma_start3A_43, %dma_start3A_47] : memref<8x128xi32, #tpu.memory_space<vmem>> -> memref<1x128xi32, #tpu.memory_space<vmem>>
        %dma_start3A_49 = tpu.memref_squeeze %dma_start3A_48 : memref<1x128xi32, #tpu.memory_space<vmem>> -> memref<128xi32, #tpu.memory_space<vmem>>
        %dma_start3A_50 = arith.constant 0 : i32
        %dma_start3A_51 = arith.constant 0 : i32
        %dma_start3A_52 = tpu.memref_slice %arg2[%dma_start3A_50, %dma_start3A_51] : memref<20480x128xf32, #tpu.memory_space<hbm>> -> memref<20480x128xf32, #tpu.memory_space<hbm>>
        tpu.enqueue_indirect_dma source(%dma_start3A_52 : memref<20480x128xf32, #tpu.memory_space<hbm>>) target(%dma_start3A_46 : memref<128x128xf32, #tpu.memory_space<vmem>>) offsets(%dma_start3A_49 : memref<128xi32, #tpu.memory_space<vmem>>) semaphore(%arg7 : memref<!tpu.dma_semaphore, #tpu.memory_space<semaphore_mem>>)
        %dma_wait3A = arith.constant 0 : i32
        %dma_wait3A_53 = arith.constant 0 : i32
        %dma_wait3A_54 = arith.constant 0 : i32
        %dma_wait3A_55 = tpu.memref_slice %arg6[%dma_wait3A_53, %dma_wait3A_54] : memref<512x128xf32, #tpu.memory_space<vmem>> -> memref<128x128xf32, #tpu.memory_space<vmem>>
        %dma_wait3A_56 = arith.constant 0 : i32
        %dma_wait3A_57 = tpu.memref_slice %arg5[%dma_wait3A, %dma_wait3A_56] : memref<8x128xi32, #tpu.memory_space<vmem>> -> memref<1x128xi32, #tpu.memory_space<vmem>>
        %dma_wait3A_58 = tpu.memref_squeeze %dma_wait3A_57 : memref<1x128xi32, #tpu.memory_space<vmem>> -> memref<128xi32, #tpu.memory_space<vmem>>
        %dma_wait3A_59 = arith.constant 0 : i32
        %dma_wait3A_60 = arith.constant 0 : i32
        %dma_wait3A_61 = tpu.memref_slice %arg2[%dma_wait3A_59, %dma_wait3A_60] : memref<20480x128xf32, #tpu.memory_space<hbm>> -> memref<20480x128xf32, #tpu.memory_space<hbm>>
        tpu.wait_indirect_dma semaphore(%arg7 : memref<!tpu.dma_semaphore, #tpu.memory_space<semaphore_mem>>) src(%dma_wait3A_61 : memref<20480x128xf32, #tpu.memory_space<hbm>>) dst(%dma_wait3A_55 : memref<128x128xf32, #tpu.memory_space<vmem>>)
        %dma_wait3A_62 = arith.constant 1 : i32
        %dma_wait3A_63 = arith.constant 128 : i32
        %dma_wait3A_64 = arith.constant 0 : i32
        %dma_wait3A_65 = tpu.memref_slice %arg6[%dma_wait3A_63, %dma_wait3A_64] : memref<512x128xf32, #tpu.memory_space<vmem>> -> memref<128x128xf32, #tpu.memory_space<vmem>>
        %dma_wait3A_66 = arith.constant 0 : i32
        %dma_wait3A_67 = tpu.memref_slice %arg5[%dma_wait3A_62, %dma_wait3A_66] : memref<8x128xi32, #tpu.memory_space<vmem>> -> memref<1x128xi32, #tpu.memory_space<vmem>>
        %dma_wait3A_68 = tpu.memref_squeeze %dma_wait3A_67 : memref<1x128xi32, #tpu.memory_space<vmem>> -> memref<128xi32, #tpu.memory_space<vmem>>
        %dma_wait3A_69 = arith.constant 0 : i32
        %dma_wait3A_70 = arith.constant 0 : i32
        %dma_wait3A_71 = tpu.memref_slice %arg2[%dma_wait3A_69, %dma_wait3A_70] : memref<20480x128xf32, #tpu.memory_space<hbm>> -> memref<20480x128xf32, #tpu.memory_space<hbm>>
        tpu.wait_indirect_dma semaphore(%arg7 : memref<!tpu.dma_semaphore, #tpu.memory_space<semaphore_mem>>) src(%dma_wait3A_71 : memref<20480x128xf32, #tpu.memory_space<hbm>>) dst(%dma_wait3A_65 : memref<128x128xf32, #tpu.memory_space<vmem>>)
        %dma_wait3A_72 = arith.constant 2 : i32
        %dma_wait3A_73 = arith.constant 256 : i32
        %dma_wait3A_74 = arith.constant 0 : i32
        %dma_wait3A_75 = tpu.memref_slice %arg6[%dma_wait3A_73, %dma_wait3A_74] : memref<512x128xf32, #tpu.memory_space<vmem>> -> memref<128x128xf32, #tpu.memory_space<vmem>>
        %dma_wait3A_76 = arith.constant 0 : i32
        %dma_wait3A_77 = tpu.memref_slice %arg5[%dma_wait3A_72, %dma_wait3A_76] : memref<8x128xi32, #tpu.memory_space<vmem>> -> memref<1x128xi32, #tpu.memory_space<vmem>>
        %dma_wait3A_78 = tpu.memref_squeeze %dma_wait3A_77 : memref<1x128xi32, #tpu.memory_space<vmem>> -> memref<128xi32, #tpu.memory_space<vmem>>
        %dma_wait3A_79 = arith.constant 0 : i32
        %dma_wait3A_80 = arith.constant 0 : i32
        %dma_wait3A_81 = tpu.memref_slice %arg2[%dma_wait3A_79, %dma_wait3A_80] : memref<20480x128xf32, #tpu.memory_space<hbm>> -> memref<20480x128xf32, #tpu.memory_space<hbm>>
        tpu.wait_indirect_dma semaphore(%arg7 : memref<!tpu.dma_semaphore, #tpu.memory_space<semaphore_mem>>) src(%dma_wait3A_81 : memref<20480x128xf32, #tpu.memory_space<hbm>>) dst(%dma_wait3A_75 : memref<128x128xf32, #tpu.memory_space<vmem>>)
        %dma_wait3A_82 = arith.constant 3 : i32
        %dma_wait3A_83 = arith.constant 384 : i32
        %dma_wait3A_84 = arith.constant 0 : i32
        %dma_wait3A_85 = tpu.memref_slice %arg6[%dma_wait3A_83, %dma_wait3A_84] : memref<512x128xf32, #tpu.memory_space<vmem>> -> memref<128x128xf32, #tpu.memory_space<vmem>>
        %dma_wait3A_86 = arith.constant 0 : i32
        %dma_wait3A_87 = tpu.memref_slice %arg5[%dma_wait3A_82, %dma_wait3A_86] : memref<8x128xi32, #tpu.memory_space<vmem>> -> memref<1x128xi32, #tpu.memory_space<vmem>>
        %dma_wait3A_88 = tpu.memref_squeeze %dma_wait3A_87 : memref<1x128xi32, #tpu.memory_space<vmem>> -> memref<128xi32, #tpu.memory_space<vmem>>
        %dma_wait3A_89 = arith.constant 0 : i32
        %dma_wait3A_90 = arith.constant 0 : i32
        %dma_wait3A_91 = tpu.memref_slice %arg2[%dma_wait3A_89, %dma_wait3A_90] : memref<20480x128xf32, #tpu.memory_space<hbm>> -> memref<20480x128xf32, #tpu.memory_space<hbm>>
        tpu.wait_indirect_dma semaphore(%arg7 : memref<!tpu.dma_semaphore, #tpu.memory_space<semaphore_mem>>) src(%dma_wait3A_91 : memref<20480x128xf32, #tpu.memory_space<hbm>>) dst(%dma_wait3A_85 : memref<128x128xf32, #tpu.memory_space<vmem>>)
        %add3A_92 = arith.constant 0 : i32
        %add3A_93 = arith.addi %add3A_13, %add3A_92 : i32
        %mul3A_94 = arith.constant 128 : i32
        %mul3A_95 = arith.muli %add3A_93, %mul3A_94 : i32
        "tpu.region"() ({
          %run_scoped3A = tpu.sem_alloc : memref<!tpu.dma_semaphore, #tpu.memory_space<semaphore_mem>>
          %dma_start3A_180 = arith.constant 0 : i32
          %dma_start3A_181 = tpu.memref_slice %arg4[%mul3A_95, %dma_start3A_180] : memref<655360x128xf32, #tpu.memory_space<hbm>> -> memref<512x128xf32, #tpu.memory_space<hbm>>
          %dma_start3A_182 = arith.constant 0 : i32
          %dma_start3A_183 = tpu.memref_slice %arg4[%mul3A_95, %dma_start3A_182] : memref<655360x128xf32, #tpu.memory_space<hbm>> -> memref<512x128xf32, #tpu.memory_space<hbm>>
          tpu.enqueue_dma source(%arg6 : memref<512x128xf32, #tpu.memory_space<vmem>>) target(%dma_start3A_183 : memref<512x128xf32, #tpu.memory_space<hbm>>) target_semaphore(%run_scoped3A : memref<!tpu.dma_semaphore, #tpu.memory_space<semaphore_mem>>)
          %dma_wait3A_184 = arith.constant 0 : i32
          %dma_wait3A_185 = tpu.memref_slice %arg4[%mul3A_95, %dma_wait3A_184] : memref<655360x128xf32, #tpu.memory_space<hbm>> -> memref<512x128xf32, #tpu.memory_space<hbm>>
          %dma_wait3A_186 = arith.constant 0 : i32
          %dma_wait3A_187 = tpu.memref_slice %arg4[%mul3A_95, %dma_wait3A_186] : memref<655360x128xf32, #tpu.memory_space<hbm>> -> memref<512x128xf32, #tpu.memory_space<hbm>>
          tpu.wait_dma2 semaphore(%run_scoped3A : memref<!tpu.dma_semaphore, #tpu.memory_space<semaphore_mem>>) src(%arg6 : memref<512x128xf32, #tpu.memory_space<vmem>>) dst(%dma_wait3A_187 : memref<512x128xf32, #tpu.memory_space<hbm>>)
          tpu.yield
        }) : () -> ()
        %dma_start3A_96 = arith.constant 4 : i32
        %dma_start3A_97 = arith.constant 0 : i32
        %dma_start3A_98 = arith.constant 0 : i32
        %dma_start3A_99 = tpu.memref_slice %arg6[%dma_start3A_97, %dma_start3A_98] : memref<512x128xf32, #tpu.memory_space<vmem>> -> memref<128x128xf32, #tpu.memory_space<vmem>>
        %dma_start3A_100 = arith.constant 0 : i32
        %dma_start3A_101 = tpu.memref_slice %arg5[%dma_start3A_96, %dma_start3A_100] : memref<8x128xi32, #tpu.memory_space<vmem>> -> memref<1x128xi32, #tpu.memory_space<vmem>>
        %dma_start3A_102 = tpu.memref_squeeze %dma_start3A_101 : memref<1x128xi32, #tpu.memory_space<vmem>> -> memref<128xi32, #tpu.memory_space<vmem>>
        %dma_start3A_103 = arith.constant 0 : i32
        %dma_start3A_104 = arith.constant 0 : i32
        %dma_start3A_105 = tpu.memref_slice %arg2[%dma_start3A_103, %dma_start3A_104] : memref<20480x128xf32, #tpu.memory_space<hbm>> -> memref<20480x128xf32, #tpu.memory_space<hbm>>
        tpu.enqueue_indirect_dma source(%dma_start3A_105 : memref<20480x128xf32, #tpu.memory_space<hbm>>) target(%dma_start3A_99 : memref<128x128xf32, #tpu.memory_space<vmem>>) offsets(%dma_start3A_102 : memref<128xi32, #tpu.memory_space<vmem>>) semaphore(%arg7 : memref<!tpu.dma_semaphore, #tpu.memory_space<semaphore_mem>>)
        %dma_start3A_106 = arith.constant 5 : i32
        %dma_start3A_107 = arith.constant 128 : i32
        %dma_start3A_108 = arith.constant 0 : i32
        %dma_start3A_109 = tpu.memref_slice %arg6[%dma_start3A_107, %dma_start3A_108] : memref<512x128xf32, #tpu.memory_space<vmem>> -> memref<128x128xf32, #tpu.memory_space<vmem>>
        %dma_start3A_110 = arith.constant 0 : i32
        %dma_start3A_111 = tpu.memref_slice %arg5[%dma_start3A_106, %dma_start3A_110] : memref<8x128xi32, #tpu.memory_space<vmem>> -> memref<1x128xi32, #tpu.memory_space<vmem>>
        %dma_start3A_112 = tpu.memref_squeeze %dma_start3A_111 : memref<1x128xi32, #tpu.memory_space<vmem>> -> memref<128xi32, #tpu.memory_space<vmem>>
        %dma_start3A_113 = arith.constant 0 : i32
        %dma_start3A_114 = arith.constant 0 : i32
        %dma_start3A_115 = tpu.memref_slice %arg2[%dma_start3A_113, %dma_start3A_114] : memref<20480x128xf32, #tpu.memory_space<hbm>> -> memref<20480x128xf32, #tpu.memory_space<hbm>>
        tpu.enqueue_indirect_dma source(%dma_start3A_115 : memref<20480x128xf32, #tpu.memory_space<hbm>>) target(%dma_start3A_109 : memref<128x128xf32, #tpu.memory_space<vmem>>) offsets(%dma_start3A_112 : memref<128xi32, #tpu.memory_space<vmem>>) semaphore(%arg7 : memref<!tpu.dma_semaphore, #tpu.memory_space<semaphore_mem>>)
        %dma_start3A_116 = arith.constant 6 : i32
        %dma_start3A_117 = arith.constant 256 : i32
        %dma_start3A_118 = arith.constant 0 : i32
        %dma_start3A_119 = tpu.memref_slice %arg6[%dma_start3A_117, %dma_start3A_118] : memref<512x128xf32, #tpu.memory_space<vmem>> -> memref<128x128xf32, #tpu.memory_space<vmem>>
        %dma_start3A_120 = arith.constant 0 : i32
        %dma_start3A_121 = tpu.memref_slice %arg5[%dma_start3A_116, %dma_start3A_120] : memref<8x128xi32, #tpu.memory_space<vmem>> -> memref<1x128xi32, #tpu.memory_space<vmem>>
        %dma_start3A_122 = tpu.memref_squeeze %dma_start3A_121 : memref<1x128xi32, #tpu.memory_space<vmem>> -> memref<128xi32, #tpu.memory_space<vmem>>
        %dma_start3A_123 = arith.constant 0 : i32
        %dma_start3A_124 = arith.constant 0 : i32
        %dma_start3A_125 = tpu.memref_slice %arg2[%dma_start3A_123, %dma_start3A_124] : memref<20480x128xf32, #tpu.memory_space<hbm>> -> memref<20480x128xf32, #tpu.memory_space<hbm>>
        tpu.enqueue_indirect_dma source(%dma_start3A_125 : memref<20480x128xf32, #tpu.memory_space<hbm>>) target(%dma_start3A_119 : memref<128x128xf32, #tpu.memory_space<vmem>>) offsets(%dma_start3A_122 : memref<128xi32, #tpu.memory_space<vmem>>) semaphore(%arg7 : memref<!tpu.dma_semaphore, #tpu.memory_space<semaphore_mem>>)
        %dma_start3A_126 = arith.constant 7 : i32
        %dma_start3A_127 = arith.constant 384 : i32
        %dma_start3A_128 = arith.constant 0 : i32
        %dma_start3A_129 = tpu.memref_slice %arg6[%dma_start3A_127, %dma_start3A_128] : memref<512x128xf32, #tpu.memory_space<vmem>> -> memref<128x128xf32, #tpu.memory_space<vmem>>
        %dma_start3A_130 = arith.constant 0 : i32
        %dma_start3A_131 = tpu.memref_slice %arg5[%dma_start3A_126, %dma_start3A_130] : memref<8x128xi32, #tpu.memory_space<vmem>> -> memref<1x128xi32, #tpu.memory_space<vmem>>
        %dma_start3A_132 = tpu.memref_squeeze %dma_start3A_131 : memref<1x128xi32, #tpu.memory_space<vmem>> -> memref<128xi32, #tpu.memory_space<vmem>>
        %dma_start3A_133 = arith.constant 0 : i32
        %dma_start3A_134 = arith.constant 0 : i32
        %dma_start3A_135 = tpu.memref_slice %arg2[%dma_start3A_133, %dma_start3A_134] : memref<20480x128xf32, #tpu.memory_space<hbm>> -> memref<20480x128xf32, #tpu.memory_space<hbm>>
        tpu.enqueue_indirect_dma source(%dma_start3A_135 : memref<20480x128xf32, #tpu.memory_space<hbm>>) target(%dma_start3A_129 : memref<128x128xf32, #tpu.memory_space<vmem>>) offsets(%dma_start3A_132 : memref<128xi32, #tpu.memory_space<vmem>>) semaphore(%arg7 : memref<!tpu.dma_semaphore, #tpu.memory_space<semaphore_mem>>)
        %dma_wait3A_136 = arith.constant 4 : i32
        %dma_wait3A_137 = arith.constant 0 : i32
        %dma_wait3A_138 = arith.constant 0 : i32
        %dma_wait3A_139 = tpu.memref_slice %arg6[%dma_wait3A_137, %dma_wait3A_138] : memref<512x128xf32, #tpu.memory_space<vmem>> -> memref<128x128xf32, #tpu.memory_space<vmem>>
        %dma_wait3A_140 = arith.constant 0 : i32
        %dma_wait3A_141 = tpu.memref_slice %arg5[%dma_wait3A_136, %dma_wait3A_140] : memref<8x128xi32, #tpu.memory_space<vmem>> -> memref<1x128xi32, #tpu.memory_space<vmem>>
        %dma_wait3A_142 = tpu.memref_squeeze %dma_wait3A_141 : memref<1x128xi32, #tpu.memory_space<vmem>> -> memref<128xi32, #tpu.memory_space<vmem>>
        %dma_wait3A_143 = arith.constant 0 : i32
        %dma_wait3A_144 = arith.constant 0 : i32
        %dma_wait3A_145 = tpu.memref_slice %arg2[%dma_wait3A_143, %dma_wait3A_144] : memref<20480x128xf32, #tpu.memory_space<hbm>> -> memref<20480x128xf32, #tpu.memory_space<hbm>>
        tpu.wait_indirect_dma semaphore(%arg7 : memref<!tpu.dma_semaphore, #tpu.memory_space<semaphore_mem>>) src(%dma_wait3A_145 : memref<20480x128xf32, #tpu.memory_space<hbm>>) dst(%dma_wait3A_139 : memref<128x128xf32, #tpu.memory_space<vmem>>)
        %dma_wait3A_146 = arith.constant 5 : i32
        %dma_wait3A_147 = arith.constant 128 : i32
        %dma_wait3A_148 = arith.constant 0 : i32
        %dma_wait3A_149 = tpu.memref_slice %arg6[%dma_wait3A_147, %dma_wait3A_148] : memref<512x128xf32, #tpu.memory_space<vmem>> -> memref<128x128xf32, #tpu.memory_space<vmem>>
        %dma_wait3A_150 = arith.constant 0 : i32
        %dma_wait3A_151 = tpu.memref_slice %arg5[%dma_wait3A_146, %dma_wait3A_150] : memref<8x128xi32, #tpu.memory_space<vmem>> -> memref<1x128xi32, #tpu.memory_space<vmem>>
        %dma_wait3A_152 = tpu.memref_squeeze %dma_wait3A_151 : memref<1x128xi32, #tpu.memory_space<vmem>> -> memref<128xi32, #tpu.memory_space<vmem>>
        %dma_wait3A_153 = arith.constant 0 : i32
        %dma_wait3A_154 = arith.constant 0 : i32
        %dma_wait3A_155 = tpu.memref_slice %arg2[%dma_wait3A_153, %dma_wait3A_154] : memref<20480x128xf32, #tpu.memory_space<hbm>> -> memref<20480x128xf32, #tpu.memory_space<hbm>>
        tpu.wait_indirect_dma semaphore(%arg7 : memref<!tpu.dma_semaphore, #tpu.memory_space<semaphore_mem>>) src(%dma_wait3A_155 : memref<20480x128xf32, #tpu.memory_space<hbm>>) dst(%dma_wait3A_149 : memref<128x128xf32, #tpu.memory_space<vmem>>)
        %dma_wait3A_156 = arith.constant 6 : i32
        %dma_wait3A_157 = arith.constant 256 : i32
        %dma_wait3A_158 = arith.constant 0 : i32
        %dma_wait3A_159 = tpu.memref_slice %arg6[%dma_wait3A_157, %dma_wait3A_158] : memref<512x128xf32, #tpu.memory_space<vmem>> -> memref<128x128xf32, #tpu.memory_space<vmem>>
        %dma_wait3A_160 = arith.constant 0 : i32
        %dma_wait3A_161 = tpu.memref_slice %arg5[%dma_wait3A_156, %dma_wait3A_160] : memref<8x128xi32, #tpu.memory_space<vmem>> -> memref<1x128xi32, #tpu.memory_space<vmem>>
        %dma_wait3A_162 = tpu.memref_squeeze %dma_wait3A_161 : memref<1x128xi32, #tpu.memory_space<vmem>> -> memref<128xi32, #tpu.memory_space<vmem>>
        %dma_wait3A_163 = arith.constant 0 : i32
        %dma_wait3A_164 = arith.constant 0 : i32
        %dma_wait3A_165 = tpu.memref_slice %arg2[%dma_wait3A_163, %dma_wait3A_164] : memref<20480x128xf32, #tpu.memory_space<hbm>> -> memref<20480x128xf32, #tpu.memory_space<hbm>>
        tpu.wait_indirect_dma semaphore(%arg7 : memref<!tpu.dma_semaphore, #tpu.memory_space<semaphore_mem>>) src(%dma_wait3A_165 : memref<20480x128xf32, #tpu.memory_space<hbm>>) dst(%dma_wait3A_159 : memref<128x128xf32, #tpu.memory_space<vmem>>)
        %dma_wait3A_166 = arith.constant 7 : i32
        %dma_wait3A_167 = arith.constant 384 : i32
        %dma_wait3A_168 = arith.constant 0 : i32
        %dma_wait3A_169 = tpu.memref_slice %arg6[%dma_wait3A_167, %dma_wait3A_168] : memref<512x128xf32, #tpu.memory_space<vmem>> -> memref<128x128xf32, #tpu.memory_space<vmem>>
        %dma_wait3A_170 = arith.constant 0 : i32
        %dma_wait3A_171 = tpu.memref_slice %arg5[%dma_wait3A_166, %dma_wait3A_170] : memref<8x128xi32, #tpu.memory_space<vmem>> -> memref<1x128xi32, #tpu.memory_space<vmem>>
        %dma_wait3A_172 = tpu.memref_squeeze %dma_wait3A_171 : memref<1x128xi32, #tpu.memory_space<vmem>> -> memref<128xi32, #tpu.memory_space<vmem>>
        %dma_wait3A_173 = arith.constant 0 : i32
        %dma_wait3A_174 = arith.constant 0 : i32
        %dma_wait3A_175 = tpu.memref_slice %arg2[%dma_wait3A_173, %dma_wait3A_174] : memref<20480x128xf32, #tpu.memory_space<hbm>> -> memref<20480x128xf32, #tpu.memory_space<hbm>>
        tpu.wait_indirect_dma semaphore(%arg7 : memref<!tpu.dma_semaphore, #tpu.memory_space<semaphore_mem>>) src(%dma_wait3A_175 : memref<20480x128xf32, #tpu.memory_space<hbm>>) dst(%dma_wait3A_169 : memref<128x128xf32, #tpu.memory_space<vmem>>)
        %add3A_176 = arith.constant 4 : i32
        %add3A_177 = arith.addi %add3A_13, %add3A_176 : i32
        %mul3A_178 = arith.constant 128 : i32
        %mul3A_179 = arith.muli %add3A_177, %mul3A_178 : i32
        "tpu.region"() ({
          %run_scoped3A = tpu.sem_alloc : memref<!tpu.dma_semaphore, #tpu.memory_space<semaphore_mem>>
          %dma_start3A_180 = arith.constant 0 : i32
          %dma_start3A_181 = tpu.memref_slice %arg4[%mul3A_179, %dma_start3A_180] : memref<655360x128xf32, #tpu.memory_space<hbm>> -> memref<512x128xf32, #tpu.memory_space<hbm>>
          %dma_start3A_182 = arith.constant 0 : i32
          %dma_start3A_183 = tpu.memref_slice %arg4[%mul3A_179, %dma_start3A_182] : memref<655360x128xf32, #tpu.memory_space<hbm>> -> memref<512x128xf32, #tpu.memory_space<hbm>>
          tpu.enqueue_dma source(%arg6 : memref<512x128xf32, #tpu.memory_space<vmem>>) target(%dma_start3A_183 : memref<512x128xf32, #tpu.memory_space<hbm>>) target_semaphore(%run_scoped3A : memref<!tpu.dma_semaphore, #tpu.memory_space<semaphore_mem>>)
          %dma_wait3A_184 = arith.constant 0 : i32
          %dma_wait3A_185 = tpu.memref_slice %arg4[%mul3A_179, %dma_wait3A_184] : memref<655360x128xf32, #tpu.memory_space<hbm>> -> memref<512x128xf32, #tpu.memory_space<hbm>>
          %dma_wait3A_186 = arith.constant 0 : i32
          %dma_wait3A_187 = tpu.memref_slice %arg4[%mul3A_179, %dma_wait3A_186] : memref<655360x128xf32, #tpu.memory_space<hbm>> -> memref<512x128xf32, #tpu.memory_space<hbm>>
          tpu.wait_dma2 semaphore(%run_scoped3A : memref<!tpu.dma_semaphore, #tpu.memory_space<semaphore_mem>>) src(%arg6 : memref<512x128xf32, #tpu.memory_space<vmem>>) dst(%dma_wait3A_187 : memref<512x128xf32, #tpu.memory_space<hbm>>)
          tpu.yield
        }) : () -> ()
      }
      %scan3A_9 = arith.constant 20 : i32
    } else {
    }
    return
  }
}

#map = affine_map<(d0, d1) -> (0, 0)>
module attributes {stable_mosaic.version = 14 : i64} {
  func.func @k(%arg0: i32, %arg1: i32, %arg2: memref<655360x128xf32, #tpu.memory_space<hbm>>, %arg3: memref<5120x128xi32, #tpu.memory_space<hbm>>, %arg4: memref<10240x128xf32, #tpu.memory_space<hbm>>, %arg5: memref<20480x128xf32, #tpu.memory_space<hbm>>, %arg6: memref<8x128xi32, #tpu.memory_space<vmem>>, %arg7: memref<128x128xf32, #tpu.memory_space<vmem>>, %arg8: memref<128x128xf32, #tpu.memory_space<vmem>>, %arg9: memref<!tpu.dma_semaphore, #tpu.memory_space<semaphore_mem>>, %arg10: memref<!tpu.dma_semaphore, #tpu.memory_space<semaphore_mem>>, %arg11: memref<10240x128xf32, #tpu.memory_space<vmem_shared>>) attributes {dimension_semantics = [#tpu.dimension_semantics<core_parallel>, #tpu.dimension_semantics<subcore_parallel>], iteration_bounds = array<i64: 2, 16>, scalar_prefetch = 0 : i64, scratch_operands = 6 : i64, tpu.core_type = #tpu.core_type<sc_vector_subcore>, window_params = [{transform_indices = #map}, {transform_indices = #map}, {transform_indices = #map}, {transform_indices = #map}]} {
    %mul3A = arith.constant 640 : i32
    %mul3A_0 = arith.muli %arg1, %mul3A : i32
    %mul3A_1 = arith.constant 640 : i32
    %mul3A_2 = arith.muli %arg1, %mul3A_1 : i32
    "tpu.region"() ({
      %run_scoped3A = tpu.sem_alloc : memref<!tpu.dma_semaphore, #tpu.memory_space<semaphore_mem>>
      %dma_start3A = arith.constant 0 : i32
      %dma_start3A_17 = tpu.memref_slice %arg11[%mul3A_2, %dma_start3A] : memref<10240x128xf32, #tpu.memory_space<vmem_shared>> -> memref<640x128xf32, #tpu.memory_space<vmem_shared>>
      %dma_start3A_18 = arith.constant 0 : i32
      %dma_start3A_19 = tpu.memref_slice %arg4[%mul3A_0, %dma_start3A_18] : memref<10240x128xf32, #tpu.memory_space<hbm>> -> memref<640x128xf32, #tpu.memory_space<hbm>>
      tpu.enqueue_dma source(%dma_start3A_19 : memref<640x128xf32, #tpu.memory_space<hbm>>) target(%dma_start3A_17 : memref<640x128xf32, #tpu.memory_space<vmem_shared>>) target_semaphore(%run_scoped3A : memref<!tpu.dma_semaphore, #tpu.memory_space<semaphore_mem>>)
      %dma_wait3A = arith.constant 0 : i32
      %dma_wait3A_20 = tpu.memref_slice %arg11[%mul3A_2, %dma_wait3A] : memref<10240x128xf32, #tpu.memory_space<vmem_shared>> -> memref<640x128xf32, #tpu.memory_space<vmem_shared>>
      %dma_wait3A_21 = arith.constant 0 : i32
      %dma_wait3A_22 = tpu.memref_slice %arg4[%mul3A_0, %dma_wait3A_21] : memref<10240x128xf32, #tpu.memory_space<hbm>> -> memref<640x128xf32, #tpu.memory_space<hbm>>
      tpu.wait_dma2 semaphore(%run_scoped3A : memref<!tpu.dma_semaphore, #tpu.memory_space<semaphore_mem>>) src(%dma_wait3A_22 : memref<640x128xf32, #tpu.memory_space<hbm>>) dst(%dma_wait3A_20 : memref<640x128xf32, #tpu.memory_space<vmem_shared>>)
      tpu.yield
    }) : () -> ()
    %barrier3A = arith.constant 0 : index
    tpu.barrier barrier_id(%barrier3A)
    %mul3A_3 = arith.constant 16 : i32
    %mul3A_4 = arith.muli %arg0, %mul3A_3 : i32
    %add3A = arith.addi %mul3A_4, %arg1 : i32
    %mul3A_5 = arith.constant 160 : i32
    %mul3A_6 = arith.muli %add3A, %mul3A_5 : i32
    %lt3A = arith.constant 16 : i32
    %lt3A_7 = arith.cmpi slt, %arg1, %lt3A : i32
    %convert_element_type3A = arith.extui %lt3A_7 : i1 to i32
    %cond3A = arith.constant 0 : i32
    %cond3A_8 = arith.cmpi ne, %convert_element_type3A, %cond3A : i32
    scf.if %cond3A_8 {
      %scan3A = arith.constant 0 : i32
      %scan3A_17 = arith.constant 0 : i32
      %scan3A_18 = arith.constant 20 : i32
      %scan3A_19 = arith.addi %scan3A_17, %scan3A_18 : i32
      %scan3A_20 = arith.constant 1 : i32
      scf.for %scan3A_22 = %scan3A_17 to %scan3A_19 step %scan3A_20  : i32 {
        %mul3A_23 = arith.constant 8 : i32
        %mul3A_24 = arith.muli %scan3A_22, %mul3A_23 : i32
        %add3A_25 = arith.addi %mul3A_6, %mul3A_24 : i32
        "tpu.region"() ({
          %run_scoped3A = tpu.sem_alloc : memref<!tpu.dma_semaphore, #tpu.memory_space<semaphore_mem>>
          %dma_start3A_244 = arith.constant 0 : i32
          %dma_start3A_245 = tpu.memref_slice %arg3[%add3A_25, %dma_start3A_244] : memref<5120x128xi32, #tpu.memory_space<hbm>> -> memref<8x128xi32, #tpu.memory_space<hbm>>
          %dma_start3A_246 = arith.constant 0 : i32
          %dma_start3A_247 = tpu.memref_slice %arg3[%add3A_25, %dma_start3A_246] : memref<5120x128xi32, #tpu.memory_space<hbm>> -> memref<8x128xi32, #tpu.memory_space<hbm>>
          tpu.enqueue_dma source(%dma_start3A_247 : memref<8x128xi32, #tpu.memory_space<hbm>>) target(%arg6 : memref<8x128xi32, #tpu.memory_space<vmem>>) target_semaphore(%run_scoped3A : memref<!tpu.dma_semaphore, #tpu.memory_space<semaphore_mem>>)
          %dma_wait3A_248 = arith.constant 0 : i32
          %dma_wait3A_249 = tpu.memref_slice %arg3[%add3A_25, %dma_wait3A_248] : memref<5120x128xi32, #tpu.memory_space<hbm>> -> memref<8x128xi32, #tpu.memory_space<hbm>>
          %dma_wait3A_250 = arith.constant 0 : i32
          %dma_wait3A_251 = tpu.memref_slice %arg3[%add3A_25, %dma_wait3A_250] : memref<5120x128xi32, #tpu.memory_space<hbm>> -> memref<8x128xi32, #tpu.memory_space<hbm>>
          tpu.wait_dma2 semaphore(%run_scoped3A : memref<!tpu.dma_semaphore, #tpu.memory_space<semaphore_mem>>) src(%dma_wait3A_251 : memref<8x128xi32, #tpu.memory_space<hbm>>) dst(%arg6 : memref<8x128xi32, #tpu.memory_space<vmem>>)
          tpu.yield
        }) : () -> ()
        %add3A_26 = arith.constant 0 : i32
        %add3A_27 = arith.addi %add3A_25, %add3A_26 : i32
        %mul3A_28 = arith.constant 128 : i32
        %mul3A_29 = arith.muli %add3A_27, %mul3A_28 : i32
        %dma_start3A = arith.constant 0 : i32
        %dma_start3A_30 = tpu.memref_slice %arg2[%mul3A_29, %dma_start3A] : memref<655360x128xf32, #tpu.memory_space<hbm>> -> memref<128x128xf32, #tpu.memory_space<hbm>>
        %dma_start3A_31 = arith.constant 0 : i32
        %dma_start3A_32 = tpu.memref_slice %arg2[%mul3A_29, %dma_start3A_31] : memref<655360x128xf32, #tpu.memory_space<hbm>> -> memref<128x128xf32, #tpu.memory_space<hbm>>
        tpu.enqueue_dma source(%dma_start3A_32 : memref<128x128xf32, #tpu.memory_space<hbm>>) target(%arg7 : memref<128x128xf32, #tpu.memory_space<vmem>>) target_semaphore(%arg9 : memref<!tpu.dma_semaphore, #tpu.memory_space<semaphore_mem>>)
        %add3A_33 = arith.constant 1 : i32
        %add3A_34 = arith.addi %add3A_25, %add3A_33 : i32
        %mul3A_35 = arith.constant 128 : i32
        %mul3A_36 = arith.muli %add3A_34, %mul3A_35 : i32
        %dma_start3A_37 = arith.constant 0 : i32
        %dma_start3A_38 = tpu.memref_slice %arg2[%mul3A_36, %dma_start3A_37] : memref<655360x128xf32, #tpu.memory_space<hbm>> -> memref<128x128xf32, #tpu.memory_space<hbm>>
        %dma_start3A_39 = arith.constant 0 : i32
        %dma_start3A_40 = tpu.memref_slice %arg2[%mul3A_36, %dma_start3A_39] : memref<655360x128xf32, #tpu.memory_space<hbm>> -> memref<128x128xf32, #tpu.memory_space<hbm>>
        tpu.enqueue_dma source(%dma_start3A_40 : memref<128x128xf32, #tpu.memory_space<hbm>>) target(%arg8 : memref<128x128xf32, #tpu.memory_space<vmem>>) target_semaphore(%arg9 : memref<!tpu.dma_semaphore, #tpu.memory_space<semaphore_mem>>)
        %dma_wait3A = arith.constant 0 : i32
        %dma_wait3A_41 = tpu.memref_slice %arg2[%mul3A_29, %dma_wait3A] : memref<655360x128xf32, #tpu.memory_space<hbm>> -> memref<128x128xf32, #tpu.memory_space<hbm>>
        %dma_wait3A_42 = arith.constant 0 : i32
        %dma_wait3A_43 = tpu.memref_slice %arg2[%mul3A_29, %dma_wait3A_42] : memref<655360x128xf32, #tpu.memory_space<hbm>> -> memref<128x128xf32, #tpu.memory_space<hbm>>
        tpu.wait_dma2 semaphore(%arg9 : memref<!tpu.dma_semaphore, #tpu.memory_space<semaphore_mem>>) src(%dma_wait3A_43 : memref<128x128xf32, #tpu.memory_space<hbm>>) dst(%arg7 : memref<128x128xf32, #tpu.memory_space<vmem>>)
        %dma_start3A_44 = arith.constant 0 : i32
        %dma_start3A_45 = arith.constant 0 : i32
        %dma_start3A_46 = tpu.memref_slice %arg6[%dma_start3A_44, %dma_start3A_45] : memref<8x128xi32, #tpu.memory_space<vmem>> -> memref<1x128xi32, #tpu.memory_space<vmem>>
        %dma_start3A_47 = tpu.memref_squeeze %dma_start3A_46 : memref<1x128xi32, #tpu.memory_space<vmem>> -> memref<128xi32, #tpu.memory_space<vmem>>
        %dma_start3A_48 = arith.constant 0 : i32
        %dma_start3A_49 = arith.constant 0 : i32
        %dma_start3A_50 = tpu.memref_slice %arg11[%dma_start3A_48, %dma_start3A_49] : memref<10240x128xf32, #tpu.memory_space<vmem_shared>> -> memref<10240x128xf32, #tpu.memory_space<vmem_shared>>
        tpu.enqueue_indirect_dma source(%arg7 : memref<128x128xf32, #tpu.memory_space<vmem>>) target(%dma_start3A_50 : memref<10240x128xf32, #tpu.memory_space<vmem_shared>>) offsets(%dma_start3A_47 : memref<128xi32, #tpu.memory_space<vmem>>) semaphore(%arg10 : memref<!tpu.dma_semaphore, #tpu.memory_space<semaphore_mem>>) {add = true}
        %dma_wait3A_51 = arith.constant 0 : i32
        %dma_wait3A_52 = arith.constant 0 : i32
        %dma_wait3A_53 = tpu.memref_slice %arg6[%dma_wait3A_51, %dma_wait3A_52] : memref<8x128xi32, #tpu.memory_space<vmem>> -> memref<1x128xi32, #tpu.memory_space<vmem>>
        %dma_wait3A_54 = tpu.memref_squeeze %dma_wait3A_53 : memref<1x128xi32, #tpu.memory_space<vmem>> -> memref<128xi32, #tpu.memory_space<vmem>>
        %dma_wait3A_55 = arith.constant 0 : i32
        %dma_wait3A_56 = arith.constant 0 : i32
        %dma_wait3A_57 = tpu.memref_slice %arg11[%dma_wait3A_55, %dma_wait3A_56] : memref<10240x128xf32, #tpu.memory_space<vmem_shared>> -> memref<10240x128xf32, #tpu.memory_space<vmem_shared>>
        tpu.wait_indirect_dma semaphore(%arg10 : memref<!tpu.dma_semaphore, #tpu.memory_space<semaphore_mem>>) src(%arg7 : memref<128x128xf32, #tpu.memory_space<vmem>>) dst(%dma_wait3A_57 : memref<10240x128xf32, #tpu.memory_space<vmem_shared>>)
        %add3A_58 = arith.constant 0 : i32
        %add3A_59 = arith.addi %add3A_25, %add3A_58 : i32
        %add3A_60 = arith.constant 2 : i32
        %add3A_61 = arith.addi %add3A_59, %add3A_60 : i32
        %mul3A_62 = arith.constant 128 : i32
        %mul3A_63 = arith.muli %add3A_61, %mul3A_62 : i32
        %dma_start3A_64 = arith.constant 0 : i32
        %dma_start3A_65 = tpu.memref_slice %arg2[%mul3A_63, %dma_start3A_64] : memref<655360x128xf32, #tpu.memory_space<hbm>> -> memref<128x128xf32, #tpu.memory_space<hbm>>
        %dma_start3A_66 = arith.constant 0 : i32
        %dma_start3A_67 = tpu.memref_slice %arg2[%mul3A_63, %dma_start3A_66] : memref<655360x128xf32, #tpu.memory_space<hbm>> -> memref<128x128xf32, #tpu.memory_space<hbm>>
        tpu.enqueue_dma source(%dma_start3A_67 : memref<128x128xf32, #tpu.memory_space<hbm>>) target(%arg7 : memref<128x128xf32, #tpu.memory_space<vmem>>) target_semaphore(%arg9 : memref<!tpu.dma_semaphore, #tpu.memory_space<semaphore_mem>>)
        %dma_wait3A_68 = arith.constant 0 : i32
        %dma_wait3A_69 = tpu.memref_slice %arg2[%mul3A_36, %dma_wait3A_68] : memref<655360x128xf32, #tpu.memory_space<hbm>> -> memref<128x128xf32, #tpu.memory_space<hbm>>
        %dma_wait3A_70 = arith.constant 0 : i32
        %dma_wait3A_71 = tpu.memref_slice %arg2[%mul3A_36, %dma_wait3A_70] : memref<655360x128xf32, #tpu.memory_space<hbm>> -> memref<128x128xf32, #tpu.memory_space<hbm>>
        tpu.wait_dma2 semaphore(%arg9 : memref<!tpu.dma_semaphore, #tpu.memory_space<semaphore_mem>>) src(%dma_wait3A_71 : memref<128x128xf32, #tpu.memory_space<hbm>>) dst(%arg8 : memref<128x128xf32, #tpu.memory_space<vmem>>)
        %dma_start3A_72 = arith.constant 1 : i32
        %dma_start3A_73 = arith.constant 0 : i32
        %dma_start3A_74 = tpu.memref_slice %arg6[%dma_start3A_72, %dma_start3A_73] : memref<8x128xi32, #tpu.memory_space<vmem>> -> memref<1x128xi32, #tpu.memory_space<vmem>>
        %dma_start3A_75 = tpu.memref_squeeze %dma_start3A_74 : memref<1x128xi32, #tpu.memory_space<vmem>> -> memref<128xi32, #tpu.memory_space<vmem>>
        %dma_start3A_76 = arith.constant 0 : i32
        %dma_start3A_77 = arith.constant 0 : i32
        %dma_start3A_78 = tpu.memref_slice %arg11[%dma_start3A_76, %dma_start3A_77] : memref<10240x128xf32, #tpu.memory_space<vmem_shared>> -> memref<10240x128xf32, #tpu.memory_space<vmem_shared>>
        tpu.enqueue_indirect_dma source(%arg8 : memref<128x128xf32, #tpu.memory_space<vmem>>) target(%dma_start3A_78 : memref<10240x128xf32, #tpu.memory_space<vmem_shared>>) offsets(%dma_start3A_75 : memref<128xi32, #tpu.memory_space<vmem>>) semaphore(%arg10 : memref<!tpu.dma_semaphore, #tpu.memory_space<semaphore_mem>>) {add = true}
        %dma_wait3A_79 = arith.constant 1 : i32
        %dma_wait3A_80 = arith.constant 0 : i32
        %dma_wait3A_81 = tpu.memref_slice %arg6[%dma_wait3A_79, %dma_wait3A_80] : memref<8x128xi32, #tpu.memory_space<vmem>> -> memref<1x128xi32, #tpu.memory_space<vmem>>
        %dma_wait3A_82 = tpu.memref_squeeze %dma_wait3A_81 : memref<1x128xi32, #tpu.memory_space<vmem>> -> memref<128xi32, #tpu.memory_space<vmem>>
        %dma_wait3A_83 = arith.constant 0 : i32
        %dma_wait3A_84 = arith.constant 0 : i32
        %dma_wait3A_85 = tpu.memref_slice %arg11[%dma_wait3A_83, %dma_wait3A_84] : memref<10240x128xf32, #tpu.memory_space<vmem_shared>> -> memref<10240x128xf32, #tpu.memory_space<vmem_shared>>
        tpu.wait_indirect_dma semaphore(%arg10 : memref<!tpu.dma_semaphore, #tpu.memory_space<semaphore_mem>>) src(%arg8 : memref<128x128xf32, #tpu.memory_space<vmem>>) dst(%dma_wait3A_85 : memref<10240x128xf32, #tpu.memory_space<vmem_shared>>)
        %add3A_86 = arith.constant 1 : i32
        %add3A_87 = arith.addi %add3A_25, %add3A_86 : i32
        %add3A_88 = arith.constant 2 : i32
        %add3A_89 = arith.addi %add3A_87, %add3A_88 : i32
        %mul3A_90 = arith.constant 128 : i32
        %mul3A_91 = arith.muli %add3A_89, %mul3A_90 : i32
        %dma_start3A_92 = arith.constant 0 : i32
        %dma_start3A_93 = tpu.memref_slice %arg2[%mul3A_91, %dma_start3A_92] : memref<655360x128xf32, #tpu.memory_space<hbm>> -> memref<128x128xf32, #tpu.memory_space<hbm>>
        %dma_start3A_94 = arith.constant 0 : i32
        %dma_start3A_95 = tpu.memref_slice %arg2[%mul3A_91, %dma_start3A_94] : memref<655360x128xf32, #tpu.memory_space<hbm>> -> memref<128x128xf32, #tpu.memory_space<hbm>>
        tpu.enqueue_dma source(%dma_start3A_95 : memref<128x128xf32, #tpu.memory_space<hbm>>) target(%arg8 : memref<128x128xf32, #tpu.memory_space<vmem>>) target_semaphore(%arg9 : memref<!tpu.dma_semaphore, #tpu.memory_space<semaphore_mem>>)
        %dma_wait3A_96 = arith.constant 0 : i32
        %dma_wait3A_97 = tpu.memref_slice %arg2[%mul3A_63, %dma_wait3A_96] : memref<655360x128xf32, #tpu.memory_space<hbm>> -> memref<128x128xf32, #tpu.memory_space<hbm>>
        %dma_wait3A_98 = arith.constant 0 : i32
        %dma_wait3A_99 = tpu.memref_slice %arg2[%mul3A_63, %dma_wait3A_98] : memref<655360x128xf32, #tpu.memory_space<hbm>> -> memref<128x128xf32, #tpu.memory_space<hbm>>
        tpu.wait_dma2 semaphore(%arg9 : memref<!tpu.dma_semaphore, #tpu.memory_space<semaphore_mem>>) src(%dma_wait3A_99 : memref<128x128xf32, #tpu.memory_space<hbm>>) dst(%arg7 : memref<128x128xf32, #tpu.memory_space<vmem>>)
        %dma_start3A_100 = arith.constant 2 : i32
        %dma_start3A_101 = arith.constant 0 : i32
        %dma_start3A_102 = tpu.memref_slice %arg6[%dma_start3A_100, %dma_start3A_101] : memref<8x128xi32, #tpu.memory_space<vmem>> -> memref<1x128xi32, #tpu.memory_space<vmem>>
        %dma_start3A_103 = tpu.memref_squeeze %dma_start3A_102 : memref<1x128xi32, #tpu.memory_space<vmem>> -> memref<128xi32, #tpu.memory_space<vmem>>
        %dma_start3A_104 = arith.constant 0 : i32
        %dma_start3A_105 = arith.constant 0 : i32
        %dma_start3A_106 = tpu.memref_slice %arg11[%dma_start3A_104, %dma_start3A_105] : memref<10240x128xf32, #tpu.memory_space<vmem_shared>> -> memref<10240x128xf32, #tpu.memory_space<vmem_shared>>
        tpu.enqueue_indirect_dma source(%arg7 : memref<128x128xf32, #tpu.memory_space<vmem>>) target(%dma_start3A_106 : memref<10240x128xf32, #tpu.memory_space<vmem_shared>>) offsets(%dma_start3A_103 : memref<128xi32, #tpu.memory_space<vmem>>) semaphore(%arg10 : memref<!tpu.dma_semaphore, #tpu.memory_space<semaphore_mem>>) {add = true}
        %dma_wait3A_107 = arith.constant 2 : i32
        %dma_wait3A_108 = arith.constant 0 : i32
        %dma_wait3A_109 = tpu.memref_slice %arg6[%dma_wait3A_107, %dma_wait3A_108] : memref<8x128xi32, #tpu.memory_space<vmem>> -> memref<1x128xi32, #tpu.memory_space<vmem>>
        %dma_wait3A_110 = tpu.memref_squeeze %dma_wait3A_109 : memref<1x128xi32, #tpu.memory_space<vmem>> -> memref<128xi32, #tpu.memory_space<vmem>>
        %dma_wait3A_111 = arith.constant 0 : i32
        %dma_wait3A_112 = arith.constant 0 : i32
        %dma_wait3A_113 = tpu.memref_slice %arg11[%dma_wait3A_111, %dma_wait3A_112] : memref<10240x128xf32, #tpu.memory_space<vmem_shared>> -> memref<10240x128xf32, #tpu.memory_space<vmem_shared>>
        tpu.wait_indirect_dma semaphore(%arg10 : memref<!tpu.dma_semaphore, #tpu.memory_space<semaphore_mem>>) src(%arg7 : memref<128x128xf32, #tpu.memory_space<vmem>>) dst(%dma_wait3A_113 : memref<10240x128xf32, #tpu.memory_space<vmem_shared>>)
        %add3A_114 = arith.constant 2 : i32
        %add3A_115 = arith.addi %add3A_25, %add3A_114 : i32
        %add3A_116 = arith.constant 2 : i32
        %add3A_117 = arith.addi %add3A_115, %add3A_116 : i32
        %mul3A_118 = arith.constant 128 : i32
        %mul3A_119 = arith.muli %add3A_117, %mul3A_118 : i32
        %dma_start3A_120 = arith.constant 0 : i32
        %dma_start3A_121 = tpu.memref_slice %arg2[%mul3A_119, %dma_start3A_120] : memref<655360x128xf32, #tpu.memory_space<hbm>> -> memref<128x128xf32, #tpu.memory_space<hbm>>
        %dma_start3A_122 = arith.constant 0 : i32
        %dma_start3A_123 = tpu.memref_slice %arg2[%mul3A_119, %dma_start3A_122] : memref<655360x128xf32, #tpu.memory_space<hbm>> -> memref<128x128xf32, #tpu.memory_space<hbm>>
        tpu.enqueue_dma source(%dma_start3A_123 : memref<128x128xf32, #tpu.memory_space<hbm>>) target(%arg7 : memref<128x128xf32, #tpu.memory_space<vmem>>) target_semaphore(%arg9 : memref<!tpu.dma_semaphore, #tpu.memory_space<semaphore_mem>>)
        %dma_wait3A_124 = arith.constant 0 : i32
        %dma_wait3A_125 = tpu.memref_slice %arg2[%mul3A_91, %dma_wait3A_124] : memref<655360x128xf32, #tpu.memory_space<hbm>> -> memref<128x128xf32, #tpu.memory_space<hbm>>
        %dma_wait3A_126 = arith.constant 0 : i32
        %dma_wait3A_127 = tpu.memref_slice %arg2[%mul3A_91, %dma_wait3A_126] : memref<655360x128xf32, #tpu.memory_space<hbm>> -> memref<128x128xf32, #tpu.memory_space<hbm>>
        tpu.wait_dma2 semaphore(%arg9 : memref<!tpu.dma_semaphore, #tpu.memory_space<semaphore_mem>>) src(%dma_wait3A_127 : memref<128x128xf32, #tpu.memory_space<hbm>>) dst(%arg8 : memref<128x128xf32, #tpu.memory_space<vmem>>)
        %dma_start3A_128 = arith.constant 3 : i32
        %dma_start3A_129 = arith.constant 0 : i32
        %dma_start3A_130 = tpu.memref_slice %arg6[%dma_start3A_128, %dma_start3A_129] : memref<8x128xi32, #tpu.memory_space<vmem>> -> memref<1x128xi32, #tpu.memory_space<vmem>>
        %dma_start3A_131 = tpu.memref_squeeze %dma_start3A_130 : memref<1x128xi32, #tpu.memory_space<vmem>> -> memref<128xi32, #tpu.memory_space<vmem>>
        %dma_start3A_132 = arith.constant 0 : i32
        %dma_start3A_133 = arith.constant 0 : i32
        %dma_start3A_134 = tpu.memref_slice %arg11[%dma_start3A_132, %dma_start3A_133] : memref<10240x128xf32, #tpu.memory_space<vmem_shared>> -> memref<10240x128xf32, #tpu.memory_space<vmem_shared>>
        tpu.enqueue_indirect_dma source(%arg8 : memref<128x128xf32, #tpu.memory_space<vmem>>) target(%dma_start3A_134 : memref<10240x128xf32, #tpu.memory_space<vmem_shared>>) offsets(%dma_start3A_131 : memref<128xi32, #tpu.memory_space<vmem>>) semaphore(%arg10 : memref<!tpu.dma_semaphore, #tpu.memory_space<semaphore_mem>>) {add = true}
        %dma_wait3A_135 = arith.constant 3 : i32
        %dma_wait3A_136 = arith.constant 0 : i32
        %dma_wait3A_137 = tpu.memref_slice %arg6[%dma_wait3A_135, %dma_wait3A_136] : memref<8x128xi32, #tpu.memory_space<vmem>> -> memref<1x128xi32, #tpu.memory_space<vmem>>
        %dma_wait3A_138 = tpu.memref_squeeze %dma_wait3A_137 : memref<1x128xi32, #tpu.memory_space<vmem>> -> memref<128xi32, #tpu.memory_space<vmem>>
        %dma_wait3A_139 = arith.constant 0 : i32
        %dma_wait3A_140 = arith.constant 0 : i32
        %dma_wait3A_141 = tpu.memref_slice %arg11[%dma_wait3A_139, %dma_wait3A_140] : memref<10240x128xf32, #tpu.memory_space<vmem_shared>> -> memref<10240x128xf32, #tpu.memory_space<vmem_shared>>
        tpu.wait_indirect_dma semaphore(%arg10 : memref<!tpu.dma_semaphore, #tpu.memory_space<semaphore_mem>>) src(%arg8 : memref<128x128xf32, #tpu.memory_space<vmem>>) dst(%dma_wait3A_141 : memref<10240x128xf32, #tpu.memory_space<vmem_shared>>)
        %add3A_142 = arith.constant 3 : i32
        %add3A_143 = arith.addi %add3A_25, %add3A_142 : i32
        %add3A_144 = arith.constant 2 : i32
        %add3A_145 = arith.addi %add3A_143, %add3A_144 : i32
        %mul3A_146 = arith.constant 128 : i32
        %mul3A_147 = arith.muli %add3A_145, %mul3A_146 : i32
        %dma_start3A_148 = arith.constant 0 : i32
        %dma_start3A_149 = tpu.memref_slice %arg2[%mul3A_147, %dma_start3A_148] : memref<655360x128xf32, #tpu.memory_space<hbm>> -> memref<128x128xf32, #tpu.memory_space<hbm>>
        %dma_start3A_150 = arith.constant 0 : i32
        %dma_start3A_151 = tpu.memref_slice %arg2[%mul3A_147, %dma_start3A_150] : memref<655360x128xf32, #tpu.memory_space<hbm>> -> memref<128x128xf32, #tpu.memory_space<hbm>>
        tpu.enqueue_dma source(%dma_start3A_151 : memref<128x128xf32, #tpu.memory_space<hbm>>) target(%arg8 : memref<128x128xf32, #tpu.memory_space<vmem>>) target_semaphore(%arg9 : memref<!tpu.dma_semaphore, #tpu.memory_space<semaphore_mem>>)
        %dma_wait3A_152 = arith.constant 0 : i32
        %dma_wait3A_153 = tpu.memref_slice %arg2[%mul3A_119, %dma_wait3A_152] : memref<655360x128xf32, #tpu.memory_space<hbm>> -> memref<128x128xf32, #tpu.memory_space<hbm>>
        %dma_wait3A_154 = arith.constant 0 : i32
        %dma_wait3A_155 = tpu.memref_slice %arg2[%mul3A_119, %dma_wait3A_154] : memref<655360x128xf32, #tpu.memory_space<hbm>> -> memref<128x128xf32, #tpu.memory_space<hbm>>
        tpu.wait_dma2 semaphore(%arg9 : memref<!tpu.dma_semaphore, #tpu.memory_space<semaphore_mem>>) src(%dma_wait3A_155 : memref<128x128xf32, #tpu.memory_space<hbm>>) dst(%arg7 : memref<128x128xf32, #tpu.memory_space<vmem>>)
        %dma_start3A_156 = arith.constant 4 : i32
        %dma_start3A_157 = arith.constant 0 : i32
        %dma_start3A_158 = tpu.memref_slice %arg6[%dma_start3A_156, %dma_start3A_157] : memref<8x128xi32, #tpu.memory_space<vmem>> -> memref<1x128xi32, #tpu.memory_space<vmem>>
        %dma_start3A_159 = tpu.memref_squeeze %dma_start3A_158 : memref<1x128xi32, #tpu.memory_space<vmem>> -> memref<128xi32, #tpu.memory_space<vmem>>
        %dma_start3A_160 = arith.constant 0 : i32
        %dma_start3A_161 = arith.constant 0 : i32
        %dma_start3A_162 = tpu.memref_slice %arg11[%dma_start3A_160, %dma_start3A_161] : memref<10240x128xf32, #tpu.memory_space<vmem_shared>> -> memref<10240x128xf32, #tpu.memory_space<vmem_shared>>
        tpu.enqueue_indirect_dma source(%arg7 : memref<128x128xf32, #tpu.memory_space<vmem>>) target(%dma_start3A_162 : memref<10240x128xf32, #tpu.memory_space<vmem_shared>>) offsets(%dma_start3A_159 : memref<128xi32, #tpu.memory_space<vmem>>) semaphore(%arg10 : memref<!tpu.dma_semaphore, #tpu.memory_space<semaphore_mem>>) {add = true}
        %dma_wait3A_163 = arith.constant 4 : i32
        %dma_wait3A_164 = arith.constant 0 : i32
        %dma_wait3A_165 = tpu.memref_slice %arg6[%dma_wait3A_163, %dma_wait3A_164] : memref<8x128xi32, #tpu.memory_space<vmem>> -> memref<1x128xi32, #tpu.memory_space<vmem>>
        %dma_wait3A_166 = tpu.memref_squeeze %dma_wait3A_165 : memref<1x128xi32, #tpu.memory_space<vmem>> -> memref<128xi32, #tpu.memory_space<vmem>>
        %dma_wait3A_167 = arith.constant 0 : i32
        %dma_wait3A_168 = arith.constant 0 : i32
        %dma_wait3A_169 = tpu.memref_slice %arg11[%dma_wait3A_167, %dma_wait3A_168] : memref<10240x128xf32, #tpu.memory_space<vmem_shared>> -> memref<10240x128xf32, #tpu.memory_space<vmem_shared>>
        tpu.wait_indirect_dma semaphore(%arg10 : memref<!tpu.dma_semaphore, #tpu.memory_space<semaphore_mem>>) src(%arg7 : memref<128x128xf32, #tpu.memory_space<vmem>>) dst(%dma_wait3A_169 : memref<10240x128xf32, #tpu.memory_space<vmem_shared>>)
        %add3A_170 = arith.constant 4 : i32
        %add3A_171 = arith.addi %add3A_25, %add3A_170 : i32
        %add3A_172 = arith.constant 2 : i32
        %add3A_173 = arith.addi %add3A_171, %add3A_172 : i32
        %mul3A_174 = arith.constant 128 : i32
        %mul3A_175 = arith.muli %add3A_173, %mul3A_174 : i32
        %dma_start3A_176 = arith.constant 0 : i32
        %dma_start3A_177 = tpu.memref_slice %arg2[%mul3A_175, %dma_start3A_176] : memref<655360x128xf32, #tpu.memory_space<hbm>> -> memref<128x128xf32, #tpu.memory_space<hbm>>
        %dma_start3A_178 = arith.constant 0 : i32
        %dma_start3A_179 = tpu.memref_slice %arg2[%mul3A_175, %dma_start3A_178] : memref<655360x128xf32, #tpu.memory_space<hbm>> -> memref<128x128xf32, #tpu.memory_space<hbm>>
        tpu.enqueue_dma source(%dma_start3A_179 : memref<128x128xf32, #tpu.memory_space<hbm>>) target(%arg7 : memref<128x128xf32, #tpu.memory_space<vmem>>) target_semaphore(%arg9 : memref<!tpu.dma_semaphore, #tpu.memory_space<semaphore_mem>>)
        %dma_wait3A_180 = arith.constant 0 : i32
        %dma_wait3A_181 = tpu.memref_slice %arg2[%mul3A_147, %dma_wait3A_180] : memref<655360x128xf32, #tpu.memory_space<hbm>> -> memref<128x128xf32, #tpu.memory_space<hbm>>
        %dma_wait3A_182 = arith.constant 0 : i32
        %dma_wait3A_183 = tpu.memref_slice %arg2[%mul3A_147, %dma_wait3A_182] : memref<655360x128xf32, #tpu.memory_space<hbm>> -> memref<128x128xf32, #tpu.memory_space<hbm>>
        tpu.wait_dma2 semaphore(%arg9 : memref<!tpu.dma_semaphore, #tpu.memory_space<semaphore_mem>>) src(%dma_wait3A_183 : memref<128x128xf32, #tpu.memory_space<hbm>>) dst(%arg8 : memref<128x128xf32, #tpu.memory_space<vmem>>)
        %dma_start3A_184 = arith.constant 5 : i32
        %dma_start3A_185 = arith.constant 0 : i32
        %dma_start3A_186 = tpu.memref_slice %arg6[%dma_start3A_184, %dma_start3A_185] : memref<8x128xi32, #tpu.memory_space<vmem>> -> memref<1x128xi32, #tpu.memory_space<vmem>>
        %dma_start3A_187 = tpu.memref_squeeze %dma_start3A_186 : memref<1x128xi32, #tpu.memory_space<vmem>> -> memref<128xi32, #tpu.memory_space<vmem>>
        %dma_start3A_188 = arith.constant 0 : i32
        %dma_start3A_189 = arith.constant 0 : i32
        %dma_start3A_190 = tpu.memref_slice %arg11[%dma_start3A_188, %dma_start3A_189] : memref<10240x128xf32, #tpu.memory_space<vmem_shared>> -> memref<10240x128xf32, #tpu.memory_space<vmem_shared>>
        tpu.enqueue_indirect_dma source(%arg8 : memref<128x128xf32, #tpu.memory_space<vmem>>) target(%dma_start3A_190 : memref<10240x128xf32, #tpu.memory_space<vmem_shared>>) offsets(%dma_start3A_187 : memref<128xi32, #tpu.memory_space<vmem>>) semaphore(%arg10 : memref<!tpu.dma_semaphore, #tpu.memory_space<semaphore_mem>>) {add = true}
        %dma_wait3A_191 = arith.constant 5 : i32
        %dma_wait3A_192 = arith.constant 0 : i32
        %dma_wait3A_193 = tpu.memref_slice %arg6[%dma_wait3A_191, %dma_wait3A_192] : memref<8x128xi32, #tpu.memory_space<vmem>> -> memref<1x128xi32, #tpu.memory_space<vmem>>
        %dma_wait3A_194 = tpu.memref_squeeze %dma_wait3A_193 : memref<1x128xi32, #tpu.memory_space<vmem>> -> memref<128xi32, #tpu.memory_space<vmem>>
        %dma_wait3A_195 = arith.constant 0 : i32
        %dma_wait3A_196 = arith.constant 0 : i32
        %dma_wait3A_197 = tpu.memref_slice %arg11[%dma_wait3A_195, %dma_wait3A_196] : memref<10240x128xf32, #tpu.memory_space<vmem_shared>> -> memref<10240x128xf32, #tpu.memory_space<vmem_shared>>
        tpu.wait_indirect_dma semaphore(%arg10 : memref<!tpu.dma_semaphore, #tpu.memory_space<semaphore_mem>>) src(%arg8 : memref<128x128xf32, #tpu.memory_space<vmem>>) dst(%dma_wait3A_197 : memref<10240x128xf32, #tpu.memory_space<vmem_shared>>)
        %add3A_198 = arith.constant 5 : i32
        %add3A_199 = arith.addi %add3A_25, %add3A_198 : i32
        %add3A_200 = arith.constant 2 : i32
        %add3A_201 = arith.addi %add3A_199, %add3A_200 : i32
        %mul3A_202 = arith.constant 128 : i32
        %mul3A_203 = arith.muli %add3A_201, %mul3A_202 : i32
        %dma_start3A_204 = arith.constant 0 : i32
        %dma_start3A_205 = tpu.memref_slice %arg2[%mul3A_203, %dma_start3A_204] : memref<655360x128xf32, #tpu.memory_space<hbm>> -> memref<128x128xf32, #tpu.memory_space<hbm>>
        %dma_start3A_206 = arith.constant 0 : i32
        %dma_start3A_207 = tpu.memref_slice %arg2[%mul3A_203, %dma_start3A_206] : memref<655360x128xf32, #tpu.memory_space<hbm>> -> memref<128x128xf32, #tpu.memory_space<hbm>>
        tpu.enqueue_dma source(%dma_start3A_207 : memref<128x128xf32, #tpu.memory_space<hbm>>) target(%arg8 : memref<128x128xf32, #tpu.memory_space<vmem>>) target_semaphore(%arg9 : memref<!tpu.dma_semaphore, #tpu.memory_space<semaphore_mem>>)
        %dma_wait3A_208 = arith.constant 0 : i32
        %dma_wait3A_209 = tpu.memref_slice %arg2[%mul3A_175, %dma_wait3A_208] : memref<655360x128xf32, #tpu.memory_space<hbm>> -> memref<128x128xf32, #tpu.memory_space<hbm>>
        %dma_wait3A_210 = arith.constant 0 : i32
        %dma_wait3A_211 = tpu.memref_slice %arg2[%mul3A_175, %dma_wait3A_210] : memref<655360x128xf32, #tpu.memory_space<hbm>> -> memref<128x128xf32, #tpu.memory_space<hbm>>
        tpu.wait_dma2 semaphore(%arg9 : memref<!tpu.dma_semaphore, #tpu.memory_space<semaphore_mem>>) src(%dma_wait3A_211 : memref<128x128xf32, #tpu.memory_space<hbm>>) dst(%arg7 : memref<128x128xf32, #tpu.memory_space<vmem>>)
        %dma_start3A_212 = arith.constant 6 : i32
        %dma_start3A_213 = arith.constant 0 : i32
        %dma_start3A_214 = tpu.memref_slice %arg6[%dma_start3A_212, %dma_start3A_213] : memref<8x128xi32, #tpu.memory_space<vmem>> -> memref<1x128xi32, #tpu.memory_space<vmem>>
        %dma_start3A_215 = tpu.memref_squeeze %dma_start3A_214 : memref<1x128xi32, #tpu.memory_space<vmem>> -> memref<128xi32, #tpu.memory_space<vmem>>
        %dma_start3A_216 = arith.constant 0 : i32
        %dma_start3A_217 = arith.constant 0 : i32
        %dma_start3A_218 = tpu.memref_slice %arg11[%dma_start3A_216, %dma_start3A_217] : memref<10240x128xf32, #tpu.memory_space<vmem_shared>> -> memref<10240x128xf32, #tpu.memory_space<vmem_shared>>
        tpu.enqueue_indirect_dma source(%arg7 : memref<128x128xf32, #tpu.memory_space<vmem>>) target(%dma_start3A_218 : memref<10240x128xf32, #tpu.memory_space<vmem_shared>>) offsets(%dma_start3A_215 : memref<128xi32, #tpu.memory_space<vmem>>) semaphore(%arg10 : memref<!tpu.dma_semaphore, #tpu.memory_space<semaphore_mem>>) {add = true}
        %dma_wait3A_219 = arith.constant 0 : i32
        %dma_wait3A_220 = tpu.memref_slice %arg2[%mul3A_203, %dma_wait3A_219] : memref<655360x128xf32, #tpu.memory_space<hbm>> -> memref<128x128xf32, #tpu.memory_space<hbm>>
        %dma_wait3A_221 = arith.constant 0 : i32
        %dma_wait3A_222 = tpu.memref_slice %arg2[%mul3A_203, %dma_wait3A_221] : memref<655360x128xf32, #tpu.memory_space<hbm>> -> memref<128x128xf32, #tpu.memory_space<hbm>>
        tpu.wait_dma2 semaphore(%arg9 : memref<!tpu.dma_semaphore, #tpu.memory_space<semaphore_mem>>) src(%dma_wait3A_222 : memref<128x128xf32, #tpu.memory_space<hbm>>) dst(%arg8 : memref<128x128xf32, #tpu.memory_space<vmem>>)
        %dma_start3A_223 = arith.constant 7 : i32
        %dma_start3A_224 = arith.constant 0 : i32
        %dma_start3A_225 = tpu.memref_slice %arg6[%dma_start3A_223, %dma_start3A_224] : memref<8x128xi32, #tpu.memory_space<vmem>> -> memref<1x128xi32, #tpu.memory_space<vmem>>
        %dma_start3A_226 = tpu.memref_squeeze %dma_start3A_225 : memref<1x128xi32, #tpu.memory_space<vmem>> -> memref<128xi32, #tpu.memory_space<vmem>>
        %dma_start3A_227 = arith.constant 0 : i32
        %dma_start3A_228 = arith.constant 0 : i32
        %dma_start3A_229 = tpu.memref_slice %arg11[%dma_start3A_227, %dma_start3A_228] : memref<10240x128xf32, #tpu.memory_space<vmem_shared>> -> memref<10240x128xf32, #tpu.memory_space<vmem_shared>>
        tpu.enqueue_indirect_dma source(%arg8 : memref<128x128xf32, #tpu.memory_space<vmem>>) target(%dma_start3A_229 : memref<10240x128xf32, #tpu.memory_space<vmem_shared>>) offsets(%dma_start3A_226 : memref<128xi32, #tpu.memory_space<vmem>>) semaphore(%arg10 : memref<!tpu.dma_semaphore, #tpu.memory_space<semaphore_mem>>) {add = true}
        %dma_wait3A_230 = arith.constant 6 : i32
        %dma_wait3A_231 = arith.constant 0 : i32
        %dma_wait3A_232 = tpu.memref_slice %arg6[%dma_wait3A_230, %dma_wait3A_231] : memref<8x128xi32, #tpu.memory_space<vmem>> -> memref<1x128xi32, #tpu.memory_space<vmem>>
        %dma_wait3A_233 = tpu.memref_squeeze %dma_wait3A_232 : memref<1x128xi32, #tpu.memory_space<vmem>> -> memref<128xi32, #tpu.memory_space<vmem>>
        %dma_wait3A_234 = arith.constant 0 : i32
        %dma_wait3A_235 = arith.constant 0 : i32
        %dma_wait3A_236 = tpu.memref_slice %arg11[%dma_wait3A_234, %dma_wait3A_235] : memref<10240x128xf32, #tpu.memory_space<vmem_shared>> -> memref<10240x128xf32, #tpu.memory_space<vmem_shared>>
        tpu.wait_indirect_dma semaphore(%arg10 : memref<!tpu.dma_semaphore, #tpu.memory_space<semaphore_mem>>) src(%arg7 : memref<128x128xf32, #tpu.memory_space<vmem>>) dst(%dma_wait3A_236 : memref<10240x128xf32, #tpu.memory_space<vmem_shared>>)
        %dma_wait3A_237 = arith.constant 7 : i32
        %dma_wait3A_238 = arith.constant 0 : i32
        %dma_wait3A_239 = tpu.memref_slice %arg6[%dma_wait3A_237, %dma_wait3A_238] : memref<8x128xi32, #tpu.memory_space<vmem>> -> memref<1x128xi32, #tpu.memory_space<vmem>>
        %dma_wait3A_240 = tpu.memref_squeeze %dma_wait3A_239 : memref<1x128xi32, #tpu.memory_space<vmem>> -> memref<128xi32, #tpu.memory_space<vmem>>
        %dma_wait3A_241 = arith.constant 0 : i32
        %dma_wait3A_242 = arith.constant 0 : i32
        %dma_wait3A_243 = tpu.memref_slice %arg11[%dma_wait3A_241, %dma_wait3A_242] : memref<10240x128xf32, #tpu.memory_space<vmem_shared>> -> memref<10240x128xf32, #tpu.memory_space<vmem_shared>>
        tpu.wait_indirect_dma semaphore(%arg10 : memref<!tpu.dma_semaphore, #tpu.memory_space<semaphore_mem>>) src(%arg8 : memref<128x128xf32, #tpu.memory_space<vmem>>) dst(%dma_wait3A_243 : memref<10240x128xf32, #tpu.memory_space<vmem_shared>>)
      }
      %scan3A_21 = arith.constant 20 : i32
    } else {
    }
    %barrier3A_9 = arith.constant 0 : index
    tpu.barrier barrier_id(%barrier3A_9)
    %mul3A_10 = arith.constant 640 : i32
    %mul3A_11 = arith.muli %arg1, %mul3A_10 : i32
    %mul3A_12 = arith.constant 10240 : i32
    %mul3A_13 = arith.muli %arg0, %mul3A_12 : i32
    %mul3A_14 = arith.constant 640 : i32
    %mul3A_15 = arith.muli %arg1, %mul3A_14 : i32
    %add3A_16 = arith.addi %mul3A_13, %mul3A_15 : i32
    "tpu.region"() ({
      %run_scoped3A = tpu.sem_alloc : memref<!tpu.dma_semaphore, #tpu.memory_space<semaphore_mem>>
      %dma_start3A = arith.constant 0 : i32
      %dma_start3A_17 = tpu.memref_slice %arg5[%add3A_16, %dma_start3A] : memref<20480x128xf32, #tpu.memory_space<hbm>> -> memref<640x128xf32, #tpu.memory_space<hbm>>
      %dma_start3A_18 = arith.constant 0 : i32
      %dma_start3A_19 = tpu.memref_slice %arg11[%mul3A_11, %dma_start3A_18] : memref<10240x128xf32, #tpu.memory_space<vmem_shared>> -> memref<640x128xf32, #tpu.memory_space<vmem_shared>>
      tpu.enqueue_dma source(%dma_start3A_19 : memref<640x128xf32, #tpu.memory_space<vmem_shared>>) target(%dma_start3A_17 : memref<640x128xf32, #tpu.memory_space<hbm>>) target_semaphore(%run_scoped3A : memref<!tpu.dma_semaphore, #tpu.memory_space<semaphore_mem>>)
      %dma_wait3A = arith.constant 0 : i32
      %dma_wait3A_20 = tpu.memref_slice %arg5[%add3A_16, %dma_wait3A] : memref<20480x128xf32, #tpu.memory_space<hbm>> -> memref<640x128xf32, #tpu.memory_space<hbm>>
      %dma_wait3A_21 = arith.constant 0 : i32
      %dma_wait3A_22 = tpu.memref_slice %arg11[%mul3A_11, %dma_wait3A_21] : memref<10240x128xf32, #tpu.memory_space<vmem_shared>> -> memref<640x128xf32, #tpu.memory_space<vmem_shared>>
      tpu.wait_dma2 semaphore(%run_scoped3A : memref<!tpu.dma_semaphore, #tpu.memory_space<semaphore_mem>>) src(%dma_wait3A_22 : memref<640x128xf32, #tpu.memory_space<vmem_shared>>) dst(%dma_wait3A_20 : memref<640x128xf32, #tpu.memory_space<hbm>>)
      tpu.yield
    }) : () -> ()
    return
  }
}

#map = affine_map<(d0, d1) -> (0, 0)>
module attributes {stable_mosaic.version = 14 : i64} {
  func.func @k(%arg0: i32, %arg1: i32, %arg2: memref<20000x128xf32, #tpu.memory_space<hbm>>, %arg3: memref<5120x128xi32, #tpu.memory_space<hbm>>, %arg4: memref<655360x128xf32, #tpu.memory_space<hbm>>, %arg5: memref<8x128xi32, #tpu.memory_space<vmem>>, %arg6: memref<512x128xf32, #tpu.memory_space<vmem>>, %arg7: memref<!tpu.dma_semaphore, #tpu.memory_space<semaphore_mem>>) attributes {dimension_semantics = [#tpu.dimension_semantics<core_parallel>, #tpu.dimension_semantics<subcore_parallel>], iteration_bounds = array<i64: 2, 16>, scalar_prefetch = 0 : i64, scratch_operands = 3 : i64, tpu.core_type = #tpu.core_type<sc_vector_subcore>, window_params = [{transform_indices = #map}, {transform_indices = #map}, {transform_indices = #map}]} {
    %mul3A = arith.constant 2 : i32
    %mul3A_0 = arith.muli %arg1, %mul3A : i32
    %add3A = arith.addi %mul3A_0, %arg0 : i32
    %mul3A_1 = arith.constant 160 : i32
    %mul3A_2 = arith.muli %add3A, %mul3A_1 : i32
    %lt3A = arith.constant 32 : i32
    %lt3A_3 = arith.cmpi slt, %add3A, %lt3A : i32
    %convert_element_type3A = arith.extui %lt3A_3 : i1 to i32
    %cond3A = arith.constant 0 : i32
    %cond3A_4 = arith.cmpi ne, %convert_element_type3A, %cond3A : i32
    scf.if %cond3A_4 {
      %scan3A = arith.constant 0 : i32
      %scan3A_5 = arith.constant 0 : i32
      %scan3A_6 = arith.constant 20 : i32
      %scan3A_7 = arith.addi %scan3A_5, %scan3A_6 : i32
      %scan3A_8 = arith.constant 1 : i32
      scf.for %scan3A_10 = %scan3A_5 to %scan3A_7 step %scan3A_8  : i32 {
        %mul3A_11 = arith.constant 8 : i32
        %mul3A_12 = arith.muli %scan3A_10, %mul3A_11 : i32
        %add3A_13 = arith.addi %mul3A_2, %mul3A_12 : i32
        "tpu.region"() ({
          %run_scoped3A = tpu.sem_alloc : memref<!tpu.dma_semaphore, #tpu.memory_space<semaphore_mem>>
          %dma_start3A_180 = arith.constant 0 : i32
          %dma_start3A_181 = tpu.memref_slice %arg3[%add3A_13, %dma_start3A_180] : memref<5120x128xi32, #tpu.memory_space<hbm>> -> memref<8x128xi32, #tpu.memory_space<hbm>>
          %dma_start3A_182 = arith.constant 0 : i32
          %dma_start3A_183 = tpu.memref_slice %arg3[%add3A_13, %dma_start3A_182] : memref<5120x128xi32, #tpu.memory_space<hbm>> -> memref<8x128xi32, #tpu.memory_space<hbm>>
          tpu.enqueue_dma source(%dma_start3A_183 : memref<8x128xi32, #tpu.memory_space<hbm>>) target(%arg5 : memref<8x128xi32, #tpu.memory_space<vmem>>) target_semaphore(%run_scoped3A : memref<!tpu.dma_semaphore, #tpu.memory_space<semaphore_mem>>)
          %dma_wait3A_184 = arith.constant 0 : i32
          %dma_wait3A_185 = tpu.memref_slice %arg3[%add3A_13, %dma_wait3A_184] : memref<5120x128xi32, #tpu.memory_space<hbm>> -> memref<8x128xi32, #tpu.memory_space<hbm>>
          %dma_wait3A_186 = arith.constant 0 : i32
          %dma_wait3A_187 = tpu.memref_slice %arg3[%add3A_13, %dma_wait3A_186] : memref<5120x128xi32, #tpu.memory_space<hbm>> -> memref<8x128xi32, #tpu.memory_space<hbm>>
          tpu.wait_dma2 semaphore(%run_scoped3A : memref<!tpu.dma_semaphore, #tpu.memory_space<semaphore_mem>>) src(%dma_wait3A_187 : memref<8x128xi32, #tpu.memory_space<hbm>>) dst(%arg5 : memref<8x128xi32, #tpu.memory_space<vmem>>)
          tpu.yield
        }) : () -> ()
        %dma_start3A = arith.constant 0 : i32
        %dma_start3A_14 = arith.constant 0 : i32
        %dma_start3A_15 = arith.constant 0 : i32
        %dma_start3A_16 = tpu.memref_slice %arg6[%dma_start3A_14, %dma_start3A_15] : memref<512x128xf32, #tpu.memory_space<vmem>> -> memref<128x128xf32, #tpu.memory_space<vmem>>
        %dma_start3A_17 = arith.constant 0 : i32
        %dma_start3A_18 = tpu.memref_slice %arg5[%dma_start3A, %dma_start3A_17] : memref<8x128xi32, #tpu.memory_space<vmem>> -> memref<1x128xi32, #tpu.memory_space<vmem>>
        %dma_start3A_19 = tpu.memref_squeeze %dma_start3A_18 : memref<1x128xi32, #tpu.memory_space<vmem>> -> memref<128xi32, #tpu.memory_space<vmem>>
        %dma_start3A_20 = arith.constant 0 : i32
        %dma_start3A_21 = arith.constant 0 : i32
        %dma_start3A_22 = tpu.memref_slice %arg2[%dma_start3A_20, %dma_start3A_21] : memref<20000x128xf32, #tpu.memory_space<hbm>> -> memref<20000x128xf32, #tpu.memory_space<hbm>>
        tpu.enqueue_indirect_dma source(%dma_start3A_22 : memref<20000x128xf32, #tpu.memory_space<hbm>>) target(%dma_start3A_16 : memref<128x128xf32, #tpu.memory_space<vmem>>) offsets(%dma_start3A_19 : memref<128xi32, #tpu.memory_space<vmem>>) semaphore(%arg7 : memref<!tpu.dma_semaphore, #tpu.memory_space<semaphore_mem>>)
        %dma_start3A_23 = arith.constant 1 : i32
        %dma_start3A_24 = arith.constant 128 : i32
        %dma_start3A_25 = arith.constant 0 : i32
        %dma_start3A_26 = tpu.memref_slice %arg6[%dma_start3A_24, %dma_start3A_25] : memref<512x128xf32, #tpu.memory_space<vmem>> -> memref<128x128xf32, #tpu.memory_space<vmem>>
        %dma_start3A_27 = arith.constant 0 : i32
        %dma_start3A_28 = tpu.memref_slice %arg5[%dma_start3A_23, %dma_start3A_27] : memref<8x128xi32, #tpu.memory_space<vmem>> -> memref<1x128xi32, #tpu.memory_space<vmem>>
        %dma_start3A_29 = tpu.memref_squeeze %dma_start3A_28 : memref<1x128xi32, #tpu.memory_space<vmem>> -> memref<128xi32, #tpu.memory_space<vmem>>
        %dma_start3A_30 = arith.constant 0 : i32
        %dma_start3A_31 = arith.constant 0 : i32
        %dma_start3A_32 = tpu.memref_slice %arg2[%dma_start3A_30, %dma_start3A_31] : memref<20000x128xf32, #tpu.memory_space<hbm>> -> memref<20000x128xf32, #tpu.memory_space<hbm>>
        tpu.enqueue_indirect_dma source(%dma_start3A_32 : memref<20000x128xf32, #tpu.memory_space<hbm>>) target(%dma_start3A_26 : memref<128x128xf32, #tpu.memory_space<vmem>>) offsets(%dma_start3A_29 : memref<128xi32, #tpu.memory_space<vmem>>) semaphore(%arg7 : memref<!tpu.dma_semaphore, #tpu.memory_space<semaphore_mem>>)
        %dma_start3A_33 = arith.constant 2 : i32
        %dma_start3A_34 = arith.constant 256 : i32
        %dma_start3A_35 = arith.constant 0 : i32
        %dma_start3A_36 = tpu.memref_slice %arg6[%dma_start3A_34, %dma_start3A_35] : memref<512x128xf32, #tpu.memory_space<vmem>> -> memref<128x128xf32, #tpu.memory_space<vmem>>
        %dma_start3A_37 = arith.constant 0 : i32
        %dma_start3A_38 = tpu.memref_slice %arg5[%dma_start3A_33, %dma_start3A_37] : memref<8x128xi32, #tpu.memory_space<vmem>> -> memref<1x128xi32, #tpu.memory_space<vmem>>
        %dma_start3A_39 = tpu.memref_squeeze %dma_start3A_38 : memref<1x128xi32, #tpu.memory_space<vmem>> -> memref<128xi32, #tpu.memory_space<vmem>>
        %dma_start3A_40 = arith.constant 0 : i32
        %dma_start3A_41 = arith.constant 0 : i32
        %dma_start3A_42 = tpu.memref_slice %arg2[%dma_start3A_40, %dma_start3A_41] : memref<20000x128xf32, #tpu.memory_space<hbm>> -> memref<20000x128xf32, #tpu.memory_space<hbm>>
        tpu.enqueue_indirect_dma source(%dma_start3A_42 : memref<20000x128xf32, #tpu.memory_space<hbm>>) target(%dma_start3A_36 : memref<128x128xf32, #tpu.memory_space<vmem>>) offsets(%dma_start3A_39 : memref<128xi32, #tpu.memory_space<vmem>>) semaphore(%arg7 : memref<!tpu.dma_semaphore, #tpu.memory_space<semaphore_mem>>)
        %dma_start3A_43 = arith.constant 3 : i32
        %dma_start3A_44 = arith.constant 384 : i32
        %dma_start3A_45 = arith.constant 0 : i32
        %dma_start3A_46 = tpu.memref_slice %arg6[%dma_start3A_44, %dma_start3A_45] : memref<512x128xf32, #tpu.memory_space<vmem>> -> memref<128x128xf32, #tpu.memory_space<vmem>>
        %dma_start3A_47 = arith.constant 0 : i32
        %dma_start3A_48 = tpu.memref_slice %arg5[%dma_start3A_43, %dma_start3A_47] : memref<8x128xi32, #tpu.memory_space<vmem>> -> memref<1x128xi32, #tpu.memory_space<vmem>>
        %dma_start3A_49 = tpu.memref_squeeze %dma_start3A_48 : memref<1x128xi32, #tpu.memory_space<vmem>> -> memref<128xi32, #tpu.memory_space<vmem>>
        %dma_start3A_50 = arith.constant 0 : i32
        %dma_start3A_51 = arith.constant 0 : i32
        %dma_start3A_52 = tpu.memref_slice %arg2[%dma_start3A_50, %dma_start3A_51] : memref<20000x128xf32, #tpu.memory_space<hbm>> -> memref<20000x128xf32, #tpu.memory_space<hbm>>
        tpu.enqueue_indirect_dma source(%dma_start3A_52 : memref<20000x128xf32, #tpu.memory_space<hbm>>) target(%dma_start3A_46 : memref<128x128xf32, #tpu.memory_space<vmem>>) offsets(%dma_start3A_49 : memref<128xi32, #tpu.memory_space<vmem>>) semaphore(%arg7 : memref<!tpu.dma_semaphore, #tpu.memory_space<semaphore_mem>>)
        %dma_wait3A = arith.constant 0 : i32
        %dma_wait3A_53 = arith.constant 0 : i32
        %dma_wait3A_54 = arith.constant 0 : i32
        %dma_wait3A_55 = tpu.memref_slice %arg6[%dma_wait3A_53, %dma_wait3A_54] : memref<512x128xf32, #tpu.memory_space<vmem>> -> memref<128x128xf32, #tpu.memory_space<vmem>>
        %dma_wait3A_56 = arith.constant 0 : i32
        %dma_wait3A_57 = tpu.memref_slice %arg5[%dma_wait3A, %dma_wait3A_56] : memref<8x128xi32, #tpu.memory_space<vmem>> -> memref<1x128xi32, #tpu.memory_space<vmem>>
        %dma_wait3A_58 = tpu.memref_squeeze %dma_wait3A_57 : memref<1x128xi32, #tpu.memory_space<vmem>> -> memref<128xi32, #tpu.memory_space<vmem>>
        %dma_wait3A_59 = arith.constant 0 : i32
        %dma_wait3A_60 = arith.constant 0 : i32
        %dma_wait3A_61 = tpu.memref_slice %arg2[%dma_wait3A_59, %dma_wait3A_60] : memref<20000x128xf32, #tpu.memory_space<hbm>> -> memref<20000x128xf32, #tpu.memory_space<hbm>>
        tpu.wait_indirect_dma semaphore(%arg7 : memref<!tpu.dma_semaphore, #tpu.memory_space<semaphore_mem>>) src(%dma_wait3A_61 : memref<20000x128xf32, #tpu.memory_space<hbm>>) dst(%dma_wait3A_55 : memref<128x128xf32, #tpu.memory_space<vmem>>)
        %dma_wait3A_62 = arith.constant 1 : i32
        %dma_wait3A_63 = arith.constant 128 : i32
        %dma_wait3A_64 = arith.constant 0 : i32
        %dma_wait3A_65 = tpu.memref_slice %arg6[%dma_wait3A_63, %dma_wait3A_64] : memref<512x128xf32, #tpu.memory_space<vmem>> -> memref<128x128xf32, #tpu.memory_space<vmem>>
        %dma_wait3A_66 = arith.constant 0 : i32
        %dma_wait3A_67 = tpu.memref_slice %arg5[%dma_wait3A_62, %dma_wait3A_66] : memref<8x128xi32, #tpu.memory_space<vmem>> -> memref<1x128xi32, #tpu.memory_space<vmem>>
        %dma_wait3A_68 = tpu.memref_squeeze %dma_wait3A_67 : memref<1x128xi32, #tpu.memory_space<vmem>> -> memref<128xi32, #tpu.memory_space<vmem>>
        %dma_wait3A_69 = arith.constant 0 : i32
        %dma_wait3A_70 = arith.constant 0 : i32
        %dma_wait3A_71 = tpu.memref_slice %arg2[%dma_wait3A_69, %dma_wait3A_70] : memref<20000x128xf32, #tpu.memory_space<hbm>> -> memref<20000x128xf32, #tpu.memory_space<hbm>>
        tpu.wait_indirect_dma semaphore(%arg7 : memref<!tpu.dma_semaphore, #tpu.memory_space<semaphore_mem>>) src(%dma_wait3A_71 : memref<20000x128xf32, #tpu.memory_space<hbm>>) dst(%dma_wait3A_65 : memref<128x128xf32, #tpu.memory_space<vmem>>)
        %dma_wait3A_72 = arith.constant 2 : i32
        %dma_wait3A_73 = arith.constant 256 : i32
        %dma_wait3A_74 = arith.constant 0 : i32
        %dma_wait3A_75 = tpu.memref_slice %arg6[%dma_wait3A_73, %dma_wait3A_74] : memref<512x128xf32, #tpu.memory_space<vmem>> -> memref<128x128xf32, #tpu.memory_space<vmem>>
        %dma_wait3A_76 = arith.constant 0 : i32
        %dma_wait3A_77 = tpu.memref_slice %arg5[%dma_wait3A_72, %dma_wait3A_76] : memref<8x128xi32, #tpu.memory_space<vmem>> -> memref<1x128xi32, #tpu.memory_space<vmem>>
        %dma_wait3A_78 = tpu.memref_squeeze %dma_wait3A_77 : memref<1x128xi32, #tpu.memory_space<vmem>> -> memref<128xi32, #tpu.memory_space<vmem>>
        %dma_wait3A_79 = arith.constant 0 : i32
        %dma_wait3A_80 = arith.constant 0 : i32
        %dma_wait3A_81 = tpu.memref_slice %arg2[%dma_wait3A_79, %dma_wait3A_80] : memref<20000x128xf32, #tpu.memory_space<hbm>> -> memref<20000x128xf32, #tpu.memory_space<hbm>>
        tpu.wait_indirect_dma semaphore(%arg7 : memref<!tpu.dma_semaphore, #tpu.memory_space<semaphore_mem>>) src(%dma_wait3A_81 : memref<20000x128xf32, #tpu.memory_space<hbm>>) dst(%dma_wait3A_75 : memref<128x128xf32, #tpu.memory_space<vmem>>)
        %dma_wait3A_82 = arith.constant 3 : i32
        %dma_wait3A_83 = arith.constant 384 : i32
        %dma_wait3A_84 = arith.constant 0 : i32
        %dma_wait3A_85 = tpu.memref_slice %arg6[%dma_wait3A_83, %dma_wait3A_84] : memref<512x128xf32, #tpu.memory_space<vmem>> -> memref<128x128xf32, #tpu.memory_space<vmem>>
        %dma_wait3A_86 = arith.constant 0 : i32
        %dma_wait3A_87 = tpu.memref_slice %arg5[%dma_wait3A_82, %dma_wait3A_86] : memref<8x128xi32, #tpu.memory_space<vmem>> -> memref<1x128xi32, #tpu.memory_space<vmem>>
        %dma_wait3A_88 = tpu.memref_squeeze %dma_wait3A_87 : memref<1x128xi32, #tpu.memory_space<vmem>> -> memref<128xi32, #tpu.memory_space<vmem>>
        %dma_wait3A_89 = arith.constant 0 : i32
        %dma_wait3A_90 = arith.constant 0 : i32
        %dma_wait3A_91 = tpu.memref_slice %arg2[%dma_wait3A_89, %dma_wait3A_90] : memref<20000x128xf32, #tpu.memory_space<hbm>> -> memref<20000x128xf32, #tpu.memory_space<hbm>>
        tpu.wait_indirect_dma semaphore(%arg7 : memref<!tpu.dma_semaphore, #tpu.memory_space<semaphore_mem>>) src(%dma_wait3A_91 : memref<20000x128xf32, #tpu.memory_space<hbm>>) dst(%dma_wait3A_85 : memref<128x128xf32, #tpu.memory_space<vmem>>)
        %add3A_92 = arith.constant 0 : i32
        %add3A_93 = arith.addi %add3A_13, %add3A_92 : i32
        %mul3A_94 = arith.constant 128 : i32
        %mul3A_95 = arith.muli %add3A_93, %mul3A_94 : i32
        "tpu.region"() ({
          %run_scoped3A = tpu.sem_alloc : memref<!tpu.dma_semaphore, #tpu.memory_space<semaphore_mem>>
          %dma_start3A_180 = arith.constant 0 : i32
          %dma_start3A_181 = tpu.memref_slice %arg4[%mul3A_95, %dma_start3A_180] : memref<655360x128xf32, #tpu.memory_space<hbm>> -> memref<512x128xf32, #tpu.memory_space<hbm>>
          %dma_start3A_182 = arith.constant 0 : i32
          %dma_start3A_183 = tpu.memref_slice %arg4[%mul3A_95, %dma_start3A_182] : memref<655360x128xf32, #tpu.memory_space<hbm>> -> memref<512x128xf32, #tpu.memory_space<hbm>>
          tpu.enqueue_dma source(%arg6 : memref<512x128xf32, #tpu.memory_space<vmem>>) target(%dma_start3A_183 : memref<512x128xf32, #tpu.memory_space<hbm>>) target_semaphore(%run_scoped3A : memref<!tpu.dma_semaphore, #tpu.memory_space<semaphore_mem>>)
          %dma_wait3A_184 = arith.constant 0 : i32
          %dma_wait3A_185 = tpu.memref_slice %arg4[%mul3A_95, %dma_wait3A_184] : memref<655360x128xf32, #tpu.memory_space<hbm>> -> memref<512x128xf32, #tpu.memory_space<hbm>>
          %dma_wait3A_186 = arith.constant 0 : i32
          %dma_wait3A_187 = tpu.memref_slice %arg4[%mul3A_95, %dma_wait3A_186] : memref<655360x128xf32, #tpu.memory_space<hbm>> -> memref<512x128xf32, #tpu.memory_space<hbm>>
          tpu.wait_dma2 semaphore(%run_scoped3A : memref<!tpu.dma_semaphore, #tpu.memory_space<semaphore_mem>>) src(%arg6 : memref<512x128xf32, #tpu.memory_space<vmem>>) dst(%dma_wait3A_187 : memref<512x128xf32, #tpu.memory_space<hbm>>)
          tpu.yield
        }) : () -> ()
        %dma_start3A_96 = arith.constant 4 : i32
        %dma_start3A_97 = arith.constant 0 : i32
        %dma_start3A_98 = arith.constant 0 : i32
        %dma_start3A_99 = tpu.memref_slice %arg6[%dma_start3A_97, %dma_start3A_98] : memref<512x128xf32, #tpu.memory_space<vmem>> -> memref<128x128xf32, #tpu.memory_space<vmem>>
        %dma_start3A_100 = arith.constant 0 : i32
        %dma_start3A_101 = tpu.memref_slice %arg5[%dma_start3A_96, %dma_start3A_100] : memref<8x128xi32, #tpu.memory_space<vmem>> -> memref<1x128xi32, #tpu.memory_space<vmem>>
        %dma_start3A_102 = tpu.memref_squeeze %dma_start3A_101 : memref<1x128xi32, #tpu.memory_space<vmem>> -> memref<128xi32, #tpu.memory_space<vmem>>
        %dma_start3A_103 = arith.constant 0 : i32
        %dma_start3A_104 = arith.constant 0 : i32
        %dma_start3A_105 = tpu.memref_slice %arg2[%dma_start3A_103, %dma_start3A_104] : memref<20000x128xf32, #tpu.memory_space<hbm>> -> memref<20000x128xf32, #tpu.memory_space<hbm>>
        tpu.enqueue_indirect_dma source(%dma_start3A_105 : memref<20000x128xf32, #tpu.memory_space<hbm>>) target(%dma_start3A_99 : memref<128x128xf32, #tpu.memory_space<vmem>>) offsets(%dma_start3A_102 : memref<128xi32, #tpu.memory_space<vmem>>) semaphore(%arg7 : memref<!tpu.dma_semaphore, #tpu.memory_space<semaphore_mem>>)
        %dma_start3A_106 = arith.constant 5 : i32
        %dma_start3A_107 = arith.constant 128 : i32
        %dma_start3A_108 = arith.constant 0 : i32
        %dma_start3A_109 = tpu.memref_slice %arg6[%dma_start3A_107, %dma_start3A_108] : memref<512x128xf32, #tpu.memory_space<vmem>> -> memref<128x128xf32, #tpu.memory_space<vmem>>
        %dma_start3A_110 = arith.constant 0 : i32
        %dma_start3A_111 = tpu.memref_slice %arg5[%dma_start3A_106, %dma_start3A_110] : memref<8x128xi32, #tpu.memory_space<vmem>> -> memref<1x128xi32, #tpu.memory_space<vmem>>
        %dma_start3A_112 = tpu.memref_squeeze %dma_start3A_111 : memref<1x128xi32, #tpu.memory_space<vmem>> -> memref<128xi32, #tpu.memory_space<vmem>>
        %dma_start3A_113 = arith.constant 0 : i32
        %dma_start3A_114 = arith.constant 0 : i32
        %dma_start3A_115 = tpu.memref_slice %arg2[%dma_start3A_113, %dma_start3A_114] : memref<20000x128xf32, #tpu.memory_space<hbm>> -> memref<20000x128xf32, #tpu.memory_space<hbm>>
        tpu.enqueue_indirect_dma source(%dma_start3A_115 : memref<20000x128xf32, #tpu.memory_space<hbm>>) target(%dma_start3A_109 : memref<128x128xf32, #tpu.memory_space<vmem>>) offsets(%dma_start3A_112 : memref<128xi32, #tpu.memory_space<vmem>>) semaphore(%arg7 : memref<!tpu.dma_semaphore, #tpu.memory_space<semaphore_mem>>)
        %dma_start3A_116 = arith.constant 6 : i32
        %dma_start3A_117 = arith.constant 256 : i32
        %dma_start3A_118 = arith.constant 0 : i32
        %dma_start3A_119 = tpu.memref_slice %arg6[%dma_start3A_117, %dma_start3A_118] : memref<512x128xf32, #tpu.memory_space<vmem>> -> memref<128x128xf32, #tpu.memory_space<vmem>>
        %dma_start3A_120 = arith.constant 0 : i32
        %dma_start3A_121 = tpu.memref_slice %arg5[%dma_start3A_116, %dma_start3A_120] : memref<8x128xi32, #tpu.memory_space<vmem>> -> memref<1x128xi32, #tpu.memory_space<vmem>>
        %dma_start3A_122 = tpu.memref_squeeze %dma_start3A_121 : memref<1x128xi32, #tpu.memory_space<vmem>> -> memref<128xi32, #tpu.memory_space<vmem>>
        %dma_start3A_123 = arith.constant 0 : i32
        %dma_start3A_124 = arith.constant 0 : i32
        %dma_start3A_125 = tpu.memref_slice %arg2[%dma_start3A_123, %dma_start3A_124] : memref<20000x128xf32, #tpu.memory_space<hbm>> -> memref<20000x128xf32, #tpu.memory_space<hbm>>
        tpu.enqueue_indirect_dma source(%dma_start3A_125 : memref<20000x128xf32, #tpu.memory_space<hbm>>) target(%dma_start3A_119 : memref<128x128xf32, #tpu.memory_space<vmem>>) offsets(%dma_start3A_122 : memref<128xi32, #tpu.memory_space<vmem>>) semaphore(%arg7 : memref<!tpu.dma_semaphore, #tpu.memory_space<semaphore_mem>>)
        %dma_start3A_126 = arith.constant 7 : i32
        %dma_start3A_127 = arith.constant 384 : i32
        %dma_start3A_128 = arith.constant 0 : i32
        %dma_start3A_129 = tpu.memref_slice %arg6[%dma_start3A_127, %dma_start3A_128] : memref<512x128xf32, #tpu.memory_space<vmem>> -> memref<128x128xf32, #tpu.memory_space<vmem>>
        %dma_start3A_130 = arith.constant 0 : i32
        %dma_start3A_131 = tpu.memref_slice %arg5[%dma_start3A_126, %dma_start3A_130] : memref<8x128xi32, #tpu.memory_space<vmem>> -> memref<1x128xi32, #tpu.memory_space<vmem>>
        %dma_start3A_132 = tpu.memref_squeeze %dma_start3A_131 : memref<1x128xi32, #tpu.memory_space<vmem>> -> memref<128xi32, #tpu.memory_space<vmem>>
        %dma_start3A_133 = arith.constant 0 : i32
        %dma_start3A_134 = arith.constant 0 : i32
        %dma_start3A_135 = tpu.memref_slice %arg2[%dma_start3A_133, %dma_start3A_134] : memref<20000x128xf32, #tpu.memory_space<hbm>> -> memref<20000x128xf32, #tpu.memory_space<hbm>>
        tpu.enqueue_indirect_dma source(%dma_start3A_135 : memref<20000x128xf32, #tpu.memory_space<hbm>>) target(%dma_start3A_129 : memref<128x128xf32, #tpu.memory_space<vmem>>) offsets(%dma_start3A_132 : memref<128xi32, #tpu.memory_space<vmem>>) semaphore(%arg7 : memref<!tpu.dma_semaphore, #tpu.memory_space<semaphore_mem>>)
        %dma_wait3A_136 = arith.constant 4 : i32
        %dma_wait3A_137 = arith.constant 0 : i32
        %dma_wait3A_138 = arith.constant 0 : i32
        %dma_wait3A_139 = tpu.memref_slice %arg6[%dma_wait3A_137, %dma_wait3A_138] : memref<512x128xf32, #tpu.memory_space<vmem>> -> memref<128x128xf32, #tpu.memory_space<vmem>>
        %dma_wait3A_140 = arith.constant 0 : i32
        %dma_wait3A_141 = tpu.memref_slice %arg5[%dma_wait3A_136, %dma_wait3A_140] : memref<8x128xi32, #tpu.memory_space<vmem>> -> memref<1x128xi32, #tpu.memory_space<vmem>>
        %dma_wait3A_142 = tpu.memref_squeeze %dma_wait3A_141 : memref<1x128xi32, #tpu.memory_space<vmem>> -> memref<128xi32, #tpu.memory_space<vmem>>
        %dma_wait3A_143 = arith.constant 0 : i32
        %dma_wait3A_144 = arith.constant 0 : i32
        %dma_wait3A_145 = tpu.memref_slice %arg2[%dma_wait3A_143, %dma_wait3A_144] : memref<20000x128xf32, #tpu.memory_space<hbm>> -> memref<20000x128xf32, #tpu.memory_space<hbm>>
        tpu.wait_indirect_dma semaphore(%arg7 : memref<!tpu.dma_semaphore, #tpu.memory_space<semaphore_mem>>) src(%dma_wait3A_145 : memref<20000x128xf32, #tpu.memory_space<hbm>>) dst(%dma_wait3A_139 : memref<128x128xf32, #tpu.memory_space<vmem>>)
        %dma_wait3A_146 = arith.constant 5 : i32
        %dma_wait3A_147 = arith.constant 128 : i32
        %dma_wait3A_148 = arith.constant 0 : i32
        %dma_wait3A_149 = tpu.memref_slice %arg6[%dma_wait3A_147, %dma_wait3A_148] : memref<512x128xf32, #tpu.memory_space<vmem>> -> memref<128x128xf32, #tpu.memory_space<vmem>>
        %dma_wait3A_150 = arith.constant 0 : i32
        %dma_wait3A_151 = tpu.memref_slice %arg5[%dma_wait3A_146, %dma_wait3A_150] : memref<8x128xi32, #tpu.memory_space<vmem>> -> memref<1x128xi32, #tpu.memory_space<vmem>>
        %dma_wait3A_152 = tpu.memref_squeeze %dma_wait3A_151 : memref<1x128xi32, #tpu.memory_space<vmem>> -> memref<128xi32, #tpu.memory_space<vmem>>
        %dma_wait3A_153 = arith.constant 0 : i32
        %dma_wait3A_154 = arith.constant 0 : i32
        %dma_wait3A_155 = tpu.memref_slice %arg2[%dma_wait3A_153, %dma_wait3A_154] : memref<20000x128xf32, #tpu.memory_space<hbm>> -> memref<20000x128xf32, #tpu.memory_space<hbm>>
        tpu.wait_indirect_dma semaphore(%arg7 : memref<!tpu.dma_semaphore, #tpu.memory_space<semaphore_mem>>) src(%dma_wait3A_155 : memref<20000x128xf32, #tpu.memory_space<hbm>>) dst(%dma_wait3A_149 : memref<128x128xf32, #tpu.memory_space<vmem>>)
        %dma_wait3A_156 = arith.constant 6 : i32
        %dma_wait3A_157 = arith.constant 256 : i32
        %dma_wait3A_158 = arith.constant 0 : i32
        %dma_wait3A_159 = tpu.memref_slice %arg6[%dma_wait3A_157, %dma_wait3A_158] : memref<512x128xf32, #tpu.memory_space<vmem>> -> memref<128x128xf32, #tpu.memory_space<vmem>>
        %dma_wait3A_160 = arith.constant 0 : i32
        %dma_wait3A_161 = tpu.memref_slice %arg5[%dma_wait3A_156, %dma_wait3A_160] : memref<8x128xi32, #tpu.memory_space<vmem>> -> memref<1x128xi32, #tpu.memory_space<vmem>>
        %dma_wait3A_162 = tpu.memref_squeeze %dma_wait3A_161 : memref<1x128xi32, #tpu.memory_space<vmem>> -> memref<128xi32, #tpu.memory_space<vmem>>
        %dma_wait3A_163 = arith.constant 0 : i32
        %dma_wait3A_164 = arith.constant 0 : i32
        %dma_wait3A_165 = tpu.memref_slice %arg2[%dma_wait3A_163, %dma_wait3A_164] : memref<20000x128xf32, #tpu.memory_space<hbm>> -> memref<20000x128xf32, #tpu.memory_space<hbm>>
        tpu.wait_indirect_dma semaphore(%arg7 : memref<!tpu.dma_semaphore, #tpu.memory_space<semaphore_mem>>) src(%dma_wait3A_165 : memref<20000x128xf32, #tpu.memory_space<hbm>>) dst(%dma_wait3A_159 : memref<128x128xf32, #tpu.memory_space<vmem>>)
        %dma_wait3A_166 = arith.constant 7 : i32
        %dma_wait3A_167 = arith.constant 384 : i32
        %dma_wait3A_168 = arith.constant 0 : i32
        %dma_wait3A_169 = tpu.memref_slice %arg6[%dma_wait3A_167, %dma_wait3A_168] : memref<512x128xf32, #tpu.memory_space<vmem>> -> memref<128x128xf32, #tpu.memory_space<vmem>>
        %dma_wait3A_170 = arith.constant 0 : i32
        %dma_wait3A_171 = tpu.memref_slice %arg5[%dma_wait3A_166, %dma_wait3A_170] : memref<8x128xi32, #tpu.memory_space<vmem>> -> memref<1x128xi32, #tpu.memory_space<vmem>>
        %dma_wait3A_172 = tpu.memref_squeeze %dma_wait3A_171 : memref<1x128xi32, #tpu.memory_space<vmem>> -> memref<128xi32, #tpu.memory_space<vmem>>
        %dma_wait3A_173 = arith.constant 0 : i32
        %dma_wait3A_174 = arith.constant 0 : i32
        %dma_wait3A_175 = tpu.memref_slice %arg2[%dma_wait3A_173, %dma_wait3A_174] : memref<20000x128xf32, #tpu.memory_space<hbm>> -> memref<20000x128xf32, #tpu.memory_space<hbm>>
        tpu.wait_indirect_dma semaphore(%arg7 : memref<!tpu.dma_semaphore, #tpu.memory_space<semaphore_mem>>) src(%dma_wait3A_175 : memref<20000x128xf32, #tpu.memory_space<hbm>>) dst(%dma_wait3A_169 : memref<128x128xf32, #tpu.memory_space<vmem>>)
        %add3A_176 = arith.constant 4 : i32
        %add3A_177 = arith.addi %add3A_13, %add3A_176 : i32
        %mul3A_178 = arith.constant 128 : i32
        %mul3A_179 = arith.muli %add3A_177, %mul3A_178 : i32
        "tpu.region"() ({
          %run_scoped3A = tpu.sem_alloc : memref<!tpu.dma_semaphore, #tpu.memory_space<semaphore_mem>>
          %dma_start3A_180 = arith.constant 0 : i32
          %dma_start3A_181 = tpu.memref_slice %arg4[%mul3A_179, %dma_start3A_180] : memref<655360x128xf32, #tpu.memory_space<hbm>> -> memref<512x128xf32, #tpu.memory_space<hbm>>
          %dma_start3A_182 = arith.constant 0 : i32
          %dma_start3A_183 = tpu.memref_slice %arg4[%mul3A_179, %dma_start3A_182] : memref<655360x128xf32, #tpu.memory_space<hbm>> -> memref<512x128xf32, #tpu.memory_space<hbm>>
          tpu.enqueue_dma source(%arg6 : memref<512x128xf32, #tpu.memory_space<vmem>>) target(%dma_start3A_183 : memref<512x128xf32, #tpu.memory_space<hbm>>) target_semaphore(%run_scoped3A : memref<!tpu.dma_semaphore, #tpu.memory_space<semaphore_mem>>)
          %dma_wait3A_184 = arith.constant 0 : i32
          %dma_wait3A_185 = tpu.memref_slice %arg4[%mul3A_179, %dma_wait3A_184] : memref<655360x128xf32, #tpu.memory_space<hbm>> -> memref<512x128xf32, #tpu.memory_space<hbm>>
          %dma_wait3A_186 = arith.constant 0 : i32
          %dma_wait3A_187 = tpu.memref_slice %arg4[%mul3A_179, %dma_wait3A_186] : memref<655360x128xf32, #tpu.memory_space<hbm>> -> memref<512x128xf32, #tpu.memory_space<hbm>>
          tpu.wait_dma2 semaphore(%run_scoped3A : memref<!tpu.dma_semaphore, #tpu.memory_space<semaphore_mem>>) src(%arg6 : memref<512x128xf32, #tpu.memory_space<vmem>>) dst(%dma_wait3A_187 : memref<512x128xf32, #tpu.memory_space<hbm>>)
          tpu.yield
        }) : () -> ()
      }
      %scan3A_9 = arith.constant 20 : i32
    } else {
    }
    return
  }
}

#map = affine_map<(d0, d1) -> (0, 0)>
module attributes {stable_mosaic.version = 14 : i64} {
  func.func @k(%arg0: i32, %arg1: i32, %arg2: memref<655360x128xf32, #tpu.memory_space<hbm>>, %arg3: memref<5120x128xi32, #tpu.memory_space<hbm>>, %arg4: memref<10240x128xf32, #tpu.memory_space<hbm>>, %arg5: memref<20480x128xf32, #tpu.memory_space<hbm>>, %arg6: memref<8x128xi32, #tpu.memory_space<vmem>>, %arg7: memref<128x128xf32, #tpu.memory_space<vmem>>, %arg8: memref<128x128xf32, #tpu.memory_space<vmem>>, %arg9: memref<!tpu.dma_semaphore, #tpu.memory_space<semaphore_mem>>, %arg10: memref<!tpu.dma_semaphore, #tpu.memory_space<semaphore_mem>>, %arg11: memref<10240x128xf32, #tpu.memory_space<vmem_shared>>) attributes {dimension_semantics = [#tpu.dimension_semantics<core_parallel>, #tpu.dimension_semantics<subcore_parallel>], iteration_bounds = array<i64: 2, 16>, scalar_prefetch = 0 : i64, scratch_operands = 6 : i64, tpu.core_type = #tpu.core_type<sc_vector_subcore>, window_params = [{transform_indices = #map}, {transform_indices = #map}, {transform_indices = #map}, {transform_indices = #map}]} {
    %mul3A = arith.constant 640 : i32
    %mul3A_0 = arith.muli %arg1, %mul3A : i32
    %mul3A_1 = arith.constant 640 : i32
    %mul3A_2 = arith.muli %arg1, %mul3A_1 : i32
    "tpu.region"() ({
      %run_scoped3A = tpu.sem_alloc : memref<!tpu.dma_semaphore, #tpu.memory_space<semaphore_mem>>
      %dma_start3A = arith.constant 0 : i32
      %dma_start3A_17 = tpu.memref_slice %arg11[%mul3A_2, %dma_start3A] : memref<10240x128xf32, #tpu.memory_space<vmem_shared>> -> memref<640x128xf32, #tpu.memory_space<vmem_shared>>
      %dma_start3A_18 = arith.constant 0 : i32
      %dma_start3A_19 = tpu.memref_slice %arg4[%mul3A_0, %dma_start3A_18] : memref<10240x128xf32, #tpu.memory_space<hbm>> -> memref<640x128xf32, #tpu.memory_space<hbm>>
      tpu.enqueue_dma source(%dma_start3A_19 : memref<640x128xf32, #tpu.memory_space<hbm>>) target(%dma_start3A_17 : memref<640x128xf32, #tpu.memory_space<vmem_shared>>) target_semaphore(%run_scoped3A : memref<!tpu.dma_semaphore, #tpu.memory_space<semaphore_mem>>)
      %dma_wait3A = arith.constant 0 : i32
      %dma_wait3A_20 = tpu.memref_slice %arg11[%mul3A_2, %dma_wait3A] : memref<10240x128xf32, #tpu.memory_space<vmem_shared>> -> memref<640x128xf32, #tpu.memory_space<vmem_shared>>
      %dma_wait3A_21 = arith.constant 0 : i32
      %dma_wait3A_22 = tpu.memref_slice %arg4[%mul3A_0, %dma_wait3A_21] : memref<10240x128xf32, #tpu.memory_space<hbm>> -> memref<640x128xf32, #tpu.memory_space<hbm>>
      tpu.wait_dma2 semaphore(%run_scoped3A : memref<!tpu.dma_semaphore, #tpu.memory_space<semaphore_mem>>) src(%dma_wait3A_22 : memref<640x128xf32, #tpu.memory_space<hbm>>) dst(%dma_wait3A_20 : memref<640x128xf32, #tpu.memory_space<vmem_shared>>)
      tpu.yield
    }) : () -> ()
    %barrier3A = arith.constant 0 : index
    tpu.barrier barrier_id(%barrier3A)
    %mul3A_3 = arith.constant 16 : i32
    %mul3A_4 = arith.muli %arg0, %mul3A_3 : i32
    %add3A = arith.addi %mul3A_4, %arg1 : i32
    %mul3A_5 = arith.constant 160 : i32
    %mul3A_6 = arith.muli %add3A, %mul3A_5 : i32
    %lt3A = arith.constant 16 : i32
    %lt3A_7 = arith.cmpi slt, %arg1, %lt3A : i32
    %convert_element_type3A = arith.extui %lt3A_7 : i1 to i32
    %cond3A = arith.constant 0 : i32
    %cond3A_8 = arith.cmpi ne, %convert_element_type3A, %cond3A : i32
    scf.if %cond3A_8 {
      %scan3A = arith.constant 0 : i32
      %scan3A_17 = arith.constant 0 : i32
      %scan3A_18 = arith.constant 20 : i32
      %scan3A_19 = arith.addi %scan3A_17, %scan3A_18 : i32
      %scan3A_20 = arith.constant 1 : i32
      scf.for %scan3A_22 = %scan3A_17 to %scan3A_19 step %scan3A_20  : i32 {
        %mul3A_23 = arith.constant 8 : i32
        %mul3A_24 = arith.muli %scan3A_22, %mul3A_23 : i32
        %add3A_25 = arith.addi %mul3A_6, %mul3A_24 : i32
        "tpu.region"() ({
          %run_scoped3A = tpu.sem_alloc : memref<!tpu.dma_semaphore, #tpu.memory_space<semaphore_mem>>
          %dma_start3A_244 = arith.constant 0 : i32
          %dma_start3A_245 = tpu.memref_slice %arg3[%add3A_25, %dma_start3A_244] : memref<5120x128xi32, #tpu.memory_space<hbm>> -> memref<8x128xi32, #tpu.memory_space<hbm>>
          %dma_start3A_246 = arith.constant 0 : i32
          %dma_start3A_247 = tpu.memref_slice %arg3[%add3A_25, %dma_start3A_246] : memref<5120x128xi32, #tpu.memory_space<hbm>> -> memref<8x128xi32, #tpu.memory_space<hbm>>
          tpu.enqueue_dma source(%dma_start3A_247 : memref<8x128xi32, #tpu.memory_space<hbm>>) target(%arg6 : memref<8x128xi32, #tpu.memory_space<vmem>>) target_semaphore(%run_scoped3A : memref<!tpu.dma_semaphore, #tpu.memory_space<semaphore_mem>>)
          %dma_wait3A_248 = arith.constant 0 : i32
          %dma_wait3A_249 = tpu.memref_slice %arg3[%add3A_25, %dma_wait3A_248] : memref<5120x128xi32, #tpu.memory_space<hbm>> -> memref<8x128xi32, #tpu.memory_space<hbm>>
          %dma_wait3A_250 = arith.constant 0 : i32
          %dma_wait3A_251 = tpu.memref_slice %arg3[%add3A_25, %dma_wait3A_250] : memref<5120x128xi32, #tpu.memory_space<hbm>> -> memref<8x128xi32, #tpu.memory_space<hbm>>
          tpu.wait_dma2 semaphore(%run_scoped3A : memref<!tpu.dma_semaphore, #tpu.memory_space<semaphore_mem>>) src(%dma_wait3A_251 : memref<8x128xi32, #tpu.memory_space<hbm>>) dst(%arg6 : memref<8x128xi32, #tpu.memory_space<vmem>>)
          tpu.yield
        }) : () -> ()
        %add3A_26 = arith.constant 0 : i32
        %add3A_27 = arith.addi %add3A_25, %add3A_26 : i32
        %mul3A_28 = arith.constant 128 : i32
        %mul3A_29 = arith.muli %add3A_27, %mul3A_28 : i32
        %dma_start3A = arith.constant 0 : i32
        %dma_start3A_30 = tpu.memref_slice %arg2[%mul3A_29, %dma_start3A] : memref<655360x128xf32, #tpu.memory_space<hbm>> -> memref<128x128xf32, #tpu.memory_space<hbm>>
        %dma_start3A_31 = arith.constant 0 : i32
        %dma_start3A_32 = tpu.memref_slice %arg2[%mul3A_29, %dma_start3A_31] : memref<655360x128xf32, #tpu.memory_space<hbm>> -> memref<128x128xf32, #tpu.memory_space<hbm>>
        tpu.enqueue_dma source(%dma_start3A_32 : memref<128x128xf32, #tpu.memory_space<hbm>>) target(%arg7 : memref<128x128xf32, #tpu.memory_space<vmem>>) target_semaphore(%arg9 : memref<!tpu.dma_semaphore, #tpu.memory_space<semaphore_mem>>)
        %add3A_33 = arith.constant 1 : i32
        %add3A_34 = arith.addi %add3A_25, %add3A_33 : i32
        %mul3A_35 = arith.constant 128 : i32
        %mul3A_36 = arith.muli %add3A_34, %mul3A_35 : i32
        %dma_start3A_37 = arith.constant 0 : i32
        %dma_start3A_38 = tpu.memref_slice %arg2[%mul3A_36, %dma_start3A_37] : memref<655360x128xf32, #tpu.memory_space<hbm>> -> memref<128x128xf32, #tpu.memory_space<hbm>>
        %dma_start3A_39 = arith.constant 0 : i32
        %dma_start3A_40 = tpu.memref_slice %arg2[%mul3A_36, %dma_start3A_39] : memref<655360x128xf32, #tpu.memory_space<hbm>> -> memref<128x128xf32, #tpu.memory_space<hbm>>
        tpu.enqueue_dma source(%dma_start3A_40 : memref<128x128xf32, #tpu.memory_space<hbm>>) target(%arg8 : memref<128x128xf32, #tpu.memory_space<vmem>>) target_semaphore(%arg9 : memref<!tpu.dma_semaphore, #tpu.memory_space<semaphore_mem>>)
        %dma_wait3A = arith.constant 0 : i32
        %dma_wait3A_41 = tpu.memref_slice %arg2[%mul3A_29, %dma_wait3A] : memref<655360x128xf32, #tpu.memory_space<hbm>> -> memref<128x128xf32, #tpu.memory_space<hbm>>
        %dma_wait3A_42 = arith.constant 0 : i32
        %dma_wait3A_43 = tpu.memref_slice %arg2[%mul3A_29, %dma_wait3A_42] : memref<655360x128xf32, #tpu.memory_space<hbm>> -> memref<128x128xf32, #tpu.memory_space<hbm>>
        tpu.wait_dma2 semaphore(%arg9 : memref<!tpu.dma_semaphore, #tpu.memory_space<semaphore_mem>>) src(%dma_wait3A_43 : memref<128x128xf32, #tpu.memory_space<hbm>>) dst(%arg7 : memref<128x128xf32, #tpu.memory_space<vmem>>)
        %dma_start3A_44 = arith.constant 0 : i32
        %dma_start3A_45 = arith.constant 0 : i32
        %dma_start3A_46 = tpu.memref_slice %arg6[%dma_start3A_44, %dma_start3A_45] : memref<8x128xi32, #tpu.memory_space<vmem>> -> memref<1x128xi32, #tpu.memory_space<vmem>>
        %dma_start3A_47 = tpu.memref_squeeze %dma_start3A_46 : memref<1x128xi32, #tpu.memory_space<vmem>> -> memref<128xi32, #tpu.memory_space<vmem>>
        %dma_start3A_48 = arith.constant 0 : i32
        %dma_start3A_49 = arith.constant 0 : i32
        %dma_start3A_50 = tpu.memref_slice %arg11[%dma_start3A_48, %dma_start3A_49] : memref<10240x128xf32, #tpu.memory_space<vmem_shared>> -> memref<10240x128xf32, #tpu.memory_space<vmem_shared>>
        tpu.enqueue_indirect_dma source(%arg7 : memref<128x128xf32, #tpu.memory_space<vmem>>) target(%dma_start3A_50 : memref<10240x128xf32, #tpu.memory_space<vmem_shared>>) offsets(%dma_start3A_47 : memref<128xi32, #tpu.memory_space<vmem>>) semaphore(%arg10 : memref<!tpu.dma_semaphore, #tpu.memory_space<semaphore_mem>>) {add = true}
        %dma_wait3A_51 = arith.constant 0 : i32
        %dma_wait3A_52 = arith.constant 0 : i32
        %dma_wait3A_53 = tpu.memref_slice %arg6[%dma_wait3A_51, %dma_wait3A_52] : memref<8x128xi32, #tpu.memory_space<vmem>> -> memref<1x128xi32, #tpu.memory_space<vmem>>
        %dma_wait3A_54 = tpu.memref_squeeze %dma_wait3A_53 : memref<1x128xi32, #tpu.memory_space<vmem>> -> memref<128xi32, #tpu.memory_space<vmem>>
        %dma_wait3A_55 = arith.constant 0 : i32
        %dma_wait3A_56 = arith.constant 0 : i32
        %dma_wait3A_57 = tpu.memref_slice %arg11[%dma_wait3A_55, %dma_wait3A_56] : memref<10240x128xf32, #tpu.memory_space<vmem_shared>> -> memref<10240x128xf32, #tpu.memory_space<vmem_shared>>
        tpu.wait_indirect_dma semaphore(%arg10 : memref<!tpu.dma_semaphore, #tpu.memory_space<semaphore_mem>>) src(%arg7 : memref<128x128xf32, #tpu.memory_space<vmem>>) dst(%dma_wait3A_57 : memref<10240x128xf32, #tpu.memory_space<vmem_shared>>)
        %add3A_58 = arith.constant 0 : i32
        %add3A_59 = arith.addi %add3A_25, %add3A_58 : i32
        %add3A_60 = arith.constant 2 : i32
        %add3A_61 = arith.addi %add3A_59, %add3A_60 : i32
        %mul3A_62 = arith.constant 128 : i32
        %mul3A_63 = arith.muli %add3A_61, %mul3A_62 : i32
        %dma_start3A_64 = arith.constant 0 : i32
        %dma_start3A_65 = tpu.memref_slice %arg2[%mul3A_63, %dma_start3A_64] : memref<655360x128xf32, #tpu.memory_space<hbm>> -> memref<128x128xf32, #tpu.memory_space<hbm>>
        %dma_start3A_66 = arith.constant 0 : i32
        %dma_start3A_67 = tpu.memref_slice %arg2[%mul3A_63, %dma_start3A_66] : memref<655360x128xf32, #tpu.memory_space<hbm>> -> memref<128x128xf32, #tpu.memory_space<hbm>>
        tpu.enqueue_dma source(%dma_start3A_67 : memref<128x128xf32, #tpu.memory_space<hbm>>) target(%arg7 : memref<128x128xf32, #tpu.memory_space<vmem>>) target_semaphore(%arg9 : memref<!tpu.dma_semaphore, #tpu.memory_space<semaphore_mem>>)
        %dma_wait3A_68 = arith.constant 0 : i32
        %dma_wait3A_69 = tpu.memref_slice %arg2[%mul3A_36, %dma_wait3A_68] : memref<655360x128xf32, #tpu.memory_space<hbm>> -> memref<128x128xf32, #tpu.memory_space<hbm>>
        %dma_wait3A_70 = arith.constant 0 : i32
        %dma_wait3A_71 = tpu.memref_slice %arg2[%mul3A_36, %dma_wait3A_70] : memref<655360x128xf32, #tpu.memory_space<hbm>> -> memref<128x128xf32, #tpu.memory_space<hbm>>
        tpu.wait_dma2 semaphore(%arg9 : memref<!tpu.dma_semaphore, #tpu.memory_space<semaphore_mem>>) src(%dma_wait3A_71 : memref<128x128xf32, #tpu.memory_space<hbm>>) dst(%arg8 : memref<128x128xf32, #tpu.memory_space<vmem>>)
        %dma_start3A_72 = arith.constant 1 : i32
        %dma_start3A_73 = arith.constant 0 : i32
        %dma_start3A_74 = tpu.memref_slice %arg6[%dma_start3A_72, %dma_start3A_73] : memref<8x128xi32, #tpu.memory_space<vmem>> -> memref<1x128xi32, #tpu.memory_space<vmem>>
        %dma_start3A_75 = tpu.memref_squeeze %dma_start3A_74 : memref<1x128xi32, #tpu.memory_space<vmem>> -> memref<128xi32, #tpu.memory_space<vmem>>
        %dma_start3A_76 = arith.constant 0 : i32
        %dma_start3A_77 = arith.constant 0 : i32
        %dma_start3A_78 = tpu.memref_slice %arg11[%dma_start3A_76, %dma_start3A_77] : memref<10240x128xf32, #tpu.memory_space<vmem_shared>> -> memref<10240x128xf32, #tpu.memory_space<vmem_shared>>
        tpu.enqueue_indirect_dma source(%arg8 : memref<128x128xf32, #tpu.memory_space<vmem>>) target(%dma_start3A_78 : memref<10240x128xf32, #tpu.memory_space<vmem_shared>>) offsets(%dma_start3A_75 : memref<128xi32, #tpu.memory_space<vmem>>) semaphore(%arg10 : memref<!tpu.dma_semaphore, #tpu.memory_space<semaphore_mem>>) {add = true}
        %dma_wait3A_79 = arith.constant 1 : i32
        %dma_wait3A_80 = arith.constant 0 : i32
        %dma_wait3A_81 = tpu.memref_slice %arg6[%dma_wait3A_79, %dma_wait3A_80] : memref<8x128xi32, #tpu.memory_space<vmem>> -> memref<1x128xi32, #tpu.memory_space<vmem>>
        %dma_wait3A_82 = tpu.memref_squeeze %dma_wait3A_81 : memref<1x128xi32, #tpu.memory_space<vmem>> -> memref<128xi32, #tpu.memory_space<vmem>>
        %dma_wait3A_83 = arith.constant 0 : i32
        %dma_wait3A_84 = arith.constant 0 : i32
        %dma_wait3A_85 = tpu.memref_slice %arg11[%dma_wait3A_83, %dma_wait3A_84] : memref<10240x128xf32, #tpu.memory_space<vmem_shared>> -> memref<10240x128xf32, #tpu.memory_space<vmem_shared>>
        tpu.wait_indirect_dma semaphore(%arg10 : memref<!tpu.dma_semaphore, #tpu.memory_space<semaphore_mem>>) src(%arg8 : memref<128x128xf32, #tpu.memory_space<vmem>>) dst(%dma_wait3A_85 : memref<10240x128xf32, #tpu.memory_space<vmem_shared>>)
        %add3A_86 = arith.constant 1 : i32
        %add3A_87 = arith.addi %add3A_25, %add3A_86 : i32
        %add3A_88 = arith.constant 2 : i32
        %add3A_89 = arith.addi %add3A_87, %add3A_88 : i32
        %mul3A_90 = arith.constant 128 : i32
        %mul3A_91 = arith.muli %add3A_89, %mul3A_90 : i32
        %dma_start3A_92 = arith.constant 0 : i32
        %dma_start3A_93 = tpu.memref_slice %arg2[%mul3A_91, %dma_start3A_92] : memref<655360x128xf32, #tpu.memory_space<hbm>> -> memref<128x128xf32, #tpu.memory_space<hbm>>
        %dma_start3A_94 = arith.constant 0 : i32
        %dma_start3A_95 = tpu.memref_slice %arg2[%mul3A_91, %dma_start3A_94] : memref<655360x128xf32, #tpu.memory_space<hbm>> -> memref<128x128xf32, #tpu.memory_space<hbm>>
        tpu.enqueue_dma source(%dma_start3A_95 : memref<128x128xf32, #tpu.memory_space<hbm>>) target(%arg8 : memref<128x128xf32, #tpu.memory_space<vmem>>) target_semaphore(%arg9 : memref<!tpu.dma_semaphore, #tpu.memory_space<semaphore_mem>>)
        %dma_wait3A_96 = arith.constant 0 : i32
        %dma_wait3A_97 = tpu.memref_slice %arg2[%mul3A_63, %dma_wait3A_96] : memref<655360x128xf32, #tpu.memory_space<hbm>> -> memref<128x128xf32, #tpu.memory_space<hbm>>
        %dma_wait3A_98 = arith.constant 0 : i32
        %dma_wait3A_99 = tpu.memref_slice %arg2[%mul3A_63, %dma_wait3A_98] : memref<655360x128xf32, #tpu.memory_space<hbm>> -> memref<128x128xf32, #tpu.memory_space<hbm>>
        tpu.wait_dma2 semaphore(%arg9 : memref<!tpu.dma_semaphore, #tpu.memory_space<semaphore_mem>>) src(%dma_wait3A_99 : memref<128x128xf32, #tpu.memory_space<hbm>>) dst(%arg7 : memref<128x128xf32, #tpu.memory_space<vmem>>)
        %dma_start3A_100 = arith.constant 2 : i32
        %dma_start3A_101 = arith.constant 0 : i32
        %dma_start3A_102 = tpu.memref_slice %arg6[%dma_start3A_100, %dma_start3A_101] : memref<8x128xi32, #tpu.memory_space<vmem>> -> memref<1x128xi32, #tpu.memory_space<vmem>>
        %dma_start3A_103 = tpu.memref_squeeze %dma_start3A_102 : memref<1x128xi32, #tpu.memory_space<vmem>> -> memref<128xi32, #tpu.memory_space<vmem>>
        %dma_start3A_104 = arith.constant 0 : i32
        %dma_start3A_105 = arith.constant 0 : i32
        %dma_start3A_106 = tpu.memref_slice %arg11[%dma_start3A_104, %dma_start3A_105] : memref<10240x128xf32, #tpu.memory_space<vmem_shared>> -> memref<10240x128xf32, #tpu.memory_space<vmem_shared>>
        tpu.enqueue_indirect_dma source(%arg7 : memref<128x128xf32, #tpu.memory_space<vmem>>) target(%dma_start3A_106 : memref<10240x128xf32, #tpu.memory_space<vmem_shared>>) offsets(%dma_start3A_103 : memref<128xi32, #tpu.memory_space<vmem>>) semaphore(%arg10 : memref<!tpu.dma_semaphore, #tpu.memory_space<semaphore_mem>>) {add = true}
        %dma_wait3A_107 = arith.constant 2 : i32
        %dma_wait3A_108 = arith.constant 0 : i32
        %dma_wait3A_109 = tpu.memref_slice %arg6[%dma_wait3A_107, %dma_wait3A_108] : memref<8x128xi32, #tpu.memory_space<vmem>> -> memref<1x128xi32, #tpu.memory_space<vmem>>
        %dma_wait3A_110 = tpu.memref_squeeze %dma_wait3A_109 : memref<1x128xi32, #tpu.memory_space<vmem>> -> memref<128xi32, #tpu.memory_space<vmem>>
        %dma_wait3A_111 = arith.constant 0 : i32
        %dma_wait3A_112 = arith.constant 0 : i32
        %dma_wait3A_113 = tpu.memref_slice %arg11[%dma_wait3A_111, %dma_wait3A_112] : memref<10240x128xf32, #tpu.memory_space<vmem_shared>> -> memref<10240x128xf32, #tpu.memory_space<vmem_shared>>
        tpu.wait_indirect_dma semaphore(%arg10 : memref<!tpu.dma_semaphore, #tpu.memory_space<semaphore_mem>>) src(%arg7 : memref<128x128xf32, #tpu.memory_space<vmem>>) dst(%dma_wait3A_113 : memref<10240x128xf32, #tpu.memory_space<vmem_shared>>)
        %add3A_114 = arith.constant 2 : i32
        %add3A_115 = arith.addi %add3A_25, %add3A_114 : i32
        %add3A_116 = arith.constant 2 : i32
        %add3A_117 = arith.addi %add3A_115, %add3A_116 : i32
        %mul3A_118 = arith.constant 128 : i32
        %mul3A_119 = arith.muli %add3A_117, %mul3A_118 : i32
        %dma_start3A_120 = arith.constant 0 : i32
        %dma_start3A_121 = tpu.memref_slice %arg2[%mul3A_119, %dma_start3A_120] : memref<655360x128xf32, #tpu.memory_space<hbm>> -> memref<128x128xf32, #tpu.memory_space<hbm>>
        %dma_start3A_122 = arith.constant 0 : i32
        %dma_start3A_123 = tpu.memref_slice %arg2[%mul3A_119, %dma_start3A_122] : memref<655360x128xf32, #tpu.memory_space<hbm>> -> memref<128x128xf32, #tpu.memory_space<hbm>>
        tpu.enqueue_dma source(%dma_start3A_123 : memref<128x128xf32, #tpu.memory_space<hbm>>) target(%arg7 : memref<128x128xf32, #tpu.memory_space<vmem>>) target_semaphore(%arg9 : memref<!tpu.dma_semaphore, #tpu.memory_space<semaphore_mem>>)
        %dma_wait3A_124 = arith.constant 0 : i32
        %dma_wait3A_125 = tpu.memref_slice %arg2[%mul3A_91, %dma_wait3A_124] : memref<655360x128xf32, #tpu.memory_space<hbm>> -> memref<128x128xf32, #tpu.memory_space<hbm>>
        %dma_wait3A_126 = arith.constant 0 : i32
        %dma_wait3A_127 = tpu.memref_slice %arg2[%mul3A_91, %dma_wait3A_126] : memref<655360x128xf32, #tpu.memory_space<hbm>> -> memref<128x128xf32, #tpu.memory_space<hbm>>
        tpu.wait_dma2 semaphore(%arg9 : memref<!tpu.dma_semaphore, #tpu.memory_space<semaphore_mem>>) src(%dma_wait3A_127 : memref<128x128xf32, #tpu.memory_space<hbm>>) dst(%arg8 : memref<128x128xf32, #tpu.memory_space<vmem>>)
        %dma_start3A_128 = arith.constant 3 : i32
        %dma_start3A_129 = arith.constant 0 : i32
        %dma_start3A_130 = tpu.memref_slice %arg6[%dma_start3A_128, %dma_start3A_129] : memref<8x128xi32, #tpu.memory_space<vmem>> -> memref<1x128xi32, #tpu.memory_space<vmem>>
        %dma_start3A_131 = tpu.memref_squeeze %dma_start3A_130 : memref<1x128xi32, #tpu.memory_space<vmem>> -> memref<128xi32, #tpu.memory_space<vmem>>
        %dma_start3A_132 = arith.constant 0 : i32
        %dma_start3A_133 = arith.constant 0 : i32
        %dma_start3A_134 = tpu.memref_slice %arg11[%dma_start3A_132, %dma_start3A_133] : memref<10240x128xf32, #tpu.memory_space<vmem_shared>> -> memref<10240x128xf32, #tpu.memory_space<vmem_shared>>
        tpu.enqueue_indirect_dma source(%arg8 : memref<128x128xf32, #tpu.memory_space<vmem>>) target(%dma_start3A_134 : memref<10240x128xf32, #tpu.memory_space<vmem_shared>>) offsets(%dma_start3A_131 : memref<128xi32, #tpu.memory_space<vmem>>) semaphore(%arg10 : memref<!tpu.dma_semaphore, #tpu.memory_space<semaphore_mem>>) {add = true}
        %dma_wait3A_135 = arith.constant 3 : i32
        %dma_wait3A_136 = arith.constant 0 : i32
        %dma_wait3A_137 = tpu.memref_slice %arg6[%dma_wait3A_135, %dma_wait3A_136] : memref<8x128xi32, #tpu.memory_space<vmem>> -> memref<1x128xi32, #tpu.memory_space<vmem>>
        %dma_wait3A_138 = tpu.memref_squeeze %dma_wait3A_137 : memref<1x128xi32, #tpu.memory_space<vmem>> -> memref<128xi32, #tpu.memory_space<vmem>>
        %dma_wait3A_139 = arith.constant 0 : i32
        %dma_wait3A_140 = arith.constant 0 : i32
        %dma_wait3A_141 = tpu.memref_slice %arg11[%dma_wait3A_139, %dma_wait3A_140] : memref<10240x128xf32, #tpu.memory_space<vmem_shared>> -> memref<10240x128xf32, #tpu.memory_space<vmem_shared>>
        tpu.wait_indirect_dma semaphore(%arg10 : memref<!tpu.dma_semaphore, #tpu.memory_space<semaphore_mem>>) src(%arg8 : memref<128x128xf32, #tpu.memory_space<vmem>>) dst(%dma_wait3A_141 : memref<10240x128xf32, #tpu.memory_space<vmem_shared>>)
        %add3A_142 = arith.constant 3 : i32
        %add3A_143 = arith.addi %add3A_25, %add3A_142 : i32
        %add3A_144 = arith.constant 2 : i32
        %add3A_145 = arith.addi %add3A_143, %add3A_144 : i32
        %mul3A_146 = arith.constant 128 : i32
        %mul3A_147 = arith.muli %add3A_145, %mul3A_146 : i32
        %dma_start3A_148 = arith.constant 0 : i32
        %dma_start3A_149 = tpu.memref_slice %arg2[%mul3A_147, %dma_start3A_148] : memref<655360x128xf32, #tpu.memory_space<hbm>> -> memref<128x128xf32, #tpu.memory_space<hbm>>
        %dma_start3A_150 = arith.constant 0 : i32
        %dma_start3A_151 = tpu.memref_slice %arg2[%mul3A_147, %dma_start3A_150] : memref<655360x128xf32, #tpu.memory_space<hbm>> -> memref<128x128xf32, #tpu.memory_space<hbm>>
        tpu.enqueue_dma source(%dma_start3A_151 : memref<128x128xf32, #tpu.memory_space<hbm>>) target(%arg8 : memref<128x128xf32, #tpu.memory_space<vmem>>) target_semaphore(%arg9 : memref<!tpu.dma_semaphore, #tpu.memory_space<semaphore_mem>>)
        %dma_wait3A_152 = arith.constant 0 : i32
        %dma_wait3A_153 = tpu.memref_slice %arg2[%mul3A_119, %dma_wait3A_152] : memref<655360x128xf32, #tpu.memory_space<hbm>> -> memref<128x128xf32, #tpu.memory_space<hbm>>
        %dma_wait3A_154 = arith.constant 0 : i32
        %dma_wait3A_155 = tpu.memref_slice %arg2[%mul3A_119, %dma_wait3A_154] : memref<655360x128xf32, #tpu.memory_space<hbm>> -> memref<128x128xf32, #tpu.memory_space<hbm>>
        tpu.wait_dma2 semaphore(%arg9 : memref<!tpu.dma_semaphore, #tpu.memory_space<semaphore_mem>>) src(%dma_wait3A_155 : memref<128x128xf32, #tpu.memory_space<hbm>>) dst(%arg7 : memref<128x128xf32, #tpu.memory_space<vmem>>)
        %dma_start3A_156 = arith.constant 4 : i32
        %dma_start3A_157 = arith.constant 0 : i32
        %dma_start3A_158 = tpu.memref_slice %arg6[%dma_start3A_156, %dma_start3A_157] : memref<8x128xi32, #tpu.memory_space<vmem>> -> memref<1x128xi32, #tpu.memory_space<vmem>>
        %dma_start3A_159 = tpu.memref_squeeze %dma_start3A_158 : memref<1x128xi32, #tpu.memory_space<vmem>> -> memref<128xi32, #tpu.memory_space<vmem>>
        %dma_start3A_160 = arith.constant 0 : i32
        %dma_start3A_161 = arith.constant 0 : i32
        %dma_start3A_162 = tpu.memref_slice %arg11[%dma_start3A_160, %dma_start3A_161] : memref<10240x128xf32, #tpu.memory_space<vmem_shared>> -> memref<10240x128xf32, #tpu.memory_space<vmem_shared>>
        tpu.enqueue_indirect_dma source(%arg7 : memref<128x128xf32, #tpu.memory_space<vmem>>) target(%dma_start3A_162 : memref<10240x128xf32, #tpu.memory_space<vmem_shared>>) offsets(%dma_start3A_159 : memref<128xi32, #tpu.memory_space<vmem>>) semaphore(%arg10 : memref<!tpu.dma_semaphore, #tpu.memory_space<semaphore_mem>>) {add = true}
        %dma_wait3A_163 = arith.constant 4 : i32
        %dma_wait3A_164 = arith.constant 0 : i32
        %dma_wait3A_165 = tpu.memref_slice %arg6[%dma_wait3A_163, %dma_wait3A_164] : memref<8x128xi32, #tpu.memory_space<vmem>> -> memref<1x128xi32, #tpu.memory_space<vmem>>
        %dma_wait3A_166 = tpu.memref_squeeze %dma_wait3A_165 : memref<1x128xi32, #tpu.memory_space<vmem>> -> memref<128xi32, #tpu.memory_space<vmem>>
        %dma_wait3A_167 = arith.constant 0 : i32
        %dma_wait3A_168 = arith.constant 0 : i32
        %dma_wait3A_169 = tpu.memref_slice %arg11[%dma_wait3A_167, %dma_wait3A_168] : memref<10240x128xf32, #tpu.memory_space<vmem_shared>> -> memref<10240x128xf32, #tpu.memory_space<vmem_shared>>
        tpu.wait_indirect_dma semaphore(%arg10 : memref<!tpu.dma_semaphore, #tpu.memory_space<semaphore_mem>>) src(%arg7 : memref<128x128xf32, #tpu.memory_space<vmem>>) dst(%dma_wait3A_169 : memref<10240x128xf32, #tpu.memory_space<vmem_shared>>)
        %add3A_170 = arith.constant 4 : i32
        %add3A_171 = arith.addi %add3A_25, %add3A_170 : i32
        %add3A_172 = arith.constant 2 : i32
        %add3A_173 = arith.addi %add3A_171, %add3A_172 : i32
        %mul3A_174 = arith.constant 128 : i32
        %mul3A_175 = arith.muli %add3A_173, %mul3A_174 : i32
        %dma_start3A_176 = arith.constant 0 : i32
        %dma_start3A_177 = tpu.memref_slice %arg2[%mul3A_175, %dma_start3A_176] : memref<655360x128xf32, #tpu.memory_space<hbm>> -> memref<128x128xf32, #tpu.memory_space<hbm>>
        %dma_start3A_178 = arith.constant 0 : i32
        %dma_start3A_179 = tpu.memref_slice %arg2[%mul3A_175, %dma_start3A_178] : memref<655360x128xf32, #tpu.memory_space<hbm>> -> memref<128x128xf32, #tpu.memory_space<hbm>>
        tpu.enqueue_dma source(%dma_start3A_179 : memref<128x128xf32, #tpu.memory_space<hbm>>) target(%arg7 : memref<128x128xf32, #tpu.memory_space<vmem>>) target_semaphore(%arg9 : memref<!tpu.dma_semaphore, #tpu.memory_space<semaphore_mem>>)
        %dma_wait3A_180 = arith.constant 0 : i32
        %dma_wait3A_181 = tpu.memref_slice %arg2[%mul3A_147, %dma_wait3A_180] : memref<655360x128xf32, #tpu.memory_space<hbm>> -> memref<128x128xf32, #tpu.memory_space<hbm>>
        %dma_wait3A_182 = arith.constant 0 : i32
        %dma_wait3A_183 = tpu.memref_slice %arg2[%mul3A_147, %dma_wait3A_182] : memref<655360x128xf32, #tpu.memory_space<hbm>> -> memref<128x128xf32, #tpu.memory_space<hbm>>
        tpu.wait_dma2 semaphore(%arg9 : memref<!tpu.dma_semaphore, #tpu.memory_space<semaphore_mem>>) src(%dma_wait3A_183 : memref<128x128xf32, #tpu.memory_space<hbm>>) dst(%arg8 : memref<128x128xf32, #tpu.memory_space<vmem>>)
        %dma_start3A_184 = arith.constant 5 : i32
        %dma_start3A_185 = arith.constant 0 : i32
        %dma_start3A_186 = tpu.memref_slice %arg6[%dma_start3A_184, %dma_start3A_185] : memref<8x128xi32, #tpu.memory_space<vmem>> -> memref<1x128xi32, #tpu.memory_space<vmem>>
        %dma_start3A_187 = tpu.memref_squeeze %dma_start3A_186 : memref<1x128xi32, #tpu.memory_space<vmem>> -> memref<128xi32, #tpu.memory_space<vmem>>
        %dma_start3A_188 = arith.constant 0 : i32
        %dma_start3A_189 = arith.constant 0 : i32
        %dma_start3A_190 = tpu.memref_slice %arg11[%dma_start3A_188, %dma_start3A_189] : memref<10240x128xf32, #tpu.memory_space<vmem_shared>> -> memref<10240x128xf32, #tpu.memory_space<vmem_shared>>
        tpu.enqueue_indirect_dma source(%arg8 : memref<128x128xf32, #tpu.memory_space<vmem>>) target(%dma_start3A_190 : memref<10240x128xf32, #tpu.memory_space<vmem_shared>>) offsets(%dma_start3A_187 : memref<128xi32, #tpu.memory_space<vmem>>) semaphore(%arg10 : memref<!tpu.dma_semaphore, #tpu.memory_space<semaphore_mem>>) {add = true}
        %dma_wait3A_191 = arith.constant 5 : i32
        %dma_wait3A_192 = arith.constant 0 : i32
        %dma_wait3A_193 = tpu.memref_slice %arg6[%dma_wait3A_191, %dma_wait3A_192] : memref<8x128xi32, #tpu.memory_space<vmem>> -> memref<1x128xi32, #tpu.memory_space<vmem>>
        %dma_wait3A_194 = tpu.memref_squeeze %dma_wait3A_193 : memref<1x128xi32, #tpu.memory_space<vmem>> -> memref<128xi32, #tpu.memory_space<vmem>>
        %dma_wait3A_195 = arith.constant 0 : i32
        %dma_wait3A_196 = arith.constant 0 : i32
        %dma_wait3A_197 = tpu.memref_slice %arg11[%dma_wait3A_195, %dma_wait3A_196] : memref<10240x128xf32, #tpu.memory_space<vmem_shared>> -> memref<10240x128xf32, #tpu.memory_space<vmem_shared>>
        tpu.wait_indirect_dma semaphore(%arg10 : memref<!tpu.dma_semaphore, #tpu.memory_space<semaphore_mem>>) src(%arg8 : memref<128x128xf32, #tpu.memory_space<vmem>>) dst(%dma_wait3A_197 : memref<10240x128xf32, #tpu.memory_space<vmem_shared>>)
        %add3A_198 = arith.constant 5 : i32
        %add3A_199 = arith.addi %add3A_25, %add3A_198 : i32
        %add3A_200 = arith.constant 2 : i32
        %add3A_201 = arith.addi %add3A_199, %add3A_200 : i32
        %mul3A_202 = arith.constant 128 : i32
        %mul3A_203 = arith.muli %add3A_201, %mul3A_202 : i32
        %dma_start3A_204 = arith.constant 0 : i32
        %dma_start3A_205 = tpu.memref_slice %arg2[%mul3A_203, %dma_start3A_204] : memref<655360x128xf32, #tpu.memory_space<hbm>> -> memref<128x128xf32, #tpu.memory_space<hbm>>
        %dma_start3A_206 = arith.constant 0 : i32
        %dma_start3A_207 = tpu.memref_slice %arg2[%mul3A_203, %dma_start3A_206] : memref<655360x128xf32, #tpu.memory_space<hbm>> -> memref<128x128xf32, #tpu.memory_space<hbm>>
        tpu.enqueue_dma source(%dma_start3A_207 : memref<128x128xf32, #tpu.memory_space<hbm>>) target(%arg8 : memref<128x128xf32, #tpu.memory_space<vmem>>) target_semaphore(%arg9 : memref<!tpu.dma_semaphore, #tpu.memory_space<semaphore_mem>>)
        %dma_wait3A_208 = arith.constant 0 : i32
        %dma_wait3A_209 = tpu.memref_slice %arg2[%mul3A_175, %dma_wait3A_208] : memref<655360x128xf32, #tpu.memory_space<hbm>> -> memref<128x128xf32, #tpu.memory_space<hbm>>
        %dma_wait3A_210 = arith.constant 0 : i32
        %dma_wait3A_211 = tpu.memref_slice %arg2[%mul3A_175, %dma_wait3A_210] : memref<655360x128xf32, #tpu.memory_space<hbm>> -> memref<128x128xf32, #tpu.memory_space<hbm>>
        tpu.wait_dma2 semaphore(%arg9 : memref<!tpu.dma_semaphore, #tpu.memory_space<semaphore_mem>>) src(%dma_wait3A_211 : memref<128x128xf32, #tpu.memory_space<hbm>>) dst(%arg7 : memref<128x128xf32, #tpu.memory_space<vmem>>)
        %dma_start3A_212 = arith.constant 6 : i32
        %dma_start3A_213 = arith.constant 0 : i32
        %dma_start3A_214 = tpu.memref_slice %arg6[%dma_start3A_212, %dma_start3A_213] : memref<8x128xi32, #tpu.memory_space<vmem>> -> memref<1x128xi32, #tpu.memory_space<vmem>>
        %dma_start3A_215 = tpu.memref_squeeze %dma_start3A_214 : memref<1x128xi32, #tpu.memory_space<vmem>> -> memref<128xi32, #tpu.memory_space<vmem>>
        %dma_start3A_216 = arith.constant 0 : i32
        %dma_start3A_217 = arith.constant 0 : i32
        %dma_start3A_218 = tpu.memref_slice %arg11[%dma_start3A_216, %dma_start3A_217] : memref<10240x128xf32, #tpu.memory_space<vmem_shared>> -> memref<10240x128xf32, #tpu.memory_space<vmem_shared>>
        tpu.enqueue_indirect_dma source(%arg7 : memref<128x128xf32, #tpu.memory_space<vmem>>) target(%dma_start3A_218 : memref<10240x128xf32, #tpu.memory_space<vmem_shared>>) offsets(%dma_start3A_215 : memref<128xi32, #tpu.memory_space<vmem>>) semaphore(%arg10 : memref<!tpu.dma_semaphore, #tpu.memory_space<semaphore_mem>>) {add = true}
        %dma_wait3A_219 = arith.constant 0 : i32
        %dma_wait3A_220 = tpu.memref_slice %arg2[%mul3A_203, %dma_wait3A_219] : memref<655360x128xf32, #tpu.memory_space<hbm>> -> memref<128x128xf32, #tpu.memory_space<hbm>>
        %dma_wait3A_221 = arith.constant 0 : i32
        %dma_wait3A_222 = tpu.memref_slice %arg2[%mul3A_203, %dma_wait3A_221] : memref<655360x128xf32, #tpu.memory_space<hbm>> -> memref<128x128xf32, #tpu.memory_space<hbm>>
        tpu.wait_dma2 semaphore(%arg9 : memref<!tpu.dma_semaphore, #tpu.memory_space<semaphore_mem>>) src(%dma_wait3A_222 : memref<128x128xf32, #tpu.memory_space<hbm>>) dst(%arg8 : memref<128x128xf32, #tpu.memory_space<vmem>>)
        %dma_start3A_223 = arith.constant 7 : i32
        %dma_start3A_224 = arith.constant 0 : i32
        %dma_start3A_225 = tpu.memref_slice %arg6[%dma_start3A_223, %dma_start3A_224] : memref<8x128xi32, #tpu.memory_space<vmem>> -> memref<1x128xi32, #tpu.memory_space<vmem>>
        %dma_start3A_226 = tpu.memref_squeeze %dma_start3A_225 : memref<1x128xi32, #tpu.memory_space<vmem>> -> memref<128xi32, #tpu.memory_space<vmem>>
        %dma_start3A_227 = arith.constant 0 : i32
        %dma_start3A_228 = arith.constant 0 : i32
        %dma_start3A_229 = tpu.memref_slice %arg11[%dma_start3A_227, %dma_start3A_228] : memref<10240x128xf32, #tpu.memory_space<vmem_shared>> -> memref<10240x128xf32, #tpu.memory_space<vmem_shared>>
        tpu.enqueue_indirect_dma source(%arg8 : memref<128x128xf32, #tpu.memory_space<vmem>>) target(%dma_start3A_229 : memref<10240x128xf32, #tpu.memory_space<vmem_shared>>) offsets(%dma_start3A_226 : memref<128xi32, #tpu.memory_space<vmem>>) semaphore(%arg10 : memref<!tpu.dma_semaphore, #tpu.memory_space<semaphore_mem>>) {add = true}
        %dma_wait3A_230 = arith.constant 6 : i32
        %dma_wait3A_231 = arith.constant 0 : i32
        %dma_wait3A_232 = tpu.memref_slice %arg6[%dma_wait3A_230, %dma_wait3A_231] : memref<8x128xi32, #tpu.memory_space<vmem>> -> memref<1x128xi32, #tpu.memory_space<vmem>>
        %dma_wait3A_233 = tpu.memref_squeeze %dma_wait3A_232 : memref<1x128xi32, #tpu.memory_space<vmem>> -> memref<128xi32, #tpu.memory_space<vmem>>
        %dma_wait3A_234 = arith.constant 0 : i32
        %dma_wait3A_235 = arith.constant 0 : i32
        %dma_wait3A_236 = tpu.memref_slice %arg11[%dma_wait3A_234, %dma_wait3A_235] : memref<10240x128xf32, #tpu.memory_space<vmem_shared>> -> memref<10240x128xf32, #tpu.memory_space<vmem_shared>>
        tpu.wait_indirect_dma semaphore(%arg10 : memref<!tpu.dma_semaphore, #tpu.memory_space<semaphore_mem>>) src(%arg7 : memref<128x128xf32, #tpu.memory_space<vmem>>) dst(%dma_wait3A_236 : memref<10240x128xf32, #tpu.memory_space<vmem_shared>>)
        %dma_wait3A_237 = arith.constant 7 : i32
        %dma_wait3A_238 = arith.constant 0 : i32
        %dma_wait3A_239 = tpu.memref_slice %arg6[%dma_wait3A_237, %dma_wait3A_238] : memref<8x128xi32, #tpu.memory_space<vmem>> -> memref<1x128xi32, #tpu.memory_space<vmem>>
        %dma_wait3A_240 = tpu.memref_squeeze %dma_wait3A_239 : memref<1x128xi32, #tpu.memory_space<vmem>> -> memref<128xi32, #tpu.memory_space<vmem>>
        %dma_wait3A_241 = arith.constant 0 : i32
        %dma_wait3A_242 = arith.constant 0 : i32
        %dma_wait3A_243 = tpu.memref_slice %arg11[%dma_wait3A_241, %dma_wait3A_242] : memref<10240x128xf32, #tpu.memory_space<vmem_shared>> -> memref<10240x128xf32, #tpu.memory_space<vmem_shared>>
        tpu.wait_indirect_dma semaphore(%arg10 : memref<!tpu.dma_semaphore, #tpu.memory_space<semaphore_mem>>) src(%arg8 : memref<128x128xf32, #tpu.memory_space<vmem>>) dst(%dma_wait3A_243 : memref<10240x128xf32, #tpu.memory_space<vmem_shared>>)
      }
      %scan3A_21 = arith.constant 20 : i32
    } else {
    }
    %barrier3A_9 = arith.constant 0 : index
    tpu.barrier barrier_id(%barrier3A_9)
    %mul3A_10 = arith.constant 640 : i32
    %mul3A_11 = arith.muli %arg1, %mul3A_10 : i32
    %mul3A_12 = arith.constant 10240 : i32
    %mul3A_13 = arith.muli %arg0, %mul3A_12 : i32
    %mul3A_14 = arith.constant 640 : i32
    %mul3A_15 = arith.muli %arg1, %mul3A_14 : i32
    %add3A_16 = arith.addi %mul3A_13, %mul3A_15 : i32
    "tpu.region"() ({
      %run_scoped3A = tpu.sem_alloc : memref<!tpu.dma_semaphore, #tpu.memory_space<semaphore_mem>>
      %dma_start3A = arith.constant 0 : i32
      %dma_start3A_17 = tpu.memref_slice %arg5[%add3A_16, %dma_start3A] : memref<20480x128xf32, #tpu.memory_space<hbm>> -> memref<640x128xf32, #tpu.memory_space<hbm>>
      %dma_start3A_18 = arith.constant 0 : i32
      %dma_start3A_19 = tpu.memref_slice %arg11[%mul3A_11, %dma_start3A_18] : memref<10240x128xf32, #tpu.memory_space<vmem_shared>> -> memref<640x128xf32, #tpu.memory_space<vmem_shared>>
      tpu.enqueue_dma source(%dma_start3A_19 : memref<640x128xf32, #tpu.memory_space<vmem_shared>>) target(%dma_start3A_17 : memref<640x128xf32, #tpu.memory_space<hbm>>) target_semaphore(%run_scoped3A : memref<!tpu.dma_semaphore, #tpu.memory_space<semaphore_mem>>)
      %dma_wait3A = arith.constant 0 : i32
      %dma_wait3A_20 = tpu.memref_slice %arg5[%add3A_16, %dma_wait3A] : memref<20480x128xf32, #tpu.memory_space<hbm>> -> memref<640x128xf32, #tpu.memory_space<hbm>>
      %dma_wait3A_21 = arith.constant 0 : i32
      %dma_wait3A_22 = tpu.memref_slice %arg11[%mul3A_11, %dma_wait3A_21] : memref<10240x128xf32, #tpu.memory_space<vmem_shared>> -> memref<640x128xf32, #tpu.memory_space<vmem_shared>>
      tpu.wait_dma2 semaphore(%run_scoped3A : memref<!tpu.dma_semaphore, #tpu.memory_space<semaphore_mem>>) src(%dma_wait3A_22 : memref<640x128xf32, #tpu.memory_space<vmem_shared>>) dst(%dma_wait3A_20 : memref<640x128xf32, #tpu.memory_space<hbm>>)
      tpu.yield
    }) : () -> ()
    return
  }
}

#map = affine_map<(d0, d1) -> (0, 0)>
module attributes {stable_mosaic.version = 14 : i64} {
  func.func @k(%arg0: i32, %arg1: i32, %arg2: memref<20480x128xf32, #tpu.memory_space<hbm>>, %arg3: memref<5120x128xi32, #tpu.memory_space<hbm>>, %arg4: memref<655360x128xf32, #tpu.memory_space<hbm>>, %arg5: memref<8x128xi32, #tpu.memory_space<vmem>>, %arg6: memref<512x128xf32, #tpu.memory_space<vmem>>, %arg7: memref<!tpu.dma_semaphore, #tpu.memory_space<semaphore_mem>>) attributes {dimension_semantics = [#tpu.dimension_semantics<core_parallel>, #tpu.dimension_semantics<subcore_parallel>], iteration_bounds = array<i64: 2, 16>, scalar_prefetch = 0 : i64, scratch_operands = 3 : i64, tpu.core_type = #tpu.core_type<sc_vector_subcore>, window_params = [{transform_indices = #map}, {transform_indices = #map}, {transform_indices = #map}]} {
    %mul3A = arith.constant 2 : i32
    %mul3A_0 = arith.muli %arg1, %mul3A : i32
    %add3A = arith.addi %mul3A_0, %arg0 : i32
    %mul3A_1 = arith.constant 160 : i32
    %mul3A_2 = arith.muli %add3A, %mul3A_1 : i32
    %lt3A = arith.constant 32 : i32
    %lt3A_3 = arith.cmpi slt, %add3A, %lt3A : i32
    %convert_element_type3A = arith.extui %lt3A_3 : i1 to i32
    %cond3A = arith.constant 0 : i32
    %cond3A_4 = arith.cmpi ne, %convert_element_type3A, %cond3A : i32
    scf.if %cond3A_4 {
      %scan3A = arith.constant 0 : i32
      %scan3A_5 = arith.constant 0 : i32
      %scan3A_6 = arith.constant 20 : i32
      %scan3A_7 = arith.addi %scan3A_5, %scan3A_6 : i32
      %scan3A_8 = arith.constant 1 : i32
      scf.for %scan3A_10 = %scan3A_5 to %scan3A_7 step %scan3A_8  : i32 {
        %mul3A_11 = arith.constant 8 : i32
        %mul3A_12 = arith.muli %scan3A_10, %mul3A_11 : i32
        %add3A_13 = arith.addi %mul3A_2, %mul3A_12 : i32
        "tpu.region"() ({
          %run_scoped3A = tpu.sem_alloc : memref<!tpu.dma_semaphore, #tpu.memory_space<semaphore_mem>>
          %dma_start3A_180 = arith.constant 0 : i32
          %dma_start3A_181 = tpu.memref_slice %arg3[%add3A_13, %dma_start3A_180] : memref<5120x128xi32, #tpu.memory_space<hbm>> -> memref<8x128xi32, #tpu.memory_space<hbm>>
          %dma_start3A_182 = arith.constant 0 : i32
          %dma_start3A_183 = tpu.memref_slice %arg3[%add3A_13, %dma_start3A_182] : memref<5120x128xi32, #tpu.memory_space<hbm>> -> memref<8x128xi32, #tpu.memory_space<hbm>>
          tpu.enqueue_dma source(%dma_start3A_183 : memref<8x128xi32, #tpu.memory_space<hbm>>) target(%arg5 : memref<8x128xi32, #tpu.memory_space<vmem>>) target_semaphore(%run_scoped3A : memref<!tpu.dma_semaphore, #tpu.memory_space<semaphore_mem>>)
          %dma_wait3A_184 = arith.constant 0 : i32
          %dma_wait3A_185 = tpu.memref_slice %arg3[%add3A_13, %dma_wait3A_184] : memref<5120x128xi32, #tpu.memory_space<hbm>> -> memref<8x128xi32, #tpu.memory_space<hbm>>
          %dma_wait3A_186 = arith.constant 0 : i32
          %dma_wait3A_187 = tpu.memref_slice %arg3[%add3A_13, %dma_wait3A_186] : memref<5120x128xi32, #tpu.memory_space<hbm>> -> memref<8x128xi32, #tpu.memory_space<hbm>>
          tpu.wait_dma2 semaphore(%run_scoped3A : memref<!tpu.dma_semaphore, #tpu.memory_space<semaphore_mem>>) src(%dma_wait3A_187 : memref<8x128xi32, #tpu.memory_space<hbm>>) dst(%arg5 : memref<8x128xi32, #tpu.memory_space<vmem>>)
          tpu.yield
        }) : () -> ()
        %dma_start3A = arith.constant 0 : i32
        %dma_start3A_14 = arith.constant 0 : i32
        %dma_start3A_15 = arith.constant 0 : i32
        %dma_start3A_16 = tpu.memref_slice %arg6[%dma_start3A_14, %dma_start3A_15] : memref<512x128xf32, #tpu.memory_space<vmem>> -> memref<128x128xf32, #tpu.memory_space<vmem>>
        %dma_start3A_17 = arith.constant 0 : i32
        %dma_start3A_18 = tpu.memref_slice %arg5[%dma_start3A, %dma_start3A_17] : memref<8x128xi32, #tpu.memory_space<vmem>> -> memref<1x128xi32, #tpu.memory_space<vmem>>
        %dma_start3A_19 = tpu.memref_squeeze %dma_start3A_18 : memref<1x128xi32, #tpu.memory_space<vmem>> -> memref<128xi32, #tpu.memory_space<vmem>>
        %dma_start3A_20 = arith.constant 0 : i32
        %dma_start3A_21 = arith.constant 0 : i32
        %dma_start3A_22 = tpu.memref_slice %arg2[%dma_start3A_20, %dma_start3A_21] : memref<20480x128xf32, #tpu.memory_space<hbm>> -> memref<20480x128xf32, #tpu.memory_space<hbm>>
        tpu.enqueue_indirect_dma source(%dma_start3A_22 : memref<20480x128xf32, #tpu.memory_space<hbm>>) target(%dma_start3A_16 : memref<128x128xf32, #tpu.memory_space<vmem>>) offsets(%dma_start3A_19 : memref<128xi32, #tpu.memory_space<vmem>>) semaphore(%arg7 : memref<!tpu.dma_semaphore, #tpu.memory_space<semaphore_mem>>)
        %dma_start3A_23 = arith.constant 1 : i32
        %dma_start3A_24 = arith.constant 128 : i32
        %dma_start3A_25 = arith.constant 0 : i32
        %dma_start3A_26 = tpu.memref_slice %arg6[%dma_start3A_24, %dma_start3A_25] : memref<512x128xf32, #tpu.memory_space<vmem>> -> memref<128x128xf32, #tpu.memory_space<vmem>>
        %dma_start3A_27 = arith.constant 0 : i32
        %dma_start3A_28 = tpu.memref_slice %arg5[%dma_start3A_23, %dma_start3A_27] : memref<8x128xi32, #tpu.memory_space<vmem>> -> memref<1x128xi32, #tpu.memory_space<vmem>>
        %dma_start3A_29 = tpu.memref_squeeze %dma_start3A_28 : memref<1x128xi32, #tpu.memory_space<vmem>> -> memref<128xi32, #tpu.memory_space<vmem>>
        %dma_start3A_30 = arith.constant 0 : i32
        %dma_start3A_31 = arith.constant 0 : i32
        %dma_start3A_32 = tpu.memref_slice %arg2[%dma_start3A_30, %dma_start3A_31] : memref<20480x128xf32, #tpu.memory_space<hbm>> -> memref<20480x128xf32, #tpu.memory_space<hbm>>
        tpu.enqueue_indirect_dma source(%dma_start3A_32 : memref<20480x128xf32, #tpu.memory_space<hbm>>) target(%dma_start3A_26 : memref<128x128xf32, #tpu.memory_space<vmem>>) offsets(%dma_start3A_29 : memref<128xi32, #tpu.memory_space<vmem>>) semaphore(%arg7 : memref<!tpu.dma_semaphore, #tpu.memory_space<semaphore_mem>>)
        %dma_start3A_33 = arith.constant 2 : i32
        %dma_start3A_34 = arith.constant 256 : i32
        %dma_start3A_35 = arith.constant 0 : i32
        %dma_start3A_36 = tpu.memref_slice %arg6[%dma_start3A_34, %dma_start3A_35] : memref<512x128xf32, #tpu.memory_space<vmem>> -> memref<128x128xf32, #tpu.memory_space<vmem>>
        %dma_start3A_37 = arith.constant 0 : i32
        %dma_start3A_38 = tpu.memref_slice %arg5[%dma_start3A_33, %dma_start3A_37] : memref<8x128xi32, #tpu.memory_space<vmem>> -> memref<1x128xi32, #tpu.memory_space<vmem>>
        %dma_start3A_39 = tpu.memref_squeeze %dma_start3A_38 : memref<1x128xi32, #tpu.memory_space<vmem>> -> memref<128xi32, #tpu.memory_space<vmem>>
        %dma_start3A_40 = arith.constant 0 : i32
        %dma_start3A_41 = arith.constant 0 : i32
        %dma_start3A_42 = tpu.memref_slice %arg2[%dma_start3A_40, %dma_start3A_41] : memref<20480x128xf32, #tpu.memory_space<hbm>> -> memref<20480x128xf32, #tpu.memory_space<hbm>>
        tpu.enqueue_indirect_dma source(%dma_start3A_42 : memref<20480x128xf32, #tpu.memory_space<hbm>>) target(%dma_start3A_36 : memref<128x128xf32, #tpu.memory_space<vmem>>) offsets(%dma_start3A_39 : memref<128xi32, #tpu.memory_space<vmem>>) semaphore(%arg7 : memref<!tpu.dma_semaphore, #tpu.memory_space<semaphore_mem>>)
        %dma_start3A_43 = arith.constant 3 : i32
        %dma_start3A_44 = arith.constant 384 : i32
        %dma_start3A_45 = arith.constant 0 : i32
        %dma_start3A_46 = tpu.memref_slice %arg6[%dma_start3A_44, %dma_start3A_45] : memref<512x128xf32, #tpu.memory_space<vmem>> -> memref<128x128xf32, #tpu.memory_space<vmem>>
        %dma_start3A_47 = arith.constant 0 : i32
        %dma_start3A_48 = tpu.memref_slice %arg5[%dma_start3A_43, %dma_start3A_47] : memref<8x128xi32, #tpu.memory_space<vmem>> -> memref<1x128xi32, #tpu.memory_space<vmem>>
        %dma_start3A_49 = tpu.memref_squeeze %dma_start3A_48 : memref<1x128xi32, #tpu.memory_space<vmem>> -> memref<128xi32, #tpu.memory_space<vmem>>
        %dma_start3A_50 = arith.constant 0 : i32
        %dma_start3A_51 = arith.constant 0 : i32
        %dma_start3A_52 = tpu.memref_slice %arg2[%dma_start3A_50, %dma_start3A_51] : memref<20480x128xf32, #tpu.memory_space<hbm>> -> memref<20480x128xf32, #tpu.memory_space<hbm>>
        tpu.enqueue_indirect_dma source(%dma_start3A_52 : memref<20480x128xf32, #tpu.memory_space<hbm>>) target(%dma_start3A_46 : memref<128x128xf32, #tpu.memory_space<vmem>>) offsets(%dma_start3A_49 : memref<128xi32, #tpu.memory_space<vmem>>) semaphore(%arg7 : memref<!tpu.dma_semaphore, #tpu.memory_space<semaphore_mem>>)
        %dma_wait3A = arith.constant 0 : i32
        %dma_wait3A_53 = arith.constant 0 : i32
        %dma_wait3A_54 = arith.constant 0 : i32
        %dma_wait3A_55 = tpu.memref_slice %arg6[%dma_wait3A_53, %dma_wait3A_54] : memref<512x128xf32, #tpu.memory_space<vmem>> -> memref<128x128xf32, #tpu.memory_space<vmem>>
        %dma_wait3A_56 = arith.constant 0 : i32
        %dma_wait3A_57 = tpu.memref_slice %arg5[%dma_wait3A, %dma_wait3A_56] : memref<8x128xi32, #tpu.memory_space<vmem>> -> memref<1x128xi32, #tpu.memory_space<vmem>>
        %dma_wait3A_58 = tpu.memref_squeeze %dma_wait3A_57 : memref<1x128xi32, #tpu.memory_space<vmem>> -> memref<128xi32, #tpu.memory_space<vmem>>
        %dma_wait3A_59 = arith.constant 0 : i32
        %dma_wait3A_60 = arith.constant 0 : i32
        %dma_wait3A_61 = tpu.memref_slice %arg2[%dma_wait3A_59, %dma_wait3A_60] : memref<20480x128xf32, #tpu.memory_space<hbm>> -> memref<20480x128xf32, #tpu.memory_space<hbm>>
        tpu.wait_indirect_dma semaphore(%arg7 : memref<!tpu.dma_semaphore, #tpu.memory_space<semaphore_mem>>) src(%dma_wait3A_61 : memref<20480x128xf32, #tpu.memory_space<hbm>>) dst(%dma_wait3A_55 : memref<128x128xf32, #tpu.memory_space<vmem>>)
        %dma_wait3A_62 = arith.constant 1 : i32
        %dma_wait3A_63 = arith.constant 128 : i32
        %dma_wait3A_64 = arith.constant 0 : i32
        %dma_wait3A_65 = tpu.memref_slice %arg6[%dma_wait3A_63, %dma_wait3A_64] : memref<512x128xf32, #tpu.memory_space<vmem>> -> memref<128x128xf32, #tpu.memory_space<vmem>>
        %dma_wait3A_66 = arith.constant 0 : i32
        %dma_wait3A_67 = tpu.memref_slice %arg5[%dma_wait3A_62, %dma_wait3A_66] : memref<8x128xi32, #tpu.memory_space<vmem>> -> memref<1x128xi32, #tpu.memory_space<vmem>>
        %dma_wait3A_68 = tpu.memref_squeeze %dma_wait3A_67 : memref<1x128xi32, #tpu.memory_space<vmem>> -> memref<128xi32, #tpu.memory_space<vmem>>
        %dma_wait3A_69 = arith.constant 0 : i32
        %dma_wait3A_70 = arith.constant 0 : i32
        %dma_wait3A_71 = tpu.memref_slice %arg2[%dma_wait3A_69, %dma_wait3A_70] : memref<20480x128xf32, #tpu.memory_space<hbm>> -> memref<20480x128xf32, #tpu.memory_space<hbm>>
        tpu.wait_indirect_dma semaphore(%arg7 : memref<!tpu.dma_semaphore, #tpu.memory_space<semaphore_mem>>) src(%dma_wait3A_71 : memref<20480x128xf32, #tpu.memory_space<hbm>>) dst(%dma_wait3A_65 : memref<128x128xf32, #tpu.memory_space<vmem>>)
        %dma_wait3A_72 = arith.constant 2 : i32
        %dma_wait3A_73 = arith.constant 256 : i32
        %dma_wait3A_74 = arith.constant 0 : i32
        %dma_wait3A_75 = tpu.memref_slice %arg6[%dma_wait3A_73, %dma_wait3A_74] : memref<512x128xf32, #tpu.memory_space<vmem>> -> memref<128x128xf32, #tpu.memory_space<vmem>>
        %dma_wait3A_76 = arith.constant 0 : i32
        %dma_wait3A_77 = tpu.memref_slice %arg5[%dma_wait3A_72, %dma_wait3A_76] : memref<8x128xi32, #tpu.memory_space<vmem>> -> memref<1x128xi32, #tpu.memory_space<vmem>>
        %dma_wait3A_78 = tpu.memref_squeeze %dma_wait3A_77 : memref<1x128xi32, #tpu.memory_space<vmem>> -> memref<128xi32, #tpu.memory_space<vmem>>
        %dma_wait3A_79 = arith.constant 0 : i32
        %dma_wait3A_80 = arith.constant 0 : i32
        %dma_wait3A_81 = tpu.memref_slice %arg2[%dma_wait3A_79, %dma_wait3A_80] : memref<20480x128xf32, #tpu.memory_space<hbm>> -> memref<20480x128xf32, #tpu.memory_space<hbm>>
        tpu.wait_indirect_dma semaphore(%arg7 : memref<!tpu.dma_semaphore, #tpu.memory_space<semaphore_mem>>) src(%dma_wait3A_81 : memref<20480x128xf32, #tpu.memory_space<hbm>>) dst(%dma_wait3A_75 : memref<128x128xf32, #tpu.memory_space<vmem>>)
        %dma_wait3A_82 = arith.constant 3 : i32
        %dma_wait3A_83 = arith.constant 384 : i32
        %dma_wait3A_84 = arith.constant 0 : i32
        %dma_wait3A_85 = tpu.memref_slice %arg6[%dma_wait3A_83, %dma_wait3A_84] : memref<512x128xf32, #tpu.memory_space<vmem>> -> memref<128x128xf32, #tpu.memory_space<vmem>>
        %dma_wait3A_86 = arith.constant 0 : i32
        %dma_wait3A_87 = tpu.memref_slice %arg5[%dma_wait3A_82, %dma_wait3A_86] : memref<8x128xi32, #tpu.memory_space<vmem>> -> memref<1x128xi32, #tpu.memory_space<vmem>>
        %dma_wait3A_88 = tpu.memref_squeeze %dma_wait3A_87 : memref<1x128xi32, #tpu.memory_space<vmem>> -> memref<128xi32, #tpu.memory_space<vmem>>
        %dma_wait3A_89 = arith.constant 0 : i32
        %dma_wait3A_90 = arith.constant 0 : i32
        %dma_wait3A_91 = tpu.memref_slice %arg2[%dma_wait3A_89, %dma_wait3A_90] : memref<20480x128xf32, #tpu.memory_space<hbm>> -> memref<20480x128xf32, #tpu.memory_space<hbm>>
        tpu.wait_indirect_dma semaphore(%arg7 : memref<!tpu.dma_semaphore, #tpu.memory_space<semaphore_mem>>) src(%dma_wait3A_91 : memref<20480x128xf32, #tpu.memory_space<hbm>>) dst(%dma_wait3A_85 : memref<128x128xf32, #tpu.memory_space<vmem>>)
        %add3A_92 = arith.constant 0 : i32
        %add3A_93 = arith.addi %add3A_13, %add3A_92 : i32
        %mul3A_94 = arith.constant 128 : i32
        %mul3A_95 = arith.muli %add3A_93, %mul3A_94 : i32
        "tpu.region"() ({
          %run_scoped3A = tpu.sem_alloc : memref<!tpu.dma_semaphore, #tpu.memory_space<semaphore_mem>>
          %dma_start3A_180 = arith.constant 0 : i32
          %dma_start3A_181 = tpu.memref_slice %arg4[%mul3A_95, %dma_start3A_180] : memref<655360x128xf32, #tpu.memory_space<hbm>> -> memref<512x128xf32, #tpu.memory_space<hbm>>
          %dma_start3A_182 = arith.constant 0 : i32
          %dma_start3A_183 = tpu.memref_slice %arg4[%mul3A_95, %dma_start3A_182] : memref<655360x128xf32, #tpu.memory_space<hbm>> -> memref<512x128xf32, #tpu.memory_space<hbm>>
          tpu.enqueue_dma source(%arg6 : memref<512x128xf32, #tpu.memory_space<vmem>>) target(%dma_start3A_183 : memref<512x128xf32, #tpu.memory_space<hbm>>) target_semaphore(%run_scoped3A : memref<!tpu.dma_semaphore, #tpu.memory_space<semaphore_mem>>)
          %dma_wait3A_184 = arith.constant 0 : i32
          %dma_wait3A_185 = tpu.memref_slice %arg4[%mul3A_95, %dma_wait3A_184] : memref<655360x128xf32, #tpu.memory_space<hbm>> -> memref<512x128xf32, #tpu.memory_space<hbm>>
          %dma_wait3A_186 = arith.constant 0 : i32
          %dma_wait3A_187 = tpu.memref_slice %arg4[%mul3A_95, %dma_wait3A_186] : memref<655360x128xf32, #tpu.memory_space<hbm>> -> memref<512x128xf32, #tpu.memory_space<hbm>>
          tpu.wait_dma2 semaphore(%run_scoped3A : memref<!tpu.dma_semaphore, #tpu.memory_space<semaphore_mem>>) src(%arg6 : memref<512x128xf32, #tpu.memory_space<vmem>>) dst(%dma_wait3A_187 : memref<512x128xf32, #tpu.memory_space<hbm>>)
          tpu.yield
        }) : () -> ()
        %dma_start3A_96 = arith.constant 4 : i32
        %dma_start3A_97 = arith.constant 0 : i32
        %dma_start3A_98 = arith.constant 0 : i32
        %dma_start3A_99 = tpu.memref_slice %arg6[%dma_start3A_97, %dma_start3A_98] : memref<512x128xf32, #tpu.memory_space<vmem>> -> memref<128x128xf32, #tpu.memory_space<vmem>>
        %dma_start3A_100 = arith.constant 0 : i32
        %dma_start3A_101 = tpu.memref_slice %arg5[%dma_start3A_96, %dma_start3A_100] : memref<8x128xi32, #tpu.memory_space<vmem>> -> memref<1x128xi32, #tpu.memory_space<vmem>>
        %dma_start3A_102 = tpu.memref_squeeze %dma_start3A_101 : memref<1x128xi32, #tpu.memory_space<vmem>> -> memref<128xi32, #tpu.memory_space<vmem>>
        %dma_start3A_103 = arith.constant 0 : i32
        %dma_start3A_104 = arith.constant 0 : i32
        %dma_start3A_105 = tpu.memref_slice %arg2[%dma_start3A_103, %dma_start3A_104] : memref<20480x128xf32, #tpu.memory_space<hbm>> -> memref<20480x128xf32, #tpu.memory_space<hbm>>
        tpu.enqueue_indirect_dma source(%dma_start3A_105 : memref<20480x128xf32, #tpu.memory_space<hbm>>) target(%dma_start3A_99 : memref<128x128xf32, #tpu.memory_space<vmem>>) offsets(%dma_start3A_102 : memref<128xi32, #tpu.memory_space<vmem>>) semaphore(%arg7 : memref<!tpu.dma_semaphore, #tpu.memory_space<semaphore_mem>>)
        %dma_start3A_106 = arith.constant 5 : i32
        %dma_start3A_107 = arith.constant 128 : i32
        %dma_start3A_108 = arith.constant 0 : i32
        %dma_start3A_109 = tpu.memref_slice %arg6[%dma_start3A_107, %dma_start3A_108] : memref<512x128xf32, #tpu.memory_space<vmem>> -> memref<128x128xf32, #tpu.memory_space<vmem>>
        %dma_start3A_110 = arith.constant 0 : i32
        %dma_start3A_111 = tpu.memref_slice %arg5[%dma_start3A_106, %dma_start3A_110] : memref<8x128xi32, #tpu.memory_space<vmem>> -> memref<1x128xi32, #tpu.memory_space<vmem>>
        %dma_start3A_112 = tpu.memref_squeeze %dma_start3A_111 : memref<1x128xi32, #tpu.memory_space<vmem>> -> memref<128xi32, #tpu.memory_space<vmem>>
        %dma_start3A_113 = arith.constant 0 : i32
        %dma_start3A_114 = arith.constant 0 : i32
        %dma_start3A_115 = tpu.memref_slice %arg2[%dma_start3A_113, %dma_start3A_114] : memref<20480x128xf32, #tpu.memory_space<hbm>> -> memref<20480x128xf32, #tpu.memory_space<hbm>>
        tpu.enqueue_indirect_dma source(%dma_start3A_115 : memref<20480x128xf32, #tpu.memory_space<hbm>>) target(%dma_start3A_109 : memref<128x128xf32, #tpu.memory_space<vmem>>) offsets(%dma_start3A_112 : memref<128xi32, #tpu.memory_space<vmem>>) semaphore(%arg7 : memref<!tpu.dma_semaphore, #tpu.memory_space<semaphore_mem>>)
        %dma_start3A_116 = arith.constant 6 : i32
        %dma_start3A_117 = arith.constant 256 : i32
        %dma_start3A_118 = arith.constant 0 : i32
        %dma_start3A_119 = tpu.memref_slice %arg6[%dma_start3A_117, %dma_start3A_118] : memref<512x128xf32, #tpu.memory_space<vmem>> -> memref<128x128xf32, #tpu.memory_space<vmem>>
        %dma_start3A_120 = arith.constant 0 : i32
        %dma_start3A_121 = tpu.memref_slice %arg5[%dma_start3A_116, %dma_start3A_120] : memref<8x128xi32, #tpu.memory_space<vmem>> -> memref<1x128xi32, #tpu.memory_space<vmem>>
        %dma_start3A_122 = tpu.memref_squeeze %dma_start3A_121 : memref<1x128xi32, #tpu.memory_space<vmem>> -> memref<128xi32, #tpu.memory_space<vmem>>
        %dma_start3A_123 = arith.constant 0 : i32
        %dma_start3A_124 = arith.constant 0 : i32
        %dma_start3A_125 = tpu.memref_slice %arg2[%dma_start3A_123, %dma_start3A_124] : memref<20480x128xf32, #tpu.memory_space<hbm>> -> memref<20480x128xf32, #tpu.memory_space<hbm>>
        tpu.enqueue_indirect_dma source(%dma_start3A_125 : memref<20480x128xf32, #tpu.memory_space<hbm>>) target(%dma_start3A_119 : memref<128x128xf32, #tpu.memory_space<vmem>>) offsets(%dma_start3A_122 : memref<128xi32, #tpu.memory_space<vmem>>) semaphore(%arg7 : memref<!tpu.dma_semaphore, #tpu.memory_space<semaphore_mem>>)
        %dma_start3A_126 = arith.constant 7 : i32
        %dma_start3A_127 = arith.constant 384 : i32
        %dma_start3A_128 = arith.constant 0 : i32
        %dma_start3A_129 = tpu.memref_slice %arg6[%dma_start3A_127, %dma_start3A_128] : memref<512x128xf32, #tpu.memory_space<vmem>> -> memref<128x128xf32, #tpu.memory_space<vmem>>
        %dma_start3A_130 = arith.constant 0 : i32
        %dma_start3A_131 = tpu.memref_slice %arg5[%dma_start3A_126, %dma_start3A_130] : memref<8x128xi32, #tpu.memory_space<vmem>> -> memref<1x128xi32, #tpu.memory_space<vmem>>
        %dma_start3A_132 = tpu.memref_squeeze %dma_start3A_131 : memref<1x128xi32, #tpu.memory_space<vmem>> -> memref<128xi32, #tpu.memory_space<vmem>>
        %dma_start3A_133 = arith.constant 0 : i32
        %dma_start3A_134 = arith.constant 0 : i32
        %dma_start3A_135 = tpu.memref_slice %arg2[%dma_start3A_133, %dma_start3A_134] : memref<20480x128xf32, #tpu.memory_space<hbm>> -> memref<20480x128xf32, #tpu.memory_space<hbm>>
        tpu.enqueue_indirect_dma source(%dma_start3A_135 : memref<20480x128xf32, #tpu.memory_space<hbm>>) target(%dma_start3A_129 : memref<128x128xf32, #tpu.memory_space<vmem>>) offsets(%dma_start3A_132 : memref<128xi32, #tpu.memory_space<vmem>>) semaphore(%arg7 : memref<!tpu.dma_semaphore, #tpu.memory_space<semaphore_mem>>)
        %dma_wait3A_136 = arith.constant 4 : i32
        %dma_wait3A_137 = arith.constant 0 : i32
        %dma_wait3A_138 = arith.constant 0 : i32
        %dma_wait3A_139 = tpu.memref_slice %arg6[%dma_wait3A_137, %dma_wait3A_138] : memref<512x128xf32, #tpu.memory_space<vmem>> -> memref<128x128xf32, #tpu.memory_space<vmem>>
        %dma_wait3A_140 = arith.constant 0 : i32
        %dma_wait3A_141 = tpu.memref_slice %arg5[%dma_wait3A_136, %dma_wait3A_140] : memref<8x128xi32, #tpu.memory_space<vmem>> -> memref<1x128xi32, #tpu.memory_space<vmem>>
        %dma_wait3A_142 = tpu.memref_squeeze %dma_wait3A_141 : memref<1x128xi32, #tpu.memory_space<vmem>> -> memref<128xi32, #tpu.memory_space<vmem>>
        %dma_wait3A_143 = arith.constant 0 : i32
        %dma_wait3A_144 = arith.constant 0 : i32
        %dma_wait3A_145 = tpu.memref_slice %arg2[%dma_wait3A_143, %dma_wait3A_144] : memref<20480x128xf32, #tpu.memory_space<hbm>> -> memref<20480x128xf32, #tpu.memory_space<hbm>>
        tpu.wait_indirect_dma semaphore(%arg7 : memref<!tpu.dma_semaphore, #tpu.memory_space<semaphore_mem>>) src(%dma_wait3A_145 : memref<20480x128xf32, #tpu.memory_space<hbm>>) dst(%dma_wait3A_139 : memref<128x128xf32, #tpu.memory_space<vmem>>)
        %dma_wait3A_146 = arith.constant 5 : i32
        %dma_wait3A_147 = arith.constant 128 : i32
        %dma_wait3A_148 = arith.constant 0 : i32
        %dma_wait3A_149 = tpu.memref_slice %arg6[%dma_wait3A_147, %dma_wait3A_148] : memref<512x128xf32, #tpu.memory_space<vmem>> -> memref<128x128xf32, #tpu.memory_space<vmem>>
        %dma_wait3A_150 = arith.constant 0 : i32
        %dma_wait3A_151 = tpu.memref_slice %arg5[%dma_wait3A_146, %dma_wait3A_150] : memref<8x128xi32, #tpu.memory_space<vmem>> -> memref<1x128xi32, #tpu.memory_space<vmem>>
        %dma_wait3A_152 = tpu.memref_squeeze %dma_wait3A_151 : memref<1x128xi32, #tpu.memory_space<vmem>> -> memref<128xi32, #tpu.memory_space<vmem>>
        %dma_wait3A_153 = arith.constant 0 : i32
        %dma_wait3A_154 = arith.constant 0 : i32
        %dma_wait3A_155 = tpu.memref_slice %arg2[%dma_wait3A_153, %dma_wait3A_154] : memref<20480x128xf32, #tpu.memory_space<hbm>> -> memref<20480x128xf32, #tpu.memory_space<hbm>>
        tpu.wait_indirect_dma semaphore(%arg7 : memref<!tpu.dma_semaphore, #tpu.memory_space<semaphore_mem>>) src(%dma_wait3A_155 : memref<20480x128xf32, #tpu.memory_space<hbm>>) dst(%dma_wait3A_149 : memref<128x128xf32, #tpu.memory_space<vmem>>)
        %dma_wait3A_156 = arith.constant 6 : i32
        %dma_wait3A_157 = arith.constant 256 : i32
        %dma_wait3A_158 = arith.constant 0 : i32
        %dma_wait3A_159 = tpu.memref_slice %arg6[%dma_wait3A_157, %dma_wait3A_158] : memref<512x128xf32, #tpu.memory_space<vmem>> -> memref<128x128xf32, #tpu.memory_space<vmem>>
        %dma_wait3A_160 = arith.constant 0 : i32
        %dma_wait3A_161 = tpu.memref_slice %arg5[%dma_wait3A_156, %dma_wait3A_160] : memref<8x128xi32, #tpu.memory_space<vmem>> -> memref<1x128xi32, #tpu.memory_space<vmem>>
        %dma_wait3A_162 = tpu.memref_squeeze %dma_wait3A_161 : memref<1x128xi32, #tpu.memory_space<vmem>> -> memref<128xi32, #tpu.memory_space<vmem>>
        %dma_wait3A_163 = arith.constant 0 : i32
        %dma_wait3A_164 = arith.constant 0 : i32
        %dma_wait3A_165 = tpu.memref_slice %arg2[%dma_wait3A_163, %dma_wait3A_164] : memref<20480x128xf32, #tpu.memory_space<hbm>> -> memref<20480x128xf32, #tpu.memory_space<hbm>>
        tpu.wait_indirect_dma semaphore(%arg7 : memref<!tpu.dma_semaphore, #tpu.memory_space<semaphore_mem>>) src(%dma_wait3A_165 : memref<20480x128xf32, #tpu.memory_space<hbm>>) dst(%dma_wait3A_159 : memref<128x128xf32, #tpu.memory_space<vmem>>)
        %dma_wait3A_166 = arith.constant 7 : i32
        %dma_wait3A_167 = arith.constant 384 : i32
        %dma_wait3A_168 = arith.constant 0 : i32
        %dma_wait3A_169 = tpu.memref_slice %arg6[%dma_wait3A_167, %dma_wait3A_168] : memref<512x128xf32, #tpu.memory_space<vmem>> -> memref<128x128xf32, #tpu.memory_space<vmem>>
        %dma_wait3A_170 = arith.constant 0 : i32
        %dma_wait3A_171 = tpu.memref_slice %arg5[%dma_wait3A_166, %dma_wait3A_170] : memref<8x128xi32, #tpu.memory_space<vmem>> -> memref<1x128xi32, #tpu.memory_space<vmem>>
        %dma_wait3A_172 = tpu.memref_squeeze %dma_wait3A_171 : memref<1x128xi32, #tpu.memory_space<vmem>> -> memref<128xi32, #tpu.memory_space<vmem>>
        %dma_wait3A_173 = arith.constant 0 : i32
        %dma_wait3A_174 = arith.constant 0 : i32
        %dma_wait3A_175 = tpu.memref_slice %arg2[%dma_wait3A_173, %dma_wait3A_174] : memref<20480x128xf32, #tpu.memory_space<hbm>> -> memref<20480x128xf32, #tpu.memory_space<hbm>>
        tpu.wait_indirect_dma semaphore(%arg7 : memref<!tpu.dma_semaphore, #tpu.memory_space<semaphore_mem>>) src(%dma_wait3A_175 : memref<20480x128xf32, #tpu.memory_space<hbm>>) dst(%dma_wait3A_169 : memref<128x128xf32, #tpu.memory_space<vmem>>)
        %add3A_176 = arith.constant 4 : i32
        %add3A_177 = arith.addi %add3A_13, %add3A_176 : i32
        %mul3A_178 = arith.constant 128 : i32
        %mul3A_179 = arith.muli %add3A_177, %mul3A_178 : i32
        "tpu.region"() ({
          %run_scoped3A = tpu.sem_alloc : memref<!tpu.dma_semaphore, #tpu.memory_space<semaphore_mem>>
          %dma_start3A_180 = arith.constant 0 : i32
          %dma_start3A_181 = tpu.memref_slice %arg4[%mul3A_179, %dma_start3A_180] : memref<655360x128xf32, #tpu.memory_space<hbm>> -> memref<512x128xf32, #tpu.memory_space<hbm>>
          %dma_start3A_182 = arith.constant 0 : i32
          %dma_start3A_183 = tpu.memref_slice %arg4[%mul3A_179, %dma_start3A_182] : memref<655360x128xf32, #tpu.memory_space<hbm>> -> memref<512x128xf32, #tpu.memory_space<hbm>>
          tpu.enqueue_dma source(%arg6 : memref<512x128xf32, #tpu.memory_space<vmem>>) target(%dma_start3A_183 : memref<512x128xf32, #tpu.memory_space<hbm>>) target_semaphore(%run_scoped3A : memref<!tpu.dma_semaphore, #tpu.memory_space<semaphore_mem>>)
          %dma_wait3A_184 = arith.constant 0 : i32
          %dma_wait3A_185 = tpu.memref_slice %arg4[%mul3A_179, %dma_wait3A_184] : memref<655360x128xf32, #tpu.memory_space<hbm>> -> memref<512x128xf32, #tpu.memory_space<hbm>>
          %dma_wait3A_186 = arith.constant 0 : i32
          %dma_wait3A_187 = tpu.memref_slice %arg4[%mul3A_179, %dma_wait3A_186] : memref<655360x128xf32, #tpu.memory_space<hbm>> -> memref<512x128xf32, #tpu.memory_space<hbm>>
          tpu.wait_dma2 semaphore(%run_scoped3A : memref<!tpu.dma_semaphore, #tpu.memory_space<semaphore_mem>>) src(%arg6 : memref<512x128xf32, #tpu.memory_space<vmem>>) dst(%dma_wait3A_187 : memref<512x128xf32, #tpu.memory_space<hbm>>)
          tpu.yield
        }) : () -> ()
      }
      %scan3A_9 = arith.constant 20 : i32
    } else {
    }
    return
  }
}

#map = affine_map<(d0, d1) -> (0, 0)>
module attributes {stable_mosaic.version = 14 : i64} {
  func.func @k(%arg0: i32, %arg1: i32, %arg2: memref<655360x128xf32, #tpu.memory_space<hbm>>, %arg3: memref<5120x128xi32, #tpu.memory_space<hbm>>, %arg4: memref<10240x128xf32, #tpu.memory_space<hbm>>, %arg5: memref<20480x128xf32, #tpu.memory_space<hbm>>, %arg6: memref<8x128xi32, #tpu.memory_space<vmem>>, %arg7: memref<128x128xf32, #tpu.memory_space<vmem>>, %arg8: memref<128x128xf32, #tpu.memory_space<vmem>>, %arg9: memref<!tpu.dma_semaphore, #tpu.memory_space<semaphore_mem>>, %arg10: memref<!tpu.dma_semaphore, #tpu.memory_space<semaphore_mem>>, %arg11: memref<10240x128xf32, #tpu.memory_space<vmem_shared>>) attributes {dimension_semantics = [#tpu.dimension_semantics<core_parallel>, #tpu.dimension_semantics<subcore_parallel>], iteration_bounds = array<i64: 2, 16>, scalar_prefetch = 0 : i64, scratch_operands = 6 : i64, tpu.core_type = #tpu.core_type<sc_vector_subcore>, window_params = [{transform_indices = #map}, {transform_indices = #map}, {transform_indices = #map}, {transform_indices = #map}]} {
    %mul3A = arith.constant 640 : i32
    %mul3A_0 = arith.muli %arg1, %mul3A : i32
    %mul3A_1 = arith.constant 640 : i32
    %mul3A_2 = arith.muli %arg1, %mul3A_1 : i32
    "tpu.region"() ({
      %run_scoped3A = tpu.sem_alloc : memref<!tpu.dma_semaphore, #tpu.memory_space<semaphore_mem>>
      %dma_start3A = arith.constant 0 : i32
      %dma_start3A_17 = tpu.memref_slice %arg11[%mul3A_2, %dma_start3A] : memref<10240x128xf32, #tpu.memory_space<vmem_shared>> -> memref<640x128xf32, #tpu.memory_space<vmem_shared>>
      %dma_start3A_18 = arith.constant 0 : i32
      %dma_start3A_19 = tpu.memref_slice %arg4[%mul3A_0, %dma_start3A_18] : memref<10240x128xf32, #tpu.memory_space<hbm>> -> memref<640x128xf32, #tpu.memory_space<hbm>>
      tpu.enqueue_dma source(%dma_start3A_19 : memref<640x128xf32, #tpu.memory_space<hbm>>) target(%dma_start3A_17 : memref<640x128xf32, #tpu.memory_space<vmem_shared>>) target_semaphore(%run_scoped3A : memref<!tpu.dma_semaphore, #tpu.memory_space<semaphore_mem>>)
      %dma_wait3A = arith.constant 0 : i32
      %dma_wait3A_20 = tpu.memref_slice %arg11[%mul3A_2, %dma_wait3A] : memref<10240x128xf32, #tpu.memory_space<vmem_shared>> -> memref<640x128xf32, #tpu.memory_space<vmem_shared>>
      %dma_wait3A_21 = arith.constant 0 : i32
      %dma_wait3A_22 = tpu.memref_slice %arg4[%mul3A_0, %dma_wait3A_21] : memref<10240x128xf32, #tpu.memory_space<hbm>> -> memref<640x128xf32, #tpu.memory_space<hbm>>
      tpu.wait_dma2 semaphore(%run_scoped3A : memref<!tpu.dma_semaphore, #tpu.memory_space<semaphore_mem>>) src(%dma_wait3A_22 : memref<640x128xf32, #tpu.memory_space<hbm>>) dst(%dma_wait3A_20 : memref<640x128xf32, #tpu.memory_space<vmem_shared>>)
      tpu.yield
    }) : () -> ()
    %barrier3A = arith.constant 0 : index
    tpu.barrier barrier_id(%barrier3A)
    %mul3A_3 = arith.constant 16 : i32
    %mul3A_4 = arith.muli %arg0, %mul3A_3 : i32
    %add3A = arith.addi %mul3A_4, %arg1 : i32
    %mul3A_5 = arith.constant 160 : i32
    %mul3A_6 = arith.muli %add3A, %mul3A_5 : i32
    %lt3A = arith.constant 16 : i32
    %lt3A_7 = arith.cmpi slt, %arg1, %lt3A : i32
    %convert_element_type3A = arith.extui %lt3A_7 : i1 to i32
    %cond3A = arith.constant 0 : i32
    %cond3A_8 = arith.cmpi ne, %convert_element_type3A, %cond3A : i32
    scf.if %cond3A_8 {
      %scan3A = arith.constant 0 : i32
      %scan3A_17 = arith.constant 0 : i32
      %scan3A_18 = arith.constant 20 : i32
      %scan3A_19 = arith.addi %scan3A_17, %scan3A_18 : i32
      %scan3A_20 = arith.constant 1 : i32
      scf.for %scan3A_22 = %scan3A_17 to %scan3A_19 step %scan3A_20  : i32 {
        %mul3A_23 = arith.constant 8 : i32
        %mul3A_24 = arith.muli %scan3A_22, %mul3A_23 : i32
        %add3A_25 = arith.addi %mul3A_6, %mul3A_24 : i32
        "tpu.region"() ({
          %run_scoped3A = tpu.sem_alloc : memref<!tpu.dma_semaphore, #tpu.memory_space<semaphore_mem>>
          %dma_start3A_244 = arith.constant 0 : i32
          %dma_start3A_245 = tpu.memref_slice %arg3[%add3A_25, %dma_start3A_244] : memref<5120x128xi32, #tpu.memory_space<hbm>> -> memref<8x128xi32, #tpu.memory_space<hbm>>
          %dma_start3A_246 = arith.constant 0 : i32
          %dma_start3A_247 = tpu.memref_slice %arg3[%add3A_25, %dma_start3A_246] : memref<5120x128xi32, #tpu.memory_space<hbm>> -> memref<8x128xi32, #tpu.memory_space<hbm>>
          tpu.enqueue_dma source(%dma_start3A_247 : memref<8x128xi32, #tpu.memory_space<hbm>>) target(%arg6 : memref<8x128xi32, #tpu.memory_space<vmem>>) target_semaphore(%run_scoped3A : memref<!tpu.dma_semaphore, #tpu.memory_space<semaphore_mem>>)
          %dma_wait3A_248 = arith.constant 0 : i32
          %dma_wait3A_249 = tpu.memref_slice %arg3[%add3A_25, %dma_wait3A_248] : memref<5120x128xi32, #tpu.memory_space<hbm>> -> memref<8x128xi32, #tpu.memory_space<hbm>>
          %dma_wait3A_250 = arith.constant 0 : i32
          %dma_wait3A_251 = tpu.memref_slice %arg3[%add3A_25, %dma_wait3A_250] : memref<5120x128xi32, #tpu.memory_space<hbm>> -> memref<8x128xi32, #tpu.memory_space<hbm>>
          tpu.wait_dma2 semaphore(%run_scoped3A : memref<!tpu.dma_semaphore, #tpu.memory_space<semaphore_mem>>) src(%dma_wait3A_251 : memref<8x128xi32, #tpu.memory_space<hbm>>) dst(%arg6 : memref<8x128xi32, #tpu.memory_space<vmem>>)
          tpu.yield
        }) : () -> ()
        %add3A_26 = arith.constant 0 : i32
        %add3A_27 = arith.addi %add3A_25, %add3A_26 : i32
        %mul3A_28 = arith.constant 128 : i32
        %mul3A_29 = arith.muli %add3A_27, %mul3A_28 : i32
        %dma_start3A = arith.constant 0 : i32
        %dma_start3A_30 = tpu.memref_slice %arg2[%mul3A_29, %dma_start3A] : memref<655360x128xf32, #tpu.memory_space<hbm>> -> memref<128x128xf32, #tpu.memory_space<hbm>>
        %dma_start3A_31 = arith.constant 0 : i32
        %dma_start3A_32 = tpu.memref_slice %arg2[%mul3A_29, %dma_start3A_31] : memref<655360x128xf32, #tpu.memory_space<hbm>> -> memref<128x128xf32, #tpu.memory_space<hbm>>
        tpu.enqueue_dma source(%dma_start3A_32 : memref<128x128xf32, #tpu.memory_space<hbm>>) target(%arg7 : memref<128x128xf32, #tpu.memory_space<vmem>>) target_semaphore(%arg9 : memref<!tpu.dma_semaphore, #tpu.memory_space<semaphore_mem>>)
        %add3A_33 = arith.constant 1 : i32
        %add3A_34 = arith.addi %add3A_25, %add3A_33 : i32
        %mul3A_35 = arith.constant 128 : i32
        %mul3A_36 = arith.muli %add3A_34, %mul3A_35 : i32
        %dma_start3A_37 = arith.constant 0 : i32
        %dma_start3A_38 = tpu.memref_slice %arg2[%mul3A_36, %dma_start3A_37] : memref<655360x128xf32, #tpu.memory_space<hbm>> -> memref<128x128xf32, #tpu.memory_space<hbm>>
        %dma_start3A_39 = arith.constant 0 : i32
        %dma_start3A_40 = tpu.memref_slice %arg2[%mul3A_36, %dma_start3A_39] : memref<655360x128xf32, #tpu.memory_space<hbm>> -> memref<128x128xf32, #tpu.memory_space<hbm>>
        tpu.enqueue_dma source(%dma_start3A_40 : memref<128x128xf32, #tpu.memory_space<hbm>>) target(%arg8 : memref<128x128xf32, #tpu.memory_space<vmem>>) target_semaphore(%arg9 : memref<!tpu.dma_semaphore, #tpu.memory_space<semaphore_mem>>)
        %dma_wait3A = arith.constant 0 : i32
        %dma_wait3A_41 = tpu.memref_slice %arg2[%mul3A_29, %dma_wait3A] : memref<655360x128xf32, #tpu.memory_space<hbm>> -> memref<128x128xf32, #tpu.memory_space<hbm>>
        %dma_wait3A_42 = arith.constant 0 : i32
        %dma_wait3A_43 = tpu.memref_slice %arg2[%mul3A_29, %dma_wait3A_42] : memref<655360x128xf32, #tpu.memory_space<hbm>> -> memref<128x128xf32, #tpu.memory_space<hbm>>
        tpu.wait_dma2 semaphore(%arg9 : memref<!tpu.dma_semaphore, #tpu.memory_space<semaphore_mem>>) src(%dma_wait3A_43 : memref<128x128xf32, #tpu.memory_space<hbm>>) dst(%arg7 : memref<128x128xf32, #tpu.memory_space<vmem>>)
        %dma_start3A_44 = arith.constant 0 : i32
        %dma_start3A_45 = arith.constant 0 : i32
        %dma_start3A_46 = tpu.memref_slice %arg6[%dma_start3A_44, %dma_start3A_45] : memref<8x128xi32, #tpu.memory_space<vmem>> -> memref<1x128xi32, #tpu.memory_space<vmem>>
        %dma_start3A_47 = tpu.memref_squeeze %dma_start3A_46 : memref<1x128xi32, #tpu.memory_space<vmem>> -> memref<128xi32, #tpu.memory_space<vmem>>
        %dma_start3A_48 = arith.constant 0 : i32
        %dma_start3A_49 = arith.constant 0 : i32
        %dma_start3A_50 = tpu.memref_slice %arg11[%dma_start3A_48, %dma_start3A_49] : memref<10240x128xf32, #tpu.memory_space<vmem_shared>> -> memref<10240x128xf32, #tpu.memory_space<vmem_shared>>
        tpu.enqueue_indirect_dma source(%arg7 : memref<128x128xf32, #tpu.memory_space<vmem>>) target(%dma_start3A_50 : memref<10240x128xf32, #tpu.memory_space<vmem_shared>>) offsets(%dma_start3A_47 : memref<128xi32, #tpu.memory_space<vmem>>) semaphore(%arg10 : memref<!tpu.dma_semaphore, #tpu.memory_space<semaphore_mem>>) {add = true}
        %dma_wait3A_51 = arith.constant 0 : i32
        %dma_wait3A_52 = arith.constant 0 : i32
        %dma_wait3A_53 = tpu.memref_slice %arg6[%dma_wait3A_51, %dma_wait3A_52] : memref<8x128xi32, #tpu.memory_space<vmem>> -> memref<1x128xi32, #tpu.memory_space<vmem>>
        %dma_wait3A_54 = tpu.memref_squeeze %dma_wait3A_53 : memref<1x128xi32, #tpu.memory_space<vmem>> -> memref<128xi32, #tpu.memory_space<vmem>>
        %dma_wait3A_55 = arith.constant 0 : i32
        %dma_wait3A_56 = arith.constant 0 : i32
        %dma_wait3A_57 = tpu.memref_slice %arg11[%dma_wait3A_55, %dma_wait3A_56] : memref<10240x128xf32, #tpu.memory_space<vmem_shared>> -> memref<10240x128xf32, #tpu.memory_space<vmem_shared>>
        tpu.wait_indirect_dma semaphore(%arg10 : memref<!tpu.dma_semaphore, #tpu.memory_space<semaphore_mem>>) src(%arg7 : memref<128x128xf32, #tpu.memory_space<vmem>>) dst(%dma_wait3A_57 : memref<10240x128xf32, #tpu.memory_space<vmem_shared>>)
        %add3A_58 = arith.constant 0 : i32
        %add3A_59 = arith.addi %add3A_25, %add3A_58 : i32
        %add3A_60 = arith.constant 2 : i32
        %add3A_61 = arith.addi %add3A_59, %add3A_60 : i32
        %mul3A_62 = arith.constant 128 : i32
        %mul3A_63 = arith.muli %add3A_61, %mul3A_62 : i32
        %dma_start3A_64 = arith.constant 0 : i32
        %dma_start3A_65 = tpu.memref_slice %arg2[%mul3A_63, %dma_start3A_64] : memref<655360x128xf32, #tpu.memory_space<hbm>> -> memref<128x128xf32, #tpu.memory_space<hbm>>
        %dma_start3A_66 = arith.constant 0 : i32
        %dma_start3A_67 = tpu.memref_slice %arg2[%mul3A_63, %dma_start3A_66] : memref<655360x128xf32, #tpu.memory_space<hbm>> -> memref<128x128xf32, #tpu.memory_space<hbm>>
        tpu.enqueue_dma source(%dma_start3A_67 : memref<128x128xf32, #tpu.memory_space<hbm>>) target(%arg7 : memref<128x128xf32, #tpu.memory_space<vmem>>) target_semaphore(%arg9 : memref<!tpu.dma_semaphore, #tpu.memory_space<semaphore_mem>>)
        %dma_wait3A_68 = arith.constant 0 : i32
        %dma_wait3A_69 = tpu.memref_slice %arg2[%mul3A_36, %dma_wait3A_68] : memref<655360x128xf32, #tpu.memory_space<hbm>> -> memref<128x128xf32, #tpu.memory_space<hbm>>
        %dma_wait3A_70 = arith.constant 0 : i32
        %dma_wait3A_71 = tpu.memref_slice %arg2[%mul3A_36, %dma_wait3A_70] : memref<655360x128xf32, #tpu.memory_space<hbm>> -> memref<128x128xf32, #tpu.memory_space<hbm>>
        tpu.wait_dma2 semaphore(%arg9 : memref<!tpu.dma_semaphore, #tpu.memory_space<semaphore_mem>>) src(%dma_wait3A_71 : memref<128x128xf32, #tpu.memory_space<hbm>>) dst(%arg8 : memref<128x128xf32, #tpu.memory_space<vmem>>)
        %dma_start3A_72 = arith.constant 1 : i32
        %dma_start3A_73 = arith.constant 0 : i32
        %dma_start3A_74 = tpu.memref_slice %arg6[%dma_start3A_72, %dma_start3A_73] : memref<8x128xi32, #tpu.memory_space<vmem>> -> memref<1x128xi32, #tpu.memory_space<vmem>>
        %dma_start3A_75 = tpu.memref_squeeze %dma_start3A_74 : memref<1x128xi32, #tpu.memory_space<vmem>> -> memref<128xi32, #tpu.memory_space<vmem>>
        %dma_start3A_76 = arith.constant 0 : i32
        %dma_start3A_77 = arith.constant 0 : i32
        %dma_start3A_78 = tpu.memref_slice %arg11[%dma_start3A_76, %dma_start3A_77] : memref<10240x128xf32, #tpu.memory_space<vmem_shared>> -> memref<10240x128xf32, #tpu.memory_space<vmem_shared>>
        tpu.enqueue_indirect_dma source(%arg8 : memref<128x128xf32, #tpu.memory_space<vmem>>) target(%dma_start3A_78 : memref<10240x128xf32, #tpu.memory_space<vmem_shared>>) offsets(%dma_start3A_75 : memref<128xi32, #tpu.memory_space<vmem>>) semaphore(%arg10 : memref<!tpu.dma_semaphore, #tpu.memory_space<semaphore_mem>>) {add = true}
        %dma_wait3A_79 = arith.constant 1 : i32
        %dma_wait3A_80 = arith.constant 0 : i32
        %dma_wait3A_81 = tpu.memref_slice %arg6[%dma_wait3A_79, %dma_wait3A_80] : memref<8x128xi32, #tpu.memory_space<vmem>> -> memref<1x128xi32, #tpu.memory_space<vmem>>
        %dma_wait3A_82 = tpu.memref_squeeze %dma_wait3A_81 : memref<1x128xi32, #tpu.memory_space<vmem>> -> memref<128xi32, #tpu.memory_space<vmem>>
        %dma_wait3A_83 = arith.constant 0 : i32
        %dma_wait3A_84 = arith.constant 0 : i32
        %dma_wait3A_85 = tpu.memref_slice %arg11[%dma_wait3A_83, %dma_wait3A_84] : memref<10240x128xf32, #tpu.memory_space<vmem_shared>> -> memref<10240x128xf32, #tpu.memory_space<vmem_shared>>
        tpu.wait_indirect_dma semaphore(%arg10 : memref<!tpu.dma_semaphore, #tpu.memory_space<semaphore_mem>>) src(%arg8 : memref<128x128xf32, #tpu.memory_space<vmem>>) dst(%dma_wait3A_85 : memref<10240x128xf32, #tpu.memory_space<vmem_shared>>)
        %add3A_86 = arith.constant 1 : i32
        %add3A_87 = arith.addi %add3A_25, %add3A_86 : i32
        %add3A_88 = arith.constant 2 : i32
        %add3A_89 = arith.addi %add3A_87, %add3A_88 : i32
        %mul3A_90 = arith.constant 128 : i32
        %mul3A_91 = arith.muli %add3A_89, %mul3A_90 : i32
        %dma_start3A_92 = arith.constant 0 : i32
        %dma_start3A_93 = tpu.memref_slice %arg2[%mul3A_91, %dma_start3A_92] : memref<655360x128xf32, #tpu.memory_space<hbm>> -> memref<128x128xf32, #tpu.memory_space<hbm>>
        %dma_start3A_94 = arith.constant 0 : i32
        %dma_start3A_95 = tpu.memref_slice %arg2[%mul3A_91, %dma_start3A_94] : memref<655360x128xf32, #tpu.memory_space<hbm>> -> memref<128x128xf32, #tpu.memory_space<hbm>>
        tpu.enqueue_dma source(%dma_start3A_95 : memref<128x128xf32, #tpu.memory_space<hbm>>) target(%arg8 : memref<128x128xf32, #tpu.memory_space<vmem>>) target_semaphore(%arg9 : memref<!tpu.dma_semaphore, #tpu.memory_space<semaphore_mem>>)
        %dma_wait3A_96 = arith.constant 0 : i32
        %dma_wait3A_97 = tpu.memref_slice %arg2[%mul3A_63, %dma_wait3A_96] : memref<655360x128xf32, #tpu.memory_space<hbm>> -> memref<128x128xf32, #tpu.memory_space<hbm>>
        %dma_wait3A_98 = arith.constant 0 : i32
        %dma_wait3A_99 = tpu.memref_slice %arg2[%mul3A_63, %dma_wait3A_98] : memref<655360x128xf32, #tpu.memory_space<hbm>> -> memref<128x128xf32, #tpu.memory_space<hbm>>
        tpu.wait_dma2 semaphore(%arg9 : memref<!tpu.dma_semaphore, #tpu.memory_space<semaphore_mem>>) src(%dma_wait3A_99 : memref<128x128xf32, #tpu.memory_space<hbm>>) dst(%arg7 : memref<128x128xf32, #tpu.memory_space<vmem>>)
        %dma_start3A_100 = arith.constant 2 : i32
        %dma_start3A_101 = arith.constant 0 : i32
        %dma_start3A_102 = tpu.memref_slice %arg6[%dma_start3A_100, %dma_start3A_101] : memref<8x128xi32, #tpu.memory_space<vmem>> -> memref<1x128xi32, #tpu.memory_space<vmem>>
        %dma_start3A_103 = tpu.memref_squeeze %dma_start3A_102 : memref<1x128xi32, #tpu.memory_space<vmem>> -> memref<128xi32, #tpu.memory_space<vmem>>
        %dma_start3A_104 = arith.constant 0 : i32
        %dma_start3A_105 = arith.constant 0 : i32
        %dma_start3A_106 = tpu.memref_slice %arg11[%dma_start3A_104, %dma_start3A_105] : memref<10240x128xf32, #tpu.memory_space<vmem_shared>> -> memref<10240x128xf32, #tpu.memory_space<vmem_shared>>
        tpu.enqueue_indirect_dma source(%arg7 : memref<128x128xf32, #tpu.memory_space<vmem>>) target(%dma_start3A_106 : memref<10240x128xf32, #tpu.memory_space<vmem_shared>>) offsets(%dma_start3A_103 : memref<128xi32, #tpu.memory_space<vmem>>) semaphore(%arg10 : memref<!tpu.dma_semaphore, #tpu.memory_space<semaphore_mem>>) {add = true}
        %dma_wait3A_107 = arith.constant 2 : i32
        %dma_wait3A_108 = arith.constant 0 : i32
        %dma_wait3A_109 = tpu.memref_slice %arg6[%dma_wait3A_107, %dma_wait3A_108] : memref<8x128xi32, #tpu.memory_space<vmem>> -> memref<1x128xi32, #tpu.memory_space<vmem>>
        %dma_wait3A_110 = tpu.memref_squeeze %dma_wait3A_109 : memref<1x128xi32, #tpu.memory_space<vmem>> -> memref<128xi32, #tpu.memory_space<vmem>>
        %dma_wait3A_111 = arith.constant 0 : i32
        %dma_wait3A_112 = arith.constant 0 : i32
        %dma_wait3A_113 = tpu.memref_slice %arg11[%dma_wait3A_111, %dma_wait3A_112] : memref<10240x128xf32, #tpu.memory_space<vmem_shared>> -> memref<10240x128xf32, #tpu.memory_space<vmem_shared>>
        tpu.wait_indirect_dma semaphore(%arg10 : memref<!tpu.dma_semaphore, #tpu.memory_space<semaphore_mem>>) src(%arg7 : memref<128x128xf32, #tpu.memory_space<vmem>>) dst(%dma_wait3A_113 : memref<10240x128xf32, #tpu.memory_space<vmem_shared>>)
        %add3A_114 = arith.constant 2 : i32
        %add3A_115 = arith.addi %add3A_25, %add3A_114 : i32
        %add3A_116 = arith.constant 2 : i32
        %add3A_117 = arith.addi %add3A_115, %add3A_116 : i32
        %mul3A_118 = arith.constant 128 : i32
        %mul3A_119 = arith.muli %add3A_117, %mul3A_118 : i32
        %dma_start3A_120 = arith.constant 0 : i32
        %dma_start3A_121 = tpu.memref_slice %arg2[%mul3A_119, %dma_start3A_120] : memref<655360x128xf32, #tpu.memory_space<hbm>> -> memref<128x128xf32, #tpu.memory_space<hbm>>
        %dma_start3A_122 = arith.constant 0 : i32
        %dma_start3A_123 = tpu.memref_slice %arg2[%mul3A_119, %dma_start3A_122] : memref<655360x128xf32, #tpu.memory_space<hbm>> -> memref<128x128xf32, #tpu.memory_space<hbm>>
        tpu.enqueue_dma source(%dma_start3A_123 : memref<128x128xf32, #tpu.memory_space<hbm>>) target(%arg7 : memref<128x128xf32, #tpu.memory_space<vmem>>) target_semaphore(%arg9 : memref<!tpu.dma_semaphore, #tpu.memory_space<semaphore_mem>>)
        %dma_wait3A_124 = arith.constant 0 : i32
        %dma_wait3A_125 = tpu.memref_slice %arg2[%mul3A_91, %dma_wait3A_124] : memref<655360x128xf32, #tpu.memory_space<hbm>> -> memref<128x128xf32, #tpu.memory_space<hbm>>
        %dma_wait3A_126 = arith.constant 0 : i32
        %dma_wait3A_127 = tpu.memref_slice %arg2[%mul3A_91, %dma_wait3A_126] : memref<655360x128xf32, #tpu.memory_space<hbm>> -> memref<128x128xf32, #tpu.memory_space<hbm>>
        tpu.wait_dma2 semaphore(%arg9 : memref<!tpu.dma_semaphore, #tpu.memory_space<semaphore_mem>>) src(%dma_wait3A_127 : memref<128x128xf32, #tpu.memory_space<hbm>>) dst(%arg8 : memref<128x128xf32, #tpu.memory_space<vmem>>)
        %dma_start3A_128 = arith.constant 3 : i32
        %dma_start3A_129 = arith.constant 0 : i32
        %dma_start3A_130 = tpu.memref_slice %arg6[%dma_start3A_128, %dma_start3A_129] : memref<8x128xi32, #tpu.memory_space<vmem>> -> memref<1x128xi32, #tpu.memory_space<vmem>>
        %dma_start3A_131 = tpu.memref_squeeze %dma_start3A_130 : memref<1x128xi32, #tpu.memory_space<vmem>> -> memref<128xi32, #tpu.memory_space<vmem>>
        %dma_start3A_132 = arith.constant 0 : i32
        %dma_start3A_133 = arith.constant 0 : i32
        %dma_start3A_134 = tpu.memref_slice %arg11[%dma_start3A_132, %dma_start3A_133] : memref<10240x128xf32, #tpu.memory_space<vmem_shared>> -> memref<10240x128xf32, #tpu.memory_space<vmem_shared>>
        tpu.enqueue_indirect_dma source(%arg8 : memref<128x128xf32, #tpu.memory_space<vmem>>) target(%dma_start3A_134 : memref<10240x128xf32, #tpu.memory_space<vmem_shared>>) offsets(%dma_start3A_131 : memref<128xi32, #tpu.memory_space<vmem>>) semaphore(%arg10 : memref<!tpu.dma_semaphore, #tpu.memory_space<semaphore_mem>>) {add = true}
        %dma_wait3A_135 = arith.constant 3 : i32
        %dma_wait3A_136 = arith.constant 0 : i32
        %dma_wait3A_137 = tpu.memref_slice %arg6[%dma_wait3A_135, %dma_wait3A_136] : memref<8x128xi32, #tpu.memory_space<vmem>> -> memref<1x128xi32, #tpu.memory_space<vmem>>
        %dma_wait3A_138 = tpu.memref_squeeze %dma_wait3A_137 : memref<1x128xi32, #tpu.memory_space<vmem>> -> memref<128xi32, #tpu.memory_space<vmem>>
        %dma_wait3A_139 = arith.constant 0 : i32
        %dma_wait3A_140 = arith.constant 0 : i32
        %dma_wait3A_141 = tpu.memref_slice %arg11[%dma_wait3A_139, %dma_wait3A_140] : memref<10240x128xf32, #tpu.memory_space<vmem_shared>> -> memref<10240x128xf32, #tpu.memory_space<vmem_shared>>
        tpu.wait_indirect_dma semaphore(%arg10 : memref<!tpu.dma_semaphore, #tpu.memory_space<semaphore_mem>>) src(%arg8 : memref<128x128xf32, #tpu.memory_space<vmem>>) dst(%dma_wait3A_141 : memref<10240x128xf32, #tpu.memory_space<vmem_shared>>)
        %add3A_142 = arith.constant 3 : i32
        %add3A_143 = arith.addi %add3A_25, %add3A_142 : i32
        %add3A_144 = arith.constant 2 : i32
        %add3A_145 = arith.addi %add3A_143, %add3A_144 : i32
        %mul3A_146 = arith.constant 128 : i32
        %mul3A_147 = arith.muli %add3A_145, %mul3A_146 : i32
        %dma_start3A_148 = arith.constant 0 : i32
        %dma_start3A_149 = tpu.memref_slice %arg2[%mul3A_147, %dma_start3A_148] : memref<655360x128xf32, #tpu.memory_space<hbm>> -> memref<128x128xf32, #tpu.memory_space<hbm>>
        %dma_start3A_150 = arith.constant 0 : i32
        %dma_start3A_151 = tpu.memref_slice %arg2[%mul3A_147, %dma_start3A_150] : memref<655360x128xf32, #tpu.memory_space<hbm>> -> memref<128x128xf32, #tpu.memory_space<hbm>>
        tpu.enqueue_dma source(%dma_start3A_151 : memref<128x128xf32, #tpu.memory_space<hbm>>) target(%arg8 : memref<128x128xf32, #tpu.memory_space<vmem>>) target_semaphore(%arg9 : memref<!tpu.dma_semaphore, #tpu.memory_space<semaphore_mem>>)
        %dma_wait3A_152 = arith.constant 0 : i32
        %dma_wait3A_153 = tpu.memref_slice %arg2[%mul3A_119, %dma_wait3A_152] : memref<655360x128xf32, #tpu.memory_space<hbm>> -> memref<128x128xf32, #tpu.memory_space<hbm>>
        %dma_wait3A_154 = arith.constant 0 : i32
        %dma_wait3A_155 = tpu.memref_slice %arg2[%mul3A_119, %dma_wait3A_154] : memref<655360x128xf32, #tpu.memory_space<hbm>> -> memref<128x128xf32, #tpu.memory_space<hbm>>
        tpu.wait_dma2 semaphore(%arg9 : memref<!tpu.dma_semaphore, #tpu.memory_space<semaphore_mem>>) src(%dma_wait3A_155 : memref<128x128xf32, #tpu.memory_space<hbm>>) dst(%arg7 : memref<128x128xf32, #tpu.memory_space<vmem>>)
        %dma_start3A_156 = arith.constant 4 : i32
        %dma_start3A_157 = arith.constant 0 : i32
        %dma_start3A_158 = tpu.memref_slice %arg6[%dma_start3A_156, %dma_start3A_157] : memref<8x128xi32, #tpu.memory_space<vmem>> -> memref<1x128xi32, #tpu.memory_space<vmem>>
        %dma_start3A_159 = tpu.memref_squeeze %dma_start3A_158 : memref<1x128xi32, #tpu.memory_space<vmem>> -> memref<128xi32, #tpu.memory_space<vmem>>
        %dma_start3A_160 = arith.constant 0 : i32
        %dma_start3A_161 = arith.constant 0 : i32
        %dma_start3A_162 = tpu.memref_slice %arg11[%dma_start3A_160, %dma_start3A_161] : memref<10240x128xf32, #tpu.memory_space<vmem_shared>> -> memref<10240x128xf32, #tpu.memory_space<vmem_shared>>
        tpu.enqueue_indirect_dma source(%arg7 : memref<128x128xf32, #tpu.memory_space<vmem>>) target(%dma_start3A_162 : memref<10240x128xf32, #tpu.memory_space<vmem_shared>>) offsets(%dma_start3A_159 : memref<128xi32, #tpu.memory_space<vmem>>) semaphore(%arg10 : memref<!tpu.dma_semaphore, #tpu.memory_space<semaphore_mem>>) {add = true}
        %dma_wait3A_163 = arith.constant 4 : i32
        %dma_wait3A_164 = arith.constant 0 : i32
        %dma_wait3A_165 = tpu.memref_slice %arg6[%dma_wait3A_163, %dma_wait3A_164] : memref<8x128xi32, #tpu.memory_space<vmem>> -> memref<1x128xi32, #tpu.memory_space<vmem>>
        %dma_wait3A_166 = tpu.memref_squeeze %dma_wait3A_165 : memref<1x128xi32, #tpu.memory_space<vmem>> -> memref<128xi32, #tpu.memory_space<vmem>>
        %dma_wait3A_167 = arith.constant 0 : i32
        %dma_wait3A_168 = arith.constant 0 : i32
        %dma_wait3A_169 = tpu.memref_slice %arg11[%dma_wait3A_167, %dma_wait3A_168] : memref<10240x128xf32, #tpu.memory_space<vmem_shared>> -> memref<10240x128xf32, #tpu.memory_space<vmem_shared>>
        tpu.wait_indirect_dma semaphore(%arg10 : memref<!tpu.dma_semaphore, #tpu.memory_space<semaphore_mem>>) src(%arg7 : memref<128x128xf32, #tpu.memory_space<vmem>>) dst(%dma_wait3A_169 : memref<10240x128xf32, #tpu.memory_space<vmem_shared>>)
        %add3A_170 = arith.constant 4 : i32
        %add3A_171 = arith.addi %add3A_25, %add3A_170 : i32
        %add3A_172 = arith.constant 2 : i32
        %add3A_173 = arith.addi %add3A_171, %add3A_172 : i32
        %mul3A_174 = arith.constant 128 : i32
        %mul3A_175 = arith.muli %add3A_173, %mul3A_174 : i32
        %dma_start3A_176 = arith.constant 0 : i32
        %dma_start3A_177 = tpu.memref_slice %arg2[%mul3A_175, %dma_start3A_176] : memref<655360x128xf32, #tpu.memory_space<hbm>> -> memref<128x128xf32, #tpu.memory_space<hbm>>
        %dma_start3A_178 = arith.constant 0 : i32
        %dma_start3A_179 = tpu.memref_slice %arg2[%mul3A_175, %dma_start3A_178] : memref<655360x128xf32, #tpu.memory_space<hbm>> -> memref<128x128xf32, #tpu.memory_space<hbm>>
        tpu.enqueue_dma source(%dma_start3A_179 : memref<128x128xf32, #tpu.memory_space<hbm>>) target(%arg7 : memref<128x128xf32, #tpu.memory_space<vmem>>) target_semaphore(%arg9 : memref<!tpu.dma_semaphore, #tpu.memory_space<semaphore_mem>>)
        %dma_wait3A_180 = arith.constant 0 : i32
        %dma_wait3A_181 = tpu.memref_slice %arg2[%mul3A_147, %dma_wait3A_180] : memref<655360x128xf32, #tpu.memory_space<hbm>> -> memref<128x128xf32, #tpu.memory_space<hbm>>
        %dma_wait3A_182 = arith.constant 0 : i32
        %dma_wait3A_183 = tpu.memref_slice %arg2[%mul3A_147, %dma_wait3A_182] : memref<655360x128xf32, #tpu.memory_space<hbm>> -> memref<128x128xf32, #tpu.memory_space<hbm>>
        tpu.wait_dma2 semaphore(%arg9 : memref<!tpu.dma_semaphore, #tpu.memory_space<semaphore_mem>>) src(%dma_wait3A_183 : memref<128x128xf32, #tpu.memory_space<hbm>>) dst(%arg8 : memref<128x128xf32, #tpu.memory_space<vmem>>)
        %dma_start3A_184 = arith.constant 5 : i32
        %dma_start3A_185 = arith.constant 0 : i32
        %dma_start3A_186 = tpu.memref_slice %arg6[%dma_start3A_184, %dma_start3A_185] : memref<8x128xi32, #tpu.memory_space<vmem>> -> memref<1x128xi32, #tpu.memory_space<vmem>>
        %dma_start3A_187 = tpu.memref_squeeze %dma_start3A_186 : memref<1x128xi32, #tpu.memory_space<vmem>> -> memref<128xi32, #tpu.memory_space<vmem>>
        %dma_start3A_188 = arith.constant 0 : i32
        %dma_start3A_189 = arith.constant 0 : i32
        %dma_start3A_190 = tpu.memref_slice %arg11[%dma_start3A_188, %dma_start3A_189] : memref<10240x128xf32, #tpu.memory_space<vmem_shared>> -> memref<10240x128xf32, #tpu.memory_space<vmem_shared>>
        tpu.enqueue_indirect_dma source(%arg8 : memref<128x128xf32, #tpu.memory_space<vmem>>) target(%dma_start3A_190 : memref<10240x128xf32, #tpu.memory_space<vmem_shared>>) offsets(%dma_start3A_187 : memref<128xi32, #tpu.memory_space<vmem>>) semaphore(%arg10 : memref<!tpu.dma_semaphore, #tpu.memory_space<semaphore_mem>>) {add = true}
        %dma_wait3A_191 = arith.constant 5 : i32
        %dma_wait3A_192 = arith.constant 0 : i32
        %dma_wait3A_193 = tpu.memref_slice %arg6[%dma_wait3A_191, %dma_wait3A_192] : memref<8x128xi32, #tpu.memory_space<vmem>> -> memref<1x128xi32, #tpu.memory_space<vmem>>
        %dma_wait3A_194 = tpu.memref_squeeze %dma_wait3A_193 : memref<1x128xi32, #tpu.memory_space<vmem>> -> memref<128xi32, #tpu.memory_space<vmem>>
        %dma_wait3A_195 = arith.constant 0 : i32
        %dma_wait3A_196 = arith.constant 0 : i32
        %dma_wait3A_197 = tpu.memref_slice %arg11[%dma_wait3A_195, %dma_wait3A_196] : memref<10240x128xf32, #tpu.memory_space<vmem_shared>> -> memref<10240x128xf32, #tpu.memory_space<vmem_shared>>
        tpu.wait_indirect_dma semaphore(%arg10 : memref<!tpu.dma_semaphore, #tpu.memory_space<semaphore_mem>>) src(%arg8 : memref<128x128xf32, #tpu.memory_space<vmem>>) dst(%dma_wait3A_197 : memref<10240x128xf32, #tpu.memory_space<vmem_shared>>)
        %add3A_198 = arith.constant 5 : i32
        %add3A_199 = arith.addi %add3A_25, %add3A_198 : i32
        %add3A_200 = arith.constant 2 : i32
        %add3A_201 = arith.addi %add3A_199, %add3A_200 : i32
        %mul3A_202 = arith.constant 128 : i32
        %mul3A_203 = arith.muli %add3A_201, %mul3A_202 : i32
        %dma_start3A_204 = arith.constant 0 : i32
        %dma_start3A_205 = tpu.memref_slice %arg2[%mul3A_203, %dma_start3A_204] : memref<655360x128xf32, #tpu.memory_space<hbm>> -> memref<128x128xf32, #tpu.memory_space<hbm>>
        %dma_start3A_206 = arith.constant 0 : i32
        %dma_start3A_207 = tpu.memref_slice %arg2[%mul3A_203, %dma_start3A_206] : memref<655360x128xf32, #tpu.memory_space<hbm>> -> memref<128x128xf32, #tpu.memory_space<hbm>>
        tpu.enqueue_dma source(%dma_start3A_207 : memref<128x128xf32, #tpu.memory_space<hbm>>) target(%arg8 : memref<128x128xf32, #tpu.memory_space<vmem>>) target_semaphore(%arg9 : memref<!tpu.dma_semaphore, #tpu.memory_space<semaphore_mem>>)
        %dma_wait3A_208 = arith.constant 0 : i32
        %dma_wait3A_209 = tpu.memref_slice %arg2[%mul3A_175, %dma_wait3A_208] : memref<655360x128xf32, #tpu.memory_space<hbm>> -> memref<128x128xf32, #tpu.memory_space<hbm>>
        %dma_wait3A_210 = arith.constant 0 : i32
        %dma_wait3A_211 = tpu.memref_slice %arg2[%mul3A_175, %dma_wait3A_210] : memref<655360x128xf32, #tpu.memory_space<hbm>> -> memref<128x128xf32, #tpu.memory_space<hbm>>
        tpu.wait_dma2 semaphore(%arg9 : memref<!tpu.dma_semaphore, #tpu.memory_space<semaphore_mem>>) src(%dma_wait3A_211 : memref<128x128xf32, #tpu.memory_space<hbm>>) dst(%arg7 : memref<128x128xf32, #tpu.memory_space<vmem>>)
        %dma_start3A_212 = arith.constant 6 : i32
        %dma_start3A_213 = arith.constant 0 : i32
        %dma_start3A_214 = tpu.memref_slice %arg6[%dma_start3A_212, %dma_start3A_213] : memref<8x128xi32, #tpu.memory_space<vmem>> -> memref<1x128xi32, #tpu.memory_space<vmem>>
        %dma_start3A_215 = tpu.memref_squeeze %dma_start3A_214 : memref<1x128xi32, #tpu.memory_space<vmem>> -> memref<128xi32, #tpu.memory_space<vmem>>
        %dma_start3A_216 = arith.constant 0 : i32
        %dma_start3A_217 = arith.constant 0 : i32
        %dma_start3A_218 = tpu.memref_slice %arg11[%dma_start3A_216, %dma_start3A_217] : memref<10240x128xf32, #tpu.memory_space<vmem_shared>> -> memref<10240x128xf32, #tpu.memory_space<vmem_shared>>
        tpu.enqueue_indirect_dma source(%arg7 : memref<128x128xf32, #tpu.memory_space<vmem>>) target(%dma_start3A_218 : memref<10240x128xf32, #tpu.memory_space<vmem_shared>>) offsets(%dma_start3A_215 : memref<128xi32, #tpu.memory_space<vmem>>) semaphore(%arg10 : memref<!tpu.dma_semaphore, #tpu.memory_space<semaphore_mem>>) {add = true}
        %dma_wait3A_219 = arith.constant 0 : i32
        %dma_wait3A_220 = tpu.memref_slice %arg2[%mul3A_203, %dma_wait3A_219] : memref<655360x128xf32, #tpu.memory_space<hbm>> -> memref<128x128xf32, #tpu.memory_space<hbm>>
        %dma_wait3A_221 = arith.constant 0 : i32
        %dma_wait3A_222 = tpu.memref_slice %arg2[%mul3A_203, %dma_wait3A_221] : memref<655360x128xf32, #tpu.memory_space<hbm>> -> memref<128x128xf32, #tpu.memory_space<hbm>>
        tpu.wait_dma2 semaphore(%arg9 : memref<!tpu.dma_semaphore, #tpu.memory_space<semaphore_mem>>) src(%dma_wait3A_222 : memref<128x128xf32, #tpu.memory_space<hbm>>) dst(%arg8 : memref<128x128xf32, #tpu.memory_space<vmem>>)
        %dma_start3A_223 = arith.constant 7 : i32
        %dma_start3A_224 = arith.constant 0 : i32
        %dma_start3A_225 = tpu.memref_slice %arg6[%dma_start3A_223, %dma_start3A_224] : memref<8x128xi32, #tpu.memory_space<vmem>> -> memref<1x128xi32, #tpu.memory_space<vmem>>
        %dma_start3A_226 = tpu.memref_squeeze %dma_start3A_225 : memref<1x128xi32, #tpu.memory_space<vmem>> -> memref<128xi32, #tpu.memory_space<vmem>>
        %dma_start3A_227 = arith.constant 0 : i32
        %dma_start3A_228 = arith.constant 0 : i32
        %dma_start3A_229 = tpu.memref_slice %arg11[%dma_start3A_227, %dma_start3A_228] : memref<10240x128xf32, #tpu.memory_space<vmem_shared>> -> memref<10240x128xf32, #tpu.memory_space<vmem_shared>>
        tpu.enqueue_indirect_dma source(%arg8 : memref<128x128xf32, #tpu.memory_space<vmem>>) target(%dma_start3A_229 : memref<10240x128xf32, #tpu.memory_space<vmem_shared>>) offsets(%dma_start3A_226 : memref<128xi32, #tpu.memory_space<vmem>>) semaphore(%arg10 : memref<!tpu.dma_semaphore, #tpu.memory_space<semaphore_mem>>) {add = true}
        %dma_wait3A_230 = arith.constant 6 : i32
        %dma_wait3A_231 = arith.constant 0 : i32
        %dma_wait3A_232 = tpu.memref_slice %arg6[%dma_wait3A_230, %dma_wait3A_231] : memref<8x128xi32, #tpu.memory_space<vmem>> -> memref<1x128xi32, #tpu.memory_space<vmem>>
        %dma_wait3A_233 = tpu.memref_squeeze %dma_wait3A_232 : memref<1x128xi32, #tpu.memory_space<vmem>> -> memref<128xi32, #tpu.memory_space<vmem>>
        %dma_wait3A_234 = arith.constant 0 : i32
        %dma_wait3A_235 = arith.constant 0 : i32
        %dma_wait3A_236 = tpu.memref_slice %arg11[%dma_wait3A_234, %dma_wait3A_235] : memref<10240x128xf32, #tpu.memory_space<vmem_shared>> -> memref<10240x128xf32, #tpu.memory_space<vmem_shared>>
        tpu.wait_indirect_dma semaphore(%arg10 : memref<!tpu.dma_semaphore, #tpu.memory_space<semaphore_mem>>) src(%arg7 : memref<128x128xf32, #tpu.memory_space<vmem>>) dst(%dma_wait3A_236 : memref<10240x128xf32, #tpu.memory_space<vmem_shared>>)
        %dma_wait3A_237 = arith.constant 7 : i32
        %dma_wait3A_238 = arith.constant 0 : i32
        %dma_wait3A_239 = tpu.memref_slice %arg6[%dma_wait3A_237, %dma_wait3A_238] : memref<8x128xi32, #tpu.memory_space<vmem>> -> memref<1x128xi32, #tpu.memory_space<vmem>>
        %dma_wait3A_240 = tpu.memref_squeeze %dma_wait3A_239 : memref<1x128xi32, #tpu.memory_space<vmem>> -> memref<128xi32, #tpu.memory_space<vmem>>
        %dma_wait3A_241 = arith.constant 0 : i32
        %dma_wait3A_242 = arith.constant 0 : i32
        %dma_wait3A_243 = tpu.memref_slice %arg11[%dma_wait3A_241, %dma_wait3A_242] : memref<10240x128xf32, #tpu.memory_space<vmem_shared>> -> memref<10240x128xf32, #tpu.memory_space<vmem_shared>>
        tpu.wait_indirect_dma semaphore(%arg10 : memref<!tpu.dma_semaphore, #tpu.memory_space<semaphore_mem>>) src(%arg8 : memref<128x128xf32, #tpu.memory_space<vmem>>) dst(%dma_wait3A_243 : memref<10240x128xf32, #tpu.memory_space<vmem_shared>>)
      }
      %scan3A_21 = arith.constant 20 : i32
    } else {
    }
    %barrier3A_9 = arith.constant 0 : index
    tpu.barrier barrier_id(%barrier3A_9)
    %mul3A_10 = arith.constant 640 : i32
    %mul3A_11 = arith.muli %arg1, %mul3A_10 : i32
    %mul3A_12 = arith.constant 10240 : i32
    %mul3A_13 = arith.muli %arg0, %mul3A_12 : i32
    %mul3A_14 = arith.constant 640 : i32
    %mul3A_15 = arith.muli %arg1, %mul3A_14 : i32
    %add3A_16 = arith.addi %mul3A_13, %mul3A_15 : i32
    "tpu.region"() ({
      %run_scoped3A = tpu.sem_alloc : memref<!tpu.dma_semaphore, #tpu.memory_space<semaphore_mem>>
      %dma_start3A = arith.constant 0 : i32
      %dma_start3A_17 = tpu.memref_slice %arg5[%add3A_16, %dma_start3A] : memref<20480x128xf32, #tpu.memory_space<hbm>> -> memref<640x128xf32, #tpu.memory_space<hbm>>
      %dma_start3A_18 = arith.constant 0 : i32
      %dma_start3A_19 = tpu.memref_slice %arg11[%mul3A_11, %dma_start3A_18] : memref<10240x128xf32, #tpu.memory_space<vmem_shared>> -> memref<640x128xf32, #tpu.memory_space<vmem_shared>>
      tpu.enqueue_dma source(%dma_start3A_19 : memref<640x128xf32, #tpu.memory_space<vmem_shared>>) target(%dma_start3A_17 : memref<640x128xf32, #tpu.memory_space<hbm>>) target_semaphore(%run_scoped3A : memref<!tpu.dma_semaphore, #tpu.memory_space<semaphore_mem>>)
      %dma_wait3A = arith.constant 0 : i32
      %dma_wait3A_20 = tpu.memref_slice %arg5[%add3A_16, %dma_wait3A] : memref<20480x128xf32, #tpu.memory_space<hbm>> -> memref<640x128xf32, #tpu.memory_space<hbm>>
      %dma_wait3A_21 = arith.constant 0 : i32
      %dma_wait3A_22 = tpu.memref_slice %arg11[%mul3A_11, %dma_wait3A_21] : memref<10240x128xf32, #tpu.memory_space<vmem_shared>> -> memref<640x128xf32, #tpu.memory_space<vmem_shared>>
      tpu.wait_dma2 semaphore(%run_scoped3A : memref<!tpu.dma_semaphore, #tpu.memory_space<semaphore_mem>>) src(%dma_wait3A_22 : memref<640x128xf32, #tpu.memory_space<vmem_shared>>) dst(%dma_wait3A_20 : memref<640x128xf32, #tpu.memory_space<hbm>>)
      tpu.yield
    }) : () -> ()
    return
  }
}

#map = affine_map<(d0, d1) -> (0, 0)>
module attributes {stable_mosaic.version = 14 : i64} {
  func.func @k(%arg0: i32, %arg1: i32, %arg2: memref<20480x128xf32, #tpu.memory_space<hbm>>, %arg3: memref<160x128xi32, #tpu.memory_space<hbm>>, %arg4: memref<128x128xf32, #tpu.memory_space<hbm>>, %arg5: memref<256x128xf32, #tpu.memory_space<hbm>>, %arg6: memref<8x128xi32, #tpu.memory_space<vmem>>, %arg7: memref<128x128xf32, #tpu.memory_space<vmem>>, %arg8: memref<128x128xf32, #tpu.memory_space<vmem>>, %arg9: memref<!tpu.dma_semaphore, #tpu.memory_space<semaphore_mem>>, %arg10: memref<!tpu.dma_semaphore, #tpu.memory_space<semaphore_mem>>, %arg11: memref<128x128xf32, #tpu.memory_space<vmem_shared>>) attributes {dimension_semantics = [#tpu.dimension_semantics<core_parallel>, #tpu.dimension_semantics<subcore_parallel>], iteration_bounds = array<i64: 2, 16>, scalar_prefetch = 0 : i64, scratch_operands = 6 : i64, tpu.core_type = #tpu.core_type<sc_vector_subcore>, window_params = [{transform_indices = #map}, {transform_indices = #map}, {transform_indices = #map}, {transform_indices = #map}]} {
    %mul3A = arith.constant 8 : i32
    %mul3A_0 = arith.muli %arg1, %mul3A : i32
    %mul3A_1 = arith.constant 8 : i32
    %mul3A_2 = arith.muli %arg1, %mul3A_1 : i32
    "tpu.region"() ({
      %run_scoped3A = tpu.sem_alloc : memref<!tpu.dma_semaphore, #tpu.memory_space<semaphore_mem>>
      %dma_start3A = arith.constant 0 : i32
      %dma_start3A_17 = tpu.memref_slice %arg11[%mul3A_2, %dma_start3A] : memref<128x128xf32, #tpu.memory_space<vmem_shared>> -> memref<8x128xf32, #tpu.memory_space<vmem_shared>>
      %dma_start3A_18 = arith.constant 0 : i32
      %dma_start3A_19 = tpu.memref_slice %arg4[%mul3A_0, %dma_start3A_18] : memref<128x128xf32, #tpu.memory_space<hbm>> -> memref<8x128xf32, #tpu.memory_space<hbm>>
      tpu.enqueue_dma source(%dma_start3A_19 : memref<8x128xf32, #tpu.memory_space<hbm>>) target(%dma_start3A_17 : memref<8x128xf32, #tpu.memory_space<vmem_shared>>) target_semaphore(%run_scoped3A : memref<!tpu.dma_semaphore, #tpu.memory_space<semaphore_mem>>)
      %dma_wait3A = arith.constant 0 : i32
      %dma_wait3A_20 = tpu.memref_slice %arg11[%mul3A_2, %dma_wait3A] : memref<128x128xf32, #tpu.memory_space<vmem_shared>> -> memref<8x128xf32, #tpu.memory_space<vmem_shared>>
      %dma_wait3A_21 = arith.constant 0 : i32
      %dma_wait3A_22 = tpu.memref_slice %arg4[%mul3A_0, %dma_wait3A_21] : memref<128x128xf32, #tpu.memory_space<hbm>> -> memref<8x128xf32, #tpu.memory_space<hbm>>
      tpu.wait_dma2 semaphore(%run_scoped3A : memref<!tpu.dma_semaphore, #tpu.memory_space<semaphore_mem>>) src(%dma_wait3A_22 : memref<8x128xf32, #tpu.memory_space<hbm>>) dst(%dma_wait3A_20 : memref<8x128xf32, #tpu.memory_space<vmem_shared>>)
      tpu.yield
    }) : () -> ()
    %barrier3A = arith.constant 0 : index
    tpu.barrier barrier_id(%barrier3A)
    %mul3A_3 = arith.constant 10 : i32
    %mul3A_4 = arith.muli %arg0, %mul3A_3 : i32
    %add3A = arith.addi %mul3A_4, %arg1 : i32
    %mul3A_5 = arith.constant 8 : i32
    %mul3A_6 = arith.muli %add3A, %mul3A_5 : i32
    %lt3A = arith.constant 10 : i32
    %lt3A_7 = arith.cmpi slt, %arg1, %lt3A : i32
    %convert_element_type3A = arith.extui %lt3A_7 : i1 to i32
    %cond3A = arith.constant 0 : i32
    %cond3A_8 = arith.cmpi ne, %convert_element_type3A, %cond3A : i32
    scf.if %cond3A_8 {
      %scan3A = arith.constant 0 : i32
      %scan3A_17 = arith.constant 0 : i32
      %mul3A_18 = arith.constant 8 : i32
      %mul3A_19 = arith.muli %scan3A_17, %mul3A_18 : i32
      %add3A_20 = arith.addi %mul3A_6, %mul3A_19 : i32
      "tpu.region"() ({
        %run_scoped3A = tpu.sem_alloc : memref<!tpu.dma_semaphore, #tpu.memory_space<semaphore_mem>>
        %dma_start3A_240 = arith.constant 0 : i32
        %dma_start3A_241 = tpu.memref_slice %arg3[%add3A_20, %dma_start3A_240] : memref<160x128xi32, #tpu.memory_space<hbm>> -> memref<8x128xi32, #tpu.memory_space<hbm>>
        %dma_start3A_242 = arith.constant 0 : i32
        %dma_start3A_243 = tpu.memref_slice %arg3[%add3A_20, %dma_start3A_242] : memref<160x128xi32, #tpu.memory_space<hbm>> -> memref<8x128xi32, #tpu.memory_space<hbm>>
        tpu.enqueue_dma source(%dma_start3A_243 : memref<8x128xi32, #tpu.memory_space<hbm>>) target(%arg6 : memref<8x128xi32, #tpu.memory_space<vmem>>) target_semaphore(%run_scoped3A : memref<!tpu.dma_semaphore, #tpu.memory_space<semaphore_mem>>)
        %dma_wait3A_244 = arith.constant 0 : i32
        %dma_wait3A_245 = tpu.memref_slice %arg3[%add3A_20, %dma_wait3A_244] : memref<160x128xi32, #tpu.memory_space<hbm>> -> memref<8x128xi32, #tpu.memory_space<hbm>>
        %dma_wait3A_246 = arith.constant 0 : i32
        %dma_wait3A_247 = tpu.memref_slice %arg3[%add3A_20, %dma_wait3A_246] : memref<160x128xi32, #tpu.memory_space<hbm>> -> memref<8x128xi32, #tpu.memory_space<hbm>>
        tpu.wait_dma2 semaphore(%run_scoped3A : memref<!tpu.dma_semaphore, #tpu.memory_space<semaphore_mem>>) src(%dma_wait3A_247 : memref<8x128xi32, #tpu.memory_space<hbm>>) dst(%arg6 : memref<8x128xi32, #tpu.memory_space<vmem>>)
        tpu.yield
      }) : () -> ()
      %add3A_21 = arith.constant 0 : i32
      %add3A_22 = arith.addi %add3A_20, %add3A_21 : i32
      %mul3A_23 = arith.constant 128 : i32
      %mul3A_24 = arith.muli %add3A_22, %mul3A_23 : i32
      %dma_start3A = arith.constant 0 : i32
      %dma_start3A_25 = tpu.memref_slice %arg2[%mul3A_24, %dma_start3A] : memref<20480x128xf32, #tpu.memory_space<hbm>> -> memref<128x128xf32, #tpu.memory_space<hbm>>
      %dma_start3A_26 = arith.constant 0 : i32
      %dma_start3A_27 = tpu.memref_slice %arg2[%mul3A_24, %dma_start3A_26] : memref<20480x128xf32, #tpu.memory_space<hbm>> -> memref<128x128xf32, #tpu.memory_space<hbm>>
      tpu.enqueue_dma source(%dma_start3A_27 : memref<128x128xf32, #tpu.memory_space<hbm>>) target(%arg7 : memref<128x128xf32, #tpu.memory_space<vmem>>) target_semaphore(%arg9 : memref<!tpu.dma_semaphore, #tpu.memory_space<semaphore_mem>>)
      %add3A_28 = arith.constant 1 : i32
      %add3A_29 = arith.addi %add3A_20, %add3A_28 : i32
      %mul3A_30 = arith.constant 128 : i32
      %mul3A_31 = arith.muli %add3A_29, %mul3A_30 : i32
      %dma_start3A_32 = arith.constant 0 : i32
      %dma_start3A_33 = tpu.memref_slice %arg2[%mul3A_31, %dma_start3A_32] : memref<20480x128xf32, #tpu.memory_space<hbm>> -> memref<128x128xf32, #tpu.memory_space<hbm>>
      %dma_start3A_34 = arith.constant 0 : i32
      %dma_start3A_35 = tpu.memref_slice %arg2[%mul3A_31, %dma_start3A_34] : memref<20480x128xf32, #tpu.memory_space<hbm>> -> memref<128x128xf32, #tpu.memory_space<hbm>>
      tpu.enqueue_dma source(%dma_start3A_35 : memref<128x128xf32, #tpu.memory_space<hbm>>) target(%arg8 : memref<128x128xf32, #tpu.memory_space<vmem>>) target_semaphore(%arg9 : memref<!tpu.dma_semaphore, #tpu.memory_space<semaphore_mem>>)
      %dma_wait3A = arith.constant 0 : i32
      %dma_wait3A_36 = tpu.memref_slice %arg2[%mul3A_24, %dma_wait3A] : memref<20480x128xf32, #tpu.memory_space<hbm>> -> memref<128x128xf32, #tpu.memory_space<hbm>>
      %dma_wait3A_37 = arith.constant 0 : i32
      %dma_wait3A_38 = tpu.memref_slice %arg2[%mul3A_24, %dma_wait3A_37] : memref<20480x128xf32, #tpu.memory_space<hbm>> -> memref<128x128xf32, #tpu.memory_space<hbm>>
      tpu.wait_dma2 semaphore(%arg9 : memref<!tpu.dma_semaphore, #tpu.memory_space<semaphore_mem>>) src(%dma_wait3A_38 : memref<128x128xf32, #tpu.memory_space<hbm>>) dst(%arg7 : memref<128x128xf32, #tpu.memory_space<vmem>>)
      %dma_start3A_39 = arith.constant 0 : i32
      %dma_start3A_40 = arith.constant 0 : i32
      %dma_start3A_41 = tpu.memref_slice %arg6[%dma_start3A_39, %dma_start3A_40] : memref<8x128xi32, #tpu.memory_space<vmem>> -> memref<1x128xi32, #tpu.memory_space<vmem>>
      %dma_start3A_42 = tpu.memref_squeeze %dma_start3A_41 : memref<1x128xi32, #tpu.memory_space<vmem>> -> memref<128xi32, #tpu.memory_space<vmem>>
      %dma_start3A_43 = arith.constant 0 : i32
      %dma_start3A_44 = arith.constant 0 : i32
      %dma_start3A_45 = tpu.memref_slice %arg11[%dma_start3A_43, %dma_start3A_44] : memref<128x128xf32, #tpu.memory_space<vmem_shared>> -> memref<128x128xf32, #tpu.memory_space<vmem_shared>>
      tpu.enqueue_indirect_dma source(%arg7 : memref<128x128xf32, #tpu.memory_space<vmem>>) target(%dma_start3A_45 : memref<128x128xf32, #tpu.memory_space<vmem_shared>>) offsets(%dma_start3A_42 : memref<128xi32, #tpu.memory_space<vmem>>) semaphore(%arg10 : memref<!tpu.dma_semaphore, #tpu.memory_space<semaphore_mem>>) {add = true}
      %dma_wait3A_46 = arith.constant 0 : i32
      %dma_wait3A_47 = arith.constant 0 : i32
      %dma_wait3A_48 = tpu.memref_slice %arg6[%dma_wait3A_46, %dma_wait3A_47] : memref<8x128xi32, #tpu.memory_space<vmem>> -> memref<1x128xi32, #tpu.memory_space<vmem>>
      %dma_wait3A_49 = tpu.memref_squeeze %dma_wait3A_48 : memref<1x128xi32, #tpu.memory_space<vmem>> -> memref<128xi32, #tpu.memory_space<vmem>>
      %dma_wait3A_50 = arith.constant 0 : i32
      %dma_wait3A_51 = arith.constant 0 : i32
      %dma_wait3A_52 = tpu.memref_slice %arg11[%dma_wait3A_50, %dma_wait3A_51] : memref<128x128xf32, #tpu.memory_space<vmem_shared>> -> memref<128x128xf32, #tpu.memory_space<vmem_shared>>
      tpu.wait_indirect_dma semaphore(%arg10 : memref<!tpu.dma_semaphore, #tpu.memory_space<semaphore_mem>>) src(%arg7 : memref<128x128xf32, #tpu.memory_space<vmem>>) dst(%dma_wait3A_52 : memref<128x128xf32, #tpu.memory_space<vmem_shared>>)
      %add3A_53 = arith.constant 0 : i32
      %add3A_54 = arith.addi %add3A_20, %add3A_53 : i32
      %add3A_55 = arith.constant 2 : i32
      %add3A_56 = arith.addi %add3A_54, %add3A_55 : i32
      %mul3A_57 = arith.constant 128 : i32
      %mul3A_58 = arith.muli %add3A_56, %mul3A_57 : i32
      %dma_start3A_59 = arith.constant 0 : i32
      %dma_start3A_60 = tpu.memref_slice %arg2[%mul3A_58, %dma_start3A_59] : memref<20480x128xf32, #tpu.memory_space<hbm>> -> memref<128x128xf32, #tpu.memory_space<hbm>>
      %dma_start3A_61 = arith.constant 0 : i32
      %dma_start3A_62 = tpu.memref_slice %arg2[%mul3A_58, %dma_start3A_61] : memref<20480x128xf32, #tpu.memory_space<hbm>> -> memref<128x128xf32, #tpu.memory_space<hbm>>
      tpu.enqueue_dma source(%dma_start3A_62 : memref<128x128xf32, #tpu.memory_space<hbm>>) target(%arg7 : memref<128x128xf32, #tpu.memory_space<vmem>>) target_semaphore(%arg9 : memref<!tpu.dma_semaphore, #tpu.memory_space<semaphore_mem>>)
      %dma_wait3A_63 = arith.constant 0 : i32
      %dma_wait3A_64 = tpu.memref_slice %arg2[%mul3A_31, %dma_wait3A_63] : memref<20480x128xf32, #tpu.memory_space<hbm>> -> memref<128x128xf32, #tpu.memory_space<hbm>>
      %dma_wait3A_65 = arith.constant 0 : i32
      %dma_wait3A_66 = tpu.memref_slice %arg2[%mul3A_31, %dma_wait3A_65] : memref<20480x128xf32, #tpu.memory_space<hbm>> -> memref<128x128xf32, #tpu.memory_space<hbm>>
      tpu.wait_dma2 semaphore(%arg9 : memref<!tpu.dma_semaphore, #tpu.memory_space<semaphore_mem>>) src(%dma_wait3A_66 : memref<128x128xf32, #tpu.memory_space<hbm>>) dst(%arg8 : memref<128x128xf32, #tpu.memory_space<vmem>>)
      %dma_start3A_67 = arith.constant 1 : i32
      %dma_start3A_68 = arith.constant 0 : i32
      %dma_start3A_69 = tpu.memref_slice %arg6[%dma_start3A_67, %dma_start3A_68] : memref<8x128xi32, #tpu.memory_space<vmem>> -> memref<1x128xi32, #tpu.memory_space<vmem>>
      %dma_start3A_70 = tpu.memref_squeeze %dma_start3A_69 : memref<1x128xi32, #tpu.memory_space<vmem>> -> memref<128xi32, #tpu.memory_space<vmem>>
      %dma_start3A_71 = arith.constant 0 : i32
      %dma_start3A_72 = arith.constant 0 : i32
      %dma_start3A_73 = tpu.memref_slice %arg11[%dma_start3A_71, %dma_start3A_72] : memref<128x128xf32, #tpu.memory_space<vmem_shared>> -> memref<128x128xf32, #tpu.memory_space<vmem_shared>>
      tpu.enqueue_indirect_dma source(%arg8 : memref<128x128xf32, #tpu.memory_space<vmem>>) target(%dma_start3A_73 : memref<128x128xf32, #tpu.memory_space<vmem_shared>>) offsets(%dma_start3A_70 : memref<128xi32, #tpu.memory_space<vmem>>) semaphore(%arg10 : memref<!tpu.dma_semaphore, #tpu.memory_space<semaphore_mem>>) {add = true}
      %dma_wait3A_74 = arith.constant 1 : i32
      %dma_wait3A_75 = arith.constant 0 : i32
      %dma_wait3A_76 = tpu.memref_slice %arg6[%dma_wait3A_74, %dma_wait3A_75] : memref<8x128xi32, #tpu.memory_space<vmem>> -> memref<1x128xi32, #tpu.memory_space<vmem>>
      %dma_wait3A_77 = tpu.memref_squeeze %dma_wait3A_76 : memref<1x128xi32, #tpu.memory_space<vmem>> -> memref<128xi32, #tpu.memory_space<vmem>>
      %dma_wait3A_78 = arith.constant 0 : i32
      %dma_wait3A_79 = arith.constant 0 : i32
      %dma_wait3A_80 = tpu.memref_slice %arg11[%dma_wait3A_78, %dma_wait3A_79] : memref<128x128xf32, #tpu.memory_space<vmem_shared>> -> memref<128x128xf32, #tpu.memory_space<vmem_shared>>
      tpu.wait_indirect_dma semaphore(%arg10 : memref<!tpu.dma_semaphore, #tpu.memory_space<semaphore_mem>>) src(%arg8 : memref<128x128xf32, #tpu.memory_space<vmem>>) dst(%dma_wait3A_80 : memref<128x128xf32, #tpu.memory_space<vmem_shared>>)
      %add3A_81 = arith.constant 1 : i32
      %add3A_82 = arith.addi %add3A_20, %add3A_81 : i32
      %add3A_83 = arith.constant 2 : i32
      %add3A_84 = arith.addi %add3A_82, %add3A_83 : i32
      %mul3A_85 = arith.constant 128 : i32
      %mul3A_86 = arith.muli %add3A_84, %mul3A_85 : i32
      %dma_start3A_87 = arith.constant 0 : i32
      %dma_start3A_88 = tpu.memref_slice %arg2[%mul3A_86, %dma_start3A_87] : memref<20480x128xf32, #tpu.memory_space<hbm>> -> memref<128x128xf32, #tpu.memory_space<hbm>>
      %dma_start3A_89 = arith.constant 0 : i32
      %dma_start3A_90 = tpu.memref_slice %arg2[%mul3A_86, %dma_start3A_89] : memref<20480x128xf32, #tpu.memory_space<hbm>> -> memref<128x128xf32, #tpu.memory_space<hbm>>
      tpu.enqueue_dma source(%dma_start3A_90 : memref<128x128xf32, #tpu.memory_space<hbm>>) target(%arg8 : memref<128x128xf32, #tpu.memory_space<vmem>>) target_semaphore(%arg9 : memref<!tpu.dma_semaphore, #tpu.memory_space<semaphore_mem>>)
      %dma_wait3A_91 = arith.constant 0 : i32
      %dma_wait3A_92 = tpu.memref_slice %arg2[%mul3A_58, %dma_wait3A_91] : memref<20480x128xf32, #tpu.memory_space<hbm>> -> memref<128x128xf32, #tpu.memory_space<hbm>>
      %dma_wait3A_93 = arith.constant 0 : i32
      %dma_wait3A_94 = tpu.memref_slice %arg2[%mul3A_58, %dma_wait3A_93] : memref<20480x128xf32, #tpu.memory_space<hbm>> -> memref<128x128xf32, #tpu.memory_space<hbm>>
      tpu.wait_dma2 semaphore(%arg9 : memref<!tpu.dma_semaphore, #tpu.memory_space<semaphore_mem>>) src(%dma_wait3A_94 : memref<128x128xf32, #tpu.memory_space<hbm>>) dst(%arg7 : memref<128x128xf32, #tpu.memory_space<vmem>>)
      %dma_start3A_95 = arith.constant 2 : i32
      %dma_start3A_96 = arith.constant 0 : i32
      %dma_start3A_97 = tpu.memref_slice %arg6[%dma_start3A_95, %dma_start3A_96] : memref<8x128xi32, #tpu.memory_space<vmem>> -> memref<1x128xi32, #tpu.memory_space<vmem>>
      %dma_start3A_98 = tpu.memref_squeeze %dma_start3A_97 : memref<1x128xi32, #tpu.memory_space<vmem>> -> memref<128xi32, #tpu.memory_space<vmem>>
      %dma_start3A_99 = arith.constant 0 : i32
      %dma_start3A_100 = arith.constant 0 : i32
      %dma_start3A_101 = tpu.memref_slice %arg11[%dma_start3A_99, %dma_start3A_100] : memref<128x128xf32, #tpu.memory_space<vmem_shared>> -> memref<128x128xf32, #tpu.memory_space<vmem_shared>>
      tpu.enqueue_indirect_dma source(%arg7 : memref<128x128xf32, #tpu.memory_space<vmem>>) target(%dma_start3A_101 : memref<128x128xf32, #tpu.memory_space<vmem_shared>>) offsets(%dma_start3A_98 : memref<128xi32, #tpu.memory_space<vmem>>) semaphore(%arg10 : memref<!tpu.dma_semaphore, #tpu.memory_space<semaphore_mem>>) {add = true}
      %dma_wait3A_102 = arith.constant 2 : i32
      %dma_wait3A_103 = arith.constant 0 : i32
      %dma_wait3A_104 = tpu.memref_slice %arg6[%dma_wait3A_102, %dma_wait3A_103] : memref<8x128xi32, #tpu.memory_space<vmem>> -> memref<1x128xi32, #tpu.memory_space<vmem>>
      %dma_wait3A_105 = tpu.memref_squeeze %dma_wait3A_104 : memref<1x128xi32, #tpu.memory_space<vmem>> -> memref<128xi32, #tpu.memory_space<vmem>>
      %dma_wait3A_106 = arith.constant 0 : i32
      %dma_wait3A_107 = arith.constant 0 : i32
      %dma_wait3A_108 = tpu.memref_slice %arg11[%dma_wait3A_106, %dma_wait3A_107] : memref<128x128xf32, #tpu.memory_space<vmem_shared>> -> memref<128x128xf32, #tpu.memory_space<vmem_shared>>
      tpu.wait_indirect_dma semaphore(%arg10 : memref<!tpu.dma_semaphore, #tpu.memory_space<semaphore_mem>>) src(%arg7 : memref<128x128xf32, #tpu.memory_space<vmem>>) dst(%dma_wait3A_108 : memref<128x128xf32, #tpu.memory_space<vmem_shared>>)
      %add3A_109 = arith.constant 2 : i32
      %add3A_110 = arith.addi %add3A_20, %add3A_109 : i32
      %add3A_111 = arith.constant 2 : i32
      %add3A_112 = arith.addi %add3A_110, %add3A_111 : i32
      %mul3A_113 = arith.constant 128 : i32
      %mul3A_114 = arith.muli %add3A_112, %mul3A_113 : i32
      %dma_start3A_115 = arith.constant 0 : i32
      %dma_start3A_116 = tpu.memref_slice %arg2[%mul3A_114, %dma_start3A_115] : memref<20480x128xf32, #tpu.memory_space<hbm>> -> memref<128x128xf32, #tpu.memory_space<hbm>>
      %dma_start3A_117 = arith.constant 0 : i32
      %dma_start3A_118 = tpu.memref_slice %arg2[%mul3A_114, %dma_start3A_117] : memref<20480x128xf32, #tpu.memory_space<hbm>> -> memref<128x128xf32, #tpu.memory_space<hbm>>
      tpu.enqueue_dma source(%dma_start3A_118 : memref<128x128xf32, #tpu.memory_space<hbm>>) target(%arg7 : memref<128x128xf32, #tpu.memory_space<vmem>>) target_semaphore(%arg9 : memref<!tpu.dma_semaphore, #tpu.memory_space<semaphore_mem>>)
      %dma_wait3A_119 = arith.constant 0 : i32
      %dma_wait3A_120 = tpu.memref_slice %arg2[%mul3A_86, %dma_wait3A_119] : memref<20480x128xf32, #tpu.memory_space<hbm>> -> memref<128x128xf32, #tpu.memory_space<hbm>>
      %dma_wait3A_121 = arith.constant 0 : i32
      %dma_wait3A_122 = tpu.memref_slice %arg2[%mul3A_86, %dma_wait3A_121] : memref<20480x128xf32, #tpu.memory_space<hbm>> -> memref<128x128xf32, #tpu.memory_space<hbm>>
      tpu.wait_dma2 semaphore(%arg9 : memref<!tpu.dma_semaphore, #tpu.memory_space<semaphore_mem>>) src(%dma_wait3A_122 : memref<128x128xf32, #tpu.memory_space<hbm>>) dst(%arg8 : memref<128x128xf32, #tpu.memory_space<vmem>>)
      %dma_start3A_123 = arith.constant 3 : i32
      %dma_start3A_124 = arith.constant 0 : i32
      %dma_start3A_125 = tpu.memref_slice %arg6[%dma_start3A_123, %dma_start3A_124] : memref<8x128xi32, #tpu.memory_space<vmem>> -> memref<1x128xi32, #tpu.memory_space<vmem>>
      %dma_start3A_126 = tpu.memref_squeeze %dma_start3A_125 : memref<1x128xi32, #tpu.memory_space<vmem>> -> memref<128xi32, #tpu.memory_space<vmem>>
      %dma_start3A_127 = arith.constant 0 : i32
      %dma_start3A_128 = arith.constant 0 : i32
      %dma_start3A_129 = tpu.memref_slice %arg11[%dma_start3A_127, %dma_start3A_128] : memref<128x128xf32, #tpu.memory_space<vmem_shared>> -> memref<128x128xf32, #tpu.memory_space<vmem_shared>>
      tpu.enqueue_indirect_dma source(%arg8 : memref<128x128xf32, #tpu.memory_space<vmem>>) target(%dma_start3A_129 : memref<128x128xf32, #tpu.memory_space<vmem_shared>>) offsets(%dma_start3A_126 : memref<128xi32, #tpu.memory_space<vmem>>) semaphore(%arg10 : memref<!tpu.dma_semaphore, #tpu.memory_space<semaphore_mem>>) {add = true}
      %dma_wait3A_130 = arith.constant 3 : i32
      %dma_wait3A_131 = arith.constant 0 : i32
      %dma_wait3A_132 = tpu.memref_slice %arg6[%dma_wait3A_130, %dma_wait3A_131] : memref<8x128xi32, #tpu.memory_space<vmem>> -> memref<1x128xi32, #tpu.memory_space<vmem>>
      %dma_wait3A_133 = tpu.memref_squeeze %dma_wait3A_132 : memref<1x128xi32, #tpu.memory_space<vmem>> -> memref<128xi32, #tpu.memory_space<vmem>>
      %dma_wait3A_134 = arith.constant 0 : i32
      %dma_wait3A_135 = arith.constant 0 : i32
      %dma_wait3A_136 = tpu.memref_slice %arg11[%dma_wait3A_134, %dma_wait3A_135] : memref<128x128xf32, #tpu.memory_space<vmem_shared>> -> memref<128x128xf32, #tpu.memory_space<vmem_shared>>
      tpu.wait_indirect_dma semaphore(%arg10 : memref<!tpu.dma_semaphore, #tpu.memory_space<semaphore_mem>>) src(%arg8 : memref<128x128xf32, #tpu.memory_space<vmem>>) dst(%dma_wait3A_136 : memref<128x128xf32, #tpu.memory_space<vmem_shared>>)
      %add3A_137 = arith.constant 3 : i32
      %add3A_138 = arith.addi %add3A_20, %add3A_137 : i32
      %add3A_139 = arith.constant 2 : i32
      %add3A_140 = arith.addi %add3A_138, %add3A_139 : i32
      %mul3A_141 = arith.constant 128 : i32
      %mul3A_142 = arith.muli %add3A_140, %mul3A_141 : i32
      %dma_start3A_143 = arith.constant 0 : i32
      %dma_start3A_144 = tpu.memref_slice %arg2[%mul3A_142, %dma_start3A_143] : memref<20480x128xf32, #tpu.memory_space<hbm>> -> memref<128x128xf32, #tpu.memory_space<hbm>>
      %dma_start3A_145 = arith.constant 0 : i32
      %dma_start3A_146 = tpu.memref_slice %arg2[%mul3A_142, %dma_start3A_145] : memref<20480x128xf32, #tpu.memory_space<hbm>> -> memref<128x128xf32, #tpu.memory_space<hbm>>
      tpu.enqueue_dma source(%dma_start3A_146 : memref<128x128xf32, #tpu.memory_space<hbm>>) target(%arg8 : memref<128x128xf32, #tpu.memory_space<vmem>>) target_semaphore(%arg9 : memref<!tpu.dma_semaphore, #tpu.memory_space<semaphore_mem>>)
      %dma_wait3A_147 = arith.constant 0 : i32
      %dma_wait3A_148 = tpu.memref_slice %arg2[%mul3A_114, %dma_wait3A_147] : memref<20480x128xf32, #tpu.memory_space<hbm>> -> memref<128x128xf32, #tpu.memory_space<hbm>>
      %dma_wait3A_149 = arith.constant 0 : i32
      %dma_wait3A_150 = tpu.memref_slice %arg2[%mul3A_114, %dma_wait3A_149] : memref<20480x128xf32, #tpu.memory_space<hbm>> -> memref<128x128xf32, #tpu.memory_space<hbm>>
      tpu.wait_dma2 semaphore(%arg9 : memref<!tpu.dma_semaphore, #tpu.memory_space<semaphore_mem>>) src(%dma_wait3A_150 : memref<128x128xf32, #tpu.memory_space<hbm>>) dst(%arg7 : memref<128x128xf32, #tpu.memory_space<vmem>>)
      %dma_start3A_151 = arith.constant 4 : i32
      %dma_start3A_152 = arith.constant 0 : i32
      %dma_start3A_153 = tpu.memref_slice %arg6[%dma_start3A_151, %dma_start3A_152] : memref<8x128xi32, #tpu.memory_space<vmem>> -> memref<1x128xi32, #tpu.memory_space<vmem>>
      %dma_start3A_154 = tpu.memref_squeeze %dma_start3A_153 : memref<1x128xi32, #tpu.memory_space<vmem>> -> memref<128xi32, #tpu.memory_space<vmem>>
      %dma_start3A_155 = arith.constant 0 : i32
      %dma_start3A_156 = arith.constant 0 : i32
      %dma_start3A_157 = tpu.memref_slice %arg11[%dma_start3A_155, %dma_start3A_156] : memref<128x128xf32, #tpu.memory_space<vmem_shared>> -> memref<128x128xf32, #tpu.memory_space<vmem_shared>>
      tpu.enqueue_indirect_dma source(%arg7 : memref<128x128xf32, #tpu.memory_space<vmem>>) target(%dma_start3A_157 : memref<128x128xf32, #tpu.memory_space<vmem_shared>>) offsets(%dma_start3A_154 : memref<128xi32, #tpu.memory_space<vmem>>) semaphore(%arg10 : memref<!tpu.dma_semaphore, #tpu.memory_space<semaphore_mem>>) {add = true}
      %dma_wait3A_158 = arith.constant 4 : i32
      %dma_wait3A_159 = arith.constant 0 : i32
      %dma_wait3A_160 = tpu.memref_slice %arg6[%dma_wait3A_158, %dma_wait3A_159] : memref<8x128xi32, #tpu.memory_space<vmem>> -> memref<1x128xi32, #tpu.memory_space<vmem>>
      %dma_wait3A_161 = tpu.memref_squeeze %dma_wait3A_160 : memref<1x128xi32, #tpu.memory_space<vmem>> -> memref<128xi32, #tpu.memory_space<vmem>>
      %dma_wait3A_162 = arith.constant 0 : i32
      %dma_wait3A_163 = arith.constant 0 : i32
      %dma_wait3A_164 = tpu.memref_slice %arg11[%dma_wait3A_162, %dma_wait3A_163] : memref<128x128xf32, #tpu.memory_space<vmem_shared>> -> memref<128x128xf32, #tpu.memory_space<vmem_shared>>
      tpu.wait_indirect_dma semaphore(%arg10 : memref<!tpu.dma_semaphore, #tpu.memory_space<semaphore_mem>>) src(%arg7 : memref<128x128xf32, #tpu.memory_space<vmem>>) dst(%dma_wait3A_164 : memref<128x128xf32, #tpu.memory_space<vmem_shared>>)
      %add3A_165 = arith.constant 4 : i32
      %add3A_166 = arith.addi %add3A_20, %add3A_165 : i32
      %add3A_167 = arith.constant 2 : i32
      %add3A_168 = arith.addi %add3A_166, %add3A_167 : i32
      %mul3A_169 = arith.constant 128 : i32
      %mul3A_170 = arith.muli %add3A_168, %mul3A_169 : i32
      %dma_start3A_171 = arith.constant 0 : i32
      %dma_start3A_172 = tpu.memref_slice %arg2[%mul3A_170, %dma_start3A_171] : memref<20480x128xf32, #tpu.memory_space<hbm>> -> memref<128x128xf32, #tpu.memory_space<hbm>>
      %dma_start3A_173 = arith.constant 0 : i32
      %dma_start3A_174 = tpu.memref_slice %arg2[%mul3A_170, %dma_start3A_173] : memref<20480x128xf32, #tpu.memory_space<hbm>> -> memref<128x128xf32, #tpu.memory_space<hbm>>
      tpu.enqueue_dma source(%dma_start3A_174 : memref<128x128xf32, #tpu.memory_space<hbm>>) target(%arg7 : memref<128x128xf32, #tpu.memory_space<vmem>>) target_semaphore(%arg9 : memref<!tpu.dma_semaphore, #tpu.memory_space<semaphore_mem>>)
      %dma_wait3A_175 = arith.constant 0 : i32
      %dma_wait3A_176 = tpu.memref_slice %arg2[%mul3A_142, %dma_wait3A_175] : memref<20480x128xf32, #tpu.memory_space<hbm>> -> memref<128x128xf32, #tpu.memory_space<hbm>>
      %dma_wait3A_177 = arith.constant 0 : i32
      %dma_wait3A_178 = tpu.memref_slice %arg2[%mul3A_142, %dma_wait3A_177] : memref<20480x128xf32, #tpu.memory_space<hbm>> -> memref<128x128xf32, #tpu.memory_space<hbm>>
      tpu.wait_dma2 semaphore(%arg9 : memref<!tpu.dma_semaphore, #tpu.memory_space<semaphore_mem>>) src(%dma_wait3A_178 : memref<128x128xf32, #tpu.memory_space<hbm>>) dst(%arg8 : memref<128x128xf32, #tpu.memory_space<vmem>>)
      %dma_start3A_179 = arith.constant 5 : i32
      %dma_start3A_180 = arith.constant 0 : i32
      %dma_start3A_181 = tpu.memref_slice %arg6[%dma_start3A_179, %dma_start3A_180] : memref<8x128xi32, #tpu.memory_space<vmem>> -> memref<1x128xi32, #tpu.memory_space<vmem>>
      %dma_start3A_182 = tpu.memref_squeeze %dma_start3A_181 : memref<1x128xi32, #tpu.memory_space<vmem>> -> memref<128xi32, #tpu.memory_space<vmem>>
      %dma_start3A_183 = arith.constant 0 : i32
      %dma_start3A_184 = arith.constant 0 : i32
      %dma_start3A_185 = tpu.memref_slice %arg11[%dma_start3A_183, %dma_start3A_184] : memref<128x128xf32, #tpu.memory_space<vmem_shared>> -> memref<128x128xf32, #tpu.memory_space<vmem_shared>>
      tpu.enqueue_indirect_dma source(%arg8 : memref<128x128xf32, #tpu.memory_space<vmem>>) target(%dma_start3A_185 : memref<128x128xf32, #tpu.memory_space<vmem_shared>>) offsets(%dma_start3A_182 : memref<128xi32, #tpu.memory_space<vmem>>) semaphore(%arg10 : memref<!tpu.dma_semaphore, #tpu.memory_space<semaphore_mem>>) {add = true}
      %dma_wait3A_186 = arith.constant 5 : i32
      %dma_wait3A_187 = arith.constant 0 : i32
      %dma_wait3A_188 = tpu.memref_slice %arg6[%dma_wait3A_186, %dma_wait3A_187] : memref<8x128xi32, #tpu.memory_space<vmem>> -> memref<1x128xi32, #tpu.memory_space<vmem>>
      %dma_wait3A_189 = tpu.memref_squeeze %dma_wait3A_188 : memref<1x128xi32, #tpu.memory_space<vmem>> -> memref<128xi32, #tpu.memory_space<vmem>>
      %dma_wait3A_190 = arith.constant 0 : i32
      %dma_wait3A_191 = arith.constant 0 : i32
      %dma_wait3A_192 = tpu.memref_slice %arg11[%dma_wait3A_190, %dma_wait3A_191] : memref<128x128xf32, #tpu.memory_space<vmem_shared>> -> memref<128x128xf32, #tpu.memory_space<vmem_shared>>
      tpu.wait_indirect_dma semaphore(%arg10 : memref<!tpu.dma_semaphore, #tpu.memory_space<semaphore_mem>>) src(%arg8 : memref<128x128xf32, #tpu.memory_space<vmem>>) dst(%dma_wait3A_192 : memref<128x128xf32, #tpu.memory_space<vmem_shared>>)
      %add3A_193 = arith.constant 5 : i32
      %add3A_194 = arith.addi %add3A_20, %add3A_193 : i32
      %add3A_195 = arith.constant 2 : i32
      %add3A_196 = arith.addi %add3A_194, %add3A_195 : i32
      %mul3A_197 = arith.constant 128 : i32
      %mul3A_198 = arith.muli %add3A_196, %mul3A_197 : i32
      %dma_start3A_199 = arith.constant 0 : i32
      %dma_start3A_200 = tpu.memref_slice %arg2[%mul3A_198, %dma_start3A_199] : memref<20480x128xf32, #tpu.memory_space<hbm>> -> memref<128x128xf32, #tpu.memory_space<hbm>>
      %dma_start3A_201 = arith.constant 0 : i32
      %dma_start3A_202 = tpu.memref_slice %arg2[%mul3A_198, %dma_start3A_201] : memref<20480x128xf32, #tpu.memory_space<hbm>> -> memref<128x128xf32, #tpu.memory_space<hbm>>
      tpu.enqueue_dma source(%dma_start3A_202 : memref<128x128xf32, #tpu.memory_space<hbm>>) target(%arg8 : memref<128x128xf32, #tpu.memory_space<vmem>>) target_semaphore(%arg9 : memref<!tpu.dma_semaphore, #tpu.memory_space<semaphore_mem>>)
      %dma_wait3A_203 = arith.constant 0 : i32
      %dma_wait3A_204 = tpu.memref_slice %arg2[%mul3A_170, %dma_wait3A_203] : memref<20480x128xf32, #tpu.memory_space<hbm>> -> memref<128x128xf32, #tpu.memory_space<hbm>>
      %dma_wait3A_205 = arith.constant 0 : i32
      %dma_wait3A_206 = tpu.memref_slice %arg2[%mul3A_170, %dma_wait3A_205] : memref<20480x128xf32, #tpu.memory_space<hbm>> -> memref<128x128xf32, #tpu.memory_space<hbm>>
      tpu.wait_dma2 semaphore(%arg9 : memref<!tpu.dma_semaphore, #tpu.memory_space<semaphore_mem>>) src(%dma_wait3A_206 : memref<128x128xf32, #tpu.memory_space<hbm>>) dst(%arg7 : memref<128x128xf32, #tpu.memory_space<vmem>>)
      %dma_start3A_207 = arith.constant 6 : i32
      %dma_start3A_208 = arith.constant 0 : i32
      %dma_start3A_209 = tpu.memref_slice %arg6[%dma_start3A_207, %dma_start3A_208] : memref<8x128xi32, #tpu.memory_space<vmem>> -> memref<1x128xi32, #tpu.memory_space<vmem>>
      %dma_start3A_210 = tpu.memref_squeeze %dma_start3A_209 : memref<1x128xi32, #tpu.memory_space<vmem>> -> memref<128xi32, #tpu.memory_space<vmem>>
      %dma_start3A_211 = arith.constant 0 : i32
      %dma_start3A_212 = arith.constant 0 : i32
      %dma_start3A_213 = tpu.memref_slice %arg11[%dma_start3A_211, %dma_start3A_212] : memref<128x128xf32, #tpu.memory_space<vmem_shared>> -> memref<128x128xf32, #tpu.memory_space<vmem_shared>>
      tpu.enqueue_indirect_dma source(%arg7 : memref<128x128xf32, #tpu.memory_space<vmem>>) target(%dma_start3A_213 : memref<128x128xf32, #tpu.memory_space<vmem_shared>>) offsets(%dma_start3A_210 : memref<128xi32, #tpu.memory_space<vmem>>) semaphore(%arg10 : memref<!tpu.dma_semaphore, #tpu.memory_space<semaphore_mem>>) {add = true}
      %dma_wait3A_214 = arith.constant 0 : i32
      %dma_wait3A_215 = tpu.memref_slice %arg2[%mul3A_198, %dma_wait3A_214] : memref<20480x128xf32, #tpu.memory_space<hbm>> -> memref<128x128xf32, #tpu.memory_space<hbm>>
      %dma_wait3A_216 = arith.constant 0 : i32
      %dma_wait3A_217 = tpu.memref_slice %arg2[%mul3A_198, %dma_wait3A_216] : memref<20480x128xf32, #tpu.memory_space<hbm>> -> memref<128x128xf32, #tpu.memory_space<hbm>>
      tpu.wait_dma2 semaphore(%arg9 : memref<!tpu.dma_semaphore, #tpu.memory_space<semaphore_mem>>) src(%dma_wait3A_217 : memref<128x128xf32, #tpu.memory_space<hbm>>) dst(%arg8 : memref<128x128xf32, #tpu.memory_space<vmem>>)
      %dma_start3A_218 = arith.constant 7 : i32
      %dma_start3A_219 = arith.constant 0 : i32
      %dma_start3A_220 = tpu.memref_slice %arg6[%dma_start3A_218, %dma_start3A_219] : memref<8x128xi32, #tpu.memory_space<vmem>> -> memref<1x128xi32, #tpu.memory_space<vmem>>
      %dma_start3A_221 = tpu.memref_squeeze %dma_start3A_220 : memref<1x128xi32, #tpu.memory_space<vmem>> -> memref<128xi32, #tpu.memory_space<vmem>>
      %dma_start3A_222 = arith.constant 0 : i32
      %dma_start3A_223 = arith.constant 0 : i32
      %dma_start3A_224 = tpu.memref_slice %arg11[%dma_start3A_222, %dma_start3A_223] : memref<128x128xf32, #tpu.memory_space<vmem_shared>> -> memref<128x128xf32, #tpu.memory_space<vmem_shared>>
      tpu.enqueue_indirect_dma source(%arg8 : memref<128x128xf32, #tpu.memory_space<vmem>>) target(%dma_start3A_224 : memref<128x128xf32, #tpu.memory_space<vmem_shared>>) offsets(%dma_start3A_221 : memref<128xi32, #tpu.memory_space<vmem>>) semaphore(%arg10 : memref<!tpu.dma_semaphore, #tpu.memory_space<semaphore_mem>>) {add = true}
      %dma_wait3A_225 = arith.constant 6 : i32
      %dma_wait3A_226 = arith.constant 0 : i32
      %dma_wait3A_227 = tpu.memref_slice %arg6[%dma_wait3A_225, %dma_wait3A_226] : memref<8x128xi32, #tpu.memory_space<vmem>> -> memref<1x128xi32, #tpu.memory_space<vmem>>
      %dma_wait3A_228 = tpu.memref_squeeze %dma_wait3A_227 : memref<1x128xi32, #tpu.memory_space<vmem>> -> memref<128xi32, #tpu.memory_space<vmem>>
      %dma_wait3A_229 = arith.constant 0 : i32
      %dma_wait3A_230 = arith.constant 0 : i32
      %dma_wait3A_231 = tpu.memref_slice %arg11[%dma_wait3A_229, %dma_wait3A_230] : memref<128x128xf32, #tpu.memory_space<vmem_shared>> -> memref<128x128xf32, #tpu.memory_space<vmem_shared>>
      tpu.wait_indirect_dma semaphore(%arg10 : memref<!tpu.dma_semaphore, #tpu.memory_space<semaphore_mem>>) src(%arg7 : memref<128x128xf32, #tpu.memory_space<vmem>>) dst(%dma_wait3A_231 : memref<128x128xf32, #tpu.memory_space<vmem_shared>>)
      %dma_wait3A_232 = arith.constant 7 : i32
      %dma_wait3A_233 = arith.constant 0 : i32
      %dma_wait3A_234 = tpu.memref_slice %arg6[%dma_wait3A_232, %dma_wait3A_233] : memref<8x128xi32, #tpu.memory_space<vmem>> -> memref<1x128xi32, #tpu.memory_space<vmem>>
      %dma_wait3A_235 = tpu.memref_squeeze %dma_wait3A_234 : memref<1x128xi32, #tpu.memory_space<vmem>> -> memref<128xi32, #tpu.memory_space<vmem>>
      %dma_wait3A_236 = arith.constant 0 : i32
      %dma_wait3A_237 = arith.constant 0 : i32
      %dma_wait3A_238 = tpu.memref_slice %arg11[%dma_wait3A_236, %dma_wait3A_237] : memref<128x128xf32, #tpu.memory_space<vmem_shared>> -> memref<128x128xf32, #tpu.memory_space<vmem_shared>>
      tpu.wait_indirect_dma semaphore(%arg10 : memref<!tpu.dma_semaphore, #tpu.memory_space<semaphore_mem>>) src(%arg8 : memref<128x128xf32, #tpu.memory_space<vmem>>) dst(%dma_wait3A_238 : memref<128x128xf32, #tpu.memory_space<vmem_shared>>)
      %scan3A_239 = arith.constant 1 : i32
    } else {
    }
    %barrier3A_9 = arith.constant 0 : index
    tpu.barrier barrier_id(%barrier3A_9)
    %mul3A_10 = arith.constant 8 : i32
    %mul3A_11 = arith.muli %arg1, %mul3A_10 : i32
    %mul3A_12 = arith.constant 128 : i32
    %mul3A_13 = arith.muli %arg0, %mul3A_12 : i32
    %mul3A_14 = arith.constant 8 : i32
    %mul3A_15 = arith.muli %arg1, %mul3A_14 : i32
    %add3A_16 = arith.addi %mul3A_13, %mul3A_15 : i32
    "tpu.region"() ({
      %run_scoped3A = tpu.sem_alloc : memref<!tpu.dma_semaphore, #tpu.memory_space<semaphore_mem>>
      %dma_start3A = arith.constant 0 : i32
      %dma_start3A_17 = tpu.memref_slice %arg5[%add3A_16, %dma_start3A] : memref<256x128xf32, #tpu.memory_space<hbm>> -> memref<8x128xf32, #tpu.memory_space<hbm>>
      %dma_start3A_18 = arith.constant 0 : i32
      %dma_start3A_19 = tpu.memref_slice %arg11[%mul3A_11, %dma_start3A_18] : memref<128x128xf32, #tpu.memory_space<vmem_shared>> -> memref<8x128xf32, #tpu.memory_space<vmem_shared>>
      tpu.enqueue_dma source(%dma_start3A_19 : memref<8x128xf32, #tpu.memory_space<vmem_shared>>) target(%dma_start3A_17 : memref<8x128xf32, #tpu.memory_space<hbm>>) target_semaphore(%run_scoped3A : memref<!tpu.dma_semaphore, #tpu.memory_space<semaphore_mem>>)
      %dma_wait3A = arith.constant 0 : i32
      %dma_wait3A_20 = tpu.memref_slice %arg5[%add3A_16, %dma_wait3A] : memref<256x128xf32, #tpu.memory_space<hbm>> -> memref<8x128xf32, #tpu.memory_space<hbm>>
      %dma_wait3A_21 = arith.constant 0 : i32
      %dma_wait3A_22 = tpu.memref_slice %arg11[%mul3A_11, %dma_wait3A_21] : memref<128x128xf32, #tpu.memory_space<vmem_shared>> -> memref<8x128xf32, #tpu.memory_space<vmem_shared>>
      tpu.wait_dma2 semaphore(%run_scoped3A : memref<!tpu.dma_semaphore, #tpu.memory_space<semaphore_mem>>) src(%dma_wait3A_22 : memref<8x128xf32, #tpu.memory_space<vmem_shared>>) dst(%dma_wait3A_20 : memref<8x128xf32, #tpu.memory_space<hbm>>)
      tpu.yield
    }) : () -> ()
    return
  }
}

#map = affine_map<(d0, d1) -> (0, 0)>
module attributes {stable_mosaic.version = 14 : i64} {
  func.func @k(%arg0: i32, %arg1: i32, %arg2: memref<64x128xf32, #tpu.memory_space<hbm>>, %arg3: memref<80x128xi32, #tpu.memory_space<hbm>>, %arg4: memref<10240x128xf32, #tpu.memory_space<hbm>>, %arg5: memref<8x128xi32, #tpu.memory_space<vmem>>, %arg6: memref<512x128xf32, #tpu.memory_space<vmem>>, %arg7: memref<!tpu.dma_semaphore, #tpu.memory_space<semaphore_mem>>) attributes {dimension_semantics = [#tpu.dimension_semantics<core_parallel>, #tpu.dimension_semantics<subcore_parallel>], iteration_bounds = array<i64: 2, 16>, scalar_prefetch = 0 : i64, scratch_operands = 3 : i64, tpu.core_type = #tpu.core_type<sc_vector_subcore>, window_params = [{transform_indices = #map}, {transform_indices = #map}, {transform_indices = #map}]} {
    %mul3A = arith.constant 2 : i32
    %mul3A_0 = arith.muli %arg1, %mul3A : i32
    %add3A = arith.addi %mul3A_0, %arg0 : i32
    %mul3A_1 = arith.constant 8 : i32
    %mul3A_2 = arith.muli %add3A, %mul3A_1 : i32
    %lt3A = arith.constant 10 : i32
    %lt3A_3 = arith.cmpi slt, %add3A, %lt3A : i32
    %convert_element_type3A = arith.extui %lt3A_3 : i1 to i32
    %cond3A = arith.constant 0 : i32
    %cond3A_4 = arith.cmpi ne, %convert_element_type3A, %cond3A : i32
    scf.if %cond3A_4 {
      %scan3A = arith.constant 0 : i32
      %scan3A_5 = arith.constant 0 : i32
      %mul3A_6 = arith.constant 8 : i32
      %mul3A_7 = arith.muli %scan3A_5, %mul3A_6 : i32
      %add3A_8 = arith.addi %mul3A_2, %mul3A_7 : i32
      "tpu.region"() ({
        %run_scoped3A = tpu.sem_alloc : memref<!tpu.dma_semaphore, #tpu.memory_space<semaphore_mem>>
        %dma_start3A_176 = arith.constant 0 : i32
        %dma_start3A_177 = tpu.memref_slice %arg3[%add3A_8, %dma_start3A_176] : memref<80x128xi32, #tpu.memory_space<hbm>> -> memref<8x128xi32, #tpu.memory_space<hbm>>
        %dma_start3A_178 = arith.constant 0 : i32
        %dma_start3A_179 = tpu.memref_slice %arg3[%add3A_8, %dma_start3A_178] : memref<80x128xi32, #tpu.memory_space<hbm>> -> memref<8x128xi32, #tpu.memory_space<hbm>>
        tpu.enqueue_dma source(%dma_start3A_179 : memref<8x128xi32, #tpu.memory_space<hbm>>) target(%arg5 : memref<8x128xi32, #tpu.memory_space<vmem>>) target_semaphore(%run_scoped3A : memref<!tpu.dma_semaphore, #tpu.memory_space<semaphore_mem>>)
        %dma_wait3A_180 = arith.constant 0 : i32
        %dma_wait3A_181 = tpu.memref_slice %arg3[%add3A_8, %dma_wait3A_180] : memref<80x128xi32, #tpu.memory_space<hbm>> -> memref<8x128xi32, #tpu.memory_space<hbm>>
        %dma_wait3A_182 = arith.constant 0 : i32
        %dma_wait3A_183 = tpu.memref_slice %arg3[%add3A_8, %dma_wait3A_182] : memref<80x128xi32, #tpu.memory_space<hbm>> -> memref<8x128xi32, #tpu.memory_space<hbm>>
        tpu.wait_dma2 semaphore(%run_scoped3A : memref<!tpu.dma_semaphore, #tpu.memory_space<semaphore_mem>>) src(%dma_wait3A_183 : memref<8x128xi32, #tpu.memory_space<hbm>>) dst(%arg5 : memref<8x128xi32, #tpu.memory_space<vmem>>)
        tpu.yield
      }) : () -> ()
      %dma_start3A = arith.constant 0 : i32
      %dma_start3A_9 = arith.constant 0 : i32
      %dma_start3A_10 = arith.constant 0 : i32
      %dma_start3A_11 = tpu.memref_slice %arg6[%dma_start3A_9, %dma_start3A_10] : memref<512x128xf32, #tpu.memory_space<vmem>> -> memref<128x128xf32, #tpu.memory_space<vmem>>
      %dma_start3A_12 = arith.constant 0 : i32
      %dma_start3A_13 = tpu.memref_slice %arg5[%dma_start3A, %dma_start3A_12] : memref<8x128xi32, #tpu.memory_space<vmem>> -> memref<1x128xi32, #tpu.memory_space<vmem>>
      %dma_start3A_14 = tpu.memref_squeeze %dma_start3A_13 : memref<1x128xi32, #tpu.memory_space<vmem>> -> memref<128xi32, #tpu.memory_space<vmem>>
      %dma_start3A_15 = arith.constant 0 : i32
      %dma_start3A_16 = arith.constant 0 : i32
      %dma_start3A_17 = tpu.memref_slice %arg2[%dma_start3A_15, %dma_start3A_16] : memref<64x128xf32, #tpu.memory_space<hbm>> -> memref<64x128xf32, #tpu.memory_space<hbm>>
      tpu.enqueue_indirect_dma source(%dma_start3A_17 : memref<64x128xf32, #tpu.memory_space<hbm>>) target(%dma_start3A_11 : memref<128x128xf32, #tpu.memory_space<vmem>>) offsets(%dma_start3A_14 : memref<128xi32, #tpu.memory_space<vmem>>) semaphore(%arg7 : memref<!tpu.dma_semaphore, #tpu.memory_space<semaphore_mem>>)
      %dma_start3A_18 = arith.constant 1 : i32
      %dma_start3A_19 = arith.constant 128 : i32
      %dma_start3A_20 = arith.constant 0 : i32
      %dma_start3A_21 = tpu.memref_slice %arg6[%dma_start3A_19, %dma_start3A_20] : memref<512x128xf32, #tpu.memory_space<vmem>> -> memref<128x128xf32, #tpu.memory_space<vmem>>
      %dma_start3A_22 = arith.constant 0 : i32
      %dma_start3A_23 = tpu.memref_slice %arg5[%dma_start3A_18, %dma_start3A_22] : memref<8x128xi32, #tpu.memory_space<vmem>> -> memref<1x128xi32, #tpu.memory_space<vmem>>
      %dma_start3A_24 = tpu.memref_squeeze %dma_start3A_23 : memref<1x128xi32, #tpu.memory_space<vmem>> -> memref<128xi32, #tpu.memory_space<vmem>>
      %dma_start3A_25 = arith.constant 0 : i32
      %dma_start3A_26 = arith.constant 0 : i32
      %dma_start3A_27 = tpu.memref_slice %arg2[%dma_start3A_25, %dma_start3A_26] : memref<64x128xf32, #tpu.memory_space<hbm>> -> memref<64x128xf32, #tpu.memory_space<hbm>>
      tpu.enqueue_indirect_dma source(%dma_start3A_27 : memref<64x128xf32, #tpu.memory_space<hbm>>) target(%dma_start3A_21 : memref<128x128xf32, #tpu.memory_space<vmem>>) offsets(%dma_start3A_24 : memref<128xi32, #tpu.memory_space<vmem>>) semaphore(%arg7 : memref<!tpu.dma_semaphore, #tpu.memory_space<semaphore_mem>>)
      %dma_start3A_28 = arith.constant 2 : i32
      %dma_start3A_29 = arith.constant 256 : i32
      %dma_start3A_30 = arith.constant 0 : i32
      %dma_start3A_31 = tpu.memref_slice %arg6[%dma_start3A_29, %dma_start3A_30] : memref<512x128xf32, #tpu.memory_space<vmem>> -> memref<128x128xf32, #tpu.memory_space<vmem>>
      %dma_start3A_32 = arith.constant 0 : i32
      %dma_start3A_33 = tpu.memref_slice %arg5[%dma_start3A_28, %dma_start3A_32] : memref<8x128xi32, #tpu.memory_space<vmem>> -> memref<1x128xi32, #tpu.memory_space<vmem>>
      %dma_start3A_34 = tpu.memref_squeeze %dma_start3A_33 : memref<1x128xi32, #tpu.memory_space<vmem>> -> memref<128xi32, #tpu.memory_space<vmem>>
      %dma_start3A_35 = arith.constant 0 : i32
      %dma_start3A_36 = arith.constant 0 : i32
      %dma_start3A_37 = tpu.memref_slice %arg2[%dma_start3A_35, %dma_start3A_36] : memref<64x128xf32, #tpu.memory_space<hbm>> -> memref<64x128xf32, #tpu.memory_space<hbm>>
      tpu.enqueue_indirect_dma source(%dma_start3A_37 : memref<64x128xf32, #tpu.memory_space<hbm>>) target(%dma_start3A_31 : memref<128x128xf32, #tpu.memory_space<vmem>>) offsets(%dma_start3A_34 : memref<128xi32, #tpu.memory_space<vmem>>) semaphore(%arg7 : memref<!tpu.dma_semaphore, #tpu.memory_space<semaphore_mem>>)
      %dma_start3A_38 = arith.constant 3 : i32
      %dma_start3A_39 = arith.constant 384 : i32
      %dma_start3A_40 = arith.constant 0 : i32
      %dma_start3A_41 = tpu.memref_slice %arg6[%dma_start3A_39, %dma_start3A_40] : memref<512x128xf32, #tpu.memory_space<vmem>> -> memref<128x128xf32, #tpu.memory_space<vmem>>
      %dma_start3A_42 = arith.constant 0 : i32
      %dma_start3A_43 = tpu.memref_slice %arg5[%dma_start3A_38, %dma_start3A_42] : memref<8x128xi32, #tpu.memory_space<vmem>> -> memref<1x128xi32, #tpu.memory_space<vmem>>
      %dma_start3A_44 = tpu.memref_squeeze %dma_start3A_43 : memref<1x128xi32, #tpu.memory_space<vmem>> -> memref<128xi32, #tpu.memory_space<vmem>>
      %dma_start3A_45 = arith.constant 0 : i32
      %dma_start3A_46 = arith.constant 0 : i32
      %dma_start3A_47 = tpu.memref_slice %arg2[%dma_start3A_45, %dma_start3A_46] : memref<64x128xf32, #tpu.memory_space<hbm>> -> memref<64x128xf32, #tpu.memory_space<hbm>>
      tpu.enqueue_indirect_dma source(%dma_start3A_47 : memref<64x128xf32, #tpu.memory_space<hbm>>) target(%dma_start3A_41 : memref<128x128xf32, #tpu.memory_space<vmem>>) offsets(%dma_start3A_44 : memref<128xi32, #tpu.memory_space<vmem>>) semaphore(%arg7 : memref<!tpu.dma_semaphore, #tpu.memory_space<semaphore_mem>>)
      %dma_wait3A = arith.constant 0 : i32
      %dma_wait3A_48 = arith.constant 0 : i32
      %dma_wait3A_49 = arith.constant 0 : i32
      %dma_wait3A_50 = tpu.memref_slice %arg6[%dma_wait3A_48, %dma_wait3A_49] : memref<512x128xf32, #tpu.memory_space<vmem>> -> memref<128x128xf32, #tpu.memory_space<vmem>>
      %dma_wait3A_51 = arith.constant 0 : i32
      %dma_wait3A_52 = tpu.memref_slice %arg5[%dma_wait3A, %dma_wait3A_51] : memref<8x128xi32, #tpu.memory_space<vmem>> -> memref<1x128xi32, #tpu.memory_space<vmem>>
      %dma_wait3A_53 = tpu.memref_squeeze %dma_wait3A_52 : memref<1x128xi32, #tpu.memory_space<vmem>> -> memref<128xi32, #tpu.memory_space<vmem>>
      %dma_wait3A_54 = arith.constant 0 : i32
      %dma_wait3A_55 = arith.constant 0 : i32
      %dma_wait3A_56 = tpu.memref_slice %arg2[%dma_wait3A_54, %dma_wait3A_55] : memref<64x128xf32, #tpu.memory_space<hbm>> -> memref<64x128xf32, #tpu.memory_space<hbm>>
      tpu.wait_indirect_dma semaphore(%arg7 : memref<!tpu.dma_semaphore, #tpu.memory_space<semaphore_mem>>) src(%dma_wait3A_56 : memref<64x128xf32, #tpu.memory_space<hbm>>) dst(%dma_wait3A_50 : memref<128x128xf32, #tpu.memory_space<vmem>>)
      %dma_wait3A_57 = arith.constant 1 : i32
      %dma_wait3A_58 = arith.constant 128 : i32
      %dma_wait3A_59 = arith.constant 0 : i32
      %dma_wait3A_60 = tpu.memref_slice %arg6[%dma_wait3A_58, %dma_wait3A_59] : memref<512x128xf32, #tpu.memory_space<vmem>> -> memref<128x128xf32, #tpu.memory_space<vmem>>
      %dma_wait3A_61 = arith.constant 0 : i32
      %dma_wait3A_62 = tpu.memref_slice %arg5[%dma_wait3A_57, %dma_wait3A_61] : memref<8x128xi32, #tpu.memory_space<vmem>> -> memref<1x128xi32, #tpu.memory_space<vmem>>
      %dma_wait3A_63 = tpu.memref_squeeze %dma_wait3A_62 : memref<1x128xi32, #tpu.memory_space<vmem>> -> memref<128xi32, #tpu.memory_space<vmem>>
      %dma_wait3A_64 = arith.constant 0 : i32
      %dma_wait3A_65 = arith.constant 0 : i32
      %dma_wait3A_66 = tpu.memref_slice %arg2[%dma_wait3A_64, %dma_wait3A_65] : memref<64x128xf32, #tpu.memory_space<hbm>> -> memref<64x128xf32, #tpu.memory_space<hbm>>
      tpu.wait_indirect_dma semaphore(%arg7 : memref<!tpu.dma_semaphore, #tpu.memory_space<semaphore_mem>>) src(%dma_wait3A_66 : memref<64x128xf32, #tpu.memory_space<hbm>>) dst(%dma_wait3A_60 : memref<128x128xf32, #tpu.memory_space<vmem>>)
      %dma_wait3A_67 = arith.constant 2 : i32
      %dma_wait3A_68 = arith.constant 256 : i32
      %dma_wait3A_69 = arith.constant 0 : i32
      %dma_wait3A_70 = tpu.memref_slice %arg6[%dma_wait3A_68, %dma_wait3A_69] : memref<512x128xf32, #tpu.memory_space<vmem>> -> memref<128x128xf32, #tpu.memory_space<vmem>>
      %dma_wait3A_71 = arith.constant 0 : i32
      %dma_wait3A_72 = tpu.memref_slice %arg5[%dma_wait3A_67, %dma_wait3A_71] : memref<8x128xi32, #tpu.memory_space<vmem>> -> memref<1x128xi32, #tpu.memory_space<vmem>>
      %dma_wait3A_73 = tpu.memref_squeeze %dma_wait3A_72 : memref<1x128xi32, #tpu.memory_space<vmem>> -> memref<128xi32, #tpu.memory_space<vmem>>
      %dma_wait3A_74 = arith.constant 0 : i32
      %dma_wait3A_75 = arith.constant 0 : i32
      %dma_wait3A_76 = tpu.memref_slice %arg2[%dma_wait3A_74, %dma_wait3A_75] : memref<64x128xf32, #tpu.memory_space<hbm>> -> memref<64x128xf32, #tpu.memory_space<hbm>>
      tpu.wait_indirect_dma semaphore(%arg7 : memref<!tpu.dma_semaphore, #tpu.memory_space<semaphore_mem>>) src(%dma_wait3A_76 : memref<64x128xf32, #tpu.memory_space<hbm>>) dst(%dma_wait3A_70 : memref<128x128xf32, #tpu.memory_space<vmem>>)
      %dma_wait3A_77 = arith.constant 3 : i32
      %dma_wait3A_78 = arith.constant 384 : i32
      %dma_wait3A_79 = arith.constant 0 : i32
      %dma_wait3A_80 = tpu.memref_slice %arg6[%dma_wait3A_78, %dma_wait3A_79] : memref<512x128xf32, #tpu.memory_space<vmem>> -> memref<128x128xf32, #tpu.memory_space<vmem>>
      %dma_wait3A_81 = arith.constant 0 : i32
      %dma_wait3A_82 = tpu.memref_slice %arg5[%dma_wait3A_77, %dma_wait3A_81] : memref<8x128xi32, #tpu.memory_space<vmem>> -> memref<1x128xi32, #tpu.memory_space<vmem>>
      %dma_wait3A_83 = tpu.memref_squeeze %dma_wait3A_82 : memref<1x128xi32, #tpu.memory_space<vmem>> -> memref<128xi32, #tpu.memory_space<vmem>>
      %dma_wait3A_84 = arith.constant 0 : i32
      %dma_wait3A_85 = arith.constant 0 : i32
      %dma_wait3A_86 = tpu.memref_slice %arg2[%dma_wait3A_84, %dma_wait3A_85] : memref<64x128xf32, #tpu.memory_space<hbm>> -> memref<64x128xf32, #tpu.memory_space<hbm>>
      tpu.wait_indirect_dma semaphore(%arg7 : memref<!tpu.dma_semaphore, #tpu.memory_space<semaphore_mem>>) src(%dma_wait3A_86 : memref<64x128xf32, #tpu.memory_space<hbm>>) dst(%dma_wait3A_80 : memref<128x128xf32, #tpu.memory_space<vmem>>)
      %add3A_87 = arith.constant 0 : i32
      %add3A_88 = arith.addi %add3A_8, %add3A_87 : i32
      %mul3A_89 = arith.constant 128 : i32
      %mul3A_90 = arith.muli %add3A_88, %mul3A_89 : i32
      "tpu.region"() ({
        %run_scoped3A = tpu.sem_alloc : memref<!tpu.dma_semaphore, #tpu.memory_space<semaphore_mem>>
        %dma_start3A_176 = arith.constant 0 : i32
        %dma_start3A_177 = tpu.memref_slice %arg4[%mul3A_90, %dma_start3A_176] : memref<10240x128xf32, #tpu.memory_space<hbm>> -> memref<512x128xf32, #tpu.memory_space<hbm>>
        %dma_start3A_178 = arith.constant 0 : i32
        %dma_start3A_179 = tpu.memref_slice %arg4[%mul3A_90, %dma_start3A_178] : memref<10240x128xf32, #tpu.memory_space<hbm>> -> memref<512x128xf32, #tpu.memory_space<hbm>>
        tpu.enqueue_dma source(%arg6 : memref<512x128xf32, #tpu.memory_space<vmem>>) target(%dma_start3A_179 : memref<512x128xf32, #tpu.memory_space<hbm>>) target_semaphore(%run_scoped3A : memref<!tpu.dma_semaphore, #tpu.memory_space<semaphore_mem>>)
        %dma_wait3A_180 = arith.constant 0 : i32
        %dma_wait3A_181 = tpu.memref_slice %arg4[%mul3A_90, %dma_wait3A_180] : memref<10240x128xf32, #tpu.memory_space<hbm>> -> memref<512x128xf32, #tpu.memory_space<hbm>>
        %dma_wait3A_182 = arith.constant 0 : i32
        %dma_wait3A_183 = tpu.memref_slice %arg4[%mul3A_90, %dma_wait3A_182] : memref<10240x128xf32, #tpu.memory_space<hbm>> -> memref<512x128xf32, #tpu.memory_space<hbm>>
        tpu.wait_dma2 semaphore(%run_scoped3A : memref<!tpu.dma_semaphore, #tpu.memory_space<semaphore_mem>>) src(%arg6 : memref<512x128xf32, #tpu.memory_space<vmem>>) dst(%dma_wait3A_183 : memref<512x128xf32, #tpu.memory_space<hbm>>)
        tpu.yield
      }) : () -> ()
      %dma_start3A_91 = arith.constant 4 : i32
      %dma_start3A_92 = arith.constant 0 : i32
      %dma_start3A_93 = arith.constant 0 : i32
      %dma_start3A_94 = tpu.memref_slice %arg6[%dma_start3A_92, %dma_start3A_93] : memref<512x128xf32, #tpu.memory_space<vmem>> -> memref<128x128xf32, #tpu.memory_space<vmem>>
      %dma_start3A_95 = arith.constant 0 : i32
      %dma_start3A_96 = tpu.memref_slice %arg5[%dma_start3A_91, %dma_start3A_95] : memref<8x128xi32, #tpu.memory_space<vmem>> -> memref<1x128xi32, #tpu.memory_space<vmem>>
      %dma_start3A_97 = tpu.memref_squeeze %dma_start3A_96 : memref<1x128xi32, #tpu.memory_space<vmem>> -> memref<128xi32, #tpu.memory_space<vmem>>
      %dma_start3A_98 = arith.constant 0 : i32
      %dma_start3A_99 = arith.constant 0 : i32
      %dma_start3A_100 = tpu.memref_slice %arg2[%dma_start3A_98, %dma_start3A_99] : memref<64x128xf32, #tpu.memory_space<hbm>> -> memref<64x128xf32, #tpu.memory_space<hbm>>
      tpu.enqueue_indirect_dma source(%dma_start3A_100 : memref<64x128xf32, #tpu.memory_space<hbm>>) target(%dma_start3A_94 : memref<128x128xf32, #tpu.memory_space<vmem>>) offsets(%dma_start3A_97 : memref<128xi32, #tpu.memory_space<vmem>>) semaphore(%arg7 : memref<!tpu.dma_semaphore, #tpu.memory_space<semaphore_mem>>)
      %dma_start3A_101 = arith.constant 5 : i32
      %dma_start3A_102 = arith.constant 128 : i32
      %dma_start3A_103 = arith.constant 0 : i32
      %dma_start3A_104 = tpu.memref_slice %arg6[%dma_start3A_102, %dma_start3A_103] : memref<512x128xf32, #tpu.memory_space<vmem>> -> memref<128x128xf32, #tpu.memory_space<vmem>>
      %dma_start3A_105 = arith.constant 0 : i32
      %dma_start3A_106 = tpu.memref_slice %arg5[%dma_start3A_101, %dma_start3A_105] : memref<8x128xi32, #tpu.memory_space<vmem>> -> memref<1x128xi32, #tpu.memory_space<vmem>>
      %dma_start3A_107 = tpu.memref_squeeze %dma_start3A_106 : memref<1x128xi32, #tpu.memory_space<vmem>> -> memref<128xi32, #tpu.memory_space<vmem>>
      %dma_start3A_108 = arith.constant 0 : i32
      %dma_start3A_109 = arith.constant 0 : i32
      %dma_start3A_110 = tpu.memref_slice %arg2[%dma_start3A_108, %dma_start3A_109] : memref<64x128xf32, #tpu.memory_space<hbm>> -> memref<64x128xf32, #tpu.memory_space<hbm>>
      tpu.enqueue_indirect_dma source(%dma_start3A_110 : memref<64x128xf32, #tpu.memory_space<hbm>>) target(%dma_start3A_104 : memref<128x128xf32, #tpu.memory_space<vmem>>) offsets(%dma_start3A_107 : memref<128xi32, #tpu.memory_space<vmem>>) semaphore(%arg7 : memref<!tpu.dma_semaphore, #tpu.memory_space<semaphore_mem>>)
      %dma_start3A_111 = arith.constant 6 : i32
      %dma_start3A_112 = arith.constant 256 : i32
      %dma_start3A_113 = arith.constant 0 : i32
      %dma_start3A_114 = tpu.memref_slice %arg6[%dma_start3A_112, %dma_start3A_113] : memref<512x128xf32, #tpu.memory_space<vmem>> -> memref<128x128xf32, #tpu.memory_space<vmem>>
      %dma_start3A_115 = arith.constant 0 : i32
      %dma_start3A_116 = tpu.memref_slice %arg5[%dma_start3A_111, %dma_start3A_115] : memref<8x128xi32, #tpu.memory_space<vmem>> -> memref<1x128xi32, #tpu.memory_space<vmem>>
      %dma_start3A_117 = tpu.memref_squeeze %dma_start3A_116 : memref<1x128xi32, #tpu.memory_space<vmem>> -> memref<128xi32, #tpu.memory_space<vmem>>
      %dma_start3A_118 = arith.constant 0 : i32
      %dma_start3A_119 = arith.constant 0 : i32
      %dma_start3A_120 = tpu.memref_slice %arg2[%dma_start3A_118, %dma_start3A_119] : memref<64x128xf32, #tpu.memory_space<hbm>> -> memref<64x128xf32, #tpu.memory_space<hbm>>
      tpu.enqueue_indirect_dma source(%dma_start3A_120 : memref<64x128xf32, #tpu.memory_space<hbm>>) target(%dma_start3A_114 : memref<128x128xf32, #tpu.memory_space<vmem>>) offsets(%dma_start3A_117 : memref<128xi32, #tpu.memory_space<vmem>>) semaphore(%arg7 : memref<!tpu.dma_semaphore, #tpu.memory_space<semaphore_mem>>)
      %dma_start3A_121 = arith.constant 7 : i32
      %dma_start3A_122 = arith.constant 384 : i32
      %dma_start3A_123 = arith.constant 0 : i32
      %dma_start3A_124 = tpu.memref_slice %arg6[%dma_start3A_122, %dma_start3A_123] : memref<512x128xf32, #tpu.memory_space<vmem>> -> memref<128x128xf32, #tpu.memory_space<vmem>>
      %dma_start3A_125 = arith.constant 0 : i32
      %dma_start3A_126 = tpu.memref_slice %arg5[%dma_start3A_121, %dma_start3A_125] : memref<8x128xi32, #tpu.memory_space<vmem>> -> memref<1x128xi32, #tpu.memory_space<vmem>>
      %dma_start3A_127 = tpu.memref_squeeze %dma_start3A_126 : memref<1x128xi32, #tpu.memory_space<vmem>> -> memref<128xi32, #tpu.memory_space<vmem>>
      %dma_start3A_128 = arith.constant 0 : i32
      %dma_start3A_129 = arith.constant 0 : i32
      %dma_start3A_130 = tpu.memref_slice %arg2[%dma_start3A_128, %dma_start3A_129] : memref<64x128xf32, #tpu.memory_space<hbm>> -> memref<64x128xf32, #tpu.memory_space<hbm>>
      tpu.enqueue_indirect_dma source(%dma_start3A_130 : memref<64x128xf32, #tpu.memory_space<hbm>>) target(%dma_start3A_124 : memref<128x128xf32, #tpu.memory_space<vmem>>) offsets(%dma_start3A_127 : memref<128xi32, #tpu.memory_space<vmem>>) semaphore(%arg7 : memref<!tpu.dma_semaphore, #tpu.memory_space<semaphore_mem>>)
      %dma_wait3A_131 = arith.constant 4 : i32
      %dma_wait3A_132 = arith.constant 0 : i32
      %dma_wait3A_133 = arith.constant 0 : i32
      %dma_wait3A_134 = tpu.memref_slice %arg6[%dma_wait3A_132, %dma_wait3A_133] : memref<512x128xf32, #tpu.memory_space<vmem>> -> memref<128x128xf32, #tpu.memory_space<vmem>>
      %dma_wait3A_135 = arith.constant 0 : i32
      %dma_wait3A_136 = tpu.memref_slice %arg5[%dma_wait3A_131, %dma_wait3A_135] : memref<8x128xi32, #tpu.memory_space<vmem>> -> memref<1x128xi32, #tpu.memory_space<vmem>>
      %dma_wait3A_137 = tpu.memref_squeeze %dma_wait3A_136 : memref<1x128xi32, #tpu.memory_space<vmem>> -> memref<128xi32, #tpu.memory_space<vmem>>
      %dma_wait3A_138 = arith.constant 0 : i32
      %dma_wait3A_139 = arith.constant 0 : i32
      %dma_wait3A_140 = tpu.memref_slice %arg2[%dma_wait3A_138, %dma_wait3A_139] : memref<64x128xf32, #tpu.memory_space<hbm>> -> memref<64x128xf32, #tpu.memory_space<hbm>>
      tpu.wait_indirect_dma semaphore(%arg7 : memref<!tpu.dma_semaphore, #tpu.memory_space<semaphore_mem>>) src(%dma_wait3A_140 : memref<64x128xf32, #tpu.memory_space<hbm>>) dst(%dma_wait3A_134 : memref<128x128xf32, #tpu.memory_space<vmem>>)
      %dma_wait3A_141 = arith.constant 5 : i32
      %dma_wait3A_142 = arith.constant 128 : i32
      %dma_wait3A_143 = arith.constant 0 : i32
      %dma_wait3A_144 = tpu.memref_slice %arg6[%dma_wait3A_142, %dma_wait3A_143] : memref<512x128xf32, #tpu.memory_space<vmem>> -> memref<128x128xf32, #tpu.memory_space<vmem>>
      %dma_wait3A_145 = arith.constant 0 : i32
      %dma_wait3A_146 = tpu.memref_slice %arg5[%dma_wait3A_141, %dma_wait3A_145] : memref<8x128xi32, #tpu.memory_space<vmem>> -> memref<1x128xi32, #tpu.memory_space<vmem>>
      %dma_wait3A_147 = tpu.memref_squeeze %dma_wait3A_146 : memref<1x128xi32, #tpu.memory_space<vmem>> -> memref<128xi32, #tpu.memory_space<vmem>>
      %dma_wait3A_148 = arith.constant 0 : i32
      %dma_wait3A_149 = arith.constant 0 : i32
      %dma_wait3A_150 = tpu.memref_slice %arg2[%dma_wait3A_148, %dma_wait3A_149] : memref<64x128xf32, #tpu.memory_space<hbm>> -> memref<64x128xf32, #tpu.memory_space<hbm>>
      tpu.wait_indirect_dma semaphore(%arg7 : memref<!tpu.dma_semaphore, #tpu.memory_space<semaphore_mem>>) src(%dma_wait3A_150 : memref<64x128xf32, #tpu.memory_space<hbm>>) dst(%dma_wait3A_144 : memref<128x128xf32, #tpu.memory_space<vmem>>)
      %dma_wait3A_151 = arith.constant 6 : i32
      %dma_wait3A_152 = arith.constant 256 : i32
      %dma_wait3A_153 = arith.constant 0 : i32
      %dma_wait3A_154 = tpu.memref_slice %arg6[%dma_wait3A_152, %dma_wait3A_153] : memref<512x128xf32, #tpu.memory_space<vmem>> -> memref<128x128xf32, #tpu.memory_space<vmem>>
      %dma_wait3A_155 = arith.constant 0 : i32
      %dma_wait3A_156 = tpu.memref_slice %arg5[%dma_wait3A_151, %dma_wait3A_155] : memref<8x128xi32, #tpu.memory_space<vmem>> -> memref<1x128xi32, #tpu.memory_space<vmem>>
      %dma_wait3A_157 = tpu.memref_squeeze %dma_wait3A_156 : memref<1x128xi32, #tpu.memory_space<vmem>> -> memref<128xi32, #tpu.memory_space<vmem>>
      %dma_wait3A_158 = arith.constant 0 : i32
      %dma_wait3A_159 = arith.constant 0 : i32
      %dma_wait3A_160 = tpu.memref_slice %arg2[%dma_wait3A_158, %dma_wait3A_159] : memref<64x128xf32, #tpu.memory_space<hbm>> -> memref<64x128xf32, #tpu.memory_space<hbm>>
      tpu.wait_indirect_dma semaphore(%arg7 : memref<!tpu.dma_semaphore, #tpu.memory_space<semaphore_mem>>) src(%dma_wait3A_160 : memref<64x128xf32, #tpu.memory_space<hbm>>) dst(%dma_wait3A_154 : memref<128x128xf32, #tpu.memory_space<vmem>>)
      %dma_wait3A_161 = arith.constant 7 : i32
      %dma_wait3A_162 = arith.constant 384 : i32
      %dma_wait3A_163 = arith.constant 0 : i32
      %dma_wait3A_164 = tpu.memref_slice %arg6[%dma_wait3A_162, %dma_wait3A_163] : memref<512x128xf32, #tpu.memory_space<vmem>> -> memref<128x128xf32, #tpu.memory_space<vmem>>
      %dma_wait3A_165 = arith.constant 0 : i32
      %dma_wait3A_166 = tpu.memref_slice %arg5[%dma_wait3A_161, %dma_wait3A_165] : memref<8x128xi32, #tpu.memory_space<vmem>> -> memref<1x128xi32, #tpu.memory_space<vmem>>
      %dma_wait3A_167 = tpu.memref_squeeze %dma_wait3A_166 : memref<1x128xi32, #tpu.memory_space<vmem>> -> memref<128xi32, #tpu.memory_space<vmem>>
      %dma_wait3A_168 = arith.constant 0 : i32
      %dma_wait3A_169 = arith.constant 0 : i32
      %dma_wait3A_170 = tpu.memref_slice %arg2[%dma_wait3A_168, %dma_wait3A_169] : memref<64x128xf32, #tpu.memory_space<hbm>> -> memref<64x128xf32, #tpu.memory_space<hbm>>
      tpu.wait_indirect_dma semaphore(%arg7 : memref<!tpu.dma_semaphore, #tpu.memory_space<semaphore_mem>>) src(%dma_wait3A_170 : memref<64x128xf32, #tpu.memory_space<hbm>>) dst(%dma_wait3A_164 : memref<128x128xf32, #tpu.memory_space<vmem>>)
      %add3A_171 = arith.constant 4 : i32
      %add3A_172 = arith.addi %add3A_8, %add3A_171 : i32
      %mul3A_173 = arith.constant 128 : i32
      %mul3A_174 = arith.muli %add3A_172, %mul3A_173 : i32
      "tpu.region"() ({
        %run_scoped3A = tpu.sem_alloc : memref<!tpu.dma_semaphore, #tpu.memory_space<semaphore_mem>>
        %dma_start3A_176 = arith.constant 0 : i32
        %dma_start3A_177 = tpu.memref_slice %arg4[%mul3A_174, %dma_start3A_176] : memref<10240x128xf32, #tpu.memory_space<hbm>> -> memref<512x128xf32, #tpu.memory_space<hbm>>
        %dma_start3A_178 = arith.constant 0 : i32
        %dma_start3A_179 = tpu.memref_slice %arg4[%mul3A_174, %dma_start3A_178] : memref<10240x128xf32, #tpu.memory_space<hbm>> -> memref<512x128xf32, #tpu.memory_space<hbm>>
        tpu.enqueue_dma source(%arg6 : memref<512x128xf32, #tpu.memory_space<vmem>>) target(%dma_start3A_179 : memref<512x128xf32, #tpu.memory_space<hbm>>) target_semaphore(%run_scoped3A : memref<!tpu.dma_semaphore, #tpu.memory_space<semaphore_mem>>)
        %dma_wait3A_180 = arith.constant 0 : i32
        %dma_wait3A_181 = tpu.memref_slice %arg4[%mul3A_174, %dma_wait3A_180] : memref<10240x128xf32, #tpu.memory_space<hbm>> -> memref<512x128xf32, #tpu.memory_space<hbm>>
        %dma_wait3A_182 = arith.constant 0 : i32
        %dma_wait3A_183 = tpu.memref_slice %arg4[%mul3A_174, %dma_wait3A_182] : memref<10240x128xf32, #tpu.memory_space<hbm>> -> memref<512x128xf32, #tpu.memory_space<hbm>>
        tpu.wait_dma2 semaphore(%run_scoped3A : memref<!tpu.dma_semaphore, #tpu.memory_space<semaphore_mem>>) src(%arg6 : memref<512x128xf32, #tpu.memory_space<vmem>>) dst(%dma_wait3A_183 : memref<512x128xf32, #tpu.memory_space<hbm>>)
        tpu.yield
      }) : () -> ()
      %scan3A_175 = arith.constant 1 : i32
    } else {
    }
    return
  }
}

module attributes {stable_mosaic.version = 14 : i64} {
  func.func @body(%arg0: i32, %arg1: memref<1000x128xf32, #tpu.memory_space<vmem>>, %arg2: memref<128x128xf32, #tpu.memory_space<vmem>>, %arg3: memref<1000x128xf32, #tpu.memory_space<vmem>>) attributes {dimension_semantics = [#tpu.dimension_semantics<arbitrary>], iteration_bounds = array<i64: 20>, scalar_prefetch = 0 : i64, scratch_operands = 0 : i64, tpu.core_type = #tpu.core_type<tc>, window_params = [{transform_indices = @transform_0, window_bounds = array<i64: 1000, 128>}, {pipeline_mode = #tpu.pipeline_mode<synchronous>, transform_indices = @transform_1, window_bounds = array<i64: 128, 128>}, {transform_indices = @transform_2, window_bounds = array<i64: 1000, 128>}]} {
    %get3A = arith.constant 0 : index
    %get3A_0 = arith.constant 0 : index
    %get3A_1 = vector.load %arg1[%get3A, %get3A_0] : memref<1000x128xf32, #tpu.memory_space<vmem>>, vector<1000x128xf32>
    %get3A_2 = arith.constant 0 : index
    %get3A_3 = arith.constant 0 : index
    %get3A_4 = vector.load %arg2[%get3A_2, %get3A_3] : memref<128x128xf32, #tpu.memory_space<vmem>>, vector<128x128xf32>
    %dot_general3A = arith.constant dense<0.000000e+00> : vector<1000x128xf32>
    %dot_general3A_5 = tpu.matmul %get3A_1, %get3A_4, %dot_general3A {dimension_numbers = #tpu.dot_dimension_numbers<[1], [0], [0], [1], [0, 0, 1, 1], [], []>, transpose_lhs_hint = false} : vector<1000x128xf32>, vector<128x128xf32>, vector<1000x128xf32> -> vector<1000x128xf32>
    %swap3A = arith.constant 0 : index
    %swap3A_6 = arith.constant 0 : index
    %swap3A_7 = vector.load %arg3[%swap3A, %swap3A_6] : memref<1000x128xf32, #tpu.memory_space<vmem>>, vector<1000x128xf32>
    tpu.vector_store %arg3[%swap3A, %swap3A_6], %dot_general3A_5 {strides = array<i32>} : memref<1000x128xf32, #tpu.memory_space<vmem>>, vector<1000x128xf32>,
    return
  }
  func.func @transform_0(%arg0: i32) -> (i32, i32) {
    %c0_i32 = arith.constant 0 : i32
    %c0_i32_0 = arith.constant 0 : i32
    return %arg0, %c0_i32 : i32, i32
  }
  func.func @transform_1(%arg0: i32) -> (i32, i32) {
    %c0_i32 = arith.constant 0 : i32
    %c0_i32_0 = arith.constant 0 : i32
    %c0_i32_1 = arith.constant 0 : i32
    return %c0_i32, %c0_i32_0 : i32, i32
  }
  func.func @transform_2(%arg0: i32) -> (i32, i32) {
    %c0_i32 = arith.constant 0 : i32
    %c0_i32_0 = arith.constant 0 : i32
    return %arg0, %c0_i32 : i32, i32
  }
}

module attributes {stable_mosaic.version = 14 : i64} {
  func.func @body(%arg0: i32, %arg1: memref<2048x128xf32, #tpu.memory_space<vmem>>, %arg2: memref<2048x16xf32, #tpu.memory_space<vmem>>, %arg3: memref<16x128xf32, #tpu.memory_space<vmem>>, %arg4: memref<1x128xf32, #tpu.memory_space<vmem>>, %arg5: memref<2048x128xf32, #tpu.memory_space<vmem>>, %arg6: memref<2048x128xf32, #tpu.memory_space<vmem>>) attributes {dimension_semantics = [#tpu.dimension_semantics<arbitrary>], iteration_bounds = array<i64: 320>, scalar_prefetch = 0 : i64, scratch_operands = 0 : i64, tpu.core_type = #tpu.core_type<tc>, window_params = [{transform_indices = @transform_0, window_bounds = array<i64: 2048, 128>}, {transform_indices = @transform_1, window_bounds = array<i64: 2048, 16>}, {pipeline_mode = #tpu.pipeline_mode<synchronous>, transform_indices = @transform_2, window_bounds = array<i64: 16, 128>}, {pipeline_mode = #tpu.pipeline_mode<synchronous>, transform_indices = @transform_3, window_bounds = array<i64: 1, 128>}, {transform_indices = @transform_4, window_bounds = array<i64: 2048, 128>}, {transform_indices = @transform_5, window_bounds = array<i64: 2048, 128>}]} {
    %get3A = arith.constant 0 : index
    %get3A_0 = arith.constant 0 : index
    %get3A_1 = vector.load %arg1[%get3A, %get3A_0] : memref<2048x128xf32, #tpu.memory_space<vmem>>, vector<2048x128xf32>
    %get3A_2 = arith.constant 0 : index
    %get3A_3 = arith.constant 0 : index
    %get3A_4 = vector.load %arg2[%get3A_2, %get3A_3] : memref<2048x16xf32, #tpu.memory_space<vmem>>, vector<2048x16xf32>
    %get3A_5 = arith.constant 0 : index
    %get3A_6 = arith.constant 0 : index
    %get3A_7 = vector.load %arg3[%get3A_5, %get3A_6] : memref<16x128xf32, #tpu.memory_space<vmem>>, vector<16x128xf32>
    %dot_general3A = arith.constant dense<0.000000e+00> : vector<2048x128xf32>
    %dot_general3A_8 = tpu.matmul %get3A_4, %get3A_7, %dot_general3A {dimension_numbers = #tpu.dot_dimension_numbers<[1], [0], [0], [1], [0, 0, 1, 1], [], []>, transpose_lhs_hint = false} : vector<2048x16xf32>, vector<16x128xf32>, vector<2048x128xf32> -> vector<2048x128xf32>
    %add3A = arith.addf %get3A_1, %dot_general3A_8 : vector<2048x128xf32>
    %get3A_9 = arith.constant 0 : index
    %get3A_10 = arith.constant 0 : index
    %get3A_11 = vector.load %arg4[%get3A_9, %get3A_10] : memref<1x128xf32, #tpu.memory_space<vmem>>, vector<1x128xf32>
    %add3A_12 = vector.broadcast %get3A_11 : vector<1x128xf32> to vector<2048x128xf32>
    %add3A_13 = arith.addf %add3A, %add3A_12 : vector<2048x128xf32>
    %swap3A = arith.constant 0 : index
    %swap3A_14 = arith.constant 0 : index
    %swap3A_15 = vector.load %arg5[%swap3A, %swap3A_14] : memref<2048x128xf32, #tpu.memory_space<vmem>>, vector<2048x128xf32>
    tpu.vector_store %arg5[%swap3A, %swap3A_14], %add3A_13 {strides = array<i32>} : memref<2048x128xf32, #tpu.memory_space<vmem>>, vector<2048x128xf32>,
    %max3A = arith.constant 0.000000e+00 : f32
    %max3A_16 = vector.broadcast %max3A : f32 to vector<2048x128xf32>
    %max3A_17 = arith.maximumf %add3A_13, %max3A_16 : vector<2048x128xf32>
    %swap3A_18 = arith.constant 0 : index
    %swap3A_19 = arith.constant 0 : index
    %swap3A_20 = vector.load %arg6[%swap3A_18, %swap3A_19] : memref<2048x128xf32, #tpu.memory_space<vmem>>, vector<2048x128xf32>
    tpu.vector_store %arg6[%swap3A_18, %swap3A_19], %max3A_17 {strides = array<i32>} : memref<2048x128xf32, #tpu.memory_space<vmem>>, vector<2048x128xf32>,
    return
  }
  func.func @transform_0(%arg0: i32) -> (i32, i32) {
    %c0_i32 = arith.constant 0 : i32
    %c0_i32_0 = arith.constant 0 : i32
    return %arg0, %c0_i32 : i32, i32
  }
  func.func @transform_1(%arg0: i32) -> (i32, i32) {
    %c0_i32 = arith.constant 0 : i32
    %c0_i32_0 = arith.constant 0 : i32
    return %arg0, %c0_i32 : i32, i32
  }
  func.func @transform_2(%arg0: i32) -> (i32, i32) {
    %c0_i32 = arith.constant 0 : i32
    %c0_i32_0 = arith.constant 0 : i32
    %c0_i32_1 = arith.constant 0 : i32
    return %c0_i32, %c0_i32_0 : i32, i32
  }
  func.func @transform_3(%arg0: i32) -> (i32, i32) {
    %c0_i32 = arith.constant 0 : i32
    %c0_i32_0 = arith.constant 0 : i32
    %c0_i32_1 = arith.constant 0 : i32
    return %c0_i32, %c0_i32_0 : i32, i32
  }
  func.func @transform_4(%arg0: i32) -> (i32, i32) {
    %c0_i32 = arith.constant 0 : i32
    %c0_i32_0 = arith.constant 0 : i32
    return %arg0, %c0_i32 : i32, i32
  }
  func.func @transform_5(%arg0: i32) -> (i32, i32) {
    %c0_i32 = arith.constant 0 : i32
    %c0_i32_0 = arith.constant 0 : i32
    return %arg0, %c0_i32 : i32, i32
  }
}

module attributes {stable_mosaic.version = 14 : i64} {
  func.func @body(%arg0: i32, %arg1: memref<1024x128xf32, #tpu.memory_space<vmem>>, %arg2: memref<128x128xf32, #tpu.memory_space<vmem>>, %arg3: memref<1024x128xf32, #tpu.memory_space<vmem>>) attributes {dimension_semantics = [#tpu.dimension_semantics<arbitrary>], iteration_bounds = array<i64: 20>, scalar_prefetch = 0 : i64, scratch_operands = 0 : i64, tpu.core_type = #tpu.core_type<tc>, window_params = [{transform_indices = @transform_0, window_bounds = array<i64: 1024, 128>}, {pipeline_mode = #tpu.pipeline_mode<synchronous>, transform_indices = @transform_1, window_bounds = array<i64: 128, 128>}, {transform_indices = @transform_2, window_bounds = array<i64: 1024, 128>}]} {
    %get3A = arith.constant 0 : index
    %get3A_0 = arith.constant 0 : index
    %get3A_1 = vector.load %arg1[%get3A, %get3A_0] : memref<1024x128xf32, #tpu.memory_space<vmem>>, vector<1024x128xf32>
    %get3A_2 = arith.constant 0 : index
    %get3A_3 = arith.constant 0 : index
    %get3A_4 = vector.load %arg2[%get3A_2, %get3A_3] : memref<128x128xf32, #tpu.memory_space<vmem>>, vector<128x128xf32>
    %dot_general3A = arith.constant dense<0.000000e+00> : vector<1024x128xf32>
    %dot_general3A_5 = tpu.matmul %get3A_1, %get3A_4, %dot_general3A {dimension_numbers = #tpu.dot_dimension_numbers<[1], [0], [0], [1], [0, 0, 1, 1], [], []>, transpose_lhs_hint = false} : vector<1024x128xf32>, vector<128x128xf32>, vector<1024x128xf32> -> vector<1024x128xf32>
    %swap3A = arith.constant 0 : index
    %swap3A_6 = arith.constant 0 : index
    %swap3A_7 = vector.load %arg3[%swap3A, %swap3A_6] : memref<1024x128xf32, #tpu.memory_space<vmem>>, vector<1024x128xf32>
    tpu.vector_store %arg3[%swap3A, %swap3A_6], %dot_general3A_5 {strides = array<i32>} : memref<1024x128xf32, #tpu.memory_space<vmem>>, vector<1024x128xf32>,
    return
  }
  func.func @transform_0(%arg0: i32) -> (i32, i32) {
    %c0_i32 = arith.constant 0 : i32
    %c0_i32_0 = arith.constant 0 : i32
    return %arg0, %c0_i32 : i32, i32
  }
  func.func @transform_1(%arg0: i32) -> (i32, i32) {
    %c0_i32 = arith.constant 0 : i32
    %c0_i32_0 = arith.constant 0 : i32
    %c0_i32_1 = arith.constant 0 : i32
    return %c0_i32, %c0_i32_0 : i32, i32
  }
  func.func @transform_2(%arg0: i32) -> (i32, i32) {
    %c0_i32 = arith.constant 0 : i32
    %c0_i32_0 = arith.constant 0 : i32
    return %arg0, %c0_i32 : i32, i32
  }
}

module attributes {stable_mosaic.version = 14 : i64} {
  func.func @body(%arg0: i32, %arg1: memref<2048x128xf32, #tpu.memory_space<vmem>>, %arg2: memref<2048x128xf32, #tpu.memory_space<vmem>>, %arg3: memref<2048x128xf32, #tpu.memory_space<vmem>>) attributes {dimension_semantics = [#tpu.dimension_semantics<arbitrary>], iteration_bounds = array<i64: 320>, scalar_prefetch = 0 : i64, scratch_operands = 0 : i64, tpu.core_type = #tpu.core_type<tc>, window_params = [{transform_indices = @transform_0, window_bounds = array<i64: 2048, 128>}, {transform_indices = @transform_1, window_bounds = array<i64: 2048, 128>}, {transform_indices = @transform_2, window_bounds = array<i64: 2048, 128>}]} {
    %get3A = arith.constant 0 : index
    %get3A_0 = arith.constant 0 : index
    %get3A_1 = vector.load %arg1[%get3A, %get3A_0] : memref<2048x128xf32, #tpu.memory_space<vmem>>, vector<2048x128xf32>
    %get3A_2 = arith.constant 0 : index
    %get3A_3 = arith.constant 0 : index
    %get3A_4 = vector.load %arg2[%get3A_2, %get3A_3] : memref<2048x128xf32, #tpu.memory_space<vmem>>, vector<2048x128xf32>
    %add3A = arith.addf %get3A_1, %get3A_4 : vector<2048x128xf32>
    %max3A = arith.constant 0.000000e+00 : f32
    %max3A_5 = vector.broadcast %max3A : f32 to vector<2048x128xf32>
    %max3A_6 = arith.maximumf %add3A, %max3A_5 : vector<2048x128xf32>
    %swap3A = arith.constant 0 : index
    %swap3A_7 = arith.constant 0 : index
    %swap3A_8 = vector.load %arg3[%swap3A, %swap3A_7] : memref<2048x128xf32, #tpu.memory_space<vmem>>, vector<2048x128xf32>
    tpu.vector_store %arg3[%swap3A, %swap3A_7], %max3A_6 {strides = array<i32>} : memref<2048x128xf32, #tpu.memory_space<vmem>>, vector<2048x128xf32>,
    return
  }
  func.func @transform_0(%arg0: i32) -> (i32, i32) {
    %c0_i32 = arith.constant 0 : i32
    %c0_i32_0 = arith.constant 0 : i32
    return %arg0, %c0_i32 : i32, i32
  }
  func.func @transform_1(%arg0: i32) -> (i32, i32) {
    %c0_i32 = arith.constant 0 : i32
    %c0_i32_0 = arith.constant 0 : i32
    return %arg0, %c0_i32 : i32, i32
  }
  func.func @transform_2(%arg0: i32) -> (i32, i32) {
    %c0_i32 = arith.constant 0 : i32
    %c0_i32_0 = arith.constant 0 : i32
    return %arg0, %c0_i32 : i32, i32
  }
}

module attributes {stable_mosaic.version = 14 : i64} {
  func.func @body(%arg0: i32, %arg1: memref<400x128xf32, #tpu.memory_space<vmem>>, %arg2: memref<1x400x128xf32, #tpu.memory_space<vmem>>, %arg3: memref<128x128xf32, #tpu.memory_space<vmem>>, %arg4: memref<128x128xf32, #tpu.memory_space<vmem>>, %arg5: memref<1x128xf32, #tpu.memory_space<vmem>>, %arg6: memref<1x400x128xf32, #tpu.memory_space<vmem>>) attributes {dimension_semantics = [#tpu.dimension_semantics<arbitrary>], iteration_bounds = array<i64: 50>, scalar_prefetch = 0 : i64, scratch_operands = 0 : i64, tpu.core_type = #tpu.core_type<tc>, window_params = [{transform_indices = @transform_0, window_bounds = array<i64: 400, 128>}, {transform_indices = @transform_1, window_bounds = array<i64: 1, 400, 128>}, {pipeline_mode = #tpu.pipeline_mode<synchronous>, transform_indices = @transform_2, window_bounds = array<i64: 128, 128>}, {pipeline_mode = #tpu.pipeline_mode<synchronous>, transform_indices = @transform_3, window_bounds = array<i64: 128, 128>}, {pipeline_mode = #tpu.pipeline_mode<synchronous>, transform_indices = @transform_4, window_bounds = array<i64: 1, 128>}, {transform_indices = @transform_5, window_bounds = array<i64: 1, 400, 128>}]} {
    %get3A = arith.constant 0 : index
    %get3A_0 = arith.constant 0 : index
    %get3A_1 = vector.load %arg1[%get3A, %get3A_0] : memref<400x128xf32, #tpu.memory_space<vmem>>, vector<400x128xf32>
    %get3A_2 = arith.constant 0 : index
    %get3A_3 = arith.constant 0 : index
    %get3A_4 = vector.load %arg3[%get3A_2, %get3A_3] : memref<128x128xf32, #tpu.memory_space<vmem>>, vector<128x128xf32>
    %dot_general3A = arith.constant dense<0.000000e+00> : vector<400x128xf32>
    %dot_general3A_5 = tpu.matmul %get3A_1, %get3A_4, %dot_general3A {dimension_numbers = #tpu.dot_dimension_numbers<[1], [0], [0], [1], [0, 0, 1, 1], [], []>, transpose_lhs_hint = false} : vector<400x128xf32>, vector<128x128xf32>, vector<400x128xf32> -> vector<400x128xf32>
    %get3A_6 = arith.constant 0 : index
    %get3A_7 = arith.constant 0 : index
    %get3A_8 = arith.constant 0 : index
    %get3A_9 = vector.load %arg2[%get3A_6, %get3A_7, %get3A_8] : memref<1x400x128xf32, #tpu.memory_space<vmem>>, vector<1x400x128xf32>
    %get3A_10 = vector.shape_cast %get3A_9 : vector<1x400x128xf32> to vector<400x128xf32>
    %get3A_11 = arith.constant 0 : index
    %get3A_12 = arith.constant 0 : index
    %get3A_13 = vector.load %arg4[%get3A_11, %get3A_12] : memref<128x128xf32, #tpu.memory_space<vmem>>, vector<128x128xf32>
    %dot_general3A_14 = arith.constant dense<0.000000e+00> : vector<400x128xf32>
    %dot_general3A_15 = tpu.matmul %get3A_10, %get3A_13, %dot_general3A_14 {dimension_numbers = #tpu.dot_dimension_numbers<[1], [0], [0], [1], [0, 0, 1, 1], [], []>, transpose_lhs_hint = false} : vector<400x128xf32>, vector<128x128xf32>, vector<400x128xf32> -> vector<400x128xf32>
    %add3A = arith.addf %dot_general3A_5, %dot_general3A_15 : vector<400x128xf32>
    %get3A_16 = arith.constant 0 : index
    %get3A_17 = arith.constant 0 : index
    %get3A_18 = vector.load %arg5[%get3A_16, %get3A_17] : memref<1x128xf32, #tpu.memory_space<vmem>>, vector<1x128xf32>
    %add3A_19 = vector.broadcast %get3A_18 : vector<1x128xf32> to vector<400x128xf32>
    %add3A_20 = arith.addf %add3A, %add3A_19 : vector<400x128xf32>
    %max3A = arith.constant 0.000000e+00 : f32
    %max3A_21 = vector.broadcast %max3A : f32 to vector<400x128xf32>
    %max3A_22 = arith.maximumf %add3A_20, %max3A_21 : vector<400x128xf32>
    %swap3A = arith.constant 0 : index
    %swap3A_23 = arith.constant 0 : index
    %swap3A_24 = arith.constant 0 : index
    %swap3A_25 = vector.load %arg6[%swap3A, %swap3A_23, %swap3A_24] : memref<1x400x128xf32, #tpu.memory_space<vmem>>, vector<1x400x128xf32>
    %swap3A_26 = vector.shape_cast %swap3A_25 : vector<1x400x128xf32> to vector<400x128xf32>
    %swap3A_27 = vector.shape_cast %max3A_22 : vector<400x128xf32> to vector<1x400x128xf32>
    tpu.vector_store %arg6[%swap3A, %swap3A_23, %swap3A_24], %swap3A_27 {strides = array<i32>} : memref<1x400x128xf32, #tpu.memory_space<vmem>>, vector<1x400x128xf32>,
    return
  }
  func.func @transform_0(%arg0: i32) -> (i32, i32) {
    %c0_i32 = arith.constant 0 : i32
    %c0_i32_0 = arith.constant 0 : i32
    return %arg0, %c0_i32 : i32, i32
  }
  func.func @transform_1(%arg0: i32) -> (i32, i32, i32) {
    %jit3A = arith.constant 25 : i32
    %div3A = arith.divsi %arg0, %jit3A : i32
    %sign3A = arith.constant 0 : i32
    %sign3A_0 = arith.cmpi sgt, %arg0, %sign3A : i32
    %sign3A_1 = arith.extui %sign3A_0 : i1 to i32
    %sign3A_2 = arith.constant 0 : i32
    %sign3A_3 = arith.cmpi slt, %arg0, %sign3A_2 : i32
    %sign3A_4 = arith.extui %sign3A_3 : i1 to i32
    %sign3A_5 = arith.subi %sign3A_1, %sign3A_4 : i32
    %sign3A_6 = arith.constant 0 : i32
    %sign3A_7 = arith.cmpi sgt, %jit3A, %sign3A_6 : i32
    %sign3A_8 = arith.extui %sign3A_7 : i1 to i32
    %sign3A_9 = arith.constant 0 : i32
    %sign3A_10 = arith.cmpi slt, %jit3A, %sign3A_9 : i32
    %sign3A_11 = arith.extui %sign3A_10 : i1 to i32
    %sign3A_12 = arith.subi %sign3A_8, %sign3A_11 : i32
    %ne3A = arith.cmpi ne, %sign3A_5, %sign3A_12 : i32
    %rem3A = arith.remsi %arg0, %jit3A : i32
    %ne3A_13 = arith.constant 0 : i32
    %ne3A_14 = arith.cmpi ne, %rem3A, %ne3A_13 : i32
    %and3A = arith.andi %ne3A, %ne3A_14 : i1
    %sub3A = arith.constant 1 : i32
    %sub3A_15 = arith.subi %div3A, %sub3A : i32
    %select_n3A = arith.select %and3A, %sub3A_15, %div3A : i32
    %jit3A_16 = arith.constant 25 : i32
    %eq3A = arith.constant 0 : i32
    %eq3A_17 = arith.cmpi eq, %jit3A_16, %eq3A : i32
    %jit3A_18 = arith.constant 1 : i32
    %select_n3A_19 = arith.select %eq3A_17, %jit3A_18, %jit3A_16 : i32
    %rem3A_20 = arith.remsi %arg0, %select_n3A_19 : i32
    %ne3A_21 = arith.constant 0 : i32
    %ne3A_22 = arith.cmpi ne, %rem3A_20, %ne3A_21 : i32
    %lt3A = arith.constant 0 : i32
    %lt3A_23 = arith.cmpi slt, %rem3A_20, %lt3A : i32
    %lt3A_24 = arith.constant 0 : i32
    %lt3A_25 = arith.cmpi slt, %select_n3A_19, %lt3A_24 : i32
    %ne3A_26 = arith.xori %lt3A_23, %lt3A_25 : i1
    %and3A_27 = arith.andi %ne3A_26, %ne3A_22 : i1
    %add3A = arith.addi %rem3A_20, %select_n3A_19 : i32
    %select_n3A_28 = arith.select %and3A_27, %add3A, %rem3A_20 : i32
    %c0_i32 = arith.constant 0 : i32
    %c0_i32_29 = arith.constant 0 : i32
    return %select_n3A, %select_n3A_28, %c0_i32 : i32, i32, i32
  }
  func.func @transform_2(%arg0: i32) -> (i32, i32) {
    %c0_i32 = arith.constant 0 : i32
    %c0_i32_0 = arith.constant 0 : i32
    %c0_i32_1 = arith.constant 0 : i32
    return %c0_i32, %c0_i32_0 : i32, i32
  }
  func.func @transform_3(%arg0: i32) -> (i32, i32) {
    %c0_i32 = arith.constant 0 : i32
    %c0_i32_0 = arith.constant 0 : i32
    %c0_i32_1 = arith.constant 0 : i32
    return %c0_i32, %c0_i32_0 : i32, i32
  }
  func.func @transform_4(%arg0: i32) -> (i32, i32) {
    %c0_i32 = arith.constant 0 : i32
    %c0_i32_0 = arith.constant 0 : i32
    %c0_i32_1 = arith.constant 0 : i32
    return %c0_i32, %c0_i32_0 : i32, i32
  }
  func.func @transform_5(%arg0: i32) -> (i32, i32, i32) {
    %jit3A = arith.constant 25 : i32
    %div3A = arith.divsi %arg0, %jit3A : i32
    %sign3A = arith.constant 0 : i32
    %sign3A_0 = arith.cmpi sgt, %arg0, %sign3A : i32
    %sign3A_1 = arith.extui %sign3A_0 : i1 to i32
    %sign3A_2 = arith.constant 0 : i32
    %sign3A_3 = arith.cmpi slt, %arg0, %sign3A_2 : i32
    %sign3A_4 = arith.extui %sign3A_3 : i1 to i32
    %sign3A_5 = arith.subi %sign3A_1, %sign3A_4 : i32
    %sign3A_6 = arith.constant 0 : i32
    %sign3A_7 = arith.cmpi sgt, %jit3A, %sign3A_6 : i32
    %sign3A_8 = arith.extui %sign3A_7 : i1 to i32
    %sign3A_9 = arith.constant 0 : i32
    %sign3A_10 = arith.cmpi slt, %jit3A, %sign3A_9 : i32
    %sign3A_11 = arith.extui %sign3A_10 : i1 to i32
    %sign3A_12 = arith.subi %sign3A_8, %sign3A_11 : i32
    %ne3A = arith.cmpi ne, %sign3A_5, %sign3A_12 : i32
    %rem3A = arith.remsi %arg0, %jit3A : i32
    %ne3A_13 = arith.constant 0 : i32
    %ne3A_14 = arith.cmpi ne, %rem3A, %ne3A_13 : i32
    %and3A = arith.andi %ne3A, %ne3A_14 : i1
    %sub3A = arith.constant 1 : i32
    %sub3A_15 = arith.subi %div3A, %sub3A : i32
    %select_n3A = arith.select %and3A, %sub3A_15, %div3A : i32
    %jit3A_16 = arith.constant 25 : i32
    %eq3A = arith.constant 0 : i32
    %eq3A_17 = arith.cmpi eq, %jit3A_16, %eq3A : i32
    %jit3A_18 = arith.constant 1 : i32
    %select_n3A_19 = arith.select %eq3A_17, %jit3A_18, %jit3A_16 : i32
    %rem3A_20 = arith.remsi %arg0, %select_n3A_19 : i32
    %ne3A_21 = arith.constant 0 : i32
    %ne3A_22 = arith.cmpi ne, %rem3A_20, %ne3A_21 : i32
    %lt3A = arith.constant 0 : i32
    %lt3A_23 = arith.cmpi slt, %rem3A_20, %lt3A : i32
    %lt3A_24 = arith.constant 0 : i32
    %lt3A_25 = arith.cmpi slt, %select_n3A_19, %lt3A_24 : i32
    %ne3A_26 = arith.xori %lt3A_23, %lt3A_25 : i1
    %and3A_27 = arith.andi %ne3A_26, %ne3A_22 : i1
    %add3A = arith.addi %rem3A_20, %select_n3A_19 : i32
    %select_n3A_28 = arith.select %and3A_27, %add3A, %rem3A_20 : i32
    %c0_i32 = arith.constant 0 : i32
    %c0_i32_29 = arith.constant 0 : i32
    return %select_n3A, %select_n3A_28, %c0_i32 : i32, i32, i32
  }
}

module attributes {stable_mosaic.version = 14 : i64} {
  func.func @body(%arg0: i32, %arg1: memref<2x128x128xf32, #tpu.memory_space<vmem>>, %arg2: memref<64x64xf32, #tpu.memory_space<vmem>>, %arg3: memref<128x64xf32, #tpu.memory_space<vmem>>, %arg4: memref<1x64xf32, #tpu.memory_space<vmem>>, %arg5: memref<128x64xf32, #tpu.memory_space<vmem>>, %arg6: memref<1x64xf32, #tpu.memory_space<vmem>>, %arg7: memref<64x128xf32, #tpu.memory_space<vmem>>, %arg8: memref<8x128xf32, #tpu.memory_space<vmem>>) attributes {dimension_semantics = [#tpu.dimension_semantics<arbitrary>], iteration_bounds = array<i64: 1>, scalar_prefetch = 0 : i64, scratch_operands = 0 : i64, tpu.core_type = #tpu.core_type<tc>, window_params = [{pipeline_mode = #tpu.pipeline_mode<synchronous>, transform_indices = @transform_0, window_bounds = array<i64: 2, 128, 128>}, {pipeline_mode = #tpu.pipeline_mode<synchronous>, transform_indices = @transform_1, window_bounds = array<i64: 64, 64>}, {pipeline_mode = #tpu.pipeline_mode<synchronous>, transform_indices = @transform_2, window_bounds = array<i64: 128, 64>}, {pipeline_mode = #tpu.pipeline_mode<synchronous>, transform_indices = @transform_3, window_bounds = array<i64: 1, 64>}, {pipeline_mode = #tpu.pipeline_mode<synchronous>, transform_indices = @transform_4, window_bounds = array<i64: 128, 64>}, {pipeline_mode = #tpu.pipeline_mode<synchronous>, transform_indices = @transform_5, window_bounds = array<i64: 1, 64>}, {pipeline_mode = #tpu.pipeline_mode<synchronous>, transform_indices = @transform_6, window_bounds = array<i64: 64, 128>}, {pipeline_mode = #tpu.pipeline_mode<synchronous>, transform_indices = @transform_7, window_bounds = array<i64: 8, 128>}]} {
    %get3A = arith.constant 0 : index
    %get3A_0 = arith.constant 0 : index
    %get3A_1 = arith.constant 0 : index
    %get3A_2 = vector.load %arg1[%get3A, %get3A_0, %get3A_1] : memref<2x128x128xf32, #tpu.memory_space<vmem>>, vector<2x128x128xf32>
    %slice3A = vector.extract_strided_slice %get3A_2 {offsets = [0, 0, 0], sizes = [1, 64, 128], strides = [1, 1, 1]} : vector<2x128x128xf32> to vector<1x64x128xf32>
    %squeeze3A = vector.shape_cast %slice3A : vector<1x64x128xf32> to vector<64x128xf32>
    %slice3A_3 = vector.extract_strided_slice %get3A_2 {offsets = [1, 0, 0], sizes = [1, 64, 128], strides = [1, 1, 1]} : vector<2x128x128xf32> to vector<1x64x128xf32>
    %squeeze3A_4 = vector.shape_cast %slice3A_3 : vector<1x64x128xf32> to vector<64x128xf32>
    %sub3A = arith.subf %squeeze3A, %squeeze3A_4 : vector<64x128xf32>
    %get3A_5 = arith.constant 0 : index
    %get3A_6 = arith.constant 0 : index
    %get3A_7 = vector.load %arg3[%get3A_5, %get3A_6] : memref<128x64xf32, #tpu.memory_space<vmem>>, vector<128x64xf32>
    %dot_general3A = arith.constant dense<0.000000e+00> : vector<64x64xf32>
    %dot_general3A_8 = tpu.matmul %sub3A, %get3A_7, %dot_general3A {dimension_numbers = #tpu.dot_dimension_numbers<[1], [0], [0], [1], [0, 0, 1, 1], [], []>, transpose_lhs_hint = false} : vector<64x128xf32>, vector<128x64xf32>, vector<64x64xf32> -> vector<64x64xf32>
    %get3A_9 = arith.constant 0 : index
    %get3A_10 = arith.constant 0 : index
    %get3A_11 = vector.load %arg4[%get3A_9, %get3A_10] : memref<1x64xf32, #tpu.memory_space<vmem>>, vector<1x64xf32>
    %add3A = vector.broadcast %get3A_11 : vector<1x64xf32> to vector<64x64xf32>
    %add3A_12 = arith.addf %dot_general3A_8, %add3A : vector<64x64xf32>
    %get3A_13 = arith.constant 0 : index
    %get3A_14 = arith.constant 0 : index
    %get3A_15 = vector.load %arg5[%get3A_13, %get3A_14] : memref<128x64xf32, #tpu.memory_space<vmem>>, vector<128x64xf32>
    %dot_general3A_16 = arith.constant dense<0.000000e+00> : vector<64x64xf32>
    %dot_general3A_17 = tpu.matmul %sub3A, %get3A_15, %dot_general3A_16 {dimension_numbers = #tpu.dot_dimension_numbers<[1], [0], [0], [1], [0, 0, 1, 1], [], []>, transpose_lhs_hint = false} : vector<64x128xf32>, vector<128x64xf32>, vector<64x64xf32> -> vector<64x64xf32>
    %get3A_18 = arith.constant 0 : index
    %get3A_19 = arith.constant 0 : index
    %get3A_20 = vector.load %arg6[%get3A_18, %get3A_19] : memref<1x64xf32, #tpu.memory_space<vmem>>, vector<1x64xf32>
    %add3A_21 = vector.broadcast %get3A_20 : vector<1x64xf32> to vector<64x64xf32>
    %add3A_22 = arith.addf %dot_general3A_17, %add3A_21 : vector<64x64xf32>
    %mul3A = arith.constant 5.000000e-01 : f32
    %mul3A_23 = vector.broadcast %mul3A : f32 to vector<64x64xf32>
    %mul3A_24 = arith.mulf %mul3A_23, %add3A_22 : vector<64x64xf32>
    %exp3A = math.exp %mul3A_24 : vector<64x64xf32>
    %get3A_25 = arith.constant 0 : index
    %get3A_26 = arith.constant 0 : index
    %get3A_27 = vector.load %arg2[%get3A_25, %get3A_26] : memref<64x64xf32, #tpu.memory_space<vmem>>, vector<64x64xf32>
    %add3A_28 = arith.addf %add3A_12, %get3A_27 : vector<64x64xf32>
    %mul3A_29 = arith.mulf %exp3A, %add3A_28 : vector<64x64xf32>
    %iota3A = tpu.iota {dimensions = array<i32: 0>} : vector<64x64xi32>
    %lt3A = arith.constant 50 : i32
    %lt3A_30 = vector.broadcast %lt3A : i32 to vector<64x64xi32>
    %lt3A_31 = arith.cmpi slt, %iota3A, %lt3A_30 : vector<64x64xi32>
    %jit3A = arith.constant 0.000000e+00 : f32
    %broadcast_in_dim3A = vector.broadcast %jit3A : f32 to vector<64x64xf32>
    %select_n3A = arith.select %lt3A_31, %mul3A_29, %broadcast_in_dim3A : vector<64x64xi1>, vector<64x64xf32>
    %broadcast_in_dim3A_32 = arith.constant 0.000000e+00 : f32
    %broadcast_in_dim3A_33 = vector.broadcast %broadcast_in_dim3A_32 : f32 to vector<64x64xf32>
    %concatenate3A = tpu.concatenate %select_n3A, %broadcast_in_dim3A_33 in 1 : vector<64x64xf32>, vector<64x64xf32> -> vector<64x128xf32>
    %swap3A = arith.constant 0 : index
    %swap3A_34 = arith.constant 0 : index
    %swap3A_35 = vector.load %arg7[%swap3A, %swap3A_34] : memref<64x128xf32, #tpu.memory_space<vmem>>, vector<64x128xf32>
    tpu.vector_store %arg7[%swap3A, %swap3A_34], %concatenate3A {strides = array<i32>} : memref<64x128xf32, #tpu.memory_space<vmem>>, vector<64x128xf32>,
    %add3A_36 = arith.constant 1.000000e+00 : f32
    %add3A_37 = vector.broadcast %add3A_36 : f32 to vector<64x64xf32>
    %add3A_38 = arith.addf %add3A_37, %add3A_22 : vector<64x64xf32>
    %mul3A_39 = arith.mulf %add3A_12, %add3A_12 : vector<64x64xf32>
    %sub3A_40 = arith.subf %add3A_38, %mul3A_39 : vector<64x64xf32>
    %exp3A_41 = math.exp %add3A_22 : vector<64x64xf32>
    %sub3A_42 = arith.subf %sub3A_40, %exp3A_41 : vector<64x64xf32>
    %jit3A_43 = arith.constant 0.000000e+00 : f32
    %broadcast_in_dim3A_44 = vector.broadcast %jit3A_43 : f32 to vector<64x64xf32>
    %select_n3A_45 = arith.select %lt3A_31, %sub3A_42, %broadcast_in_dim3A_44 : vector<64x64xi1>, vector<64x64xf32>
    %reduce_sum3A = vector.shape_cast %select_n3A_45 : vector<64x64xf32> to vector<1x64x64xf32>
    %reduce_sum3A_46 = arith.constant dense<0.000000e+00> : vector<1xf32>
    %reduce_sum3A_47 = vector.multi_reduction <add>, %reduce_sum3A, %reduce_sum3A_46 [1, 2] : vector<1x64x64xf32> to vector<1xf32>
    %reduce_sum3A_48 = vector.shape_cast %reduce_sum3A_47 : vector<1xf32> to vector<1x1x1xf32>
    %reduce_sum3A_49 = vector.extract %reduce_sum3A_48[0, 0, 0] : f32 from vector<1x1x1xf32>
    %mul3A_50 = arith.constant -5.000000e-01 : f32
    %mul3A_51 = arith.mulf %mul3A_50, %reduce_sum3A_49 : f32
    %div3A = arith.constant 5.000000e+01 : f32
    %div3A_52 = arith.divf %mul3A_51, %div3A : f32
    %broadcast_in_dim3A_53 = vector.broadcast %div3A_52 : f32 to vector<8x128xf32>
    %swap3A_54 = arith.constant 0 : index
    %swap3A_55 = arith.constant 0 : index
    %swap3A_56 = vector.load %arg8[%swap3A_54, %swap3A_55] : memref<8x128xf32, #tpu.memory_space<vmem>>, vector<8x128xf32>
    tpu.vector_store %arg8[%swap3A_54, %swap3A_55], %broadcast_in_dim3A_53 {strides = array<i32>} : memref<8x128xf32, #tpu.memory_space<vmem>>, vector<8x128xf32>,
    return
  }
  func.func @transform_0(%arg0: i32) -> (i32, i32, i32) {
    %c0_i32 = arith.constant 0 : i32
    %c0_i32_0 = arith.constant 0 : i32
    %c0_i32_1 = arith.constant 0 : i32
    %c0_i32_2 = arith.constant 0 : i32
    return %c0_i32, %c0_i32_0, %c0_i32_1 : i32, i32, i32
  }
  func.func @transform_1(%arg0: i32) -> (i32, i32) {
    %c0_i32 = arith.constant 0 : i32
    %c0_i32_0 = arith.constant 0 : i32
    %c0_i32_1 = arith.constant 0 : i32
    return %c0_i32, %c0_i32_0 : i32, i32
  }
  func.func @transform_2(%arg0: i32) -> (i32, i32) {
    %c0_i32 = arith.constant 0 : i32
    %c0_i32_0 = arith.constant 0 : i32
    %c0_i32_1 = arith.constant 0 : i32
    return %c0_i32, %c0_i32_0 : i32, i32
  }
  func.func @transform_3(%arg0: i32) -> (i32, i32) {
    %c0_i32 = arith.constant 0 : i32
    %c0_i32_0 = arith.constant 0 : i32
    %c0_i32_1 = arith.constant 0 : i32
    return %c0_i32, %c0_i32_0 : i32, i32
  }
  func.func @transform_4(%arg0: i32) -> (i32, i32) {
    %c0_i32 = arith.constant 0 : i32
    %c0_i32_0 = arith.constant 0 : i32
    %c0_i32_1 = arith.constant 0 : i32
    return %c0_i32, %c0_i32_0 : i32, i32
  }
  func.func @transform_5(%arg0: i32) -> (i32, i32) {
    %c0_i32 = arith.constant 0 : i32
    %c0_i32_0 = arith.constant 0 : i32
    %c0_i32_1 = arith.constant 0 : i32
    return %c0_i32, %c0_i32_0 : i32, i32
  }
  func.func @transform_6(%arg0: i32) -> (i32, i32) {
    %c0_i32 = arith.constant 0 : i32
    %c0_i32_0 = arith.constant 0 : i32
    %c0_i32_1 = arith.constant 0 : i32
    return %c0_i32, %c0_i32_0 : i32, i32
  }
  func.func @transform_7(%arg0: i32) -> (i32, i32) {
    %c0_i32 = arith.constant 0 : i32
    %c0_i32_0 = arith.constant 0 : i32
    %c0_i32_1 = arith.constant 0 : i32
    return %c0_i32, %c0_i32_0 : i32, i32
  }
}

module attributes {stable_mosaic.version = 14 : i64} {
  func.func @body(%arg0: i32, %arg1: memref<1000x128xf32, #tpu.memory_space<vmem>>, %arg2: memref<1000x128xf32, #tpu.memory_space<vmem>>, %arg3: memref<128x128xf32, #tpu.memory_space<vmem>>, %arg4: memref<64x128xf32, #tpu.memory_space<vmem>>, %arg5: memref<1x128xf32, #tpu.memory_space<vmem>>, %arg6: memref<1000x128xf32, #tpu.memory_space<vmem>>) attributes {dimension_semantics = [#tpu.dimension_semantics<arbitrary>], iteration_bounds = array<i64: 10>, scalar_prefetch = 0 : i64, scratch_operands = 0 : i64, tpu.core_type = #tpu.core_type<tc>, window_params = [{transform_indices = @transform_0, window_bounds = array<i64: 1000, 128>}, {transform_indices = @transform_1, window_bounds = array<i64: 1000, 128>}, {pipeline_mode = #tpu.pipeline_mode<synchronous>, transform_indices = @transform_2, window_bounds = array<i64: 128, 128>}, {pipeline_mode = #tpu.pipeline_mode<synchronous>, transform_indices = @transform_3, window_bounds = array<i64: 64, 128>}, {pipeline_mode = #tpu.pipeline_mode<synchronous>, transform_indices = @transform_4, window_bounds = array<i64: 1, 128>}, {transform_indices = @transform_5, window_bounds = array<i64: 1000, 128>}]} {
    %get3A = arith.constant 0 : index
    %get3A_0 = arith.constant 0 : index
    %get3A_1 = vector.load %arg1[%get3A, %get3A_0] : memref<1000x128xf32, #tpu.memory_space<vmem>>, vector<1000x128xf32>
    %get3A_2 = arith.constant 0 : index
    %get3A_3 = arith.constant 0 : index
    %get3A_4 = vector.load %arg3[%get3A_2, %get3A_3] : memref<128x128xf32, #tpu.memory_space<vmem>>, vector<128x128xf32>
    %dot_general3A = arith.constant dense<0.000000e+00> : vector<1000x128xf32>
    %dot_general3A_5 = tpu.matmul %get3A_1, %get3A_4, %dot_general3A {dimension_numbers = #tpu.dot_dimension_numbers<[1], [0], [0], [1], [0, 0, 1, 1], [], []>, transpose_lhs_hint = false} : vector<1000x128xf32>, vector<128x128xf32>, vector<1000x128xf32> -> vector<1000x128xf32>
    %get3A_6 = arith.constant 0 : index
    %get3A_7 = arith.constant 0 : index
    %get3A_8 = vector.load %arg2[%get3A_6, %get3A_7] : memref<1000x128xf32, #tpu.memory_space<vmem>>, vector<1000x128xf32>
    %slice3A = vector.extract_strided_slice %get3A_8 {offsets = [0, 0], sizes = [1000, 64], strides = [1, 1]} : vector<1000x128xf32> to vector<1000x64xf32>
    %get3A_9 = arith.constant 0 : index
    %get3A_10 = arith.constant 0 : index
    %get3A_11 = vector.load %arg4[%get3A_9, %get3A_10] : memref<64x128xf32, #tpu.memory_space<vmem>>, vector<64x128xf32>
    %dot_general3A_12 = arith.constant dense<0.000000e+00> : vector<1000x128xf32>
    %dot_general3A_13 = tpu.matmul %slice3A, %get3A_11, %dot_general3A_12 {dimension_numbers = #tpu.dot_dimension_numbers<[1], [0], [0], [1], [0, 0, 1, 1], [], []>, transpose_lhs_hint = false} : vector<1000x64xf32>, vector<64x128xf32>, vector<1000x128xf32> -> vector<1000x128xf32>
    %add3A = arith.addf %dot_general3A_5, %dot_general3A_13 : vector<1000x128xf32>
    %get3A_14 = arith.constant 0 : index
    %get3A_15 = arith.constant 0 : index
    %get3A_16 = vector.load %arg5[%get3A_14, %get3A_15] : memref<1x128xf32, #tpu.memory_space<vmem>>, vector<1x128xf32>
    %add3A_17 = vector.broadcast %get3A_16 : vector<1x128xf32> to vector<1000x128xf32>
    %add3A_18 = arith.addf %add3A, %add3A_17 : vector<1000x128xf32>
    %max3A = arith.constant 0.000000e+00 : f32
    %max3A_19 = vector.broadcast %max3A : f32 to vector<1000x128xf32>
    %max3A_20 = arith.maximumf %add3A_18, %max3A_19 : vector<1000x128xf32>
    %swap3A = arith.constant 0 : index
    %swap3A_21 = arith.constant 0 : index
    %swap3A_22 = vector.load %arg6[%swap3A, %swap3A_21] : memref<1000x128xf32, #tpu.memory_space<vmem>>, vector<1000x128xf32>
    tpu.vector_store %arg6[%swap3A, %swap3A_21], %max3A_20 {strides = array<i32>} : memref<1000x128xf32, #tpu.memory_space<vmem>>, vector<1000x128xf32>,
    return
  }
  func.func @transform_0(%arg0: i32) -> (i32, i32) {
    %c0_i32 = arith.constant 0 : i32
    %c0_i32_0 = arith.constant 0 : i32
    return %arg0, %c0_i32 : i32, i32
  }
  func.func @transform_1(%arg0: i32) -> (i32, i32) {
    %c0_i32 = arith.constant 0 : i32
    %c0_i32_0 = arith.constant 0 : i32
    return %arg0, %c0_i32 : i32, i32
  }
  func.func @transform_2(%arg0: i32) -> (i32, i32) {
    %c0_i32 = arith.constant 0 : i32
    %c0_i32_0 = arith.constant 0 : i32
    %c0_i32_1 = arith.constant 0 : i32
    return %c0_i32, %c0_i32_0 : i32, i32
  }
  func.func @transform_3(%arg0: i32) -> (i32, i32) {
    %c0_i32 = arith.constant 0 : i32
    %c0_i32_0 = arith.constant 0 : i32
    %c0_i32_1 = arith.constant 0 : i32
    return %c0_i32, %c0_i32_0 : i32, i32
  }
  func.func @transform_4(%arg0: i32) -> (i32, i32) {
    %c0_i32 = arith.constant 0 : i32
    %c0_i32_0 = arith.constant 0 : i32
    %c0_i32_1 = arith.constant 0 : i32
    return %c0_i32, %c0_i32_0 : i32, i32
  }
  func.func @transform_5(%arg0: i32) -> (i32, i32) {
    %c0_i32 = arith.constant 0 : i32
    %c0_i32_0 = arith.constant 0 : i32
    return %arg0, %c0_i32 : i32, i32
  }
}

</mosaic_0001>

<sc_bundles>
// kernel: kernel.19.cloned.1.call-start
scs
__scs_entry_jumppad:
0x0: {  	(pc) =	sbr.rel $0x88, $3  }
0x1: {  	(tag) =	ssettag $0x0;
	lr =	simm.s32 $0x1  }
0x2: {  	[smem:$0x3F8A] =	sst lr;
	_ =	strace $0xD0000000  }
0x3: {  	_ = 	snop  }
0x4: {  	_ = 	snop  }
0x5: {  	_ = 	snop  }
0x6: {  	_ = 	snop  }
0x7: {  	_ = 	snop  }
__scs_overlays_trampoline_lowered:
0x8: {  	[smem:$0x3F99] =	sst s0  }
0x9: {  	[smem:$0x3F9A] =	sst s1  }
0xa: {  	[smem:$0x3F9B] =	sst s2  }
0xb: {  	[smem:$0x3F9C] =	sst s3  }
0xc: {  	[smem:$0x3F9D] =	sst s4  }
0xd: {  	[smem:$0x3F9E] =	sst s5  }
0xe: {  	[smem:$0x3F9F] =	sst s6  }
0xf: {  	[smem:$0x3FA0] =	sst s7  }
0x10: {  	[smem:$0x3FA1] =	sst s8  }
0x11: {  	[smem:$0x3FA2] =	sst s9;
	s0 =	simm.s32 @!p0 $0x0  }
0x12: {  	s1 =	sld [smem:$0x3F88];
	s0 =	simm.s32 @p0 $0x1  }
0x13: {  	[smem:$0x3FA3] =	sst s0;
	s0 =	simm.s32 @!p1 $0x0  }
0x14: {  	s2 =	sld [smem:$0x3F87];
	s0 =	simm.s32 @p1 $0x1  }
0x15: {  	[smem:$0x3FA4] =	sst s0;
	s0 =	simm.s32 @!p2 $0x0  }
0x16: {  	s3 =	sld [smem:$0x3FDB];
	s0 =	simm.s32 @p2 $0x1  }
0x17: {  	s4 =	simm.s32 $0x1BF5;
	[smem:$0x3FA6] =	sst s0  }
0x18: {  	s0 =	sld [smem:$0x3F89];
	_ =	swait.ge [sflag:s4], $0x0  }
0x19: {  	s7 =	sld [smem:$0x3F8A]  }
0x1a: {  	s8 =	sadd.s32 $0xFFFFE003, lr  }
0x1b: {  	s9 =	sadd.s32 $0xFFFFFEF7, lr;
	s5 =	simm.s32 $0xFFFFFFFF;
	p2 =	slt.u32 s8, $0xFFFFF086  }
0x1c: {  	p1 =	slt.u32 s9, $0xF7A;
	s5 =	simm.s32 @!p2 $0x0  }
0x1d: {  	s5 =	simm.s32 @p1 $0x1;
	p0 =	seq.s32 s7, s2  }
0x1e: {  	s7 =	smul.u32 @!p0 $0xF7A, s2;
	p2 =	seq.s32 @!p0 s5, $0x0  }
0x1f: {  	s9 =	smul.u32 $0xF7A, s1;
	s8 =	simm.s32 @!p0 $0x1BF5;
	p2 =	por !p2, p0  }
0x20: {  	[sflag:s8] =	ssyncset.s32 @!p0 $0xFFFFF086;
	s6 =	sadd.s32 @!p0 s3, s7;
	s7 =	simm.s32 @!p0 $0x108  }
0x21: {  	s3 =	sadd.s32 s3, s9;
	s6 =	sadd.s32 @!p0 $0x88, s6;
	s7 =	simm.s32 @p2 $0x1082  }
0x22: {  	[simem:s7], [sflag:s8] =	dma.local @!p0 [hbm:s6], $0xF7A  }
0x23: {  	s9 =	sor.u32 $0xD0000000, s2;
	s6 =	simm.s32 $0x108;
	_ =	swait.ge @!p0 [sflag:s8], $0x0  }
0x24: {  	s3 =	sadd.s32 $0x88, s3;
	s6 =	simm.s32 @!p1 $0x1082;
	[sflag:s4] =	ssyncset.s32 $0xFFFFF086  }
0x25: {  	[simem:s6], [sflag:s4] =	dma.local [hbm:s3], $0xF7A  }
0x26: {  	[smem:$0x3F8A] =	sst s1;
	(tag) =	ssettag s2;
	_ =	strace s9  }
0x27: {  	s1 =	sld [smem:$0x3F9A]  }
0x28: {  	s2 =	sld [smem:$0x3F9B]  }
0x29: {  	s4 =	sld [smem:$0x3F9D]  }
0x2a: {  	p0 =	seq.s32 s5, $0x0;
	s5 =	sld [smem:$0x3F9E]  }
0x2b: {  	s6 =	sld [smem:$0x3F9F]  }
0x2c: {  	s7 =	sld [smem:$0x3FA0]  }
0x2d: {  	s3 =	simm.s32 $0x108;
	s8 =	sld [smem:$0x3FA1]  }
0x2e: {  	s3 =	simm.s32 @!p0 $0x1082;
	s9 =	sld [smem:$0x3FA2]  }
0x2f: {  	lr =	sadd.s32 s0, s3;
	s0 =	sld [smem:$0x3F99]  }
0x30: {  	s3 =	sld [smem:$0x3F9C]  }
0x31: {  	[smem:$0x3FA5] =	sst s10  }
0x32: {  	s10 =	sld [smem:$0x3FA3];
	_ =	sdelay $0x3  }
0x33: {  	p0 =	seq.s32 s10, $0x1;
	s10 =	sld [smem:$0x3FA5];
	_ =	sdelay $0x3  }
0x34: {  	[smem:$0x3FA5] =	sst s10  }
0x35: {  	s10 =	sld [smem:$0x3FA4];
	_ =	sdelay $0x3  }
0x36: {  	p1 =	seq.s32 s10, $0x1;
	s10 =	sld [smem:$0x3FA5];
	_ =	sdelay $0x3  }
0x37: {  	[smem:$0x3FA5] =	sst s10  }
0x38: {  	s10 =	sld [smem:$0x3FA6]  }
0x39: {  	_ = 	snop;
	(pc) =	sbr.ind lr, $3  }
0x3a: {  	_ = 	snop  }
0x3b: {  	_ = 	snop  }
0x3c: {  	p2 =	seq.s32 s10, $0x1;
	s10 =	sld [smem:$0x3FA5]  }
0x3d: {  	_ =	shalt  }
0x3e: {  	_ =	shalt  }
0x3f: {  	_ =	shalt  }
0x40: {  	_ =	shalt  }
0x41: {  	_ =	shalt  }
0x42: {  	_ =	shalt  }
0x43: {  	_ =	shalt  }
0x44: {  	_ =	shalt  }
0x45: {  	_ =	shalt  }
0x46: {  	_ =	shalt  }
0x47: {  	_ =	shalt  }
0x48: {  	_ =	shalt  }
0x49: {  	_ =	shalt  }
0x4a: {  	_ =	shalt  }
0x4b: {  	_ =	shalt  }
0x4c: {  	_ =	shalt  }
0x4d: {  	_ =	shalt  }
0x4e: {  	_ =	shalt  }
0x4f: {  	_ =	shalt  }
0x50: {  	_ =	shalt  }
0x51: {  	_ =	shalt  }
0x52: {  	_ =	shalt  }
0x53: {  	_ =	shalt  }
0x54: {  	_ =	shalt  }
0x55: {  	_ =	shalt  }
0x56: {  	_ =	shalt  }
0x57: {  	_ =	shalt  }
0x58: {  	_ =	shalt  }
0x59: {  	_ =	shalt  }
0x5a: {  	_ =	shalt  }
0x5b: {  	_ =	shalt  }
0x5c: {  	_ =	shalt  }
0x5d: {  	_ =	shalt  }
0x5e: {  	_ =	shalt  }
0x5f: {  	_ =	shalt  }
0x60: {  	_ =	shalt  }
0x61: {  	_ =	shalt  }
0x62: {  	_ =	shalt  }
0x63: {  	_ =	shalt  }
0x64: {  	_ =	shalt  }
0x65: {  	_ =	shalt  }
0x66: {  	_ =	shalt  }
0x67: {  	_ =	shalt  }
0x68: {  	_ =	shalt  }
0x69: {  	_ =	shalt  }
0x6a: {  	_ =	shalt  }
0x6b: {  	_ =	shalt  }
0x6c: {  	_ =	shalt  }
0x6d: {  	_ =	shalt  }
0x6e: {  	_ =	shalt  }
0x6f: {  	_ =	shalt  }
0x70: {  	_ =	shalt  }
0x71: {  	_ =	shalt  }
0x72: {  	_ =	shalt  }
0x73: {  	_ =	shalt  }
0x74: {  	_ =	shalt  }
0x75: {  	_ =	shalt  }
0x76: {  	_ =	shalt  }
0x77: {  	_ =	shalt  }
0x78: {  	_ =	shalt  }
0x79: {  	_ =	shalt  }
0x7a: {  	_ =	shalt  }
0x7b: {  	_ =	shalt  }
0x7c: {  	_ =	shalt  }
0x7d: {  	_ =	shalt  }
0x7e: {  	_ =	shalt  }
0x7f: {  	_ =	shalt  }
0x80: {  	_ =	shalt  }
0x81: {  	_ =	shalt  }
0x82: {  	_ =	shalt  }
0x83: {  	_ =	shalt  }
0x84: {  	_ =	shalt  }
0x85: {  	_ =	shalt  }
0x86: {  	_ =	shalt  }
0x87: {  	_ =	shalt  }
.Lfunc_end0:
.L_simem_size_0:
called_computation_lowered:
.L_overlay_start_0:
0x88: {  	s2 =	sld [smem:$0x3FD9]  }
0x89: {  	s3 =	sld [smem:$0x3FFE];
	_ =	sdelay $0x1  }
0x8a: {  	s1 =	srdreg.scid  }
0x8b: {  	s0 =	sand.u32 $0x1, s1  }
0x8c: {  	s16 =	sshll.u32 s0, $0xA;
	s2 =	sadd.s32 s3, s2  }
0x8d: {  	s2 =	sadd.s32 s2, s16  }
0x8e: {  	[smem:$0x3FB1] =	sst s2  }
0x8f: {  	_ = 	snop  }
0x90: {  	(tm) =	ssettm $0x1  }
0x91: {  	s17 =	sld [smem:$0x3FFB];
	_ =	sdelay $0x3  }
0x92: {  	_ =	strace s17  }
0x93: {  	s2 =	sld [smem:$0x3FFC];
	_ =	sdelay $0x3  }
0x94: {  	_ =	strace s2  }
0x95: {  	s2 =	sld [smem:$0x3FFD];
	_ =	sdelay $0x3  }
0x96: {  	_ =	strace s2  }
0x97: {  	_ =	strace $0x8FFFFFFF  }
0x98: {  	s18 =	sld [smem:$0x3FDB];
	_ =	sdelay $0x1  }
0x99: {  	s19 =	simm.s32 $_scs_section_size  }
0x9a: {  	s4 =	simm.s32 $_size__tile_overlayer_lowered;
	s5 =	simm.s32 $_tile_overlayer_lowered  }
0x9b: {  	s22 =	simm.s32 $0x1BFF;
	s21 =	sshll.u32 s5, $0x1;
	s2 =	sadd.s32 s19, s18  }
0x9c: {  	s6 =	simm.s32 $0x0;
	s20 =	sshll.u32 s4, $0x1;
	s4 =	sadd.s32 s21, s2  }
0x9d: {  	[timem:s6], [sflag:s22] =	dma.local [hbm:s4], s20  }
0x9e: {  	_ =	swait.ge [sflag:s22], s20  }
0x9f: {  	s3 =	ssub.s32 $0x0, s20;
	[sflag:s22] =	ssyncset.done $0x0  }
0xa0: {  	[sflag:s22] =	ssyncadd.s32 s3;
	_ =	sdelay $0x1  }
0xa1: {  	s23 =	simm.s32 $0x1B8B  }
0xa2: {  	_ =	swait.ge [sflag:s23], $0x1  }
0xa3: {  	[sflag:s23] =	ssyncset.done $0x0  }
0xa4: {  	s25 =	simm.s32 $0x1B8E;
	s24 =	sld [smem:$0x3FFE];
	[sflag:s23] =	ssyncadd.s32 $0xFFFFFFFF  }
0xa5: {  	s26 =	simm.s32 $execute0_lowered;
	[smem:$0x3FD2] =	sst s25  }
0xa6: {  	s4 =	sshll.u32 s26, $0x1;
	_ =	strace $0x80000046;
	[dreg:$0x1] =	wrdreg $0xFFFFFFFF  }
0xa7: {  	s28 =	simm.s32 $_size_execute0_lowered;
	s2 =	sadd.s32 s2, s4;
	[dreg:$0x0] =	wrdreg $0x0  }
0xa8: {  	s4 =	sshll.u32 s28, $0x1;
	[dreg:$0x2] =	wrdreg s2  }
0xa9: {  	[dreg:$0x3] =	wrdreg s4  }
0xaa: {  	[dreg:$0x4] =	wrdreg $0xC0  }
0xab: {  	_ =	task [dreg:s6], $0x5FFFF  }
0xac: {  	[dreg:$0x1] =	wrdreg $0xFFFFFFFF  }
0xad: {  	[dreg:$0x0] =	wrdreg $0x60  }
0xae: {  	[dreg:$0x2] =	wrdreg s24  }
0xaf: {  	[dreg:$0x3] =	wrdreg $0x9  }
0xb0: {  	_ =	task.clear_ibuf [dreg:s6], $0x4FFFF;
	_ =	strace $0x90000046  }
0xb1: {  	s29 =	simm.s32 $0x9;
	_ =	strace $0x80000048  }
0xb2: {  	_ =	swait.ge [sflag:s29], $0x1  }
0xb3: {  	[sflag:s29] =	ssyncadd.s32 $0xFFFFFFFF  }
0xb4: {  	_ =	strace $0x90000048  }
0xb5: {  	_ =	sfence  }
0xb6: {  	s30 =	sld [smem:$0x0];
	_ =	sdelay $0x2  }
0xb7: {  	s31 =	sshll.u32 s1, $0xD;
	s1 =	sshrl.u32 s1, $0x2  }
0xb8: {  	s3 =	sand.u32 $0x4000, s31;
	s1 =	sadd.s32 s1, s30  }
0xb9: {  	s0 =	sor.u32 s3, s0;
	s1 =	sshll.u32 s1, $0x11  }
0xba: {  	s0 =	sor.u32 s1, s0  }
0xbb: {  	s0 =	sadd.s32 $0x8F2B, s0  }
0xbc: {  	[sflag:s0] =	ssyncadd.remote.s32 $0x1  }
0xbd: {  	_ =	sfence.sel $0xFFFF  }
0xbe: {  	[dreg:$0x0] =	wrdreg $0xFFFFFFFF;
	(pc) =	sbr.abs _section_cstart, $3  }
0xbf: {  	[dreg:$0x1] =	wrdreg $0xFFFFFFFF  }
0xc0: {  	_ =	task.clear_ibuf [dreg:s6], $0x2FFFF;
	_ =	strace $0x9FFFFFFF  }
0xc1: {  	(tm) =	ssettm $0x7FFFFFFF  }
tec
execute0_lowered:
.L_overlay_start_1:
0x0: {  	(tag) =	ssettag $0x1  }
0x1: {  	s4 =	rddreg [dreg:$0x0]  }
0x2: {  	s0 =	rddreg [dreg:$0x1];
	s2 =	simm.s32 $0x0;
	s1 =	stileid.u32  }
0x3: {  	s3 =	srdreg.scid;
	s11 =	simm.s32 $0x100;
	s12 =	simm.s32 $0x8400  }
0x4: {  	s13 =	simm.s32 $0x180;
	s14 =	simm.s32 $0xC400;
	s15 =	simm.s32 $0x1  }
0x5: {  	s16 =	simm.s32 $0x200;
	s17 =	simm.s32 $0x280;
	s18 =	simm.s32 $0x300  }
0x6: {  	s19 =	simm.s32 $0x380;
	s20 =	simm.s32 $0x0;
	s5 =	smul.u32 $0x1400, s1  }
0x7: {  	[smem:$0x7FF] =	sst s2;
	s6 =	smul.u32 $0xA0000, s1;
	s7 =	sand.u32 $0x1, s3  }
0x8: {  	s3 =	sadd.s32 $0x67400, s4;
	s8 =	ssub.s32 $0x2, s7;
	s9 =	smul.u32 $0xA00, s7  }
0x9: {  	_ =	strace $0x80000047;
	s7 =	smul.u32 $0x50000, s7;
	s10 =	sshrl.u32 s8, $0x1  }
0xa: {  	s5 =	sadd.s32 s5, s4;
	s6 =	sadd.s32 s6, s4;
	s31 =	ssub.s32 s8, s10  }
0xb: {  	s5 =	sadd.s32 s9, s5;
	s6 =	sadd.s32 s7, s6;
	s7 =	simm.s32 $0x2  }
0xc: {  	s8 =	simm.s32 $0x80;
	s9 =	simm.s32 $0x400;
	s10 =	simm.s32 $0x4400  }
0xd: {  	s4 =	smax.u32 s31, $0x1;
	s5 =	sadd.s32 $0xB5600, s5;
	s6 =	sadd.s32 $0xC9600, s6  }
.LBB2_1:
0xe: {  	s21 =	sadd.s32 $0x0, s5  }
0xf: {  	[tilespmem:s2], [sflag:$0x2] =	stream.linear.gather [hbm4b:s21+s2], $0x400, $0x38;
	[tilespmem:$0x10400] =	vst v63  }
0x10: {  	_ =	swait.ge [sflag:s7], $0x400  }
0x11: {  	[sflag:s7] =	ssyncset.done $0x0  }
0x12: {  	[sflag:s7] =	ssyncadd.s32 $0xFFFFFC00  }
0x13: {  	[tilespmem:s9], [sflag:$0x1] =	stream.indirect.gather [hbm4b:s3+s8], $0x80, s2, s8, $0xb8;
	[tilespmem:$0x10400] =	vst v63  }
0x14: {  	_ = 	snop  }
0x15: {  	[tilespmem:s10], [sflag:$0x1] =	stream.indirect.gather [hbm4b:s3+s8], $0x80, s8, s8, $0xb8;
	[tilespmem:$0x10400] =	vst v63  }
0x16: {  	_ = 	snop  }
0x17: {  	[tilespmem:s12], [sflag:$0x1] =	stream.indirect.gather [hbm4b:s3+s8], $0x80, s11, s8, $0xb8;
	[tilespmem:$0x10400] =	vst v63  }
0x18: {  	_ = 	snop  }
0x19: {  	[tilespmem:s14], [sflag:$0x1] =	stream.indirect.gather [hbm4b:s3+s8], $0x80, s13, s8, $0xb8;
	[tilespmem:$0x10400] =	vst v63  }
0x1a: {  	_ =	swait.ge [sflag:s15], $0x4000  }
0x1b: {  	[sflag:s15] =	ssyncset.done $0x0  }
0x1c: {  	[sflag:s15] =	ssyncadd.s32 $0xFFFFC000  }
0x1d: {  	_ =	swait.ge [sflag:s15], $0x4000  }
0x1e: {  	[sflag:s15] =	ssyncset.done $0x0  }
0x1f: {  	[sflag:s15] =	ssyncadd.s32 $0xFFFFC000  }
0x20: {  	_ =	swait.ge [sflag:s15], $0x4000  }
0x21: {  	[sflag:s15] =	ssyncset.done $0x0  }
0x22: {  	[sflag:s15] =	ssyncadd.s32 $0xFFFFC000  }
0x23: {  	_ =	swait.ge [sflag:s15], $0x4000  }
0x24: {  	[sflag:s15] =	ssyncset.done $0x0  }
0x25: {  	[sflag:s15] =	ssyncadd.s32 $0xFFFFC000  }
0x26: {  	[hbm4b:s6+s2] =	stream.linear.scatter [tilespmem:s9], [sflag:$0x2], $0x10000, $0x38;
	[tilespmem:$0x10400] =	vst v63  }
0x27: {  	_ =	swait.ge [sflag:s7], $0x10000  }
0x28: {  	[sflag:s7] =	ssyncset.done $0x0  }
0x29: {  	[sflag:s7] =	ssyncadd.s32 $0xFFFF0000  }
0x2a: {  	[tilespmem:s9], [sflag:$0x1] =	stream.indirect.gather [hbm4b:s3+s8], $0x80, s16, s8, $0xb8;
	[tilespmem:$0x10400] =	vst v63  }
0x2b: {  	_ = 	snop  }
0x2c: {  	[tilespmem:s10], [sflag:$0x1] =	stream.indirect.gather [hbm4b:s3+s8], $0x80, s17, s8, $0xb8;
	[tilespmem:$0x10400] =	vst v63  }
0x2d: {  	_ = 	snop  }
0x2e: {  	[tilespmem:s12], [sflag:$0x1] =	stream.indirect.gather [hbm4b:s3+s8], $0x80, s18, s8, $0xb8;
	[tilespmem:$0x10400] =	vst v63  }
0x2f: {  	_ = 	snop  }
0x30: {  	[tilespmem:s14], [sflag:$0x1] =	stream.indirect.gather [hbm4b:s3+s8], $0x80, s19, s8, $0xb8;
	[tilespmem:$0x10400] =	vst v63  }
0x31: {  	_ =	swait.ge [sflag:s15], $0x4000  }
0x32: {  	[sflag:s15] =	ssyncset.done $0x0  }
0x33: {  	[sflag:s15] =	ssyncadd.s32 $0xFFFFC000  }
0x34: {  	_ =	swait.ge [sflag:s15], $0x4000  }
0x35: {  	[sflag:s15] =	ssyncset.done $0x0  }
0x36: {  	[sflag:s15] =	ssyncadd.s32 $0xFFFFC000  }
0x37: {  	_ =	swait.ge [sflag:s15], $0x4000  }
0x38: {  	[sflag:s15] =	ssyncset.done $0x0  }
0x39: {  	[sflag:s15] =	ssyncadd.s32 $0xFFFFC000  }
0x3a: {  	_ =	swait.ge [sflag:s15], $0x4000  }
0x3b: {  	[sflag:s15] =	ssyncset.done $0x0  }
0x3c: {  	s31 =	sadd.s32 $0x2000, s6;
	[sflag:s15] =	ssyncadd.s32 $0xFFFFC000  }
0x3d: {  	[hbm4b:s31+s2] =	stream.linear.scatter [tilespmem:s9], [sflag:$0x2], $0x10000, $0x38;
	[tilespmem:$0x10400] =	vst v63  }
0x3e: {  	s22 =	simm.s32 $0x80;
	_ =	swait.ge [sflag:s7], $0x10000  }
0x3f: {  	s24 =	simm.s32 $0x100;
	s21 =	sadd.s32 $0x4000, s6;
	[sflag:s7] =	ssyncset.done $0x0  }
.LBB2_2:
0x40: {  	s25 =	sadd.s32 s22, s5  }
0x41: {  	[sflag:s7] =	ssyncadd.s32 $0xFFFF0000;
	s22 =	smov.u32 s24;
	s23 =	sadd.s32 $0x80, s24  }
0x42: {  	[tilespmem:s2], [sflag:$0x2] =	stream.linear.gather [hbm4b:s25+s2], $0x400, $0x38;
	[tilespmem:$0x10400] =	vst v63  }
0x43: {  	p0 =	sne.s32 s24, $0x980;
	_ =	swait.ge [sflag:s7], $0x400  }
0x44: {  	[sflag:s7] =	ssyncset.done $0x0  }
0x45: {  	[sflag:s7] =	ssyncadd.s32 $0xFFFFFC00  }
0x46: {  	[tilespmem:s9], [sflag:$0x1] =	stream.indirect.gather [hbm4b:s3+s8], $0x80, s2, s8, $0xb8;
	[tilespmem:$0x10400] =	vst v63  }
0x47: {  	_ = 	snop  }
0x48: {  	[tilespmem:s10], [sflag:$0x1] =	stream.indirect.gather [hbm4b:s3+s8], $0x80, s8, s8, $0xb8;
	[tilespmem:$0x10400] =	vst v63  }
0x49: {  	_ = 	snop  }
0x4a: {  	[tilespmem:s12], [sflag:$0x1] =	stream.indirect.gather [hbm4b:s3+s8], $0x80, s11, s8, $0xb8;
	[tilespmem:$0x10400] =	vst v63  }
0x4b: {  	_ = 	snop  }
0x4c: {  	[tilespmem:s14], [sflag:$0x1] =	stream.indirect.gather [hbm4b:s3+s8], $0x80, s13, s8, $0xb8;
	[tilespmem:$0x10400] =	vst v63  }
0x4d: {  	_ =	swait.ge [sflag:s15], $0x4000  }
0x4e: {  	[sflag:s15] =	ssyncset.done $0x0  }
0x4f: {  	[sflag:s15] =	ssyncadd.s32 $0xFFFFC000  }
0x50: {  	_ =	swait.ge [sflag:s15], $0x4000  }
0x51: {  	[sflag:s15] =	ssyncset.done $0x0  }
0x52: {  	[sflag:s15] =	ssyncadd.s32 $0xFFFFC000  }
0x53: {  	_ =	swait.ge [sflag:s15], $0x4000  }
0x54: {  	[sflag:s15] =	ssyncset.done $0x0  }
0x55: {  	[sflag:s15] =	ssyncadd.s32 $0xFFFFC000  }
0x56: {  	_ =	swait.ge [sflag:s15], $0x4000  }
0x57: {  	[sflag:s15] =	ssyncset.done $0x0  }
0x58: {  	[sflag:s15] =	ssyncadd.s32 $0xFFFFC000  }
0x59: {  	[hbm4b:s21+s2] =	stream.linear.scatter [tilespmem:s9], [sflag:$0x2], $0x10000, $0x38;
	[tilespmem:$0x10400] =	vst v63  }
0x5a: {  	_ =	swait.ge [sflag:s7], $0x10000  }
0x5b: {  	[sflag:s7] =	ssyncset.done $0x0  }
0x5c: {  	[sflag:s7] =	ssyncadd.s32 $0xFFFF0000  }
0x5d: {  	[tilespmem:s9], [sflag:$0x1] =	stream.indirect.gather [hbm4b:s3+s8], $0x80, s16, s8, $0xb8;
	[tilespmem:$0x10400] =	vst v63  }
0x5e: {  	_ = 	snop  }
0x5f: {  	[tilespmem:s10], [sflag:$0x1] =	stream.indirect.gather [hbm4b:s3+s8], $0x80, s17, s8, $0xb8;
	[tilespmem:$0x10400] =	vst v63  }
0x60: {  	_ = 	snop  }
0x61: {  	[tilespmem:s12], [sflag:$0x1] =	stream.indirect.gather [hbm4b:s3+s8], $0x80, s18, s8, $0xb8;
	[tilespmem:$0x10400] =	vst v63  }
0x62: {  	_ = 	snop  }
0x63: {  	[tilespmem:s14], [sflag:$0x1] =	stream.indirect.gather [hbm4b:s3+s8], $0x80, s19, s8, $0xb8;
	[tilespmem:$0x10400] =	vst v63  }
0x64: {  	_ =	swait.ge [sflag:s15], $0x4000  }
0x65: {  	[sflag:s15] =	ssyncset.done $0x0  }
0x66: {  	[sflag:s15] =	ssyncadd.s32 $0xFFFFC000  }
0x67: {  	_ =	swait.ge [sflag:s15], $0x4000  }
0x68: {  	[sflag:s15] =	ssyncset.done $0x0  }
0x69: {  	[sflag:s15] =	ssyncadd.s32 $0xFFFFC000  }
0x6a: {  	_ =	swait.ge [sflag:s15], $0x4000  }
0x6b: {  	[sflag:s15] =	ssyncset.done $0x0  }
0x6c: {  	[sflag:s15] =	ssyncadd.s32 $0xFFFFC000  }
0x6d: {  	_ =	swait.ge [sflag:s15], $0x4000  }
.Ltmp0:
0x6e: {  	[sflag:s15] =	ssyncset.done $0x0;
	(pc) =	sbr.rel @p0 .LBB2_2-.Ltmp0, $4  }
0x6f: {  	s24 =	sadd.s32 $0x2000, s21;
	[sflag:s15] =	ssyncadd.s32 $0xFFFFC000  }
0x70: {  	[hbm4b:s24+s2] =	stream.linear.scatter [tilespmem:s9], [sflag:$0x2], $0x10000, $0x38;
	[tilespmem:$0x10400] =	vst v63  }
0x71: {  	_ =	swait.ge [sflag:s7], $0x10000  }
0x72: {  	s21 =	sadd.s32 $0x4000, s21;
	s24 =	smov.u32 s23;
	[sflag:s7] =	ssyncset.done $0x0  }
0x73: {  	s22 =	sadd.s32 s22, s5;
	[sflag:s7] =	ssyncadd.s32 $0xFFFF0000  }
0x74: {  	[tilespmem:s2], [sflag:$0x2] =	stream.linear.gather [hbm4b:s22+s2], $0x400, $0x38;
	[tilespmem:$0x10400] =	vst v63  }
0x75: {  	_ =	swait.ge [sflag:s7], $0x400  }
0x76: {  	[sflag:s7] =	ssyncset.done $0x0  }
0x77: {  	[sflag:s7] =	ssyncadd.s32 $0xFFFFFC00  }
0x78: {  	[tilespmem:s9], [sflag:$0x1] =	stream.indirect.gather [hbm4b:s3+s8], $0x80, s2, s8, $0xb8;
	[tilespmem:$0x10400] =	vst v63  }
0x79: {  	_ = 	snop  }
0x7a: {  	[tilespmem:s10], [sflag:$0x1] =	stream.indirect.gather [hbm4b:s3+s8], $0x80, s8, s8, $0xb8;
	[tilespmem:$0x10400] =	vst v63  }
0x7b: {  	_ = 	snop  }
0x7c: {  	[tilespmem:s12], [sflag:$0x1] =	stream.indirect.gather [hbm4b:s3+s8], $0x80, s11, s8, $0xb8;
	[tilespmem:$0x10400] =	vst v63  }
0x7d: {  	_ = 	snop  }
0x7e: {  	[tilespmem:s14], [sflag:$0x1] =	stream.indirect.gather [hbm4b:s3+s8], $0x80, s13, s8, $0xb8;
	[tilespmem:$0x10400] =	vst v63  }
0x7f: {  	_ =	swait.ge [sflag:s15], $0x4000  }
0x80: {  	[sflag:s15] =	ssyncset.done $0x0  }
0x81: {  	[sflag:s15] =	ssyncadd.s32 $0xFFFFC000  }
0x82: {  	_ =	swait.ge [sflag:s15], $0x4000  }
0x83: {  	[sflag:s15] =	ssyncset.done $0x0  }
0x84: {  	[sflag:s15] =	ssyncadd.s32 $0xFFFFC000  }
0x85: {  	_ =	swait.ge [sflag:s15], $0x4000  }
0x86: {  	[sflag:s15] =	ssyncset.done $0x0  }
0x87: {  	[sflag:s15] =	ssyncadd.s32 $0xFFFFC000  }
0x88: {  	_ =	swait.ge [sflag:s15], $0x4000  }
0x89: {  	[sflag:s15] =	ssyncset.done $0x0  }
0x8a: {  	[sflag:s15] =	ssyncadd.s32 $0xFFFFC000  }
0x8b: {  	[hbm4b:s21+s2] =	stream.linear.scatter [tilespmem:s9], [sflag:$0x2], $0x10000, $0x38;
	[tilespmem:$0x10400] =	vst v63  }
0x8c: {  	_ =	swait.ge [sflag:s7], $0x10000  }
0x8d: {  	[sflag:s7] =	ssyncset.done $0x0  }
0x8e: {  	[sflag:s7] =	ssyncadd.s32 $0xFFFF0000  }
0x8f: {  	[tilespmem:s9], [sflag:$0x1] =	stream.indirect.gather [hbm4b:s3+s8], $0x80, s16, s8, $0xb8;
	[tilespmem:$0x10400] =	vst v63  }
0x90: {  	_ = 	snop  }
0x91: {  	[tilespmem:s10], [sflag:$0x1] =	stream.indirect.gather [hbm4b:s3+s8], $0x80, s17, s8, $0xb8;
	[tilespmem:$0x10400] =	vst v63  }
0x92: {  	_ = 	snop  }
0x93: {  	[tilespmem:s12], [sflag:$0x1] =	stream.indirect.gather [hbm4b:s3+s8], $0x80, s18, s8, $0xb8;
	[tilespmem:$0x10400] =	vst v63  }
0x94: {  	_ = 	snop  }
0x95: {  	[tilespmem:s14], [sflag:$0x1] =	stream.indirect.gather [hbm4b:s3+s8], $0x80, s19, s8, $0xb8;
	[tilespmem:$0x10400] =	vst v63  }
0x96: {  	_ =	swait.ge [sflag:s15], $0x4000  }
0x97: {  	[sflag:s15] =	ssyncset.done $0x0  }
0x98: {  	[sflag:s15] =	ssyncadd.s32 $0xFFFFC000  }
0x99: {  	_ =	swait.ge [sflag:s15], $0x4000  }
0x9a: {  	[sflag:s15] =	ssyncset.done $0x0  }
0x9b: {  	[sflag:s15] =	ssyncadd.s32 $0xFFFFC000  }
0x9c: {  	_ =	swait.ge [sflag:s15], $0x4000  }
0x9d: {  	[sflag:s15] =	ssyncset.done $0x0  }
0x9e: {  	[sflag:s15] =	ssyncadd.s32 $0xFFFFC000  }
0x9f: {  	s20 =	sadd.s32 $0x1, s20;
	_ =	swait.ge [sflag:s15], $0x4000  }
0xa0: {  	p0 =	sne.s32 s20, s4;
	[sflag:s15] =	ssyncset.done $0x0  }
.Ltmp1:
0xa1: {  	s31 =	sadd.s32 $0x2000, s21;
	[sflag:s15] =	ssyncadd.s32 $0xFFFFC000;
	(pc) =	sbr.rel @p0 .LBB2_1-.Ltmp1, $4  }
0xa2: {  	[hbm4b:s31+s2] =	stream.linear.scatter [tilespmem:s9], [sflag:$0x2], $0x10000, $0x38;
	[tilespmem:$0x10400] =	vst v63  }
0xa3: {  	_ =	swait.ge [sflag:s7], $0x10000  }
0xa4: {  	[sflag:s7] =	ssyncset.done $0x0  }
0xa5: {  	[sflag:s7] =	ssyncadd.s32 $0xFFFF0000  }
0xa6: {  	_ =	sfence.sel $0x180000  }
0xa7: {  	[bflag:$0x0] =	sbarrier.arrive $0xFFFF  }
0xa8: {  	p0 =	sne.s32 s1, $0x0;
	_ =	strace $0x90000047  }
0xa9: {  	s0 =	sadd.s32 @!p0 $0x100000, s0;
	[bflag:$0x2] =	sbarrier.arrive $0xFFFF  }
0xaa: {  	[sflag:s0] =	ssyncadd.tile.s32 @!p0 $0x1;
	_ =	shalt  }
.Lfunc_end2:
_tile_overlayer_lowered:
.L_overlay_start_2:
0xab: {  	(tag) =	ssettag $0x2  }
0xac: {  	s0 =	rddreg [dreg:$0x0];
	s2 =	stileid.u32  }
0xad: {  	s1 =	rddreg [dreg:$0x1];
	p0 =	sne.s32 s2, $0x0  }
0xae: {  	s3 =	rddreg [dreg:$0x2];
	[bflag:$0x3] =	sbarrier.arrive $0xFFFF;
	s2 =	simm.s32 @!p0 $0x1C02  }
0xaf: {  	[timem:s3], [sflag:s2] =	dma.local @!p0 [hbm:s0], s1  }
0xb0: {  	s0 =	simm.s32 @!p0 $0x2  }
0xb1: {  	_ =	swait.ge @!p0 [sflag:s0], s1  }
0xb2: {  	s1 =	ssub.s32 @!p0 $0x0, s1;
	[sflag:s0] =	ssyncset.done @!p0 $0x0  }
0xb3: {  	[sflag:s0] =	ssyncadd.s32 @!p0 s1  }
0xb4: {  	[bflag:$0x3] =	sbarrier.arrive $0xFFFF  }
0xb5: {  	_ =	shalt  }

// kernel: kernel.22.cloned.1.call-start
scs
__scs_entry_jumppad:
0x0: {  	(pc) =	sbr.rel $0x88, $3  }
0x1: {  	(tag) =	ssettag $0x0;
	lr =	simm.s32 $0x1  }
0x2: {  	[smem:$0x3F8A] =	sst lr;
	_ =	strace $0xD0000000  }
0x3: {  	_ = 	snop  }
0x4: {  	_ = 	snop  }
0x5: {  	_ = 	snop  }
0x6: {  	_ = 	snop  }
0x7: {  	_ = 	snop  }
__scs_overlays_trampoline_lowered:
0x8: {  	[smem:$0x3F99] =	sst s0  }
0x9: {  	[smem:$0x3F9A] =	sst s1  }
0xa: {  	[smem:$0x3F9B] =	sst s2  }
0xb: {  	[smem:$0x3F9C] =	sst s3  }
0xc: {  	[smem:$0x3F9D] =	sst s4  }
0xd: {  	[smem:$0x3F9E] =	sst s5  }
0xe: {  	[smem:$0x3F9F] =	sst s6  }
0xf: {  	[smem:$0x3FA0] =	sst s7  }
0x10: {  	[smem:$0x3FA1] =	sst s8  }
0x11: {  	[smem:$0x3FA2] =	sst s9;
	s0 =	simm.s32 @!p0 $0x0  }
0x12: {  	s1 =	sld [smem:$0x3F88];
	s0 =	simm.s32 @p0 $0x1  }
0x13: {  	[smem:$0x3FA3] =	sst s0;
	s0 =	simm.s32 @!p1 $0x0  }
0x14: {  	s2 =	sld [smem:$0x3F87];
	s0 =	simm.s32 @p1 $0x1  }
0x15: {  	[smem:$0x3FA4] =	sst s0;
	s0 =	simm.s32 @!p2 $0x0  }
0x16: {  	s3 =	sld [smem:$0x3FDB];
	s0 =	simm.s32 @p2 $0x1  }
0x17: {  	s4 =	simm.s32 $0x1BF5;
	[smem:$0x3FA6] =	sst s0  }
0x18: {  	s0 =	sld [smem:$0x3F89];
	_ =	swait.ge [sflag:s4], $0x0  }
0x19: {  	s7 =	sld [smem:$0x3F8A]  }
0x1a: {  	s8 =	sadd.s32 $0xFFFFE003, lr  }
0x1b: {  	s9 =	sadd.s32 $0xFFFFFEF7, lr;
	s5 =	simm.s32 $0xFFFFFFFF;
	p2 =	slt.u32 s8, $0xFFFFF086  }
0x1c: {  	p1 =	slt.u32 s9, $0xF7A;
	s5 =	simm.s32 @!p2 $0x0  }
0x1d: {  	s5 =	simm.s32 @p1 $0x1;
	p0 =	seq.s32 s7, s2  }
0x1e: {  	s7 =	smul.u32 @!p0 $0xF7A, s2;
	p2 =	seq.s32 @!p0 s5, $0x0  }
0x1f: {  	s9 =	smul.u32 $0xF7A, s1;
	s8 =	simm.s32 @!p0 $0x1BF5;
	p2 =	por !p2, p0  }
0x20: {  	[sflag:s8] =	ssyncset.s32 @!p0 $0xFFFFF086;
	s6 =	sadd.s32 @!p0 s3, s7;
	s7 =	simm.s32 @!p0 $0x108  }
0x21: {  	s3 =	sadd.s32 s3, s9;
	s6 =	sadd.s32 @!p0 $0x88, s6;
	s7 =	simm.s32 @p2 $0x1082  }
0x22: {  	[simem:s7], [sflag:s8] =	dma.local @!p0 [hbm:s6], $0xF7A  }
0x23: {  	s9 =	sor.u32 $0xD0000000, s2;
	s6 =	simm.s32 $0x108;
	_ =	swait.ge @!p0 [sflag:s8], $0x0  }
0x24: {  	s3 =	sadd.s32 $0x88, s3;
	s6 =	simm.s32 @!p1 $0x1082;
	[sflag:s4] =	ssyncset.s32 $0xFFFFF086  }
0x25: {  	[simem:s6], [sflag:s4] =	dma.local [hbm:s3], $0xF7A  }
0x26: {  	[smem:$0x3F8A] =	sst s1;
	(tag) =	ssettag s2;
	_ =	strace s9  }
0x27: {  	s1 =	sld [smem:$0x3F9A]  }
0x28: {  	s2 =	sld [smem:$0x3F9B]  }
0x29: {  	s4 =	sld [smem:$0x3F9D]  }
0x2a: {  	p0 =	seq.s32 s5, $0x0;
	s5 =	sld [smem:$0x3F9E]  }
0x2b: {  	s6 =	sld [smem:$0x3F9F]  }
0x2c: {  	s7 =	sld [smem:$0x3FA0]  }
0x2d: {  	s3 =	simm.s32 $0x108;
	s8 =	sld [smem:$0x3FA1]  }
0x2e: {  	s3 =	simm.s32 @!p0 $0x1082;
	s9 =	sld [smem:$0x3FA2]  }
0x2f: {  	lr =	sadd.s32 s0, s3;
	s0 =	sld [smem:$0x3F99]  }
0x30: {  	s3 =	sld [smem:$0x3F9C]  }
0x31: {  	[smem:$0x3FA5] =	sst s10  }
0x32: {  	s10 =	sld [smem:$0x3FA3];
	_ =	sdelay $0x3  }
0x33: {  	p0 =	seq.s32 s10, $0x1;
	s10 =	sld [smem:$0x3FA5];
	_ =	sdelay $0x3  }
0x34: {  	[smem:$0x3FA5] =	sst s10  }
0x35: {  	s10 =	sld [smem:$0x3FA4];
	_ =	sdelay $0x3  }
0x36: {  	p1 =	seq.s32 s10, $0x1;
	s10 =	sld [smem:$0x3FA5];
	_ =	sdelay $0x3  }
0x37: {  	[smem:$0x3FA5] =	sst s10  }
0x38: {  	s10 =	sld [smem:$0x3FA6]  }
0x39: {  	_ = 	snop;
	(pc) =	sbr.ind lr, $3  }
0x3a: {  	_ = 	snop  }
0x3b: {  	_ = 	snop  }
0x3c: {  	p2 =	seq.s32 s10, $0x1;
	s10 =	sld [smem:$0x3FA5]  }
0x3d: {  	_ =	shalt  }
0x3e: {  	_ =	shalt  }
0x3f: {  	_ =	shalt  }
0x40: {  	_ =	shalt  }
0x41: {  	_ =	shalt  }
0x42: {  	_ =	shalt  }
0x43: {  	_ =	shalt  }
0x44: {  	_ =	shalt  }
0x45: {  	_ =	shalt  }
0x46: {  	_ =	shalt  }
0x47: {  	_ =	shalt  }
0x48: {  	_ =	shalt  }
0x49: {  	_ =	shalt  }
0x4a: {  	_ =	shalt  }
0x4b: {  	_ =	shalt  }
0x4c: {  	_ =	shalt  }
0x4d: {  	_ =	shalt  }
0x4e: {  	_ =	shalt  }
0x4f: {  	_ =	shalt  }
0x50: {  	_ =	shalt  }
0x51: {  	_ =	shalt  }
0x52: {  	_ =	shalt  }
0x53: {  	_ =	shalt  }
0x54: {  	_ =	shalt  }
0x55: {  	_ =	shalt  }
0x56: {  	_ =	shalt  }
0x57: {  	_ =	shalt  }
0x58: {  	_ =	shalt  }
0x59: {  	_ =	shalt  }
0x5a: {  	_ =	shalt  }
0x5b: {  	_ =	shalt  }
0x5c: {  	_ =	shalt  }
0x5d: {  	_ =	shalt  }
0x5e: {  	_ =	shalt  }
0x5f: {  	_ =	shalt  }
0x60: {  	_ =	shalt  }
0x61: {  	_ =	shalt  }
0x62: {  	_ =	shalt  }
0x63: {  	_ =	shalt  }
0x64: {  	_ =	shalt  }
0x65: {  	_ =	shalt  }
0x66: {  	_ =	shalt  }
0x67: {  	_ =	shalt  }
0x68: {  	_ =	shalt  }
0x69: {  	_ =	shalt  }
0x6a: {  	_ =	shalt  }
0x6b: {  	_ =	shalt  }
0x6c: {  	_ =	shalt  }
0x6d: {  	_ =	shalt  }
0x6e: {  	_ =	shalt  }
0x6f: {  	_ =	shalt  }
0x70: {  	_ =	shalt  }
0x71: {  	_ =	shalt  }
0x72: {  	_ =	shalt  }
0x73: {  	_ =	shalt  }
0x74: {  	_ =	shalt  }
0x75: {  	_ =	shalt  }
0x76: {  	_ =	shalt  }
0x77: {  	_ =	shalt  }
0x78: {  	_ =	shalt  }
0x79: {  	_ =	shalt  }
0x7a: {  	_ =	shalt  }
0x7b: {  	_ =	shalt  }
0x7c: {  	_ =	shalt  }
0x7d: {  	_ =	shalt  }
0x7e: {  	_ =	shalt  }
0x7f: {  	_ =	shalt  }
0x80: {  	_ =	shalt  }
0x81: {  	_ =	shalt  }
0x82: {  	_ =	shalt  }
0x83: {  	_ =	shalt  }
0x84: {  	_ =	shalt  }
0x85: {  	_ =	shalt  }
0x86: {  	_ =	shalt  }
0x87: {  	_ =	shalt  }
.Lfunc_end0:
.L_simem_size_0:
called_computation.1_lowered:
.L_overlay_start_0:
0x88: {  	s2 =	sld [smem:$0x3FD9]  }
0x89: {  	s3 =	sld [smem:$0x3FFE];
	_ =	sdelay $0x1  }
0x8a: {  	s1 =	srdreg.scid  }
0x8b: {  	s0 =	sand.u32 $0x1, s1  }
0x8c: {  	s16 =	sshll.u32 s0, $0xA;
	s2 =	sadd.s32 s3, s2  }
0x8d: {  	s2 =	sadd.s32 s2, s16  }
0x8e: {  	[smem:$0x3FB1] =	sst s2  }
0x8f: {  	_ = 	snop  }
0x90: {  	(tm) =	ssettm $0x1  }
0x91: {  	s17 =	sld [smem:$0x3FFB];
	_ =	sdelay $0x3  }
0x92: {  	_ =	strace s17  }
0x93: {  	s2 =	sld [smem:$0x3FFC];
	_ =	sdelay $0x3  }
0x94: {  	_ =	strace s2  }
0x95: {  	s2 =	sld [smem:$0x3FFD];
	_ =	sdelay $0x3  }
0x96: {  	_ =	strace s2  }
0x97: {  	_ =	strace $0x8FFFFFFF  }
0x98: {  	s18 =	sld [smem:$0x3FDB];
	_ =	sdelay $0x1  }
0x99: {  	s19 =	simm.s32 $_scs_section_size  }
0x9a: {  	s4 =	simm.s32 $_size__tile_overlayer_lowered;
	s5 =	simm.s32 $_tile_overlayer_lowered  }
0x9b: {  	s22 =	simm.s32 $0x1BFF;
	s21 =	sshll.u32 s5, $0x1;
	s2 =	sadd.s32 s19, s18  }
0x9c: {  	s6 =	simm.s32 $0x0;
	s20 =	sshll.u32 s4, $0x1;
	s4 =	sadd.s32 s21, s2  }
0x9d: {  	[timem:s6], [sflag:s22] =	dma.local [hbm:s4], s20  }
0x9e: {  	_ =	swait.ge [sflag:s22], s20  }
0x9f: {  	s3 =	ssub.s32 $0x0, s20;
	[sflag:s22] =	ssyncset.done $0x0  }
0xa0: {  	[sflag:s22] =	ssyncadd.s32 s3;
	_ =	sdelay $0x1  }
0xa1: {  	s23 =	simm.s32 $0x1B8B  }
0xa2: {  	_ =	swait.ge [sflag:s23], $0x1  }
0xa3: {  	[sflag:s23] =	ssyncset.done $0x0  }
0xa4: {  	s25 =	simm.s32 $0x1B8E;
	s24 =	sld [smem:$0x3FFE];
	[sflag:s23] =	ssyncadd.s32 $0xFFFFFFFF  }
0xa5: {  	s26 =	simm.s32 $execute0_lowered;
	[smem:$0x3FD2] =	sst s25  }
0xa6: {  	s4 =	sshll.u32 s26, $0x1;
	_ =	strace $0x80000049;
	[dreg:$0x1] =	wrdreg $0xFFFFFFFF  }
0xa7: {  	s28 =	simm.s32 $_size_execute0_lowered;
	s2 =	sadd.s32 s2, s4;
	[dreg:$0x0] =	wrdreg $0x0  }
0xa8: {  	s4 =	sshll.u32 s28, $0x1;
	[dreg:$0x2] =	wrdreg s2  }
0xa9: {  	[dreg:$0x3] =	wrdreg s4  }
0xaa: {  	[dreg:$0x4] =	wrdreg $0xC0  }
0xab: {  	_ =	task [dreg:s6], $0x5FFFF  }
0xac: {  	[dreg:$0x1] =	wrdreg $0xFFFFFFFF  }
0xad: {  	[dreg:$0x0] =	wrdreg $0x60  }
0xae: {  	[dreg:$0x2] =	wrdreg s24  }
0xaf: {  	[dreg:$0x3] =	wrdreg $0x84000  }
0xb0: {  	[dreg:$0x4] =	wrdreg $0x9  }
0xb1: {  	_ =	task.clear_ibuf [dreg:s6], $0x5FFFF;
	_ =	strace $0x90000049  }
0xb2: {  	s29 =	simm.s32 $0x9;
	_ =	strace $0x8000004B  }
0xb3: {  	_ =	swait.ge [sflag:s29], $0x1  }
0xb4: {  	[sflag:s29] =	ssyncadd.s32 $0xFFFFFFFF  }
0xb5: {  	_ =	strace $0x9000004B  }
0xb6: {  	_ =	sfence  }
0xb7: {  	s30 =	sld [smem:$0x0];
	_ =	sdelay $0x2  }
0xb8: {  	s31 =	sshll.u32 s1, $0xD;
	s1 =	sshrl.u32 s1, $0x2  }
0xb9: {  	s3 =	sand.u32 $0x4000, s31;
	s1 =	sadd.s32 s1, s30  }
0xba: {  	s0 =	sor.u32 s3, s0;
	s1 =	sshll.u32 s1, $0x11  }
0xbb: {  	s0 =	sor.u32 s1, s0  }
0xbc: {  	s0 =	sadd.s32 $0x8F2B, s0  }
0xbd: {  	[sflag:s0] =	ssyncadd.remote.s32 $0x1  }
0xbe: {  	_ =	sfence.sel $0xFFFF  }
0xbf: {  	[dreg:$0x0] =	wrdreg $0xFFFFFFFF;
	(pc) =	sbr.abs _section_cstart, $3  }
0xc0: {  	[dreg:$0x1] =	wrdreg $0xFFFFFFFF  }
0xc1: {  	_ =	task.clear_ibuf [dreg:s6], $0x2FFFF;
	_ =	strace $0x9FFFFFFF  }
0xc2: {  	(tm) =	ssettm $0x7FFFFFFF  }
0xc3: {  	_ =	shalt  }
tec
execute0_lowered:
.L_overlay_start_1:
0x0: {  	(tag) =	ssettag $0x1  }
0x1: {  	s4 =	rddreg [dreg:$0x0]  }
0x2: {  	s0 =	srdreg.scid;
	s2 =	rddreg [dreg:$0x1]  }
0x3: {  	s1 =	stileid.u32;
	s3 =	simm.s32 $0x0;
	s14 =	simm.s32 $0x1  }
0x4: {  	s15 =	simm.s32 $0x80;
	s16 =	simm.s32 $0x2;
	s17 =	simm.s32 $0x100  }
0x5: {  	s18 =	simm.s32 $0x180;
	s19 =	simm.s32 $0x200;
	s8 =	smul.u32 $0x2800, s1  }
0x6: {  	s20 =	simm.s32 $0x280;
	s21 =	simm.s32 $0x300;
	s26 =	smul.u32 $0x50000, s1  }
0x7: {  	s22 =	simm.s32 $0x380;
	s5 =	sand.u32 $0x1, s0;
	s12 =	smul.u32 $0xA00, s1  }
0x8: {  	s23 =	simm.s32 $0x0;
	s0 =	rddreg [dreg:$0x2];
	s6 =	smul.u32 $0x500000, s5  }
0x9: {  	[smem:$0x7FF] =	sst s3;
	s30 =	sshll.u32 s1, $0x6;
	s7 =	smul.u32 $0xA000, s5  }
0xa: {  	s9 =	smul.u32 $0x28000, s5;
	_ =	strace $0x8000004A;
	s5 =	ssub.s32 $0x2, s5  }
0xb: {  	s28 =	sshrl.u32 s5, $0x1;
	s29 =	sshrl.u32 s26, $0x2;
	s10 =	sadd.s32 s6, s4  }
0xc: {  	s7 =	sadd.s32 s7, s4;
	s25 =	sadd.s32 s8, s9;
	s8 =	sadd.s32 s8, s4  }
0xd: {  	s11 =	ssub.s32 s5, s28;
	s13 =	sadd.s32 s29, s2;
	s5 =	sor.u32 $0x1C03, s30  }
0xe: {  	s6 =	sadd.s32 s25, s4;
	s4 =	sadd.s32 $0x67400, s8;
	s31 =	sadd.s32 s12, s7  }
0xf: {  	s7 =	smax.u32 s11, $0x1;
	s9 =	sadd.s32 s26, s10;
	s10 =	sshrl.u32 s13, $0x3  }
0x10: {  	s12 =	simm.s32 $0x400;
	s13 =	simm.s32 $0x4400;
	s6 =	sadd.s32 $0x8F400, s6  }
0x11: {  	s11 =	simm.s32 $0x3;
	s8 =	sadd.s32 $0xAC9600, s31;
	s9 =	sadd.s32 $0x1609600, s9  }
.LBB2_1:
0x12: {  	[spmem:s10], [sflag:s5] =	dma.local [hbm:s4], $0x2800  }
0x13: {  	_ =	swait.ge [sflag:s11], $0x2800  }
0x14: {  	[sflag:s11] =	ssyncset.done $0x0  }
0x15: {  	[sflag:s11] =	ssyncadd.s32 $0xFFFFD800  }
0x16: {  	[bflag:$0x0] =	sbarrier.arrive $0xFFFF  }
0x17: {  	[tilespmem:s3], [sflag:$0x3] =	stream.linear.gather [hbm4b:s8+s3], $0x400, $0x38;
	[tilespmem:$0x1C400] =	vst v63  }
0x18: {  	_ =	swait.ge [sflag:s11], $0x400  }
0x19: {  	[sflag:s11] =	ssyncset.done $0x0  }
0x1a: {  	s24 =	sadd.s32 $0x0, s9;
	[sflag:s11] =	ssyncadd.s32 $0xFFFFFC00  }
0x1b: {  	[tilespmem:s12], [sflag:$0x1] =	stream.linear.gather [hbm4b:s24+s3], $0x4000, $0x38;
	[tilespmem:$0x1C400] =	vst v63  }
0x1c: {  	s25 =	sadd.s32 $0x800, s24  }
0x1d: {  	[tilespmem:s13], [sflag:$0x1] =	stream.linear.gather [hbm4b:s25+s3], $0x4000, $0x38;
	[tilespmem:$0x1C400] =	vst v63  }
0x1e: {  	_ =	swait.ge [sflag:s14], $0x4000  }
0x1f: {  	[sflag:s14] =	ssyncset.done $0x0  }
0x20: {  	[sflag:s14] =	ssyncadd.s32 $0xFFFFC000  }
0x21: {  	[spmem:s2] =	stream.indirect.scatter.add.f32 [tilespmem:s12], [sflag:$0x2], $0x80, s3, s15, $0xb8;
	[tilespmem:$0x1C400] =	vst v63  }
0x22: {  	_ =	swait.ge [sflag:s16], $0x4000  }
0x23: {  	[sflag:s16] =	ssyncset.done $0x0  }
0x24: {  	s26 =	sadd.s32 $0x1000, s24;
	[sflag:s16] =	ssyncadd.s32 $0xFFFFC000  }
0x25: {  	[tilespmem:s12], [sflag:$0x1] =	stream.linear.gather [hbm4b:s26+s3], $0x4000, $0x38;
	[tilespmem:$0x1C400] =	vst v63  }
0x26: {  	_ =	swait.ge [sflag:s14], $0x4000  }
0x27: {  	[sflag:s14] =	ssyncset.done $0x0  }
0x28: {  	[sflag:s14] =	ssyncadd.s32 $0xFFFFC000  }
0x29: {  	[spmem:s2] =	stream.indirect.scatter.add.f32 [tilespmem:s13], [sflag:$0x2], $0x80, s15, s15, $0xb8;
	[tilespmem:$0x1C400] =	vst v63  }
0x2a: {  	_ =	swait.ge [sflag:s16], $0x4000  }
0x2b: {  	[sflag:s16] =	ssyncset.done $0x0  }
0x2c: {  	s28 =	sadd.s32 $0x1800, s24;
	[sflag:s16] =	ssyncadd.s32 $0xFFFFC000  }
0x2d: {  	[tilespmem:s13], [sflag:$0x1] =	stream.linear.gather [hbm4b:s28+s3], $0x4000, $0x38;
	[tilespmem:$0x1C400] =	vst v63  }
0x2e: {  	_ =	swait.ge [sflag:s14], $0x4000  }
0x2f: {  	[sflag:s14] =	ssyncset.done $0x0  }
0x30: {  	[sflag:s14] =	ssyncadd.s32 $0xFFFFC000  }
0x31: {  	[spmem:s2] =	stream.indirect.scatter.add.f32 [tilespmem:s12], [sflag:$0x2], $0x80, s17, s15, $0xb8;
	[tilespmem:$0x1C400] =	vst v63  }
0x32: {  	_ =	swait.ge [sflag:s16], $0x4000  }
0x33: {  	[sflag:s16] =	ssyncset.done $0x0  }
0x34: {  	s29 =	sadd.s32 $0x2000, s24;
	[sflag:s16] =	ssyncadd.s32 $0xFFFFC000  }
0x35: {  	[tilespmem:s12], [sflag:$0x1] =	stream.linear.gather [hbm4b:s29+s3], $0x4000, $0x38;
	[tilespmem:$0x1C400] =	vst v63  }
0x36: {  	_ =	swait.ge [sflag:s14], $0x4000  }
0x37: {  	[sflag:s14] =	ssyncset.done $0x0  }
0x38: {  	[sflag:s14] =	ssyncadd.s32 $0xFFFFC000  }
0x39: {  	[spmem:s2] =	stream.indirect.scatter.add.f32 [tilespmem:s13], [sflag:$0x2], $0x80, s18, s15, $0xb8;
	[tilespmem:$0x1C400] =	vst v63  }
0x3a: {  	_ =	swait.ge [sflag:s16], $0x4000  }
0x3b: {  	[sflag:s16] =	ssyncset.done $0x0  }
0x3c: {  	s30 =	sadd.s32 $0x2800, s24;
	[sflag:s16] =	ssyncadd.s32 $0xFFFFC000  }
0x3d: {  	[tilespmem:s13], [sflag:$0x1] =	stream.linear.gather [hbm4b:s30+s3], $0x4000, $0x38;
	[tilespmem:$0x1C400] =	vst v63  }
0x3e: {  	_ =	swait.ge [sflag:s14], $0x4000  }
0x3f: {  	[sflag:s14] =	ssyncset.done $0x0  }
0x40: {  	[sflag:s14] =	ssyncadd.s32 $0xFFFFC000  }
0x41: {  	[spmem:s2] =	stream.indirect.scatter.add.f32 [tilespmem:s12], [sflag:$0x2], $0x80, s19, s15, $0xb8;
	[tilespmem:$0x1C400] =	vst v63  }
0x42: {  	_ =	swait.ge [sflag:s16], $0x4000  }
0x43: {  	[sflag:s16] =	ssyncset.done $0x0  }
0x44: {  	s31 =	sadd.s32 $0x3000, s24;
	[sflag:s16] =	ssyncadd.s32 $0xFFFFC000  }
0x45: {  	[tilespmem:s12], [sflag:$0x1] =	stream.linear.gather [hbm4b:s31+s3], $0x4000, $0x38;
	[tilespmem:$0x1C400] =	vst v63  }
0x46: {  	_ =	swait.ge [sflag:s14], $0x4000  }
0x47: {  	[sflag:s14] =	ssyncset.done $0x0  }
0x48: {  	[sflag:s14] =	ssyncadd.s32 $0xFFFFC000  }
0x49: {  	[spmem:s2] =	stream.indirect.scatter.add.f32 [tilespmem:s13], [sflag:$0x2], $0x80, s20, s15, $0xb8;
	[tilespmem:$0x1C400] =	vst v63  }
0x4a: {  	_ =	swait.ge [sflag:s16], $0x4000  }
0x4b: {  	[sflag:s16] =	ssyncset.done $0x0  }
0x4c: {  	s24 =	sadd.s32 $0x3800, s24;
	[sflag:s16] =	ssyncadd.s32 $0xFFFFC000  }
0x4d: {  	[tilespmem:s13], [sflag:$0x1] =	stream.linear.gather [hbm4b:s24+s3], $0x4000, $0x38;
	[tilespmem:$0x1C400] =	vst v63  }
0x4e: {  	_ =	swait.ge [sflag:s14], $0x4000  }
0x4f: {  	[sflag:s14] =	ssyncset.done $0x0  }
0x50: {  	[sflag:s14] =	ssyncadd.s32 $0xFFFFC000  }
0x51: {  	[spmem:s2] =	stream.indirect.scatter.add.f32 [tilespmem:s12], [sflag:$0x2], $0x80, s21, s15, $0xb8;
	[tilespmem:$0x1C400] =	vst v63  }
0x52: {  	_ =	swait.ge [sflag:s14], $0x4000  }
0x53: {  	[sflag:s14] =	ssyncset.done $0x0  }
0x54: {  	[sflag:s14] =	ssyncadd.s32 $0xFFFFC000  }
0x55: {  	[spmem:s2] =	stream.indirect.scatter.add.f32 [tilespmem:s13], [sflag:$0x2], $0x80, s22, s15, $0xb8;
	[tilespmem:$0x1C400] =	vst v63  }
0x56: {  	_ =	swait.ge [sflag:s16], $0x4000  }
0x57: {  	[sflag:s16] =	ssyncset.done $0x0  }
0x58: {  	[sflag:s16] =	ssyncadd.s32 $0xFFFFC000  }
0x59: {  	_ =	swait.ge [sflag:s16], $0x4000  }
0x5a: {  	s25 =	smov.u32 s8;
	s24 =	simm.s32 $0x4000;
	[sflag:s16] =	ssyncset.done $0x0  }
.LBB2_2:
0x5b: {  	p0 =	sne.s32 s24, $0x4C000;
	[sflag:s16] =	ssyncadd.s32 $0xFFFFC000;
	s25 =	sadd.s32 $0x80, s25  }
0x5c: {  	[tilespmem:s3], [sflag:$0x3] =	stream.linear.gather [hbm4b:s25+s3], $0x400, $0x38;
	[tilespmem:$0x1C400] =	vst v63  }
0x5d: {  	s26 =	smov.u32 s24;
	s24 =	sadd.s32 $0x4000, s24;
	_ =	swait.ge [sflag:s11], $0x400  }
0x5e: {  	[sflag:s11] =	ssyncset.done $0x0  }
0x5f: {  	s26 =	sadd.s32 s26, s9;
	[sflag:s11] =	ssyncadd.s32 $0xFFFFFC00  }
0x60: {  	[tilespmem:s12], [sflag:$0x1] =	stream.linear.gather [hbm4b:s26+s3], $0x4000, $0x38;
	[tilespmem:$0x1C400] =	vst v63  }
0x61: {  	s28 =	sadd.s32 $0x800, s26  }
0x62: {  	[tilespmem:s13], [sflag:$0x1] =	stream.linear.gather [hbm4b:s28+s3], $0x4000, $0x38;
	[tilespmem:$0x1C400] =	vst v63  }
0x63: {  	_ =	swait.ge [sflag:s14], $0x4000  }
0x64: {  	[sflag:s14] =	ssyncset.done $0x0  }
0x65: {  	[sflag:s14] =	ssyncadd.s32 $0xFFFFC000  }
0x66: {  	[spmem:s2] =	stream.indirect.scatter.add.f32 [tilespmem:s12], [sflag:$0x2], $0x80, s3, s15, $0xb8;
	[tilespmem:$0x1C400] =	vst v63  }
0x67: {  	_ =	swait.ge [sflag:s16], $0x4000  }
0x68: {  	[sflag:s16] =	ssyncset.done $0x0  }
0x69: {  	s28 =	sadd.s32 $0x1000, s26;
	[sflag:s16] =	ssyncadd.s32 $0xFFFFC000  }
0x6a: {  	[tilespmem:s12], [sflag:$0x1] =	stream.linear.gather [hbm4b:s28+s3], $0x4000, $0x38;
	[tilespmem:$0x1C400] =	vst v63  }
0x6b: {  	_ =	swait.ge [sflag:s14], $0x4000  }
0x6c: {  	[sflag:s14] =	ssyncset.done $0x0  }
0x6d: {  	[sflag:s14] =	ssyncadd.s32 $0xFFFFC000  }
0x6e: {  	[spmem:s2] =	stream.indirect.scatter.add.f32 [tilespmem:s13], [sflag:$0x2], $0x80, s15, s15, $0xb8;
	[tilespmem:$0x1C400] =	vst v63  }
0x6f: {  	_ =	swait.ge [sflag:s16], $0x4000  }
0x70: {  	[sflag:s16] =	ssyncset.done $0x0  }
0x71: {  	s28 =	sadd.s32 $0x1800, s26;
	[sflag:s16] =	ssyncadd.s32 $0xFFFFC000  }
0x72: {  	[tilespmem:s13], [sflag:$0x1] =	stream.linear.gather [hbm4b:s28+s3], $0x4000, $0x38;
	[tilespmem:$0x1C400] =	vst v63  }
0x73: {  	_ =	swait.ge [sflag:s14], $0x4000  }
0x74: {  	[sflag:s14] =	ssyncset.done $0x0  }
0x75: {  	[sflag:s14] =	ssyncadd.s32 $0xFFFFC000  }
0x76: {  	[spmem:s2] =	stream.indirect.scatter.add.f32 [tilespmem:s12], [sflag:$0x2], $0x80, s17, s15, $0xb8;
	[tilespmem:$0x1C400] =	vst v63  }
0x77: {  	_ =	swait.ge [sflag:s16], $0x4000  }
0x78: {  	[sflag:s16] =	ssyncset.done $0x0  }
0x79: {  	s28 =	sadd.s32 $0x2000, s26;
	[sflag:s16] =	ssyncadd.s32 $0xFFFFC000  }
0x7a: {  	[tilespmem:s12], [sflag:$0x1] =	stream.linear.gather [hbm4b:s28+s3], $0x4000, $0x38;
	[tilespmem:$0x1C400] =	vst v63  }
0x7b: {  	_ =	swait.ge [sflag:s14], $0x4000  }
0x7c: {  	[sflag:s14] =	ssyncset.done $0x0  }
0x7d: {  	[sflag:s14] =	ssyncadd.s32 $0xFFFFC000  }
0x7e: {  	[spmem:s2] =	stream.indirect.scatter.add.f32 [tilespmem:s13], [sflag:$0x2], $0x80, s18, s15, $0xb8;
	[tilespmem:$0x1C400] =	vst v63  }
0x7f: {  	_ =	swait.ge [sflag:s16], $0x4000  }
0x80: {  	[sflag:s16] =	ssyncset.done $0x0  }
0x81: {  	s28 =	sadd.s32 $0x2800, s26;
	[sflag:s16] =	ssyncadd.s32 $0xFFFFC000  }
0x82: {  	[tilespmem:s13], [sflag:$0x1] =	stream.linear.gather [hbm4b:s28+s3], $0x4000, $0x38;
	[tilespmem:$0x1C400] =	vst v63  }
0x83: {  	_ =	swait.ge [sflag:s14], $0x4000  }
0x84: {  	[sflag:s14] =	ssyncset.done $0x0  }
0x85: {  	[sflag:s14] =	ssyncadd.s32 $0xFFFFC000  }
0x86: {  	[spmem:s2] =	stream.indirect.scatter.add.f32 [tilespmem:s12], [sflag:$0x2], $0x80, s19, s15, $0xb8;
	[tilespmem:$0x1C400] =	vst v63  }
0x87: {  	_ =	swait.ge [sflag:s16], $0x4000  }
0x88: {  	[sflag:s16] =	ssyncset.done $0x0  }
0x89: {  	s28 =	sadd.s32 $0x3000, s26;
	[sflag:s16] =	ssyncadd.s32 $0xFFFFC000  }
0x8a: {  	[tilespmem:s12], [sflag:$0x1] =	stream.linear.gather [hbm4b:s28+s3], $0x4000, $0x38;
	[tilespmem:$0x1C400] =	vst v63  }
0x8b: {  	_ =	swait.ge [sflag:s14], $0x4000  }
0x8c: {  	[sflag:s14] =	ssyncset.done $0x0  }
0x8d: {  	[sflag:s14] =	ssyncadd.s32 $0xFFFFC000  }
0x8e: {  	[spmem:s2] =	stream.indirect.scatter.add.f32 [tilespmem:s13], [sflag:$0x2], $0x80, s20, s15, $0xb8;
	[tilespmem:$0x1C400] =	vst v63  }
0x8f: {  	_ =	swait.ge [sflag:s16], $0x4000  }
0x90: {  	[sflag:s16] =	ssyncset.done $0x0  }
0x91: {  	s26 =	sadd.s32 $0x3800, s26;
	[sflag:s16] =	ssyncadd.s32 $0xFFFFC000  }
0x92: {  	[tilespmem:s13], [sflag:$0x1] =	stream.linear.gather [hbm4b:s26+s3], $0x4000, $0x38;
	[tilespmem:$0x1C400] =	vst v63  }
0x93: {  	_ =	swait.ge [sflag:s14], $0x4000  }
0x94: {  	[sflag:s14] =	ssyncset.done $0x0  }
0x95: {  	[sflag:s14] =	ssyncadd.s32 $0xFFFFC000  }
0x96: {  	[spmem:s2] =	stream.indirect.scatter.add.f32 [tilespmem:s12], [sflag:$0x2], $0x80, s21, s15, $0xb8;
	[tilespmem:$0x1C400] =	vst v63  }
0x97: {  	_ =	swait.ge [sflag:s14], $0x4000  }
0x98: {  	[sflag:s14] =	ssyncset.done $0x0  }
0x99: {  	[sflag:s14] =	ssyncadd.s32 $0xFFFFC000  }
0x9a: {  	[spmem:s2] =	stream.indirect.scatter.add.f32 [tilespmem:s13], [sflag:$0x2], $0x80, s22, s15, $0xb8;
	[tilespmem:$0x1C400] =	vst v63  }
.Ltmp0:
0x9b: {  	_ =	swait.ge [sflag:s16], $0x4000;
	(pc) =	sbr.rel @p0 .LBB2_2-.Ltmp0, $4  }
0x9c: {  	[sflag:s16] =	ssyncset.done $0x0  }
0x9d: {  	[sflag:s16] =	ssyncadd.s32 $0xFFFFC000  }
0x9e: {  	_ =	swait.ge [sflag:s16], $0x4000  }
0x9f: {  	[sflag:s16] =	ssyncset.done $0x0  }
0xa0: {  	s23 =	sadd.s32 $0x1, s23  }
0xa1: {  	[sflag:s16] =	ssyncadd.s32 $0xFFFFC000;
	p0 =	sne.s32 s23, s7  }
.Ltmp1:
0xa2: {  	[bflag:$0x0] =	sbarrier.arrive $0xFFFF;
	(pc) =	sbr.rel @p0 .LBB2_1-.Ltmp1, $4  }
0xa3: {  	[hbm:s6], [sflag:s5] =	dma.local [spmem:s10], $0x2800  }
0xa4: {  	_ =	swait.ge [sflag:s11], $0x2800  }
0xa5: {  	[sflag:s11] =	ssyncset.done $0x0  }
0xa6: {  	[sflag:s11] =	ssyncadd.s32 $0xFFFFD800  }
0xa7: {  	_ =	sfence.sel $0x180000  }
0xa8: {  	[bflag:$0x0] =	sbarrier.arrive $0xFFFF  }
0xa9: {  	p0 =	sne.s32 s1, $0x0;
	_ =	strace $0x9000004A  }
0xaa: {  	s0 =	sadd.s32 @!p0 $0x100000, s0;
	[bflag:$0x2] =	sbarrier.arrive $0xFFFF  }
0xab: {  	[sflag:s0] =	ssyncadd.tile.s32 @!p0 $0x1;
	_ =	shalt  }
.Lfunc_end2:
_tile_overlayer_lowered:
.L_overlay_start_2:
0xac: {  	(tag) =	ssettag $0x2  }
0xad: {  	s0 =	rddreg [dreg:$0x0];
	s2 =	stileid.u32  }
0xae: {  	s1 =	rddreg [dreg:$0x1];
	p0 =	sne.s32 s2, $0x0  }
0xaf: {  	s3 =	rddreg [dreg:$0x2];
	[bflag:$0x3] =	sbarrier.arrive $0xFFFF;
	s2 =	simm.s32 @!p0 $0x1C03  }
0xb0: {  	[timem:s3], [sflag:s2] =	dma.local @!p0 [hbm:s0], s1  }
0xb1: {  	s0 =	simm.s32 @!p0 $0x3  }
0xb2: {  	_ =	swait.ge @!p0 [sflag:s0], s1  }
0xb3: {  	s1 =	ssub.s32 @!p0 $0x0, s1;
	[sflag:s0] =	ssyncset.done @!p0 $0x0  }
0xb4: {  	[sflag:s0] =	ssyncadd.s32 @!p0 s1  }
0xb5: {  	[bflag:$0x3] =	sbarrier.arrive $0xFFFF  }
0xb6: {  	_ =	shalt  }

// kernel: kernel.25.cloned.1.call-start
scs
__scs_entry_jumppad:
0x0: {  	(pc) =	sbr.rel $0x88, $3  }
0x1: {  	(tag) =	ssettag $0x0;
	lr =	simm.s32 $0x1  }
0x2: {  	[smem:$0x3F8A] =	sst lr;
	_ =	strace $0xD0000000  }
0x3: {  	_ = 	snop  }
0x4: {  	_ = 	snop  }
0x5: {  	_ = 	snop  }
0x6: {  	_ = 	snop  }
0x7: {  	_ = 	snop  }
__scs_overlays_trampoline_lowered:
0x8: {  	[smem:$0x3F99] =	sst s0  }
0x9: {  	[smem:$0x3F9A] =	sst s1  }
0xa: {  	[smem:$0x3F9B] =	sst s2  }
0xb: {  	[smem:$0x3F9C] =	sst s3  }
0xc: {  	[smem:$0x3F9D] =	sst s4  }
0xd: {  	[smem:$0x3F9E] =	sst s5  }
0xe: {  	[smem:$0x3F9F] =	sst s6  }
0xf: {  	[smem:$0x3FA0] =	sst s7  }
0x10: {  	[smem:$0x3FA1] =	sst s8  }
0x11: {  	[smem:$0x3FA2] =	sst s9;
	s0 =	simm.s32 @!p0 $0x0  }
0x12: {  	s1 =	sld [smem:$0x3F88];
	s0 =	simm.s32 @p0 $0x1  }
0x13: {  	[smem:$0x3FA3] =	sst s0;
	s0 =	simm.s32 @!p1 $0x0  }
0x14: {  	s2 =	sld [smem:$0x3F87];
	s0 =	simm.s32 @p1 $0x1  }
0x15: {  	[smem:$0x3FA4] =	sst s0;
	s0 =	simm.s32 @!p2 $0x0  }
0x16: {  	s3 =	sld [smem:$0x3FDB];
	s0 =	simm.s32 @p2 $0x1  }
0x17: {  	s4 =	simm.s32 $0x1BF5;
	[smem:$0x3FA6] =	sst s0  }
0x18: {  	s0 =	sld [smem:$0x3F89];
	_ =	swait.ge [sflag:s4], $0x0  }
0x19: {  	s7 =	sld [smem:$0x3F8A]  }
0x1a: {  	s8 =	sadd.s32 $0xFFFFE003, lr  }
0x1b: {  	s9 =	sadd.s32 $0xFFFFFEF7, lr;
	s5 =	simm.s32 $0xFFFFFFFF;
	p2 =	slt.u32 s8, $0xFFFFF086  }
0x1c: {  	p1 =	slt.u32 s9, $0xF7A;
	s5 =	simm.s32 @!p2 $0x0  }
0x1d: {  	s5 =	simm.s32 @p1 $0x1;
	p0 =	seq.s32 s7, s2  }
0x1e: {  	s7 =	smul.u32 @!p0 $0xF7A, s2;
	p2 =	seq.s32 @!p0 s5, $0x0  }
0x1f: {  	s9 =	smul.u32 $0xF7A, s1;
	s8 =	simm.s32 @!p0 $0x1BF5;
	p2 =	por !p2, p0  }
0x20: {  	[sflag:s8] =	ssyncset.s32 @!p0 $0xFFFFF086;
	s6 =	sadd.s32 @!p0 s3, s7;
	s7 =	simm.s32 @!p0 $0x108  }
0x21: {  	s3 =	sadd.s32 s3, s9;
	s6 =	sadd.s32 @!p0 $0x88, s6;
	s7 =	simm.s32 @p2 $0x1082  }
0x22: {  	[simem:s7], [sflag:s8] =	dma.local @!p0 [hbm:s6], $0xF7A  }
0x23: {  	s9 =	sor.u32 $0xD0000000, s2;
	s6 =	simm.s32 $0x108;
	_ =	swait.ge @!p0 [sflag:s8], $0x0  }
0x24: {  	s3 =	sadd.s32 $0x88, s3;
	s6 =	simm.s32 @!p1 $0x1082;
	[sflag:s4] =	ssyncset.s32 $0xFFFFF086  }
0x25: {  	[simem:s6], [sflag:s4] =	dma.local [hbm:s3], $0xF7A  }
0x26: {  	[smem:$0x3F8A] =	sst s1;
	(tag) =	ssettag s2;
	_ =	strace s9  }
0x27: {  	s1 =	sld [smem:$0x3F9A]  }
0x28: {  	s2 =	sld [smem:$0x3F9B]  }
0x29: {  	s4 =	sld [smem:$0x3F9D]  }
0x2a: {  	p0 =	seq.s32 s5, $0x0;
	s5 =	sld [smem:$0x3F9E]  }
0x2b: {  	s6 =	sld [smem:$0x3F9F]  }
0x2c: {  	s7 =	sld [smem:$0x3FA0]  }
0x2d: {  	s3 =	simm.s32 $0x108;
	s8 =	sld [smem:$0x3FA1]  }
0x2e: {  	s3 =	simm.s32 @!p0 $0x1082;
	s9 =	sld [smem:$0x3FA2]  }
0x2f: {  	lr =	sadd.s32 s0, s3;
	s0 =	sld [smem:$0x3F99]  }
0x30: {  	s3 =	sld [smem:$0x3F9C]  }
0x31: {  	[smem:$0x3FA5] =	sst s10  }
0x32: {  	s10 =	sld [smem:$0x3FA3];
	_ =	sdelay $0x3  }
0x33: {  	p0 =	seq.s32 s10, $0x1;
	s10 =	sld [smem:$0x3FA5];
	_ =	sdelay $0x3  }
0x34: {  	[smem:$0x3FA5] =	sst s10  }
0x35: {  	s10 =	sld [smem:$0x3FA4];
	_ =	sdelay $0x3  }
0x36: {  	p1 =	seq.s32 s10, $0x1;
	s10 =	sld [smem:$0x3FA5];
	_ =	sdelay $0x3  }
0x37: {  	[smem:$0x3FA5] =	sst s10  }
0x38: {  	s10 =	sld [smem:$0x3FA6]  }
0x39: {  	_ = 	snop;
	(pc) =	sbr.ind lr, $3  }
0x3a: {  	_ = 	snop  }
0x3b: {  	_ = 	snop  }
0x3c: {  	p2 =	seq.s32 s10, $0x1;
	s10 =	sld [smem:$0x3FA5]  }
0x3d: {  	_ =	shalt  }
0x3e: {  	_ =	shalt  }
0x3f: {  	_ =	shalt  }
0x40: {  	_ =	shalt  }
0x41: {  	_ =	shalt  }
0x42: {  	_ =	shalt  }
0x43: {  	_ =	shalt  }
0x44: {  	_ =	shalt  }
0x45: {  	_ =	shalt  }
0x46: {  	_ =	shalt  }
0x47: {  	_ =	shalt  }
0x48: {  	_ =	shalt  }
0x49: {  	_ =	shalt  }
0x4a: {  	_ =	shalt  }
0x4b: {  	_ =	shalt  }
0x4c: {  	_ =	shalt  }
0x4d: {  	_ =	shalt  }
0x4e: {  	_ =	shalt  }
0x4f: {  	_ =	shalt  }
0x50: {  	_ =	shalt  }
0x51: {  	_ =	shalt  }
0x52: {  	_ =	shalt  }
0x53: {  	_ =	shalt  }
0x54: {  	_ =	shalt  }
0x55: {  	_ =	shalt  }
0x56: {  	_ =	shalt  }
0x57: {  	_ =	shalt  }
0x58: {  	_ =	shalt  }
0x59: {  	_ =	shalt  }
0x5a: {  	_ =	shalt  }
0x5b: {  	_ =	shalt  }
0x5c: {  	_ =	shalt  }
0x5d: {  	_ =	shalt  }
0x5e: {  	_ =	shalt  }
0x5f: {  	_ =	shalt  }
0x60: {  	_ =	shalt  }
0x61: {  	_ =	shalt  }
0x62: {  	_ =	shalt  }
0x63: {  	_ =	shalt  }
0x64: {  	_ =	shalt  }
0x65: {  	_ =	shalt  }
0x66: {  	_ =	shalt  }
0x67: {  	_ =	shalt  }
0x68: {  	_ =	shalt  }
0x69: {  	_ =	shalt  }
0x6a: {  	_ =	shalt  }
0x6b: {  	_ =	shalt  }
0x6c: {  	_ =	shalt  }
0x6d: {  	_ =	shalt  }
0x6e: {  	_ =	shalt  }
0x6f: {  	_ =	shalt  }
0x70: {  	_ =	shalt  }
0x71: {  	_ =	shalt  }
0x72: {  	_ =	shalt  }
0x73: {  	_ =	shalt  }
0x74: {  	_ =	shalt  }
0x75: {  	_ =	shalt  }
0x76: {  	_ =	shalt  }
0x77: {  	_ =	shalt  }
0x78: {  	_ =	shalt  }
0x79: {  	_ =	shalt  }
0x7a: {  	_ =	shalt  }
0x7b: {  	_ =	shalt  }
0x7c: {  	_ =	shalt  }
0x7d: {  	_ =	shalt  }
0x7e: {  	_ =	shalt  }
0x7f: {  	_ =	shalt  }
0x80: {  	_ =	shalt  }
0x81: {  	_ =	shalt  }
0x82: {  	_ =	shalt  }
0x83: {  	_ =	shalt  }
0x84: {  	_ =	shalt  }
0x85: {  	_ =	shalt  }
0x86: {  	_ =	shalt  }
0x87: {  	_ =	shalt  }
.Lfunc_end0:
.L_simem_size_0:
called_computation.2_lowered:
.L_overlay_start_0:
0x88: {  	s2 =	sld [smem:$0x3FD9]  }
0x89: {  	s3 =	sld [smem:$0x3FFE];
	_ =	sdelay $0x1  }
0x8a: {  	s1 =	srdreg.scid  }
0x8b: {  	s0 =	sand.u32 $0x1, s1  }
0x8c: {  	s14 =	sshll.u32 s0, $0xA;
	s2 =	sadd.s32 s3, s2  }
0x8d: {  	s2 =	sadd.s32 s2, s14  }
0x8e: {  	[smem:$0x3FB1] =	sst s2  }
0x8f: {  	_ = 	snop  }
0x90: {  	s2 =	sld [smem:$0x3FD0];
	_ =	sdelay $0x2  }
0x91: {  	s15 =	simm.s32 $0xA;
	s4 =	simm.s32 $0x10  }
0x92: {  	[smem:s4], [sflag:s15] =	dma.local [hbm:s2], $0x1  }
0x93: {  	_ =	swait.eq [sflag:s15], $0x1  }
0x94: {  	[sflag:s15] =	ssyncset.done $0x0  }
0x95: {  	[sflag:s15] =	ssyncadd.s32 $0xFFFFFFFF  }
0x96: {  	s16 =	sld [smem:$0x10];
	(tm) =	ssettm $0x1  }
0x97: {  	s17 =	sld [smem:$0x3FFB];
	_ =	sdelay $0x3  }
0x98: {  	_ =	strace s17  }
0x99: {  	s3 =	sld [smem:$0x3FFC];
	_ =	sdelay $0x3  }
0x9a: {  	_ =	strace s3  }
0x9b: {  	s3 =	sld [smem:$0x3FFD];
	_ =	sdelay $0x3  }
0x9c: {  	_ =	strace s3  }
0x9d: {  	_ =	strace $0x8FFFFFFF  }
0x9e: {  	s18 =	sld [smem:$0x3FDB];
	_ =	sdelay $0x1  }
0x9f: {  	s19 =	simm.s32 $_scs_section_size  }
0xa0: {  	s5 =	simm.s32 $_size__tile_overlayer_lowered;
	s6 =	simm.s32 $_tile_overlayer_lowered  }
0xa1: {  	s22 =	simm.s32 $0x1BFF;
	s21 =	sshll.u32 s6, $0x1;
	s3 =	sadd.s32 s19, s18  }
0xa2: {  	s7 =	simm.s32 $0x0;
	s20 =	sshll.u32 s5, $0x1;
	s5 =	sadd.s32 s21, s3  }
0xa3: {  	[timem:s7], [sflag:s22] =	dma.local [hbm:s5], s20  }
0xa4: {  	_ =	swait.ge [sflag:s22], s20  }
0xa5: {  	s4 =	ssub.s32 $0x0, s20;
	[sflag:s22] =	ssyncset.done $0x0  }
0xa6: {  	[sflag:s22] =	ssyncadd.s32 s4;
	_ =	sdelay $0x1  }
0xa7: {  	s23 =	simm.s32 $0x1B8B  }
0xa8: {  	_ =	swait.ge [sflag:s23], $0x1  }
0xa9: {  	[sflag:s23] =	ssyncset.done $0x0  }
0xaa: {  	s25 =	simm.s32 $0x1B8E;
	s24 =	sld [smem:$0x3FFE];
	[sflag:s23] =	ssyncadd.s32 $0xFFFFFFFF  }
0xab: {  	s26 =	simm.s32 $execute0_lowered;
	[smem:$0x3FD2] =	sst s25  }
0xac: {  	s5 =	sshll.u32 s26, $0x1;
	_ =	strace $0x8000004C;
	[dreg:$0x1] =	wrdreg $0xFFFFFFFF  }
0xad: {  	s28 =	simm.s32 $_size_execute0_lowered;
	s3 =	sadd.s32 s3, s5;
	[dreg:$0x0] =	wrdreg $0x0  }
0xae: {  	s5 =	sshll.u32 s28, $0x1;
	[dreg:$0x2] =	wrdreg s3  }
0xaf: {  	[dreg:$0x3] =	wrdreg s5  }
0xb0: {  	[dreg:$0x4] =	wrdreg $0xC0  }
0xb1: {  	_ =	task [dreg:s7], $0x5FFFF  }
0xb2: {  	[dreg:$0x1] =	wrdreg $0xFFFFFFFF  }
0xb3: {  	[dreg:$0x0] =	wrdreg $0x60  }
0xb4: {  	[dreg:$0x2] =	wrdreg s24  }
0xb5: {  	[dreg:$0x3] =	wrdreg s16  }
0xb6: {  	[dreg:$0x4] =	wrdreg $0x9  }
0xb7: {  	_ =	task.clear_ibuf [dreg:s7], $0x5FFFF;
	_ =	strace $0x9000004C  }
0xb8: {  	s29 =	simm.s32 $0x9;
	_ =	strace $0x8000004E  }
0xb9: {  	_ =	swait.ge [sflag:s29], $0x1  }
0xba: {  	[sflag:s29] =	ssyncadd.s32 $0xFFFFFFFF  }
0xbb: {  	_ =	strace $0x9000004E  }
0xbc: {  	_ =	sfence  }
0xbd: {  	s30 =	sld [smem:$0x0];
	_ =	sdelay $0x2  }
0xbe: {  	s31 =	sshll.u32 s1, $0xD;
	s1 =	sshrl.u32 s1, $0x2  }
0xbf: {  	s3 =	sand.u32 $0x4000, s31;
	s1 =	sadd.s32 s1, s30  }
0xc0: {  	s0 =	sor.u32 s3, s0;
	s1 =	sshll.u32 s1, $0x11  }
0xc1: {  	s0 =	sor.u32 s1, s0  }
0xc2: {  	s0 =	sadd.s32 $0x8F2B, s0  }
0xc3: {  	[sflag:s0] =	ssyncadd.remote.s32 $0x1  }
0xc4: {  	_ =	sfence.sel $0xFFFF  }
0xc5: {  	[dreg:$0x0] =	wrdreg $0xFFFFFFFF;
	(pc) =	sbr.abs _section_cstart, $3  }
0xc6: {  	[dreg:$0x1] =	wrdreg $0xFFFFFFFF  }
0xc7: {  	_ =	task.clear_ibuf [dreg:s7], $0x2FFFF;
	_ =	strace $0x9FFFFFFF  }
0xc8: {  	(tm) =	ssettm $0x7FFFFFFF  }
0xc9: {  	_ =	shalt  }
tec
execute0_lowered:
.L_overlay_start_1:
0x0: {  	(tag) =	ssettag $0x1  }
0x1: {  	s4 =	rddreg [dreg:$0x0]  }
0x2: {  	s5 =	rddreg [dreg:$0x1]  }
0x3: {  	s0 =	rddreg [dreg:$0x2];
	s1 =	stileid.u32  }
0x4: {  	s2 =	simm.s32 $0x0;
	s3 =	srdreg.scid;
	s12 =	simm.s32 $0x8400  }
0x5: {  	s13 =	simm.s32 $0x180;
	s14 =	simm.s32 $0xC400;
	s15 =	simm.s32 $0x1  }
0x6: {  	s16 =	simm.s32 $0x200;
	s17 =	simm.s32 $0x280;
	s18 =	simm.s32 $0x300  }
0x7: {  	s19 =	simm.s32 $0x380;
	s20 =	simm.s32 $0x0;
	s6 =	smul.u32 $0xA0000, s1  }
0x8: {  	[smem:$0x7FF] =	sst s2;
	s7 =	sand.u32 $0x1, s3;
	s8 =	smul.u32 $0x1400, s1  }
0x9: {  	s3 =	sadd.s32 $0x8F400, s4;
	s9 =	ssub.s32 $0x2, s7;
	s10 =	smul.u32 $0xA00, s7  }
0xa: {  	_ =	strace $0x8000004D;
	s7 =	smul.u32 $0x50000, s7;
	s11 =	sshrl.u32 s9, $0x1  }
0xb: {  	s6 =	sadd.s32 s6, s4;
	s5 =	sadd.s32 s8, s5;
	s8 =	simm.s32 $0x80  }
0xc: {  	s31 =	ssub.s32 s9, s11;
	s5 =	sadd.s32 s10, s5;
	s6 =	sadd.s32 s7, s6  }
0xd: {  	s7 =	simm.s32 $0x2;
	s9 =	simm.s32 $0x400;
	s10 =	simm.s32 $0x4400  }
0xe: {  	s11 =	simm.s32 $0x100;
	s4 =	smax.u32 s31, $0x1;
	s6 =	sadd.s32 $0xADD600, s6  }
.LBB2_1:
0xf: {  	s21 =	sadd.s32 $0x0, s5  }
0x10: {  	[tilespmem:s2], [sflag:$0x2] =	stream.linear.gather [hbm4b:s21+s2], $0x400, $0x38;
	[tilespmem:$0x10400] =	vst v63  }
0x11: {  	_ =	swait.ge [sflag:s7], $0x400  }
0x12: {  	[sflag:s7] =	ssyncset.done $0x0  }
0x13: {  	[sflag:s7] =	ssyncadd.s32 $0xFFFFFC00  }
0x14: {  	[tilespmem:s9], [sflag:$0x1] =	stream.indirect.gather [hbm4b:s3+s8], $0x80, s2, s8, $0xb8;
	[tilespmem:$0x10400] =	vst v63  }
0x15: {  	_ = 	snop  }
0x16: {  	[tilespmem:s10], [sflag:$0x1] =	stream.indirect.gather [hbm4b:s3+s8], $0x80, s8, s8, $0xb8;
	[tilespmem:$0x10400] =	vst v63  }
0x17: {  	_ = 	snop  }
0x18: {  	[tilespmem:s12], [sflag:$0x1] =	stream.indirect.gather [hbm4b:s3+s8], $0x80, s11, s8, $0xb8;
	[tilespmem:$0x10400] =	vst v63  }
0x19: {  	_ = 	snop  }
0x1a: {  	[tilespmem:s14], [sflag:$0x1] =	stream.indirect.gather [hbm4b:s3+s8], $0x80, s13, s8, $0xb8;
	[tilespmem:$0x10400] =	vst v63  }
0x1b: {  	_ =	swait.ge [sflag:s15], $0x4000  }
0x1c: {  	[sflag:s15] =	ssyncset.done $0x0  }
0x1d: {  	[sflag:s15] =	ssyncadd.s32 $0xFFFFC000  }
0x1e: {  	_ =	swait.ge [sflag:s15], $0x4000  }
0x1f: {  	[sflag:s15] =	ssyncset.done $0x0  }
0x20: {  	[sflag:s15] =	ssyncadd.s32 $0xFFFFC000  }
0x21: {  	_ =	swait.ge [sflag:s15], $0x4000  }
0x22: {  	[sflag:s15] =	ssyncset.done $0x0  }
0x23: {  	[sflag:s15] =	ssyncadd.s32 $0xFFFFC000  }
0x24: {  	_ =	swait.ge [sflag:s15], $0x4000  }
0x25: {  	[sflag:s15] =	ssyncset.done $0x0  }
0x26: {  	[sflag:s15] =	ssyncadd.s32 $0xFFFFC000  }
0x27: {  	[hbm4b:s6+s2] =	stream.linear.scatter [tilespmem:s9], [sflag:$0x2], $0x10000, $0x38;
	[tilespmem:$0x10400] =	vst v63  }
0x28: {  	_ =	swait.ge [sflag:s7], $0x10000  }
0x29: {  	[sflag:s7] =	ssyncset.done $0x0  }
0x2a: {  	[sflag:s7] =	ssyncadd.s32 $0xFFFF0000  }
0x2b: {  	[tilespmem:s9], [sflag:$0x1] =	stream.indirect.gather [hbm4b:s3+s8], $0x80, s16, s8, $0xb8;
	[tilespmem:$0x10400] =	vst v63  }
0x2c: {  	_ = 	snop  }
0x2d: {  	[tilespmem:s10], [sflag:$0x1] =	stream.indirect.gather [hbm4b:s3+s8], $0x80, s17, s8, $0xb8;
	[tilespmem:$0x10400] =	vst v63  }
0x2e: {  	_ = 	snop  }
0x2f: {  	[tilespmem:s12], [sflag:$0x1] =	stream.indirect.gather [hbm4b:s3+s8], $0x80, s18, s8, $0xb8;
	[tilespmem:$0x10400] =	vst v63  }
0x30: {  	_ = 	snop  }
0x31: {  	[tilespmem:s14], [sflag:$0x1] =	stream.indirect.gather [hbm4b:s3+s8], $0x80, s19, s8, $0xb8;
	[tilespmem:$0x10400] =	vst v63  }
0x32: {  	_ =	swait.ge [sflag:s15], $0x4000  }
0x33: {  	[sflag:s15] =	ssyncset.done $0x0  }
0x34: {  	[sflag:s15] =	ssyncadd.s32 $0xFFFFC000  }
0x35: {  	_ =	swait.ge [sflag:s15], $0x4000  }
0x36: {  	[sflag:s15] =	ssyncset.done $0x0  }
0x37: {  	[sflag:s15] =	ssyncadd.s32 $0xFFFFC000  }
0x38: {  	_ =	swait.ge [sflag:s15], $0x4000  }
0x39: {  	[sflag:s15] =	ssyncset.done $0x0  }
0x3a: {  	[sflag:s15] =	ssyncadd.s32 $0xFFFFC000  }
0x3b: {  	_ =	swait.ge [sflag:s15], $0x4000  }
0x3c: {  	[sflag:s15] =	ssyncset.done $0x0  }
0x3d: {  	s31 =	sadd.s32 $0x2000, s6;
	[sflag:s15] =	ssyncadd.s32 $0xFFFFC000  }
0x3e: {  	[hbm4b:s31+s2] =	stream.linear.scatter [tilespmem:s9], [sflag:$0x2], $0x10000, $0x38;
	[tilespmem:$0x10400] =	vst v63  }
0x3f: {  	s22 =	simm.s32 $0x80;
	_ =	swait.ge [sflag:s7], $0x10000  }
0x40: {  	s24 =	simm.s32 $0x100;
	s21 =	sadd.s32 $0x4000, s6;
	[sflag:s7] =	ssyncset.done $0x0  }
.LBB2_2:
0x41: {  	s25 =	sadd.s32 s22, s5  }
0x42: {  	[sflag:s7] =	ssyncadd.s32 $0xFFFF0000;
	s22 =	smov.u32 s24;
	s23 =	sadd.s32 $0x80, s24  }
0x43: {  	[tilespmem:s2], [sflag:$0x2] =	stream.linear.gather [hbm4b:s25+s2], $0x400, $0x38;
	[tilespmem:$0x10400] =	vst v63  }
0x44: {  	p0 =	sne.s32 s24, $0x980;
	_ =	swait.ge [sflag:s7], $0x400  }
0x45: {  	[sflag:s7] =	ssyncset.done $0x0  }
0x46: {  	[sflag:s7] =	ssyncadd.s32 $0xFFFFFC00  }
0x47: {  	[tilespmem:s9], [sflag:$0x1] =	stream.indirect.gather [hbm4b:s3+s8], $0x80, s2, s8, $0xb8;
	[tilespmem:$0x10400] =	vst v63  }
0x48: {  	_ = 	snop  }
0x49: {  	[tilespmem:s10], [sflag:$0x1] =	stream.indirect.gather [hbm4b:s3+s8], $0x80, s8, s8, $0xb8;
	[tilespmem:$0x10400] =	vst v63  }
0x4a: {  	_ = 	snop  }
0x4b: {  	[tilespmem:s12], [sflag:$0x1] =	stream.indirect.gather [hbm4b:s3+s8], $0x80, s11, s8, $0xb8;
	[tilespmem:$0x10400] =	vst v63  }
0x4c: {  	_ = 	snop  }
0x4d: {  	[tilespmem:s14], [sflag:$0x1] =	stream.indirect.gather [hbm4b:s3+s8], $0x80, s13, s8, $0xb8;
	[tilespmem:$0x10400] =	vst v63  }
0x4e: {  	_ =	swait.ge [sflag:s15], $0x4000  }
0x4f: {  	[sflag:s15] =	ssyncset.done $0x0  }
0x50: {  	[sflag:s15] =	ssyncadd.s32 $0xFFFFC000  }
0x51: {  	_ =	swait.ge [sflag:s15], $0x4000  }
0x52: {  	[sflag:s15] =	ssyncset.done $0x0  }
0x53: {  	[sflag:s15] =	ssyncadd.s32 $0xFFFFC000  }
0x54: {  	_ =	swait.ge [sflag:s15], $0x4000  }
0x55: {  	[sflag:s15] =	ssyncset.done $0x0  }
0x56: {  	[sflag:s15] =	ssyncadd.s32 $0xFFFFC000  }
0x57: {  	_ =	swait.ge [sflag:s15], $0x4000  }
0x58: {  	[sflag:s15] =	ssyncset.done $0x0  }
0x59: {  	[sflag:s15] =	ssyncadd.s32 $0xFFFFC000  }
0x5a: {  	[hbm4b:s21+s2] =	stream.linear.scatter [tilespmem:s9], [sflag:$0x2], $0x10000, $0x38;
	[tilespmem:$0x10400] =	vst v63  }
0x5b: {  	_ =	swait.ge [sflag:s7], $0x10000  }
0x5c: {  	[sflag:s7] =	ssyncset.done $0x0  }
0x5d: {  	[sflag:s7] =	ssyncadd.s32 $0xFFFF0000  }
0x5e: {  	[tilespmem:s9], [sflag:$0x1] =	stream.indirect.gather [hbm4b:s3+s8], $0x80, s16, s8, $0xb8;
	[tilespmem:$0x10400] =	vst v63  }
0x5f: {  	_ = 	snop  }
0x60: {  	[tilespmem:s10], [sflag:$0x1] =	stream.indirect.gather [hbm4b:s3+s8], $0x80, s17, s8, $0xb8;
	[tilespmem:$0x10400] =	vst v63  }
0x61: {  	_ = 	snop  }
0x62: {  	[tilespmem:s12], [sflag:$0x1] =	stream.indirect.gather [hbm4b:s3+s8], $0x80, s18, s8, $0xb8;
	[tilespmem:$0x10400] =	vst v63  }
0x63: {  	_ = 	snop  }
0x64: {  	[tilespmem:s14], [sflag:$0x1] =	stream.indirect.gather [hbm4b:s3+s8], $0x80, s19, s8, $0xb8;
	[tilespmem:$0x10400] =	vst v63  }
0x65: {  	_ =	swait.ge [sflag:s15], $0x4000  }
0x66: {  	[sflag:s15] =	ssyncset.done $0x0  }
0x67: {  	[sflag:s15] =	ssyncadd.s32 $0xFFFFC000  }
0x68: {  	_ =	swait.ge [sflag:s15], $0x4000  }
0x69: {  	[sflag:s15] =	ssyncset.done $0x0  }
0x6a: {  	[sflag:s15] =	ssyncadd.s32 $0xFFFFC000  }
0x6b: {  	_ =	swait.ge [sflag:s15], $0x4000  }
0x6c: {  	[sflag:s15] =	ssyncset.done $0x0  }
0x6d: {  	[sflag:s15] =	ssyncadd.s32 $0xFFFFC000  }
0x6e: {  	_ =	swait.ge [sflag:s15], $0x4000  }
.Ltmp0:
0x6f: {  	[sflag:s15] =	ssyncset.done $0x0;
	(pc) =	sbr.rel @p0 .LBB2_2-.Ltmp0, $4  }
0x70: {  	s24 =	sadd.s32 $0x2000, s21;
	[sflag:s15] =	ssyncadd.s32 $0xFFFFC000  }
0x71: {  	[hbm4b:s24+s2] =	stream.linear.scatter [tilespmem:s9], [sflag:$0x2], $0x10000, $0x38;
	[tilespmem:$0x10400] =	vst v63  }
0x72: {  	_ =	swait.ge [sflag:s7], $0x10000  }
0x73: {  	s21 =	sadd.s32 $0x4000, s21;
	s24 =	smov.u32 s23;
	[sflag:s7] =	ssyncset.done $0x0  }
0x74: {  	s22 =	sadd.s32 s22, s5;
	[sflag:s7] =	ssyncadd.s32 $0xFFFF0000  }
0x75: {  	[tilespmem:s2], [sflag:$0x2] =	stream.linear.gather [hbm4b:s22+s2], $0x400, $0x38;
	[tilespmem:$0x10400] =	vst v63  }
0x76: {  	_ =	swait.ge [sflag:s7], $0x400  }
0x77: {  	[sflag:s7] =	ssyncset.done $0x0  }
0x78: {  	[sflag:s7] =	ssyncadd.s32 $0xFFFFFC00  }
0x79: {  	[tilespmem:s9], [sflag:$0x1] =	stream.indirect.gather [hbm4b:s3+s8], $0x80, s2, s8, $0xb8;
	[tilespmem:$0x10400] =	vst v63  }
0x7a: {  	_ = 	snop  }
0x7b: {  	[tilespmem:s10], [sflag:$0x1] =	stream.indirect.gather [hbm4b:s3+s8], $0x80, s8, s8, $0xb8;
	[tilespmem:$0x10400] =	vst v63  }
0x7c: {  	_ = 	snop  }
0x7d: {  	[tilespmem:s12], [sflag:$0x1] =	stream.indirect.gather [hbm4b:s3+s8], $0x80, s11, s8, $0xb8;
	[tilespmem:$0x10400] =	vst v63  }
0x7e: {  	_ = 	snop  }
0x7f: {  	[tilespmem:s14], [sflag:$0x1] =	stream.indirect.gather [hbm4b:s3+s8], $0x80, s13, s8, $0xb8;
	[tilespmem:$0x10400] =	vst v63  }
0x80: {  	_ =	swait.ge [sflag:s15], $0x4000  }
0x81: {  	[sflag:s15] =	ssyncset.done $0x0  }
0x82: {  	[sflag:s15] =	ssyncadd.s32 $0xFFFFC000  }
0x83: {  	_ =	swait.ge [sflag:s15], $0x4000  }
0x84: {  	[sflag:s15] =	ssyncset.done $0x0  }
0x85: {  	[sflag:s15] =	ssyncadd.s32 $0xFFFFC000  }
0x86: {  	_ =	swait.ge [sflag:s15], $0x4000  }
0x87: {  	[sflag:s15] =	ssyncset.done $0x0  }
0x88: {  	[sflag:s15] =	ssyncadd.s32 $0xFFFFC000  }
0x89: {  	_ =	swait.ge [sflag:s15], $0x4000  }
0x8a: {  	[sflag:s15] =	ssyncset.done $0x0  }
0x8b: {  	[sflag:s15] =	ssyncadd.s32 $0xFFFFC000  }
0x8c: {  	[hbm4b:s21+s2] =	stream.linear.scatter [tilespmem:s9], [sflag:$0x2], $0x10000, $0x38;
	[tilespmem:$0x10400] =	vst v63  }
0x8d: {  	_ =	swait.ge [sflag:s7], $0x10000  }
0x8e: {  	[sflag:s7] =	ssyncset.done $0x0  }
0x8f: {  	[sflag:s7] =	ssyncadd.s32 $0xFFFF0000  }
0x90: {  	[tilespmem:s9], [sflag:$0x1] =	stream.indirect.gather [hbm4b:s3+s8], $0x80, s16, s8, $0xb8;
	[tilespmem:$0x10400] =	vst v63  }
0x91: {  	_ = 	snop  }
0x92: {  	[tilespmem:s10], [sflag:$0x1] =	stream.indirect.gather [hbm4b:s3+s8], $0x80, s17, s8, $0xb8;
	[tilespmem:$0x10400] =	vst v63  }
0x93: {  	_ = 	snop  }
0x94: {  	[tilespmem:s12], [sflag:$0x1] =	stream.indirect.gather [hbm4b:s3+s8], $0x80, s18, s8, $0xb8;
	[tilespmem:$0x10400] =	vst v63  }
0x95: {  	_ = 	snop  }
0x96: {  	[tilespmem:s14], [sflag:$0x1] =	stream.indirect.gather [hbm4b:s3+s8], $0x80, s19, s8, $0xb8;
	[tilespmem:$0x10400] =	vst v63  }
0x97: {  	_ =	swait.ge [sflag:s15], $0x4000  }
0x98: {  	[sflag:s15] =	ssyncset.done $0x0  }
0x99: {  	[sflag:s15] =	ssyncadd.s32 $0xFFFFC000  }
0x9a: {  	_ =	swait.ge [sflag:s15], $0x4000  }
0x9b: {  	[sflag:s15] =	ssyncset.done $0x0  }
0x9c: {  	[sflag:s15] =	ssyncadd.s32 $0xFFFFC000  }
0x9d: {  	_ =	swait.ge [sflag:s15], $0x4000  }
0x9e: {  	[sflag:s15] =	ssyncset.done $0x0  }
0x9f: {  	[sflag:s15] =	ssyncadd.s32 $0xFFFFC000  }
0xa0: {  	s20 =	sadd.s32 $0x1, s20;
	_ =	swait.ge [sflag:s15], $0x4000  }
0xa1: {  	p0 =	sne.s32 s20, s4;
	[sflag:s15] =	ssyncset.done $0x0  }
.Ltmp1:
0xa2: {  	s31 =	sadd.s32 $0x2000, s21;
	[sflag:s15] =	ssyncadd.s32 $0xFFFFC000;
	(pc) =	sbr.rel @p0 .LBB2_1-.Ltmp1, $4  }
0xa3: {  	[hbm4b:s31+s2] =	stream.linear.scatter [tilespmem:s9], [sflag:$0x2], $0x10000, $0x38;
	[tilespmem:$0x10400] =	vst v63  }
0xa4: {  	_ =	swait.ge [sflag:s7], $0x10000  }
0xa5: {  	[sflag:s7] =	ssyncset.done $0x0  }
0xa6: {  	[sflag:s7] =	ssyncadd.s32 $0xFFFF0000  }
0xa7: {  	_ =	sfence.sel $0x180000  }
0xa8: {  	[bflag:$0x0] =	sbarrier.arrive $0xFFFF  }
0xa9: {  	p0 =	sne.s32 s1, $0x0;
	_ =	strace $0x9000004D  }
0xaa: {  	s0 =	sadd.s32 @!p0 $0x100000, s0;
	[bflag:$0x2] =	sbarrier.arrive $0xFFFF  }
0xab: {  	[sflag:s0] =	ssyncadd.tile.s32 @!p0 $0x1;
	_ =	shalt  }
.Lfunc_end2:
_tile_overlayer_lowered:
.L_overlay_start_2:
0xac: {  	(tag) =	ssettag $0x2  }
0xad: {  	s0 =	rddreg [dreg:$0x0];
	s2 =	stileid.u32  }
0xae: {  	s1 =	rddreg [dreg:$0x1];
	p0 =	sne.s32 s2, $0x0  }
0xaf: {  	s3 =	rddreg [dreg:$0x2];
	[bflag:$0x3] =	sbarrier.arrive $0xFFFF;
	s2 =	simm.s32 @!p0 $0x1C02  }
0xb0: {  	[timem:s3], [sflag:s2] =	dma.local @!p0 [hbm:s0], s1  }
0xb1: {  	s0 =	simm.s32 @!p0 $0x2  }
0xb2: {  	_ =	swait.ge @!p0 [sflag:s0], s1  }
0xb3: {  	s1 =	ssub.s32 @!p0 $0x0, s1;
	[sflag:s0] =	ssyncset.done @!p0 $0x0  }
0xb4: {  	[sflag:s0] =	ssyncadd.s32 @!p0 s1  }
0xb5: {  	[bflag:$0x3] =	sbarrier.arrive $0xFFFF  }
0xb6: {  	_ =	shalt  }

// kernel: kernel.28.cloned.1.call-start
scs
__scs_entry_jumppad:
0x0: {  	(pc) =	sbr.rel $0x88, $3  }
0x1: {  	(tag) =	ssettag $0x0;
	lr =	simm.s32 $0x1  }
0x2: {  	[smem:$0x3F8A] =	sst lr;
	_ =	strace $0xD0000000  }
0x3: {  	_ = 	snop  }
0x4: {  	_ = 	snop  }
0x5: {  	_ = 	snop  }
0x6: {  	_ = 	snop  }
0x7: {  	_ = 	snop  }
__scs_overlays_trampoline_lowered:
0x8: {  	[smem:$0x3F99] =	sst s0  }
0x9: {  	[smem:$0x3F9A] =	sst s1  }
0xa: {  	[smem:$0x3F9B] =	sst s2  }
0xb: {  	[smem:$0x3F9C] =	sst s3  }
0xc: {  	[smem:$0x3F9D] =	sst s4  }
0xd: {  	[smem:$0x3F9E] =	sst s5  }
0xe: {  	[smem:$0x3F9F] =	sst s6  }
0xf: {  	[smem:$0x3FA0] =	sst s7  }
0x10: {  	[smem:$0x3FA1] =	sst s8  }
0x11: {  	[smem:$0x3FA2] =	sst s9;
	s0 =	simm.s32 @!p0 $0x0  }
0x12: {  	s1 =	sld [smem:$0x3F88];
	s0 =	simm.s32 @p0 $0x1  }
0x13: {  	[smem:$0x3FA3] =	sst s0;
	s0 =	simm.s32 @!p1 $0x0  }
0x14: {  	s2 =	sld [smem:$0x3F87];
	s0 =	simm.s32 @p1 $0x1  }
0x15: {  	[smem:$0x3FA4] =	sst s0;
	s0 =	simm.s32 @!p2 $0x0  }
0x16: {  	s3 =	sld [smem:$0x3FDB];
	s0 =	simm.s32 @p2 $0x1  }
0x17: {  	s4 =	simm.s32 $0x1BF5;
	[smem:$0x3FA6] =	sst s0  }
0x18: {  	s0 =	sld [smem:$0x3F89];
	_ =	swait.ge [sflag:s4], $0x0  }
0x19: {  	s7 =	sld [smem:$0x3F8A]  }
0x1a: {  	s8 =	sadd.s32 $0xFFFFE003, lr  }
0x1b: {  	s9 =	sadd.s32 $0xFFFFFEF7, lr;
	s5 =	simm.s32 $0xFFFFFFFF;
	p2 =	slt.u32 s8, $0xFFFFF086  }
0x1c: {  	p1 =	slt.u32 s9, $0xF7A;
	s5 =	simm.s32 @!p2 $0x0  }
0x1d: {  	s5 =	simm.s32 @p1 $0x1;
	p0 =	seq.s32 s7, s2  }
0x1e: {  	s7 =	smul.u32 @!p0 $0xF7A, s2;
	p2 =	seq.s32 @!p0 s5, $0x0  }
0x1f: {  	s9 =	smul.u32 $0xF7A, s1;
	s8 =	simm.s32 @!p0 $0x1BF5;
	p2 =	por !p2, p0  }
0x20: {  	[sflag:s8] =	ssyncset.s32 @!p0 $0xFFFFF086;
	s6 =	sadd.s32 @!p0 s3, s7;
	s7 =	simm.s32 @!p0 $0x108  }
0x21: {  	s3 =	sadd.s32 s3, s9;
	s6 =	sadd.s32 @!p0 $0x88, s6;
	s7 =	simm.s32 @p2 $0x1082  }
0x22: {  	[simem:s7], [sflag:s8] =	dma.local @!p0 [hbm:s6], $0xF7A  }
0x23: {  	s9 =	sor.u32 $0xD0000000, s2;
	s6 =	simm.s32 $0x108;
	_ =	swait.ge @!p0 [sflag:s8], $0x0  }
0x24: {  	s3 =	sadd.s32 $0x88, s3;
	s6 =	simm.s32 @!p1 $0x1082;
	[sflag:s4] =	ssyncset.s32 $0xFFFFF086  }
0x25: {  	[simem:s6], [sflag:s4] =	dma.local [hbm:s3], $0xF7A  }
0x26: {  	[smem:$0x3F8A] =	sst s1;
	(tag) =	ssettag s2;
	_ =	strace s9  }
0x27: {  	s1 =	sld [smem:$0x3F9A]  }
0x28: {  	s2 =	sld [smem:$0x3F9B]  }
0x29: {  	s4 =	sld [smem:$0x3F9D]  }
0x2a: {  	p0 =	seq.s32 s5, $0x0;
	s5 =	sld [smem:$0x3F9E]  }
0x2b: {  	s6 =	sld [smem:$0x3F9F]  }
0x2c: {  	s7 =	sld [smem:$0x3FA0]  }
0x2d: {  	s3 =	simm.s32 $0x108;
	s8 =	sld [smem:$0x3FA1]  }
0x2e: {  	s3 =	simm.s32 @!p0 $0x1082;
	s9 =	sld [smem:$0x3FA2]  }
0x2f: {  	lr =	sadd.s32 s0, s3;
	s0 =	sld [smem:$0x3F99]  }
0x30: {  	s3 =	sld [smem:$0x3F9C]  }
0x31: {  	[smem:$0x3FA5] =	sst s10  }
0x32: {  	s10 =	sld [smem:$0x3FA3];
	_ =	sdelay $0x3  }
0x33: {  	p0 =	seq.s32 s10, $0x1;
	s10 =	sld [smem:$0x3FA5];
	_ =	sdelay $0x3  }
0x34: {  	[smem:$0x3FA5] =	sst s10  }
0x35: {  	s10 =	sld [smem:$0x3FA4];
	_ =	sdelay $0x3  }
0x36: {  	p1 =	seq.s32 s10, $0x1;
	s10 =	sld [smem:$0x3FA5];
	_ =	sdelay $0x3  }
0x37: {  	[smem:$0x3FA5] =	sst s10  }
0x38: {  	s10 =	sld [smem:$0x3FA6]  }
0x39: {  	_ = 	snop;
	(pc) =	sbr.ind lr, $3  }
0x3a: {  	_ = 	snop  }
0x3b: {  	_ = 	snop  }
0x3c: {  	p2 =	seq.s32 s10, $0x1;
	s10 =	sld [smem:$0x3FA5]  }
0x3d: {  	_ =	shalt  }
0x3e: {  	_ =	shalt  }
0x3f: {  	_ =	shalt  }
0x40: {  	_ =	shalt  }
0x41: {  	_ =	shalt  }
0x42: {  	_ =	shalt  }
0x43: {  	_ =	shalt  }
0x44: {  	_ =	shalt  }
0x45: {  	_ =	shalt  }
0x46: {  	_ =	shalt  }
0x47: {  	_ =	shalt  }
0x48: {  	_ =	shalt  }
0x49: {  	_ =	shalt  }
0x4a: {  	_ =	shalt  }
0x4b: {  	_ =	shalt  }
0x4c: {  	_ =	shalt  }
0x4d: {  	_ =	shalt  }
0x4e: {  	_ =	shalt  }
0x4f: {  	_ =	shalt  }
0x50: {  	_ =	shalt  }
0x51: {  	_ =	shalt  }
0x52: {  	_ =	shalt  }
0x53: {  	_ =	shalt  }
0x54: {  	_ =	shalt  }
0x55: {  	_ =	shalt  }
0x56: {  	_ =	shalt  }
0x57: {  	_ =	shalt  }
0x58: {  	_ =	shalt  }
0x59: {  	_ =	shalt  }
0x5a: {  	_ =	shalt  }
0x5b: {  	_ =	shalt  }
0x5c: {  	_ =	shalt  }
0x5d: {  	_ =	shalt  }
0x5e: {  	_ =	shalt  }
0x5f: {  	_ =	shalt  }
0x60: {  	_ =	shalt  }
0x61: {  	_ =	shalt  }
0x62: {  	_ =	shalt  }
0x63: {  	_ =	shalt  }
0x64: {  	_ =	shalt  }
0x65: {  	_ =	shalt  }
0x66: {  	_ =	shalt  }
0x67: {  	_ =	shalt  }
0x68: {  	_ =	shalt  }
0x69: {  	_ =	shalt  }
0x6a: {  	_ =	shalt  }
0x6b: {  	_ =	shalt  }
0x6c: {  	_ =	shalt  }
0x6d: {  	_ =	shalt  }
0x6e: {  	_ =	shalt  }
0x6f: {  	_ =	shalt  }
0x70: {  	_ =	shalt  }
0x71: {  	_ =	shalt  }
0x72: {  	_ =	shalt  }
0x73: {  	_ =	shalt  }
0x74: {  	_ =	shalt  }
0x75: {  	_ =	shalt  }
0x76: {  	_ =	shalt  }
0x77: {  	_ =	shalt  }
0x78: {  	_ =	shalt  }
0x79: {  	_ =	shalt  }
0x7a: {  	_ =	shalt  }
0x7b: {  	_ =	shalt  }
0x7c: {  	_ =	shalt  }
0x7d: {  	_ =	shalt  }
0x7e: {  	_ =	shalt  }
0x7f: {  	_ =	shalt  }
0x80: {  	_ =	shalt  }
0x81: {  	_ =	shalt  }
0x82: {  	_ =	shalt  }
0x83: {  	_ =	shalt  }
0x84: {  	_ =	shalt  }
0x85: {  	_ =	shalt  }
0x86: {  	_ =	shalt  }
0x87: {  	_ =	shalt  }
.Lfunc_end0:
.L_simem_size_0:
called_computation.3_lowered:
.L_overlay_start_0:
0x88: {  	s2 =	sld [smem:$0x3FD9]  }
0x89: {  	s3 =	sld [smem:$0x3FFE];
	_ =	sdelay $0x1  }
0x8a: {  	s1 =	srdreg.scid  }
0x8b: {  	s0 =	sand.u32 $0x1, s1  }
0x8c: {  	s16 =	sshll.u32 s0, $0xA;
	s2 =	sadd.s32 s3, s2  }
0x8d: {  	s2 =	sadd.s32 s2, s16  }
0x8e: {  	[smem:$0x3FB1] =	sst s2  }
0x8f: {  	_ = 	snop  }
0x90: {  	(tm) =	ssettm $0x1  }
0x91: {  	s17 =	sld [smem:$0x3FFB];
	_ =	sdelay $0x3  }
0x92: {  	_ =	strace s17  }
0x93: {  	s2 =	sld [smem:$0x3FFC];
	_ =	sdelay $0x3  }
0x94: {  	_ =	strace s2  }
0x95: {  	s2 =	sld [smem:$0x3FFD];
	_ =	sdelay $0x3  }
0x96: {  	_ =	strace s2  }
0x97: {  	_ =	strace $0x8FFFFFFF  }
0x98: {  	s18 =	sld [smem:$0x3FDB];
	_ =	sdelay $0x1  }
0x99: {  	s19 =	simm.s32 $_scs_section_size  }
0x9a: {  	s4 =	simm.s32 $_size__tile_overlayer_lowered;
	s5 =	simm.s32 $_tile_overlayer_lowered  }
0x9b: {  	s22 =	simm.s32 $0x1BFF;
	s21 =	sshll.u32 s5, $0x1;
	s2 =	sadd.s32 s19, s18  }
0x9c: {  	s6 =	simm.s32 $0x0;
	s20 =	sshll.u32 s4, $0x1;
	s4 =	sadd.s32 s21, s2  }
0x9d: {  	[timem:s6], [sflag:s22] =	dma.local [hbm:s4], s20  }
0x9e: {  	_ =	swait.ge [sflag:s22], s20  }
0x9f: {  	s3 =	ssub.s32 $0x0, s20;
	[sflag:s22] =	ssyncset.done $0x0  }
0xa0: {  	[sflag:s22] =	ssyncadd.s32 s3;
	_ =	sdelay $0x1  }
0xa1: {  	s23 =	simm.s32 $0x1B8B  }
0xa2: {  	_ =	swait.ge [sflag:s23], $0x1  }
0xa3: {  	[sflag:s23] =	ssyncset.done $0x0  }
0xa4: {  	s25 =	simm.s32 $0x1B8E;
	s24 =	sld [smem:$0x3FFE];
	[sflag:s23] =	ssyncadd.s32 $0xFFFFFFFF  }
0xa5: {  	s26 =	simm.s32 $execute0_lowered;
	[smem:$0x3FD2] =	sst s25  }
0xa6: {  	s4 =	sshll.u32 s26, $0x1;
	_ =	strace $0x8000004F;
	[dreg:$0x1] =	wrdreg $0xFFFFFFFF  }
0xa7: {  	s28 =	simm.s32 $_size_execute0_lowered;
	s2 =	sadd.s32 s2, s4;
	[dreg:$0x0] =	wrdreg $0x0  }
0xa8: {  	s4 =	sshll.u32 s28, $0x1;
	[dreg:$0x2] =	wrdreg s2  }
0xa9: {  	[dreg:$0x3] =	wrdreg s4  }
0xaa: {  	[dreg:$0x4] =	wrdreg $0xC0  }
0xab: {  	_ =	task [dreg:s6], $0x5FFFF  }
0xac: {  	[dreg:$0x1] =	wrdreg $0xFFFFFFFF  }
0xad: {  	[dreg:$0x0] =	wrdreg $0x60  }
0xae: {  	[dreg:$0x2] =	wrdreg s24  }
0xaf: {  	[dreg:$0x3] =	wrdreg $0x84000  }
0xb0: {  	[dreg:$0x4] =	wrdreg $0x9  }
0xb1: {  	_ =	task.clear_ibuf [dreg:s6], $0x5FFFF;
	_ =	strace $0x9000004F  }
0xb2: {  	s29 =	simm.s32 $0x9;
	_ =	strace $0x80000051  }
0xb3: {  	_ =	swait.ge [sflag:s29], $0x1  }
0xb4: {  	[sflag:s29] =	ssyncadd.s32 $0xFFFFFFFF  }
0xb5: {  	_ =	strace $0x90000051  }
0xb6: {  	_ =	sfence  }
0xb7: {  	s30 =	sld [smem:$0x0];
	_ =	sdelay $0x2  }
0xb8: {  	s31 =	sshll.u32 s1, $0xD;
	s1 =	sshrl.u32 s1, $0x2  }
0xb9: {  	s3 =	sand.u32 $0x4000, s31;
	s1 =	sadd.s32 s1, s30  }
0xba: {  	s0 =	sor.u32 s3, s0;
	s1 =	sshll.u32 s1, $0x11  }
0xbb: {  	s0 =	sor.u32 s1, s0  }
0xbc: {  	s0 =	sadd.s32 $0x8F2B, s0  }
0xbd: {  	[sflag:s0] =	ssyncadd.remote.s32 $0x1  }
0xbe: {  	_ =	sfence.sel $0xFFFF  }
0xbf: {  	[dreg:$0x0] =	wrdreg $0xFFFFFFFF;
	(pc) =	sbr.abs _section_cstart, $3  }
0xc0: {  	[dreg:$0x1] =	wrdreg $0xFFFFFFFF  }
0xc1: {  	_ =	task.clear_ibuf [dreg:s6], $0x2FFFF;
	_ =	strace $0x9FFFFFFF  }
0xc2: {  	(tm) =	ssettm $0x7FFFFFFF  }
0xc3: {  	_ =	shalt  }
tec
execute0_lowered:
.L_overlay_start_1:
0x0: {  	(tag) =	ssettag $0x1  }
0x1: {  	s4 =	rddreg [dreg:$0x0]  }
0x2: {  	s0 =	srdreg.scid;
	s2 =	rddreg [dreg:$0x1]  }
0x3: {  	s1 =	stileid.u32;
	s3 =	simm.s32 $0x0;
	s14 =	simm.s32 $0x1  }
0x4: {  	s15 =	simm.s32 $0x80;
	s16 =	simm.s32 $0x2;
	s17 =	simm.s32 $0x100  }
0x5: {  	s18 =	simm.s32 $0x180;
	s19 =	simm.s32 $0x200;
	s8 =	smul.u32 $0x2800, s1  }
0x6: {  	s20 =	simm.s32 $0x280;
	s21 =	simm.s32 $0x300;
	s26 =	smul.u32 $0x50000, s1  }
0x7: {  	s22 =	simm.s32 $0x380;
	s5 =	sand.u32 $0x1, s0;
	s12 =	smul.u32 $0xA00, s1  }
0x8: {  	s23 =	simm.s32 $0x0;
	s0 =	rddreg [dreg:$0x2];
	s6 =	smul.u32 $0x500000, s5  }
0x9: {  	[smem:$0x7FF] =	sst s3;
	s30 =	sshll.u32 s1, $0x6;
	s7 =	smul.u32 $0xA000, s5  }
0xa: {  	s9 =	smul.u32 $0x28000, s5;
	_ =	strace $0x80000050;
	s5 =	ssub.s32 $0x2, s5  }
0xb: {  	s28 =	sshrl.u32 s5, $0x1;
	s29 =	sshrl.u32 s26, $0x2;
	s10 =	sadd.s32 s6, s4  }
0xc: {  	s7 =	sadd.s32 s7, s4;
	s25 =	sadd.s32 s8, s9;
	s8 =	sadd.s32 s8, s4  }
0xd: {  	s11 =	ssub.s32 s5, s28;
	s13 =	sadd.s32 s29, s2;
	s5 =	sor.u32 $0x1C03, s30  }
0xe: {  	s6 =	sadd.s32 s25, s4;
	s4 =	sadd.s32 $0x67400, s8;
	s31 =	sadd.s32 s12, s7  }
0xf: {  	s7 =	smax.u32 s11, $0x1;
	s9 =	sadd.s32 s26, s10;
	s10 =	sshrl.u32 s13, $0x3  }
0x10: {  	s11 =	simm.s32 $0x3;
	s12 =	simm.s32 $0x400;
	s6 =	sadd.s32 $0xADD600, s6  }
0x11: {  	s13 =	simm.s32 $0x4400;
	s8 =	sadd.s32 $0xAC9600, s31;
	s9 =	sadd.s32 $0x8F400, s9  }
.LBB2_1:
0x12: {  	[spmem:s10], [sflag:s5] =	dma.local [hbm:s4], $0x2800  }
0x13: {  	_ =	swait.ge [sflag:s11], $0x2800  }
0x14: {  	[sflag:s11] =	ssyncset.done $0x0  }
0x15: {  	[sflag:s11] =	ssyncadd.s32 $0xFFFFD800  }
0x16: {  	[bflag:$0x0] =	sbarrier.arrive $0xFFFF  }
0x17: {  	[tilespmem:s3], [sflag:$0x3] =	stream.linear.gather [hbm4b:s8+s3], $0x400, $0x38;
	[tilespmem:$0x1C400] =	vst v63  }
0x18: {  	_ =	swait.ge [sflag:s11], $0x400  }
0x19: {  	[sflag:s11] =	ssyncset.done $0x0  }
0x1a: {  	s24 =	sadd.s32 $0x0, s9;
	[sflag:s11] =	ssyncadd.s32 $0xFFFFFC00  }
0x1b: {  	[tilespmem:s12], [sflag:$0x1] =	stream.linear.gather [hbm4b:s24+s3], $0x4000, $0x38;
	[tilespmem:$0x1C400] =	vst v63  }
0x1c: {  	s25 =	sadd.s32 $0x800, s24  }
0x1d: {  	[tilespmem:s13], [sflag:$0x1] =	stream.linear.gather [hbm4b:s25+s3], $0x4000, $0x38;
	[tilespmem:$0x1C400] =	vst v63  }
0x1e: {  	_ =	swait.ge [sflag:s14], $0x4000  }
0x1f: {  	[sflag:s14] =	ssyncset.done $0x0  }
0x20: {  	[sflag:s14] =	ssyncadd.s32 $0xFFFFC000  }
0x21: {  	[spmem:s2] =	stream.indirect.scatter.add.f32 [tilespmem:s12], [sflag:$0x2], $0x80, s3, s15, $0xb8;
	[tilespmem:$0x1C400] =	vst v63  }
0x22: {  	_ =	swait.ge [sflag:s16], $0x4000  }
0x23: {  	[sflag:s16] =	ssyncset.done $0x0  }
0x24: {  	s26 =	sadd.s32 $0x1000, s24;
	[sflag:s16] =	ssyncadd.s32 $0xFFFFC000  }
0x25: {  	[tilespmem:s12], [sflag:$0x1] =	stream.linear.gather [hbm4b:s26+s3], $0x4000, $0x38;
	[tilespmem:$0x1C400] =	vst v63  }
0x26: {  	_ =	swait.ge [sflag:s14], $0x4000  }
0x27: {  	[sflag:s14] =	ssyncset.done $0x0  }
0x28: {  	[sflag:s14] =	ssyncadd.s32 $0xFFFFC000  }
0x29: {  	[spmem:s2] =	stream.indirect.scatter.add.f32 [tilespmem:s13], [sflag:$0x2], $0x80, s15, s15, $0xb8;
	[tilespmem:$0x1C400] =	vst v63  }
0x2a: {  	_ =	swait.ge [sflag:s16], $0x4000  }
0x2b: {  	[sflag:s16] =	ssyncset.done $0x0  }
0x2c: {  	s28 =	sadd.s32 $0x1800, s24;
	[sflag:s16] =	ssyncadd.s32 $0xFFFFC000  }
0x2d: {  	[tilespmem:s13], [sflag:$0x1] =	stream.linear.gather [hbm4b:s28+s3], $0x4000, $0x38;
	[tilespmem:$0x1C400] =	vst v63  }
0x2e: {  	_ =	swait.ge [sflag:s14], $0x4000  }
0x2f: {  	[sflag:s14] =	ssyncset.done $0x0  }
0x30: {  	[sflag:s14] =	ssyncadd.s32 $0xFFFFC000  }
0x31: {  	[spmem:s2] =	stream.indirect.scatter.add.f32 [tilespmem:s12], [sflag:$0x2], $0x80, s17, s15, $0xb8;
	[tilespmem:$0x1C400] =	vst v63  }
0x32: {  	_ =	swait.ge [sflag:s16], $0x4000  }
0x33: {  	[sflag:s16] =	ssyncset.done $0x0  }
0x34: {  	s29 =	sadd.s32 $0x2000, s24;
	[sflag:s16] =	ssyncadd.s32 $0xFFFFC000  }
0x35: {  	[tilespmem:s12], [sflag:$0x1] =	stream.linear.gather [hbm4b:s29+s3], $0x4000, $0x38;
	[tilespmem:$0x1C400] =	vst v63  }
0x36: {  	_ =	swait.ge [sflag:s14], $0x4000  }
0x37: {  	[sflag:s14] =	ssyncset.done $0x0  }
0x38: {  	[sflag:s14] =	ssyncadd.s32 $0xFFFFC000  }
0x39: {  	[spmem:s2] =	stream.indirect.scatter.add.f32 [tilespmem:s13], [sflag:$0x2], $0x80, s18, s15, $0xb8;
	[tilespmem:$0x1C400] =	vst v63  }
0x3a: {  	_ =	swait.ge [sflag:s16], $0x4000  }
0x3b: {  	[sflag:s16] =	ssyncset.done $0x0  }
0x3c: {  	s30 =	sadd.s32 $0x2800, s24;
	[sflag:s16] =	ssyncadd.s32 $0xFFFFC000  }
0x3d: {  	[tilespmem:s13], [sflag:$0x1] =	stream.linear.gather [hbm4b:s30+s3], $0x4000, $0x38;
	[tilespmem:$0x1C400] =	vst v63  }
0x3e: {  	_ =	swait.ge [sflag:s14], $0x4000  }
0x3f: {  	[sflag:s14] =	ssyncset.done $0x0  }
0x40: {  	[sflag:s14] =	ssyncadd.s32 $0xFFFFC000  }
0x41: {  	[spmem:s2] =	stream.indirect.scatter.add.f32 [tilespmem:s12], [sflag:$0x2], $0x80, s19, s15, $0xb8;
	[tilespmem:$0x1C400] =	vst v63  }
0x42: {  	_ =	swait.ge [sflag:s16], $0x4000  }
0x43: {  	[sflag:s16] =	ssyncset.done $0x0  }
0x44: {  	s31 =	sadd.s32 $0x3000, s24;
	[sflag:s16] =	ssyncadd.s32 $0xFFFFC000  }
0x45: {  	[tilespmem:s12], [sflag:$0x1] =	stream.linear.gather [hbm4b:s31+s3], $0x4000, $0x38;
	[tilespmem:$0x1C400] =	vst v63  }
0x46: {  	_ =	swait.ge [sflag:s14], $0x4000  }
0x47: {  	[sflag:s14] =	ssyncset.done $0x0  }
0x48: {  	[sflag:s14] =	ssyncadd.s32 $0xFFFFC000  }
0x49: {  	[spmem:s2] =	stream.indirect.scatter.add.f32 [tilespmem:s13], [sflag:$0x2], $0x80, s20, s15, $0xb8;
	[tilespmem:$0x1C400] =	vst v63  }
0x4a: {  	_ =	swait.ge [sflag:s16], $0x4000  }
0x4b: {  	[sflag:s16] =	ssyncset.done $0x0  }
0x4c: {  	s24 =	sadd.s32 $0x3800, s24;
	[sflag:s16] =	ssyncadd.s32 $0xFFFFC000  }
0x4d: {  	[tilespmem:s13], [sflag:$0x1] =	stream.linear.gather [hbm4b:s24+s3], $0x4000, $0x38;
	[tilespmem:$0x1C400] =	vst v63  }
0x4e: {  	_ =	swait.ge [sflag:s14], $0x4000  }
0x4f: {  	[sflag:s14] =	ssyncset.done $0x0  }
0x50: {  	[sflag:s14] =	ssyncadd.s32 $0xFFFFC000  }
0x51: {  	[spmem:s2] =	stream.indirect.scatter.add.f32 [tilespmem:s12], [sflag:$0x2], $0x80, s21, s15, $0xb8;
	[tilespmem:$0x1C400] =	vst v63  }
0x52: {  	_ =	swait.ge [sflag:s14], $0x4000  }
0x53: {  	[sflag:s14] =	ssyncset.done $0x0  }
0x54: {  	[sflag:s14] =	ssyncadd.s32 $0xFFFFC000  }
0x55: {  	[spmem:s2] =	stream.indirect.scatter.add.f32 [tilespmem:s13], [sflag:$0x2], $0x80, s22, s15, $0xb8;
	[tilespmem:$0x1C400] =	vst v63  }
0x56: {  	_ =	swait.ge [sflag:s16], $0x4000  }
0x57: {  	[sflag:s16] =	ssyncset.done $0x0  }
0x58: {  	[sflag:s16] =	ssyncadd.s32 $0xFFFFC000  }
0x59: {  	_ =	swait.ge [sflag:s16], $0x4000  }
0x5a: {  	s25 =	smov.u32 s8;
	s24 =	simm.s32 $0x4000;
	[sflag:s16] =	ssyncset.done $0x0  }
.LBB2_2:
0x5b: {  	p0 =	sne.s32 s24, $0x4C000;
	[sflag:s16] =	ssyncadd.s32 $0xFFFFC000;
	s25 =	sadd.s32 $0x80, s25  }
0x5c: {  	[tilespmem:s3], [sflag:$0x3] =	stream.linear.gather [hbm4b:s25+s3], $0x400, $0x38;
	[tilespmem:$0x1C400] =	vst v63  }
0x5d: {  	s26 =	smov.u32 s24;
	s24 =	sadd.s32 $0x4000, s24;
	_ =	swait.ge [sflag:s11], $0x400  }
0x5e: {  	[sflag:s11] =	ssyncset.done $0x0  }
0x5f: {  	s26 =	sadd.s32 s26, s9;
	[sflag:s11] =	ssyncadd.s32 $0xFFFFFC00  }
0x60: {  	[tilespmem:s12], [sflag:$0x1] =	stream.linear.gather [hbm4b:s26+s3], $0x4000, $0x38;
	[tilespmem:$0x1C400] =	vst v63  }
0x61: {  	s28 =	sadd.s32 $0x800, s26  }
0x62: {  	[tilespmem:s13], [sflag:$0x1] =	stream.linear.gather [hbm4b:s28+s3], $0x4000, $0x38;
	[tilespmem:$0x1C400] =	vst v63  }
0x63: {  	_ =	swait.ge [sflag:s14], $0x4000  }
0x64: {  	[sflag:s14] =	ssyncset.done $0x0  }
0x65: {  	[sflag:s14] =	ssyncadd.s32 $0xFFFFC000  }
0x66: {  	[spmem:s2] =	stream.indirect.scatter.add.f32 [tilespmem:s12], [sflag:$0x2], $0x80, s3, s15, $0xb8;
	[tilespmem:$0x1C400] =	vst v63  }
0x67: {  	_ =	swait.ge [sflag:s16], $0x4000  }
0x68: {  	[sflag:s16] =	ssyncset.done $0x0  }
0x69: {  	s28 =	sadd.s32 $0x1000, s26;
	[sflag:s16] =	ssyncadd.s32 $0xFFFFC000  }
0x6a: {  	[tilespmem:s12], [sflag:$0x1] =	stream.linear.gather [hbm4b:s28+s3], $0x4000, $0x38;
	[tilespmem:$0x1C400] =	vst v63  }
0x6b: {  	_ =	swait.ge [sflag:s14], $0x4000  }
0x6c: {  	[sflag:s14] =	ssyncset.done $0x0  }
0x6d: {  	[sflag:s14] =	ssyncadd.s32 $0xFFFFC000  }
0x6e: {  	[spmem:s2] =	stream.indirect.scatter.add.f32 [tilespmem:s13], [sflag:$0x2], $0x80, s15, s15, $0xb8;
	[tilespmem:$0x1C400] =	vst v63  }
0x6f: {  	_ =	swait.ge [sflag:s16], $0x4000  }
0x70: {  	[sflag:s16] =	ssyncset.done $0x0  }
0x71: {  	s28 =	sadd.s32 $0x1800, s26;
	[sflag:s16] =	ssyncadd.s32 $0xFFFFC000  }
0x72: {  	[tilespmem:s13], [sflag:$0x1] =	stream.linear.gather [hbm4b:s28+s3], $0x4000, $0x38;
	[tilespmem:$0x1C400] =	vst v63  }
0x73: {  	_ =	swait.ge [sflag:s14], $0x4000  }
0x74: {  	[sflag:s14] =	ssyncset.done $0x0  }
0x75: {  	[sflag:s14] =	ssyncadd.s32 $0xFFFFC000  }
0x76: {  	[spmem:s2] =	stream.indirect.scatter.add.f32 [tilespmem:s12], [sflag:$0x2], $0x80, s17, s15, $0xb8;
	[tilespmem:$0x1C400] =	vst v63  }
0x77: {  	_ =	swait.ge [sflag:s16], $0x4000  }
0x78: {  	[sflag:s16] =	ssyncset.done $0x0  }
0x79: {  	s28 =	sadd.s32 $0x2000, s26;
	[sflag:s16] =	ssyncadd.s32 $0xFFFFC000  }
0x7a: {  	[tilespmem:s12], [sflag:$0x1] =	stream.linear.gather [hbm4b:s28+s3], $0x4000, $0x38;
	[tilespmem:$0x1C400] =	vst v63  }
0x7b: {  	_ =	swait.ge [sflag:s14], $0x4000  }
0x7c: {  	[sflag:s14] =	ssyncset.done $0x0  }
0x7d: {  	[sflag:s14] =	ssyncadd.s32 $0xFFFFC000  }
0x7e: {  	[spmem:s2] =	stream.indirect.scatter.add.f32 [tilespmem:s13], [sflag:$0x2], $0x80, s18, s15, $0xb8;
	[tilespmem:$0x1C400] =	vst v63  }
0x7f: {  	_ =	swait.ge [sflag:s16], $0x4000  }
0x80: {  	[sflag:s16] =	ssyncset.done $0x0  }
0x81: {  	s28 =	sadd.s32 $0x2800, s26;
	[sflag:s16] =	ssyncadd.s32 $0xFFFFC000  }
0x82: {  	[tilespmem:s13], [sflag:$0x1] =	stream.linear.gather [hbm4b:s28+s3], $0x4000, $0x38;
	[tilespmem:$0x1C400] =	vst v63  }
0x83: {  	_ =	swait.ge [sflag:s14], $0x4000  }
0x84: {  	[sflag:s14] =	ssyncset.done $0x0  }
0x85: {  	[sflag:s14] =	ssyncadd.s32 $0xFFFFC000  }
0x86: {  	[spmem:s2] =	stream.indirect.scatter.add.f32 [tilespmem:s12], [sflag:$0x2], $0x80, s19, s15, $0xb8;
	[tilespmem:$0x1C400] =	vst v63  }
0x87: {  	_ =	swait.ge [sflag:s16], $0x4000  }
0x88: {  	[sflag:s16] =	ssyncset.done $0x0  }
0x89: {  	s28 =	sadd.s32 $0x3000, s26;
	[sflag:s16] =	ssyncadd.s32 $0xFFFFC000  }
0x8a: {  	[tilespmem:s12], [sflag:$0x1] =	stream.linear.gather [hbm4b:s28+s3], $0x4000, $0x38;
	[tilespmem:$0x1C400] =	vst v63  }
0x8b: {  	_ =	swait.ge [sflag:s14], $0x4000  }
0x8c: {  	[sflag:s14] =	ssyncset.done $0x0  }
0x8d: {  	[sflag:s14] =	ssyncadd.s32 $0xFFFFC000  }
0x8e: {  	[spmem:s2] =	stream.indirect.scatter.add.f32 [tilespmem:s13], [sflag:$0x2], $0x80, s20, s15, $0xb8;
	[tilespmem:$0x1C400] =	vst v63  }
0x8f: {  	_ =	swait.ge [sflag:s16], $0x4000  }
0x90: {  	[sflag:s16] =	ssyncset.done $0x0  }
0x91: {  	s26 =	sadd.s32 $0x3800, s26;
	[sflag:s16] =	ssyncadd.s32 $0xFFFFC000  }
0x92: {  	[tilespmem:s13], [sflag:$0x1] =	stream.linear.gather [hbm4b:s26+s3], $0x4000, $0x38;
	[tilespmem:$0x1C400] =	vst v63  }
0x93: {  	_ =	swait.ge [sflag:s14], $0x4000  }
0x94: {  	[sflag:s14] =	ssyncset.done $0x0  }
0x95: {  	[sflag:s14] =	ssyncadd.s32 $0xFFFFC000  }
0x96: {  	[spmem:s2] =	stream.indirect.scatter.add.f32 [tilespmem:s12], [sflag:$0x2], $0x80, s21, s15, $0xb8;
	[tilespmem:$0x1C400] =	vst v63  }
0x97: {  	_ =	swait.ge [sflag:s14], $0x4000  }
0x98: {  	[sflag:s14] =	ssyncset.done $0x0  }
0x99: {  	[sflag:s14] =	ssyncadd.s32 $0xFFFFC000  }
0x9a: {  	[spmem:s2] =	stream.indirect.scatter.add.f32 [tilespmem:s13], [sflag:$0x2], $0x80, s22, s15, $0xb8;
	[tilespmem:$0x1C400] =	vst v63  }
.Ltmp0:
0x9b: {  	_ =	swait.ge [sflag:s16], $0x4000;
	(pc) =	sbr.rel @p0 .LBB2_2-.Ltmp0, $4  }
0x9c: {  	[sflag:s16] =	ssyncset.done $0x0  }
0x9d: {  	[sflag:s16] =	ssyncadd.s32 $0xFFFFC000  }
0x9e: {  	_ =	swait.ge [sflag:s16], $0x4000  }
0x9f: {  	[sflag:s16] =	ssyncset.done $0x0  }
0xa0: {  	s23 =	sadd.s32 $0x1, s23  }
0xa1: {  	[sflag:s16] =	ssyncadd.s32 $0xFFFFC000;
	p0 =	sne.s32 s23, s7  }
.Ltmp1:
0xa2: {  	[bflag:$0x0] =	sbarrier.arrive $0xFFFF;
	(pc) =	sbr.rel @p0 .LBB2_1-.Ltmp1, $4  }
0xa3: {  	[hbm:s6], [sflag:s5] =	dma.local [spmem:s10], $0x2800  }
0xa4: {  	_ =	swait.ge [sflag:s11], $0x2800  }
0xa5: {  	[sflag:s11] =	ssyncset.done $0x0  }
0xa6: {  	[sflag:s11] =	ssyncadd.s32 $0xFFFFD800  }
0xa7: {  	_ =	sfence.sel $0x180000  }
0xa8: {  	[bflag:$0x0] =	sbarrier.arrive $0xFFFF  }
0xa9: {  	p0 =	sne.s32 s1, $0x0;
	_ =	strace $0x90000050  }
0xaa: {  	s0 =	sadd.s32 @!p0 $0x100000, s0;
	[bflag:$0x2] =	sbarrier.arrive $0xFFFF  }
0xab: {  	[sflag:s0] =	ssyncadd.tile.s32 @!p0 $0x1;
	_ =	shalt  }
.Lfunc_end2:
_tile_overlayer_lowered:
.L_overlay_start_2:
0xac: {  	(tag) =	ssettag $0x2  }
0xad: {  	s0 =	rddreg [dreg:$0x0];
	s2 =	stileid.u32  }
0xae: {  	s1 =	rddreg [dreg:$0x1];
	p0 =	sne.s32 s2, $0x0  }
0xaf: {  	s3 =	rddreg [dreg:$0x2];
	[bflag:$0x3] =	sbarrier.arrive $0xFFFF;
	s2 =	simm.s32 @!p0 $0x1C03  }
0xb0: {  	[timem:s3], [sflag:s2] =	dma.local @!p0 [hbm:s0], s1  }
0xb1: {  	s0 =	simm.s32 @!p0 $0x3  }
0xb2: {  	_ =	swait.ge @!p0 [sflag:s0], s1  }
0xb3: {  	s1 =	ssub.s32 @!p0 $0x0, s1;
	[sflag:s0] =	ssyncset.done @!p0 $0x0  }
0xb4: {  	[sflag:s0] =	ssyncadd.s32 @!p0 s1  }
0xb5: {  	[bflag:$0x3] =	sbarrier.arrive $0xFFFF  }
0xb6: {  	_ =	shalt  }

// kernel: kernel.31.cloned.1.call-start
scs
__scs_entry_jumppad:
0x0: {  	(pc) =	sbr.rel $0x88, $3  }
0x1: {  	(tag) =	ssettag $0x0;
	lr =	simm.s32 $0x1  }
0x2: {  	[smem:$0x3F8A] =	sst lr;
	_ =	strace $0xD0000000  }
0x3: {  	_ = 	snop  }
0x4: {  	_ = 	snop  }
0x5: {  	_ = 	snop  }
0x6: {  	_ = 	snop  }
0x7: {  	_ = 	snop  }
__scs_overlays_trampoline_lowered:
0x8: {  	[smem:$0x3F99] =	sst s0  }
0x9: {  	[smem:$0x3F9A] =	sst s1  }
0xa: {  	[smem:$0x3F9B] =	sst s2  }
0xb: {  	[smem:$0x3F9C] =	sst s3  }
0xc: {  	[smem:$0x3F9D] =	sst s4  }
0xd: {  	[smem:$0x3F9E] =	sst s5  }
0xe: {  	[smem:$0x3F9F] =	sst s6  }
0xf: {  	[smem:$0x3FA0] =	sst s7  }
0x10: {  	[smem:$0x3FA1] =	sst s8  }
0x11: {  	[smem:$0x3FA2] =	sst s9;
	s0 =	simm.s32 @!p0 $0x0  }
0x12: {  	s1 =	sld [smem:$0x3F88];
	s0 =	simm.s32 @p0 $0x1  }
0x13: {  	[smem:$0x3FA3] =	sst s0;
	s0 =	simm.s32 @!p1 $0x0  }
0x14: {  	s2 =	sld [smem:$0x3F87];
	s0 =	simm.s32 @p1 $0x1  }
0x15: {  	[smem:$0x3FA4] =	sst s0;
	s0 =	simm.s32 @!p2 $0x0  }
0x16: {  	s3 =	sld [smem:$0x3FDB];
	s0 =	simm.s32 @p2 $0x1  }
0x17: {  	s4 =	simm.s32 $0x1BF5;
	[smem:$0x3FA6] =	sst s0  }
0x18: {  	s0 =	sld [smem:$0x3F89];
	_ =	swait.ge [sflag:s4], $0x0  }
0x19: {  	s7 =	sld [smem:$0x3F8A]  }
0x1a: {  	s8 =	sadd.s32 $0xFFFFE003, lr  }
0x1b: {  	s9 =	sadd.s32 $0xFFFFFEF7, lr;
	s5 =	simm.s32 $0xFFFFFFFF;
	p2 =	slt.u32 s8, $0xFFFFF086  }
0x1c: {  	p1 =	slt.u32 s9, $0xF7A;
	s5 =	simm.s32 @!p2 $0x0  }
0x1d: {  	s5 =	simm.s32 @p1 $0x1;
	p0 =	seq.s32 s7, s2  }
0x1e: {  	s7 =	smul.u32 @!p0 $0xF7A, s2;
	p2 =	seq.s32 @!p0 s5, $0x0  }
0x1f: {  	s9 =	smul.u32 $0xF7A, s1;
	s8 =	simm.s32 @!p0 $0x1BF5;
	p2 =	por !p2, p0  }
0x20: {  	[sflag:s8] =	ssyncset.s32 @!p0 $0xFFFFF086;
	s6 =	sadd.s32 @!p0 s3, s7;
	s7 =	simm.s32 @!p0 $0x108  }
0x21: {  	s3 =	sadd.s32 s3, s9;
	s6 =	sadd.s32 @!p0 $0x88, s6;
	s7 =	simm.s32 @p2 $0x1082  }
0x22: {  	[simem:s7], [sflag:s8] =	dma.local @!p0 [hbm:s6], $0xF7A  }
0x23: {  	s9 =	sor.u32 $0xD0000000, s2;
	s6 =	simm.s32 $0x108;
	_ =	swait.ge @!p0 [sflag:s8], $0x0  }
0x24: {  	s3 =	sadd.s32 $0x88, s3;
	s6 =	simm.s32 @!p1 $0x1082;
	[sflag:s4] =	ssyncset.s32 $0xFFFFF086  }
0x25: {  	[simem:s6], [sflag:s4] =	dma.local [hbm:s3], $0xF7A  }
0x26: {  	[smem:$0x3F8A] =	sst s1;
	(tag) =	ssettag s2;
	_ =	strace s9  }
0x27: {  	s1 =	sld [smem:$0x3F9A]  }
0x28: {  	s2 =	sld [smem:$0x3F9B]  }
0x29: {  	s4 =	sld [smem:$0x3F9D]  }
0x2a: {  	p0 =	seq.s32 s5, $0x0;
	s5 =	sld [smem:$0x3F9E]  }
0x2b: {  	s6 =	sld [smem:$0x3F9F]  }
0x2c: {  	s7 =	sld [smem:$0x3FA0]  }
0x2d: {  	s3 =	simm.s32 $0x108;
	s8 =	sld [smem:$0x3FA1]  }
0x2e: {  	s3 =	simm.s32 @!p0 $0x1082;
	s9 =	sld [smem:$0x3FA2]  }
0x2f: {  	lr =	sadd.s32 s0, s3;
	s0 =	sld [smem:$0x3F99]  }
0x30: {  	s3 =	sld [smem:$0x3F9C]  }
0x31: {  	[smem:$0x3FA5] =	sst s10  }
0x32: {  	s10 =	sld [smem:$0x3FA3];
	_ =	sdelay $0x3  }
0x33: {  	p0 =	seq.s32 s10, $0x1;
	s10 =	sld [smem:$0x3FA5];
	_ =	sdelay $0x3  }
0x34: {  	[smem:$0x3FA5] =	sst s10  }
0x35: {  	s10 =	sld [smem:$0x3FA4];
	_ =	sdelay $0x3  }
0x36: {  	p1 =	seq.s32 s10, $0x1;
	s10 =	sld [smem:$0x3FA5];
	_ =	sdelay $0x3  }
0x37: {  	[smem:$0x3FA5] =	sst s10  }
0x38: {  	s10 =	sld [smem:$0x3FA6]  }
0x39: {  	_ = 	snop;
	(pc) =	sbr.ind lr, $3  }
0x3a: {  	_ = 	snop  }
0x3b: {  	_ = 	snop  }
0x3c: {  	p2 =	seq.s32 s10, $0x1;
	s10 =	sld [smem:$0x3FA5]  }
0x3d: {  	_ =	shalt  }
0x3e: {  	_ =	shalt  }
0x3f: {  	_ =	shalt  }
0x40: {  	_ =	shalt  }
0x41: {  	_ =	shalt  }
0x42: {  	_ =	shalt  }
0x43: {  	_ =	shalt  }
0x44: {  	_ =	shalt  }
0x45: {  	_ =	shalt  }
0x46: {  	_ =	shalt  }
0x47: {  	_ =	shalt  }
0x48: {  	_ =	shalt  }
0x49: {  	_ =	shalt  }
0x4a: {  	_ =	shalt  }
0x4b: {  	_ =	shalt  }
0x4c: {  	_ =	shalt  }
0x4d: {  	_ =	shalt  }
0x4e: {  	_ =	shalt  }
0x4f: {  	_ =	shalt  }
0x50: {  	_ =	shalt  }
0x51: {  	_ =	shalt  }
0x52: {  	_ =	shalt  }
0x53: {  	_ =	shalt  }
0x54: {  	_ =	shalt  }
0x55: {  	_ =	shalt  }
0x56: {  	_ =	shalt  }
0x57: {  	_ =	shalt  }
0x58: {  	_ =	shalt  }
0x59: {  	_ =	shalt  }
0x5a: {  	_ =	shalt  }
0x5b: {  	_ =	shalt  }
0x5c: {  	_ =	shalt  }
0x5d: {  	_ =	shalt  }
0x5e: {  	_ =	shalt  }
0x5f: {  	_ =	shalt  }
0x60: {  	_ =	shalt  }
0x61: {  	_ =	shalt  }
0x62: {  	_ =	shalt  }
0x63: {  	_ =	shalt  }
0x64: {  	_ =	shalt  }
0x65: {  	_ =	shalt  }
0x66: {  	_ =	shalt  }
0x67: {  	_ =	shalt  }
0x68: {  	_ =	shalt  }
0x69: {  	_ =	shalt  }
0x6a: {  	_ =	shalt  }
0x6b: {  	_ =	shalt  }
0x6c: {  	_ =	shalt  }
0x6d: {  	_ =	shalt  }
0x6e: {  	_ =	shalt  }
0x6f: {  	_ =	shalt  }
0x70: {  	_ =	shalt  }
0x71: {  	_ =	shalt  }
0x72: {  	_ =	shalt  }
0x73: {  	_ =	shalt  }
0x74: {  	_ =	shalt  }
0x75: {  	_ =	shalt  }
0x76: {  	_ =	shalt  }
0x77: {  	_ =	shalt  }
0x78: {  	_ =	shalt  }
0x79: {  	_ =	shalt  }
0x7a: {  	_ =	shalt  }
0x7b: {  	_ =	shalt  }
0x7c: {  	_ =	shalt  }
0x7d: {  	_ =	shalt  }
0x7e: {  	_ =	shalt  }
0x7f: {  	_ =	shalt  }
0x80: {  	_ =	shalt  }
0x81: {  	_ =	shalt  }
0x82: {  	_ =	shalt  }
0x83: {  	_ =	shalt  }
0x84: {  	_ =	shalt  }
0x85: {  	_ =	shalt  }
0x86: {  	_ =	shalt  }
0x87: {  	_ =	shalt  }
.Lfunc_end0:
.L_simem_size_0:
called_computation.4_lowered:
.L_overlay_start_0:
0x88: {  	s2 =	sld [smem:$0x3FD9]  }
0x89: {  	s3 =	sld [smem:$0x3FFE];
	_ =	sdelay $0x1  }
0x8a: {  	s1 =	srdreg.scid  }
0x8b: {  	s0 =	sand.u32 $0x1, s1  }
0x8c: {  	s14 =	sshll.u32 s0, $0xA;
	s2 =	sadd.s32 s3, s2  }
0x8d: {  	s2 =	sadd.s32 s2, s14  }
0x8e: {  	[smem:$0x3FB1] =	sst s2  }
0x8f: {  	_ = 	snop  }
0x90: {  	s2 =	sld [smem:$0x3FD0];
	_ =	sdelay $0x2  }
0x91: {  	s15 =	simm.s32 $0xA;
	s4 =	simm.s32 $0x10  }
0x92: {  	[smem:s4], [sflag:s15] =	dma.local [hbm:s2], $0x1  }
0x93: {  	_ =	swait.eq [sflag:s15], $0x1  }
0x94: {  	[sflag:s15] =	ssyncset.done $0x0  }
0x95: {  	[sflag:s15] =	ssyncadd.s32 $0xFFFFFFFF  }
0x96: {  	s16 =	sld [smem:$0x10];
	(tm) =	ssettm $0x1  }
0x97: {  	s17 =	sld [smem:$0x3FFB];
	_ =	sdelay $0x3  }
0x98: {  	_ =	strace s17  }
0x99: {  	s3 =	sld [smem:$0x3FFC];
	_ =	sdelay $0x3  }
0x9a: {  	_ =	strace s3  }
0x9b: {  	s3 =	sld [smem:$0x3FFD];
	_ =	sdelay $0x3  }
0x9c: {  	_ =	strace s3  }
0x9d: {  	_ =	strace $0x8FFFFFFF  }
0x9e: {  	s18 =	sld [smem:$0x3FDB];
	_ =	sdelay $0x1  }
0x9f: {  	s19 =	simm.s32 $_scs_section_size  }
0xa0: {  	s5 =	simm.s32 $_size__tile_overlayer_lowered;
	s6 =	simm.s32 $_tile_overlayer_lowered  }
0xa1: {  	s22 =	simm.s32 $0x1BFF;
	s21 =	sshll.u32 s6, $0x1;
	s3 =	sadd.s32 s19, s18  }
0xa2: {  	s7 =	simm.s32 $0x0;
	s20 =	sshll.u32 s5, $0x1;
	s5 =	sadd.s32 s21, s3  }
0xa3: {  	[timem:s7], [sflag:s22] =	dma.local [hbm:s5], s20  }
0xa4: {  	_ =	swait.ge [sflag:s22], s20  }
0xa5: {  	s4 =	ssub.s32 $0x0, s20;
	[sflag:s22] =	ssyncset.done $0x0  }
0xa6: {  	[sflag:s22] =	ssyncadd.s32 s4;
	_ =	sdelay $0x1  }
0xa7: {  	s23 =	simm.s32 $0x1B8B  }
0xa8: {  	_ =	swait.ge [sflag:s23], $0x1  }
0xa9: {  	[sflag:s23] =	ssyncset.done $0x0  }
0xaa: {  	s25 =	simm.s32 $0x1B8E;
	s24 =	sld [smem:$0x3FFE];
	[sflag:s23] =	ssyncadd.s32 $0xFFFFFFFF  }
0xab: {  	s26 =	simm.s32 $execute0_lowered;
	[smem:$0x3FD2] =	sst s25  }
0xac: {  	s5 =	sshll.u32 s26, $0x1;
	_ =	strace $0x80000052;
	[dreg:$0x1] =	wrdreg $0xFFFFFFFF  }
0xad: {  	s28 =	simm.s32 $_size_execute0_lowered;
	s3 =	sadd.s32 s3, s5;
	[dreg:$0x0] =	wrdreg $0x0  }
0xae: {  	s5 =	sshll.u32 s28, $0x1;
	[dreg:$0x2] =	wrdreg s3  }
0xaf: {  	[dreg:$0x3] =	wrdreg s5  }
0xb0: {  	[dreg:$0x4] =	wrdreg $0xC0  }
0xb1: {  	_ =	task [dreg:s7], $0x5FFFF  }
0xb2: {  	[dreg:$0x1] =	wrdreg $0xFFFFFFFF  }
0xb3: {  	[dreg:$0x0] =	wrdreg $0x60  }
0xb4: {  	[dreg:$0x2] =	wrdreg s24  }
0xb5: {  	[dreg:$0x3] =	wrdreg s16  }
0xb6: {  	[dreg:$0x4] =	wrdreg $0x9  }
0xb7: {  	_ =	task.clear_ibuf [dreg:s7], $0x5FFFF;
	_ =	strace $0x90000052  }
0xb8: {  	s29 =	simm.s32 $0x9;
	_ =	strace $0x80000054  }
0xb9: {  	_ =	swait.ge [sflag:s29], $0x1  }
0xba: {  	[sflag:s29] =	ssyncadd.s32 $0xFFFFFFFF  }
0xbb: {  	_ =	strace $0x90000054  }
0xbc: {  	_ =	sfence  }
0xbd: {  	s30 =	sld [smem:$0x0];
	_ =	sdelay $0x2  }
0xbe: {  	s31 =	sshll.u32 s1, $0xD;
	s1 =	sshrl.u32 s1, $0x2  }
0xbf: {  	s3 =	sand.u32 $0x4000, s31;
	s1 =	sadd.s32 s1, s30  }
0xc0: {  	s0 =	sor.u32 s3, s0;
	s1 =	sshll.u32 s1, $0x11  }
0xc1: {  	s0 =	sor.u32 s1, s0  }
0xc2: {  	s0 =	sadd.s32 $0x8F2B, s0  }
0xc3: {  	[sflag:s0] =	ssyncadd.remote.s32 $0x1  }
0xc4: {  	_ =	sfence.sel $0xFFFF  }
0xc5: {  	[dreg:$0x0] =	wrdreg $0xFFFFFFFF;
	(pc) =	sbr.abs _section_cstart, $3  }
0xc6: {  	[dreg:$0x1] =	wrdreg $0xFFFFFFFF  }
0xc7: {  	_ =	task.clear_ibuf [dreg:s7], $0x2FFFF;
	_ =	strace $0x9FFFFFFF  }
0xc8: {  	(tm) =	ssettm $0x7FFFFFFF  }
0xc9: {  	_ =	shalt  }
tec
execute0_lowered:
.L_overlay_start_1:
0x0: {  	(tag) =	ssettag $0x1  }
0x1: {  	s4 =	rddreg [dreg:$0x0]  }
0x2: {  	s5 =	rddreg [dreg:$0x1]  }
0x3: {  	s0 =	rddreg [dreg:$0x2];
	s1 =	stileid.u32  }
0x4: {  	s2 =	simm.s32 $0x0;
	s3 =	srdreg.scid;
	s12 =	simm.s32 $0x8400  }
0x5: {  	s13 =	simm.s32 $0x180;
	s14 =	simm.s32 $0xC400;
	s15 =	simm.s32 $0x1  }
0x6: {  	s16 =	simm.s32 $0x200;
	s17 =	simm.s32 $0x280;
	s18 =	simm.s32 $0x300  }
0x7: {  	s19 =	simm.s32 $0x380;
	s20 =	simm.s32 $0x0;
	s6 =	smul.u32 $0xA0000, s1  }
0x8: {  	[smem:$0x7FF] =	sst s2;
	s7 =	sand.u32 $0x1, s3;
	s8 =	smul.u32 $0x1400, s1  }
0x9: {  	s3 =	sadd.s32 $0x8F400, s4;
	s9 =	ssub.s32 $0x2, s7;
	s10 =	smul.u32 $0xA00, s7  }
0xa: {  	_ =	strace $0x80000053;
	s7 =	smul.u32 $0x50000, s7;
	s11 =	sshrl.u32 s9, $0x1  }
0xb: {  	s6 =	sadd.s32 s6, s4;
	s5 =	sadd.s32 s8, s5;
	s8 =	simm.s32 $0x80  }
0xc: {  	s31 =	ssub.s32 s9, s11;
	s5 =	sadd.s32 s10, s5;
	s6 =	sadd.s32 s7, s6  }
0xd: {  	s7 =	simm.s32 $0x2;
	s9 =	simm.s32 $0x400;
	s10 =	simm.s32 $0x4400  }
0xe: {  	s11 =	simm.s32 $0x100;
	s4 =	smax.u32 s31, $0x1;
	s6 =	sadd.s32 $0xADD600, s6  }
.LBB2_1:
0xf: {  	s21 =	sadd.s32 $0x0, s5  }
0x10: {  	[tilespmem:s2], [sflag:$0x2] =	stream.linear.gather [hbm4b:s21+s2], $0x400, $0x38;
	[tilespmem:$0x10400] =	vst v63  }
0x11: {  	_ =	swait.ge [sflag:s7], $0x400  }
0x12: {  	[sflag:s7] =	ssyncset.done $0x0  }
0x13: {  	[sflag:s7] =	ssyncadd.s32 $0xFFFFFC00  }
0x14: {  	[tilespmem:s9], [sflag:$0x1] =	stream.indirect.gather [hbm4b:s3+s8], $0x80, s2, s8, $0xb8;
	[tilespmem:$0x10400] =	vst v63  }
0x15: {  	_ = 	snop  }
0x16: {  	[tilespmem:s10], [sflag:$0x1] =	stream.indirect.gather [hbm4b:s3+s8], $0x80, s8, s8, $0xb8;
	[tilespmem:$0x10400] =	vst v63  }
0x17: {  	_ = 	snop  }
0x18: {  	[tilespmem:s12], [sflag:$0x1] =	stream.indirect.gather [hbm4b:s3+s8], $0x80, s11, s8, $0xb8;
	[tilespmem:$0x10400] =	vst v63  }
0x19: {  	_ = 	snop  }
0x1a: {  	[tilespmem:s14], [sflag:$0x1] =	stream.indirect.gather [hbm4b:s3+s8], $0x80, s13, s8, $0xb8;
	[tilespmem:$0x10400] =	vst v63  }
0x1b: {  	_ =	swait.ge [sflag:s15], $0x4000  }
0x1c: {  	[sflag:s15] =	ssyncset.done $0x0  }
0x1d: {  	[sflag:s15] =	ssyncadd.s32 $0xFFFFC000  }
0x1e: {  	_ =	swait.ge [sflag:s15], $0x4000  }
0x1f: {  	[sflag:s15] =	ssyncset.done $0x0  }
0x20: {  	[sflag:s15] =	ssyncadd.s32 $0xFFFFC000  }
0x21: {  	_ =	swait.ge [sflag:s15], $0x4000  }
0x22: {  	[sflag:s15] =	ssyncset.done $0x0  }
0x23: {  	[sflag:s15] =	ssyncadd.s32 $0xFFFFC000  }
0x24: {  	_ =	swait.ge [sflag:s15], $0x4000  }
0x25: {  	[sflag:s15] =	ssyncset.done $0x0  }
0x26: {  	[sflag:s15] =	ssyncadd.s32 $0xFFFFC000  }
0x27: {  	[hbm4b:s6+s2] =	stream.linear.scatter [tilespmem:s9], [sflag:$0x2], $0x10000, $0x38;
	[tilespmem:$0x10400] =	vst v63  }
0x28: {  	_ =	swait.ge [sflag:s7], $0x10000  }
0x29: {  	[sflag:s7] =	ssyncset.done $0x0  }
0x2a: {  	[sflag:s7] =	ssyncadd.s32 $0xFFFF0000  }
0x2b: {  	[tilespmem:s9], [sflag:$0x1] =	stream.indirect.gather [hbm4b:s3+s8], $0x80, s16, s8, $0xb8;
	[tilespmem:$0x10400] =	vst v63  }
0x2c: {  	_ = 	snop  }
0x2d: {  	[tilespmem:s10], [sflag:$0x1] =	stream.indirect.gather [hbm4b:s3+s8], $0x80, s17, s8, $0xb8;
	[tilespmem:$0x10400] =	vst v63  }
0x2e: {  	_ = 	snop  }
0x2f: {  	[tilespmem:s12], [sflag:$0x1] =	stream.indirect.gather [hbm4b:s3+s8], $0x80, s18, s8, $0xb8;
	[tilespmem:$0x10400] =	vst v63  }
0x30: {  	_ = 	snop  }
0x31: {  	[tilespmem:s14], [sflag:$0x1] =	stream.indirect.gather [hbm4b:s3+s8], $0x80, s19, s8, $0xb8;
	[tilespmem:$0x10400] =	vst v63  }
0x32: {  	_ =	swait.ge [sflag:s15], $0x4000  }
0x33: {  	[sflag:s15] =	ssyncset.done $0x0  }
0x34: {  	[sflag:s15] =	ssyncadd.s32 $0xFFFFC000  }
0x35: {  	_ =	swait.ge [sflag:s15], $0x4000  }
0x36: {  	[sflag:s15] =	ssyncset.done $0x0  }
0x37: {  	[sflag:s15] =	ssyncadd.s32 $0xFFFFC000  }
0x38: {  	_ =	swait.ge [sflag:s15], $0x4000  }
0x39: {  	[sflag:s15] =	ssyncset.done $0x0  }
0x3a: {  	[sflag:s15] =	ssyncadd.s32 $0xFFFFC000  }
0x3b: {  	_ =	swait.ge [sflag:s15], $0x4000  }
0x3c: {  	[sflag:s15] =	ssyncset.done $0x0  }
0x3d: {  	s31 =	sadd.s32 $0x2000, s6;
	[sflag:s15] =	ssyncadd.s32 $0xFFFFC000  }
0x3e: {  	[hbm4b:s31+s2] =	stream.linear.scatter [tilespmem:s9], [sflag:$0x2], $0x10000, $0x38;
	[tilespmem:$0x10400] =	vst v63  }
0x3f: {  	s22 =	simm.s32 $0x80;
	_ =	swait.ge [sflag:s7], $0x10000  }
0x40: {  	s24 =	simm.s32 $0x100;
	s21 =	sadd.s32 $0x4000, s6;
	[sflag:s7] =	ssyncset.done $0x0  }
.LBB2_2:
0x41: {  	s25 =	sadd.s32 s22, s5  }
0x42: {  	[sflag:s7] =	ssyncadd.s32 $0xFFFF0000;
	s22 =	smov.u32 s24;
	s23 =	sadd.s32 $0x80, s24  }
0x43: {  	[tilespmem:s2], [sflag:$0x2] =	stream.linear.gather [hbm4b:s25+s2], $0x400, $0x38;
	[tilespmem:$0x10400] =	vst v63  }
0x44: {  	p0 =	sne.s32 s24, $0x980;
	_ =	swait.ge [sflag:s7], $0x400  }
0x45: {  	[sflag:s7] =	ssyncset.done $0x0  }
0x46: {  	[sflag:s7] =	ssyncadd.s32 $0xFFFFFC00  }
0x47: {  	[tilespmem:s9], [sflag:$0x1] =	stream.indirect.gather [hbm4b:s3+s8], $0x80, s2, s8, $0xb8;
	[tilespmem:$0x10400] =	vst v63  }
0x48: {  	_ = 	snop  }
0x49: {  	[tilespmem:s10], [sflag:$0x1] =	stream.indirect.gather [hbm4b:s3+s8], $0x80, s8, s8, $0xb8;
	[tilespmem:$0x10400] =	vst v63  }
0x4a: {  	_ = 	snop  }
0x4b: {  	[tilespmem:s12], [sflag:$0x1] =	stream.indirect.gather [hbm4b:s3+s8], $0x80, s11, s8, $0xb8;
	[tilespmem:$0x10400] =	vst v63  }
0x4c: {  	_ = 	snop  }
0x4d: {  	[tilespmem:s14], [sflag:$0x1] =	stream.indirect.gather [hbm4b:s3+s8], $0x80, s13, s8, $0xb8;
	[tilespmem:$0x10400] =	vst v63  }
0x4e: {  	_ =	swait.ge [sflag:s15], $0x4000  }
0x4f: {  	[sflag:s15] =	ssyncset.done $0x0  }
0x50: {  	[sflag:s15] =	ssyncadd.s32 $0xFFFFC000  }
0x51: {  	_ =	swait.ge [sflag:s15], $0x4000  }
0x52: {  	[sflag:s15] =	ssyncset.done $0x0  }
0x53: {  	[sflag:s15] =	ssyncadd.s32 $0xFFFFC000  }
0x54: {  	_ =	swait.ge [sflag:s15], $0x4000  }
0x55: {  	[sflag:s15] =	ssyncset.done $0x0  }
0x56: {  	[sflag:s15] =	ssyncadd.s32 $0xFFFFC000  }
0x57: {  	_ =	swait.ge [sflag:s15], $0x4000  }
0x58: {  	[sflag:s15] =	ssyncset.done $0x0  }
0x59: {  	[sflag:s15] =	ssyncadd.s32 $0xFFFFC000  }
0x5a: {  	[hbm4b:s21+s2] =	stream.linear.scatter [tilespmem:s9], [sflag:$0x2], $0x10000, $0x38;
	[tilespmem:$0x10400] =	vst v63  }
0x5b: {  	_ =	swait.ge [sflag:s7], $0x10000  }
0x5c: {  	[sflag:s7] =	ssyncset.done $0x0  }
0x5d: {  	[sflag:s7] =	ssyncadd.s32 $0xFFFF0000  }
0x5e: {  	[tilespmem:s9], [sflag:$0x1] =	stream.indirect.gather [hbm4b:s3+s8], $0x80, s16, s8, $0xb8;
	[tilespmem:$0x10400] =	vst v63  }
0x5f: {  	_ = 	snop  }
0x60: {  	[tilespmem:s10], [sflag:$0x1] =	stream.indirect.gather [hbm4b:s3+s8], $0x80, s17, s8, $0xb8;
	[tilespmem:$0x10400] =	vst v63  }
0x61: {  	_ = 	snop  }
0x62: {  	[tilespmem:s12], [sflag:$0x1] =	stream.indirect.gather [hbm4b:s3+s8], $0x80, s18, s8, $0xb8;
	[tilespmem:$0x10400] =	vst v63  }
0x63: {  	_ = 	snop  }
0x64: {  	[tilespmem:s14], [sflag:$0x1] =	stream.indirect.gather [hbm4b:s3+s8], $0x80, s19, s8, $0xb8;
	[tilespmem:$0x10400] =	vst v63  }
0x65: {  	_ =	swait.ge [sflag:s15], $0x4000  }
0x66: {  	[sflag:s15] =	ssyncset.done $0x0  }
0x67: {  	[sflag:s15] =	ssyncadd.s32 $0xFFFFC000  }
0x68: {  	_ =	swait.ge [sflag:s15], $0x4000  }
0x69: {  	[sflag:s15] =	ssyncset.done $0x0  }
0x6a: {  	[sflag:s15] =	ssyncadd.s32 $0xFFFFC000  }
0x6b: {  	_ =	swait.ge [sflag:s15], $0x4000  }
0x6c: {  	[sflag:s15] =	ssyncset.done $0x0  }
0x6d: {  	[sflag:s15] =	ssyncadd.s32 $0xFFFFC000  }
0x6e: {  	_ =	swait.ge [sflag:s15], $0x4000  }
.Ltmp0:
0x6f: {  	[sflag:s15] =	ssyncset.done $0x0;
	(pc) =	sbr.rel @p0 .LBB2_2-.Ltmp0, $4  }
0x70: {  	s24 =	sadd.s32 $0x2000, s21;
	[sflag:s15] =	ssyncadd.s32 $0xFFFFC000  }
0x71: {  	[hbm4b:s24+s2] =	stream.linear.scatter [tilespmem:s9], [sflag:$0x2], $0x10000, $0x38;
	[tilespmem:$0x10400] =	vst v63  }
0x72: {  	_ =	swait.ge [sflag:s7], $0x10000  }
0x73: {  	s21 =	sadd.s32 $0x4000, s21;
	s24 =	smov.u32 s23;
	[sflag:s7] =	ssyncset.done $0x0  }
0x74: {  	s22 =	sadd.s32 s22, s5;
	[sflag:s7] =	ssyncadd.s32 $0xFFFF0000  }
0x75: {  	[tilespmem:s2], [sflag:$0x2] =	stream.linear.gather [hbm4b:s22+s2], $0x400, $0x38;
	[tilespmem:$0x10400] =	vst v63  }
0x76: {  	_ =	swait.ge [sflag:s7], $0x400  }
0x77: {  	[sflag:s7] =	ssyncset.done $0x0  }
0x78: {  	[sflag:s7] =	ssyncadd.s32 $0xFFFFFC00  }
0x79: {  	[tilespmem:s9], [sflag:$0x1] =	stream.indirect.gather [hbm4b:s3+s8], $0x80, s2, s8, $0xb8;
	[tilespmem:$0x10400] =	vst v63  }
0x7a: {  	_ = 	snop  }
0x7b: {  	[tilespmem:s10], [sflag:$0x1] =	stream.indirect.gather [hbm4b:s3+s8], $0x80, s8, s8, $0xb8;
	[tilespmem:$0x10400] =	vst v63  }
0x7c: {  	_ = 	snop  }
0x7d: {  	[tilespmem:s12], [sflag:$0x1] =	stream.indirect.gather [hbm4b:s3+s8], $0x80, s11, s8, $0xb8;
	[tilespmem:$0x10400] =	vst v63  }
0x7e: {  	_ = 	snop  }
0x7f: {  	[tilespmem:s14], [sflag:$0x1] =	stream.indirect.gather [hbm4b:s3+s8], $0x80, s13, s8, $0xb8;
	[tilespmem:$0x10400] =	vst v63  }
0x80: {  	_ =	swait.ge [sflag:s15], $0x4000  }
0x81: {  	[sflag:s15] =	ssyncset.done $0x0  }
0x82: {  	[sflag:s15] =	ssyncadd.s32 $0xFFFFC000  }
0x83: {  	_ =	swait.ge [sflag:s15], $0x4000  }
0x84: {  	[sflag:s15] =	ssyncset.done $0x0  }
0x85: {  	[sflag:s15] =	ssyncadd.s32 $0xFFFFC000  }
0x86: {  	_ =	swait.ge [sflag:s15], $0x4000  }
0x87: {  	[sflag:s15] =	ssyncset.done $0x0  }
0x88: {  	[sflag:s15] =	ssyncadd.s32 $0xFFFFC000  }
0x89: {  	_ =	swait.ge [sflag:s15], $0x4000  }
0x8a: {  	[sflag:s15] =	ssyncset.done $0x0  }
0x8b: {  	[sflag:s15] =	ssyncadd.s32 $0xFFFFC000  }
0x8c: {  	[hbm4b:s21+s2] =	stream.linear.scatter [tilespmem:s9], [sflag:$0x2], $0x10000, $0x38;
	[tilespmem:$0x10400] =	vst v63  }
0x8d: {  	_ =	swait.ge [sflag:s7], $0x10000  }
0x8e: {  	[sflag:s7] =	ssyncset.done $0x0  }
0x8f: {  	[sflag:s7] =	ssyncadd.s32 $0xFFFF0000  }
0x90: {  	[tilespmem:s9], [sflag:$0x1] =	stream.indirect.gather [hbm4b:s3+s8], $0x80, s16, s8, $0xb8;
	[tilespmem:$0x10400] =	vst v63  }
0x91: {  	_ = 	snop  }
0x92: {  	[tilespmem:s10], [sflag:$0x1] =	stream.indirect.gather [hbm4b:s3+s8], $0x80, s17, s8, $0xb8;
	[tilespmem:$0x10400] =	vst v63  }
0x93: {  	_ = 	snop  }
0x94: {  	[tilespmem:s12], [sflag:$0x1] =	stream.indirect.gather [hbm4b:s3+s8], $0x80, s18, s8, $0xb8;
	[tilespmem:$0x10400] =	vst v63  }
0x95: {  	_ = 	snop  }
0x96: {  	[tilespmem:s14], [sflag:$0x1] =	stream.indirect.gather [hbm4b:s3+s8], $0x80, s19, s8, $0xb8;
	[tilespmem:$0x10400] =	vst v63  }
0x97: {  	_ =	swait.ge [sflag:s15], $0x4000  }
0x98: {  	[sflag:s15] =	ssyncset.done $0x0  }
0x99: {  	[sflag:s15] =	ssyncadd.s32 $0xFFFFC000  }
0x9a: {  	_ =	swait.ge [sflag:s15], $0x4000  }
0x9b: {  	[sflag:s15] =	ssyncset.done $0x0  }
0x9c: {  	[sflag:s15] =	ssyncadd.s32 $0xFFFFC000  }
0x9d: {  	_ =	swait.ge [sflag:s15], $0x4000  }
0x9e: {  	[sflag:s15] =	ssyncset.done $0x0  }
0x9f: {  	[sflag:s15] =	ssyncadd.s32 $0xFFFFC000  }
0xa0: {  	s20 =	sadd.s32 $0x1, s20;
	_ =	swait.ge [sflag:s15], $0x4000  }
0xa1: {  	p0 =	sne.s32 s20, s4;
	[sflag:s15] =	ssyncset.done $0x0  }
.Ltmp1:
0xa2: {  	s31 =	sadd.s32 $0x2000, s21;
	[sflag:s15] =	ssyncadd.s32 $0xFFFFC000;
	(pc) =	sbr.rel @p0 .LBB2_1-.Ltmp1, $4  }
0xa3: {  	[hbm4b:s31+s2] =	stream.linear.scatter [tilespmem:s9], [sflag:$0x2], $0x10000, $0x38;
	[tilespmem:$0x10400] =	vst v63  }
0xa4: {  	_ =	swait.ge [sflag:s7], $0x10000  }
0xa5: {  	[sflag:s7] =	ssyncset.done $0x0  }
0xa6: {  	[sflag:s7] =	ssyncadd.s32 $0xFFFF0000  }
0xa7: {  	_ =	sfence.sel $0x180000  }
0xa8: {  	[bflag:$0x0] =	sbarrier.arrive $0xFFFF  }
0xa9: {  	p0 =	sne.s32 s1, $0x0;
	_ =	strace $0x90000053  }
0xaa: {  	s0 =	sadd.s32 @!p0 $0x100000, s0;
	[bflag:$0x2] =	sbarrier.arrive $0xFFFF  }
0xab: {  	[sflag:s0] =	ssyncadd.tile.s32 @!p0 $0x1;
	_ =	shalt  }
.Lfunc_end2:
_tile_overlayer_lowered:
.L_overlay_start_2:
0xac: {  	(tag) =	ssettag $0x2  }
0xad: {  	s0 =	rddreg [dreg:$0x0];
	s2 =	stileid.u32  }
0xae: {  	s1 =	rddreg [dreg:$0x1];
	p0 =	sne.s32 s2, $0x0  }
0xaf: {  	s3 =	rddreg [dreg:$0x2];
	[bflag:$0x3] =	sbarrier.arrive $0xFFFF;
	s2 =	simm.s32 @!p0 $0x1C02  }
0xb0: {  	[timem:s3], [sflag:s2] =	dma.local @!p0 [hbm:s0], s1  }
0xb1: {  	s0 =	simm.s32 @!p0 $0x2  }
0xb2: {  	_ =	swait.ge @!p0 [sflag:s0], s1  }
0xb3: {  	s1 =	ssub.s32 @!p0 $0x0, s1;
	[sflag:s0] =	ssyncset.done @!p0 $0x0  }
0xb4: {  	[sflag:s0] =	ssyncadd.s32 @!p0 s1  }
0xb5: {  	[bflag:$0x3] =	sbarrier.arrive $0xFFFF  }
0xb6: {  	_ =	shalt  }

// kernel: kernel.34.cloned.1.call-start
scs
__scs_entry_jumppad:
0x0: {  	(pc) =	sbr.rel $0x88, $3  }
0x1: {  	(tag) =	ssettag $0x0;
	lr =	simm.s32 $0x1  }
0x2: {  	[smem:$0x3F8A] =	sst lr;
	_ =	strace $0xD0000000  }
0x3: {  	_ = 	snop  }
0x4: {  	_ = 	snop  }
0x5: {  	_ = 	snop  }
0x6: {  	_ = 	snop  }
0x7: {  	_ = 	snop  }
__scs_overlays_trampoline_lowered:
0x8: {  	[smem:$0x3F99] =	sst s0  }
0x9: {  	[smem:$0x3F9A] =	sst s1  }
0xa: {  	[smem:$0x3F9B] =	sst s2  }
0xb: {  	[smem:$0x3F9C] =	sst s3  }
0xc: {  	[smem:$0x3F9D] =	sst s4  }
0xd: {  	[smem:$0x3F9E] =	sst s5  }
0xe: {  	[smem:$0x3F9F] =	sst s6  }
0xf: {  	[smem:$0x3FA0] =	sst s7  }
0x10: {  	[smem:$0x3FA1] =	sst s8  }
0x11: {  	[smem:$0x3FA2] =	sst s9;
	s0 =	simm.s32 @!p0 $0x0  }
0x12: {  	s1 =	sld [smem:$0x3F88];
	s0 =	simm.s32 @p0 $0x1  }
0x13: {  	[smem:$0x3FA3] =	sst s0;
	s0 =	simm.s32 @!p1 $0x0  }
0x14: {  	s2 =	sld [smem:$0x3F87];
	s0 =	simm.s32 @p1 $0x1  }
0x15: {  	[smem:$0x3FA4] =	sst s0;
	s0 =	simm.s32 @!p2 $0x0  }
0x16: {  	s3 =	sld [smem:$0x3FDB];
	s0 =	simm.s32 @p2 $0x1  }
0x17: {  	s4 =	simm.s32 $0x1BF5;
	[smem:$0x3FA6] =	sst s0  }
0x18: {  	s0 =	sld [smem:$0x3F89];
	_ =	swait.ge [sflag:s4], $0x0  }
0x19: {  	s7 =	sld [smem:$0x3F8A]  }
0x1a: {  	s8 =	sadd.s32 $0xFFFFE003, lr  }
0x1b: {  	s9 =	sadd.s32 $0xFFFFFEF7, lr;
	s5 =	simm.s32 $0xFFFFFFFF;
	p2 =	slt.u32 s8, $0xFFFFF086  }
0x1c: {  	p1 =	slt.u32 s9, $0xF7A;
	s5 =	simm.s32 @!p2 $0x0  }
0x1d: {  	s5 =	simm.s32 @p1 $0x1;
	p0 =	seq.s32 s7, s2  }
0x1e: {  	s7 =	smul.u32 @!p0 $0xF7A, s2;
	p2 =	seq.s32 @!p0 s5, $0x0  }
0x1f: {  	s9 =	smul.u32 $0xF7A, s1;
	s8 =	simm.s32 @!p0 $0x1BF5;
	p2 =	por !p2, p0  }
0x20: {  	[sflag:s8] =	ssyncset.s32 @!p0 $0xFFFFF086;
	s6 =	sadd.s32 @!p0 s3, s7;
	s7 =	simm.s32 @!p0 $0x108  }
0x21: {  	s3 =	sadd.s32 s3, s9;
	s6 =	sadd.s32 @!p0 $0x88, s6;
	s7 =	simm.s32 @p2 $0x1082  }
0x22: {  	[simem:s7], [sflag:s8] =	dma.local @!p0 [hbm:s6], $0xF7A  }
0x23: {  	s9 =	sor.u32 $0xD0000000, s2;
	s6 =	simm.s32 $0x108;
	_ =	swait.ge @!p0 [sflag:s8], $0x0  }
0x24: {  	s3 =	sadd.s32 $0x88, s3;
	s6 =	simm.s32 @!p1 $0x1082;
	[sflag:s4] =	ssyncset.s32 $0xFFFFF086  }
0x25: {  	[simem:s6], [sflag:s4] =	dma.local [hbm:s3], $0xF7A  }
0x26: {  	[smem:$0x3F8A] =	sst s1;
	(tag) =	ssettag s2;
	_ =	strace s9  }
0x27: {  	s1 =	sld [smem:$0x3F9A]  }
0x28: {  	s2 =	sld [smem:$0x3F9B]  }
0x29: {  	s4 =	sld [smem:$0x3F9D]  }
0x2a: {  	p0 =	seq.s32 s5, $0x0;
	s5 =	sld [smem:$0x3F9E]  }
0x2b: {  	s6 =	sld [smem:$0x3F9F]  }
0x2c: {  	s7 =	sld [smem:$0x3FA0]  }
0x2d: {  	s3 =	simm.s32 $0x108;
	s8 =	sld [smem:$0x3FA1]  }
0x2e: {  	s3 =	simm.s32 @!p0 $0x1082;
	s9 =	sld [smem:$0x3FA2]  }
0x2f: {  	lr =	sadd.s32 s0, s3;
	s0 =	sld [smem:$0x3F99]  }
0x30: {  	s3 =	sld [smem:$0x3F9C]  }
0x31: {  	[smem:$0x3FA5] =	sst s10  }
0x32: {  	s10 =	sld [smem:$0x3FA3];
	_ =	sdelay $0x3  }
0x33: {  	p0 =	seq.s32 s10, $0x1;
	s10 =	sld [smem:$0x3FA5];
	_ =	sdelay $0x3  }
0x34: {  	[smem:$0x3FA5] =	sst s10  }
0x35: {  	s10 =	sld [smem:$0x3FA4];
	_ =	sdelay $0x3  }
0x36: {  	p1 =	seq.s32 s10, $0x1;
	s10 =	sld [smem:$0x3FA5];
	_ =	sdelay $0x3  }
0x37: {  	[smem:$0x3FA5] =	sst s10  }
0x38: {  	s10 =	sld [smem:$0x3FA6]  }
0x39: {  	_ = 	snop;
	(pc) =	sbr.ind lr, $3  }
0x3a: {  	_ = 	snop  }
0x3b: {  	_ = 	snop  }
0x3c: {  	p2 =	seq.s32 s10, $0x1;
	s10 =	sld [smem:$0x3FA5]  }
0x3d: {  	_ =	shalt  }
0x3e: {  	_ =	shalt  }
0x3f: {  	_ =	shalt  }
0x40: {  	_ =	shalt  }
0x41: {  	_ =	shalt  }
0x42: {  	_ =	shalt  }
0x43: {  	_ =	shalt  }
0x44: {  	_ =	shalt  }
0x45: {  	_ =	shalt  }
0x46: {  	_ =	shalt  }
0x47: {  	_ =	shalt  }
0x48: {  	_ =	shalt  }
0x49: {  	_ =	shalt  }
0x4a: {  	_ =	shalt  }
0x4b: {  	_ =	shalt  }
0x4c: {  	_ =	shalt  }
0x4d: {  	_ =	shalt  }
0x4e: {  	_ =	shalt  }
0x4f: {  	_ =	shalt  }
0x50: {  	_ =	shalt  }
0x51: {  	_ =	shalt  }
0x52: {  	_ =	shalt  }
0x53: {  	_ =	shalt  }
0x54: {  	_ =	shalt  }
0x55: {  	_ =	shalt  }
0x56: {  	_ =	shalt  }
0x57: {  	_ =	shalt  }
0x58: {  	_ =	shalt  }
0x59: {  	_ =	shalt  }
0x5a: {  	_ =	shalt  }
0x5b: {  	_ =	shalt  }
0x5c: {  	_ =	shalt  }
0x5d: {  	_ =	shalt  }
0x5e: {  	_ =	shalt  }
0x5f: {  	_ =	shalt  }
0x60: {  	_ =	shalt  }
0x61: {  	_ =	shalt  }
0x62: {  	_ =	shalt  }
0x63: {  	_ =	shalt  }
0x64: {  	_ =	shalt  }
0x65: {  	_ =	shalt  }
0x66: {  	_ =	shalt  }
0x67: {  	_ =	shalt  }
0x68: {  	_ =	shalt  }
0x69: {  	_ =	shalt  }
0x6a: {  	_ =	shalt  }
0x6b: {  	_ =	shalt  }
0x6c: {  	_ =	shalt  }
0x6d: {  	_ =	shalt  }
0x6e: {  	_ =	shalt  }
0x6f: {  	_ =	shalt  }
0x70: {  	_ =	shalt  }
0x71: {  	_ =	shalt  }
0x72: {  	_ =	shalt  }
0x73: {  	_ =	shalt  }
0x74: {  	_ =	shalt  }
0x75: {  	_ =	shalt  }
0x76: {  	_ =	shalt  }
0x77: {  	_ =	shalt  }
0x78: {  	_ =	shalt  }
0x79: {  	_ =	shalt  }
0x7a: {  	_ =	shalt  }
0x7b: {  	_ =	shalt  }
0x7c: {  	_ =	shalt  }
0x7d: {  	_ =	shalt  }
0x7e: {  	_ =	shalt  }
0x7f: {  	_ =	shalt  }
0x80: {  	_ =	shalt  }
0x81: {  	_ =	shalt  }
0x82: {  	_ =	shalt  }
0x83: {  	_ =	shalt  }
0x84: {  	_ =	shalt  }
0x85: {  	_ =	shalt  }
0x86: {  	_ =	shalt  }
0x87: {  	_ =	shalt  }
.Lfunc_end0:
.L_simem_size_0:
called_computation.5_lowered:
.L_overlay_start_0:
0x88: {  	s2 =	sld [smem:$0x3FD9]  }
0x89: {  	s3 =	sld [smem:$0x3FFE];
	_ =	sdelay $0x1  }
0x8a: {  	s1 =	srdreg.scid  }
0x8b: {  	s0 =	sand.u32 $0x1, s1  }
0x8c: {  	s16 =	sshll.u32 s0, $0xA;
	s2 =	sadd.s32 s3, s2  }
0x8d: {  	s2 =	sadd.s32 s2, s16  }
0x8e: {  	[smem:$0x3FB1] =	sst s2  }
0x8f: {  	_ = 	snop  }
0x90: {  	(tm) =	ssettm $0x1  }
0x91: {  	s17 =	sld [smem:$0x3FFB];
	_ =	sdelay $0x3  }
0x92: {  	_ =	strace s17  }
0x93: {  	s2 =	sld [smem:$0x3FFC];
	_ =	sdelay $0x3  }
0x94: {  	_ =	strace s2  }
0x95: {  	s2 =	sld [smem:$0x3FFD];
	_ =	sdelay $0x3  }
0x96: {  	_ =	strace s2  }
0x97: {  	_ =	strace $0x8FFFFFFF  }
0x98: {  	s18 =	sld [smem:$0x3FDB];
	_ =	sdelay $0x1  }
0x99: {  	s19 =	simm.s32 $_scs_section_size  }
0x9a: {  	s4 =	simm.s32 $_size__tile_overlayer_lowered;
	s5 =	simm.s32 $_tile_overlayer_lowered  }
0x9b: {  	s22 =	simm.s32 $0x1BFF;
	s21 =	sshll.u32 s5, $0x1;
	s2 =	sadd.s32 s19, s18  }
0x9c: {  	s6 =	simm.s32 $0x0;
	s20 =	sshll.u32 s4, $0x1;
	s4 =	sadd.s32 s21, s2  }
0x9d: {  	[timem:s6], [sflag:s22] =	dma.local [hbm:s4], s20  }
0x9e: {  	_ =	swait.ge [sflag:s22], s20  }
0x9f: {  	s3 =	ssub.s32 $0x0, s20;
	[sflag:s22] =	ssyncset.done $0x0  }
0xa0: {  	[sflag:s22] =	ssyncadd.s32 s3;
	_ =	sdelay $0x1  }
0xa1: {  	s23 =	simm.s32 $0x1B8B  }
0xa2: {  	_ =	swait.ge [sflag:s23], $0x1  }
0xa3: {  	[sflag:s23] =	ssyncset.done $0x0  }
0xa4: {  	s25 =	simm.s32 $0x1B8E;
	s24 =	sld [smem:$0x3FFE];
	[sflag:s23] =	ssyncadd.s32 $0xFFFFFFFF  }
0xa5: {  	s26 =	simm.s32 $execute0_lowered;
	[smem:$0x3FD2] =	sst s25  }
0xa6: {  	s4 =	sshll.u32 s26, $0x1;
	_ =	strace $0x80000055;
	[dreg:$0x1] =	wrdreg $0xFFFFFFFF  }
0xa7: {  	s28 =	simm.s32 $_size_execute0_lowered;
	s2 =	sadd.s32 s2, s4;
	[dreg:$0x0] =	wrdreg $0x0  }
0xa8: {  	s4 =	sshll.u32 s28, $0x1;
	[dreg:$0x2] =	wrdreg s2  }
0xa9: {  	[dreg:$0x3] =	wrdreg s4  }
0xaa: {  	[dreg:$0x4] =	wrdreg $0xC0  }
0xab: {  	_ =	task [dreg:s6], $0x5FFFF  }
0xac: {  	[dreg:$0x1] =	wrdreg $0xFFFFFFFF  }
0xad: {  	[dreg:$0x0] =	wrdreg $0x60  }
0xae: {  	[dreg:$0x2] =	wrdreg s24  }
0xaf: {  	[dreg:$0x3] =	wrdreg $0x84000  }
0xb0: {  	[dreg:$0x4] =	wrdreg $0x9  }
0xb1: {  	_ =	task.clear_ibuf [dreg:s6], $0x5FFFF;
	_ =	strace $0x90000055  }
0xb2: {  	s29 =	simm.s32 $0x9;
	_ =	strace $0x80000057  }
0xb3: {  	_ =	swait.ge [sflag:s29], $0x1  }
0xb4: {  	[sflag:s29] =	ssyncadd.s32 $0xFFFFFFFF  }
0xb5: {  	_ =	strace $0x90000057  }
0xb6: {  	_ =	sfence  }
0xb7: {  	s30 =	sld [smem:$0x0];
	_ =	sdelay $0x2  }
0xb8: {  	s31 =	sshll.u32 s1, $0xD;
	s1 =	sshrl.u32 s1, $0x2  }
0xb9: {  	s3 =	sand.u32 $0x4000, s31;
	s1 =	sadd.s32 s1, s30  }
0xba: {  	s0 =	sor.u32 s3, s0;
	s1 =	sshll.u32 s1, $0x11  }
0xbb: {  	s0 =	sor.u32 s1, s0  }
0xbc: {  	s0 =	sadd.s32 $0x8F2B, s0  }
0xbd: {  	[sflag:s0] =	ssyncadd.remote.s32 $0x1  }
0xbe: {  	_ =	sfence.sel $0xFFFF  }
0xbf: {  	[dreg:$0x0] =	wrdreg $0xFFFFFFFF;
	(pc) =	sbr.abs _section_cstart, $3  }
0xc0: {  	[dreg:$0x1] =	wrdreg $0xFFFFFFFF  }
0xc1: {  	_ =	task.clear_ibuf [dreg:s6], $0x2FFFF;
	_ =	strace $0x9FFFFFFF  }
0xc2: {  	(tm) =	ssettm $0x7FFFFFFF  }
0xc3: {  	_ =	shalt  }
tec
execute0_lowered:
.L_overlay_start_1:
0x0: {  	(tag) =	ssettag $0x1  }
0x1: {  	s4 =	rddreg [dreg:$0x0]  }
0x2: {  	s0 =	srdreg.scid;
	s2 =	rddreg [dreg:$0x1]  }
0x3: {  	s1 =	stileid.u32;
	s3 =	simm.s32 $0x0;
	s14 =	simm.s32 $0x1  }
0x4: {  	s15 =	simm.s32 $0x80;
	s16 =	simm.s32 $0x2;
	s17 =	simm.s32 $0x100  }
0x5: {  	s18 =	simm.s32 $0x180;
	s19 =	simm.s32 $0x200;
	s8 =	smul.u32 $0x2800, s1  }
0x6: {  	s20 =	simm.s32 $0x280;
	s21 =	simm.s32 $0x300;
	s26 =	smul.u32 $0x50000, s1  }
0x7: {  	s22 =	simm.s32 $0x380;
	s5 =	sand.u32 $0x1, s0;
	s12 =	smul.u32 $0xA00, s1  }
0x8: {  	s23 =	simm.s32 $0x0;
	s0 =	rddreg [dreg:$0x2];
	s6 =	smul.u32 $0x500000, s5  }
0x9: {  	[smem:$0x7FF] =	sst s3;
	s30 =	sshll.u32 s1, $0x6;
	s7 =	smul.u32 $0xA000, s5  }
0xa: {  	s9 =	smul.u32 $0x28000, s5;
	_ =	strace $0x80000056;
	s5 =	ssub.s32 $0x2, s5  }
0xb: {  	s28 =	sshrl.u32 s5, $0x1;
	s29 =	sshrl.u32 s26, $0x2;
	s10 =	sadd.s32 s6, s4  }
0xc: {  	s7 =	sadd.s32 s7, s4;
	s25 =	sadd.s32 s8, s9;
	s8 =	sadd.s32 s8, s4  }
0xd: {  	s11 =	ssub.s32 s5, s28;
	s13 =	sadd.s32 s29, s2;
	s5 =	sor.u32 $0x1C03, s30  }
0xe: {  	s6 =	sadd.s32 s25, s4;
	s4 =	sadd.s32 $0x67400, s8;
	s31 =	sadd.s32 s12, s7  }
0xf: {  	s7 =	smax.u32 s11, $0x1;
	s9 =	sadd.s32 s26, s10;
	s10 =	sshrl.u32 s13, $0x3  }
0x10: {  	s11 =	simm.s32 $0x3;
	s12 =	simm.s32 $0x400;
	s6 =	sadd.s32 $0xADD600, s6  }
0x11: {  	s13 =	simm.s32 $0x4400;
	s8 =	sadd.s32 $0xAC9600, s31;
	s9 =	sadd.s32 $0x8F400, s9  }
.LBB2_1:
0x12: {  	[spmem:s10], [sflag:s5] =	dma.local [hbm:s4], $0x2800  }
0x13: {  	_ =	swait.ge [sflag:s11], $0x2800  }
0x14: {  	[sflag:s11] =	ssyncset.done $0x0  }
0x15: {  	[sflag:s11] =	ssyncadd.s32 $0xFFFFD800  }
0x16: {  	[bflag:$0x0] =	sbarrier.arrive $0xFFFF  }
0x17: {  	[tilespmem:s3], [sflag:$0x3] =	stream.linear.gather [hbm4b:s8+s3], $0x400, $0x38;
	[tilespmem:$0x1C400] =	vst v63  }
0x18: {  	_ =	swait.ge [sflag:s11], $0x400  }
0x19: {  	[sflag:s11] =	ssyncset.done $0x0  }
0x1a: {  	s24 =	sadd.s32 $0x0, s9;
	[sflag:s11] =	ssyncadd.s32 $0xFFFFFC00  }
0x1b: {  	[tilespmem:s12], [sflag:$0x1] =	stream.linear.gather [hbm4b:s24+s3], $0x4000, $0x38;
	[tilespmem:$0x1C400] =	vst v63  }
0x1c: {  	s25 =	sadd.s32 $0x800, s24  }
0x1d: {  	[tilespmem:s13], [sflag:$0x1] =	stream.linear.gather [hbm4b:s25+s3], $0x4000, $0x38;
	[tilespmem:$0x1C400] =	vst v63  }
0x1e: {  	_ =	swait.ge [sflag:s14], $0x4000  }
0x1f: {  	[sflag:s14] =	ssyncset.done $0x0  }
0x20: {  	[sflag:s14] =	ssyncadd.s32 $0xFFFFC000  }
0x21: {  	[spmem:s2] =	stream.indirect.scatter.add.f32 [tilespmem:s12], [sflag:$0x2], $0x80, s3, s15, $0xb8;
	[tilespmem:$0x1C400] =	vst v63  }
0x22: {  	_ =	swait.ge [sflag:s16], $0x4000  }
0x23: {  	[sflag:s16] =	ssyncset.done $0x0  }
0x24: {  	s26 =	sadd.s32 $0x1000, s24;
	[sflag:s16] =	ssyncadd.s32 $0xFFFFC000  }
0x25: {  	[tilespmem:s12], [sflag:$0x1] =	stream.linear.gather [hbm4b:s26+s3], $0x4000, $0x38;
	[tilespmem:$0x1C400] =	vst v63  }
0x26: {  	_ =	swait.ge [sflag:s14], $0x4000  }
0x27: {  	[sflag:s14] =	ssyncset.done $0x0  }
0x28: {  	[sflag:s14] =	ssyncadd.s32 $0xFFFFC000  }
0x29: {  	[spmem:s2] =	stream.indirect.scatter.add.f32 [tilespmem:s13], [sflag:$0x2], $0x80, s15, s15, $0xb8;
	[tilespmem:$0x1C400] =	vst v63  }
0x2a: {  	_ =	swait.ge [sflag:s16], $0x4000  }
0x2b: {  	[sflag:s16] =	ssyncset.done $0x0  }
0x2c: {  	s28 =	sadd.s32 $0x1800, s24;
	[sflag:s16] =	ssyncadd.s32 $0xFFFFC000  }
0x2d: {  	[tilespmem:s13], [sflag:$0x1] =	stream.linear.gather [hbm4b:s28+s3], $0x4000, $0x38;
	[tilespmem:$0x1C400] =	vst v63  }
0x2e: {  	_ =	swait.ge [sflag:s14], $0x4000  }
0x2f: {  	[sflag:s14] =	ssyncset.done $0x0  }
0x30: {  	[sflag:s14] =	ssyncadd.s32 $0xFFFFC000  }
0x31: {  	[spmem:s2] =	stream.indirect.scatter.add.f32 [tilespmem:s12], [sflag:$0x2], $0x80, s17, s15, $0xb8;
	[tilespmem:$0x1C400] =	vst v63  }
0x32: {  	_ =	swait.ge [sflag:s16], $0x4000  }
0x33: {  	[sflag:s16] =	ssyncset.done $0x0  }
0x34: {  	s29 =	sadd.s32 $0x2000, s24;
	[sflag:s16] =	ssyncadd.s32 $0xFFFFC000  }
0x35: {  	[tilespmem:s12], [sflag:$0x1] =	stream.linear.gather [hbm4b:s29+s3], $0x4000, $0x38;
	[tilespmem:$0x1C400] =	vst v63  }
0x36: {  	_ =	swait.ge [sflag:s14], $0x4000  }
0x37: {  	[sflag:s14] =	ssyncset.done $0x0  }
0x38: {  	[sflag:s14] =	ssyncadd.s32 $0xFFFFC000  }
0x39: {  	[spmem:s2] =	stream.indirect.scatter.add.f32 [tilespmem:s13], [sflag:$0x2], $0x80, s18, s15, $0xb8;
	[tilespmem:$0x1C400] =	vst v63  }
0x3a: {  	_ =	swait.ge [sflag:s16], $0x4000  }
0x3b: {  	[sflag:s16] =	ssyncset.done $0x0  }
0x3c: {  	s30 =	sadd.s32 $0x2800, s24;
	[sflag:s16] =	ssyncadd.s32 $0xFFFFC000  }
0x3d: {  	[tilespmem:s13], [sflag:$0x1] =	stream.linear.gather [hbm4b:s30+s3], $0x4000, $0x38;
	[tilespmem:$0x1C400] =	vst v63  }
0x3e: {  	_ =	swait.ge [sflag:s14], $0x4000  }
0x3f: {  	[sflag:s14] =	ssyncset.done $0x0  }
0x40: {  	[sflag:s14] =	ssyncadd.s32 $0xFFFFC000  }
0x41: {  	[spmem:s2] =	stream.indirect.scatter.add.f32 [tilespmem:s12], [sflag:$0x2], $0x80, s19, s15, $0xb8;
	[tilespmem:$0x1C400] =	vst v63  }
0x42: {  	_ =	swait.ge [sflag:s16], $0x4000  }
0x43: {  	[sflag:s16] =	ssyncset.done $0x0  }
0x44: {  	s31 =	sadd.s32 $0x3000, s24;
	[sflag:s16] =	ssyncadd.s32 $0xFFFFC000  }
0x45: {  	[tilespmem:s12], [sflag:$0x1] =	stream.linear.gather [hbm4b:s31+s3], $0x4000, $0x38;
	[tilespmem:$0x1C400] =	vst v63  }
0x46: {  	_ =	swait.ge [sflag:s14], $0x4000  }
0x47: {  	[sflag:s14] =	ssyncset.done $0x0  }
0x48: {  	[sflag:s14] =	ssyncadd.s32 $0xFFFFC000  }
0x49: {  	[spmem:s2] =	stream.indirect.scatter.add.f32 [tilespmem:s13], [sflag:$0x2], $0x80, s20, s15, $0xb8;
	[tilespmem:$0x1C400] =	vst v63  }
0x4a: {  	_ =	swait.ge [sflag:s16], $0x4000  }
0x4b: {  	[sflag:s16] =	ssyncset.done $0x0  }
0x4c: {  	s24 =	sadd.s32 $0x3800, s24;
	[sflag:s16] =	ssyncadd.s32 $0xFFFFC000  }
0x4d: {  	[tilespmem:s13], [sflag:$0x1] =	stream.linear.gather [hbm4b:s24+s3], $0x4000, $0x38;
	[tilespmem:$0x1C400] =	vst v63  }
0x4e: {  	_ =	swait.ge [sflag:s14], $0x4000  }
0x4f: {  	[sflag:s14] =	ssyncset.done $0x0  }
0x50: {  	[sflag:s14] =	ssyncadd.s32 $0xFFFFC000  }
0x51: {  	[spmem:s2] =	stream.indirect.scatter.add.f32 [tilespmem:s12], [sflag:$0x2], $0x80, s21, s15, $0xb8;
	[tilespmem:$0x1C400] =	vst v63  }
0x52: {  	_ =	swait.ge [sflag:s14], $0x4000  }
0x53: {  	[sflag:s14] =	ssyncset.done $0x0  }
0x54: {  	[sflag:s14] =	ssyncadd.s32 $0xFFFFC000  }
0x55: {  	[spmem:s2] =	stream.indirect.scatter.add.f32 [tilespmem:s13], [sflag:$0x2], $0x80, s22, s15, $0xb8;
	[tilespmem:$0x1C400] =	vst v63  }
0x56: {  	_ =	swait.ge [sflag:s16], $0x4000  }
0x57: {  	[sflag:s16] =	ssyncset.done $0x0  }
0x58: {  	[sflag:s16] =	ssyncadd.s32 $0xFFFFC000  }
0x59: {  	_ =	swait.ge [sflag:s16], $0x4000  }
0x5a: {  	s25 =	smov.u32 s8;
	s24 =	simm.s32 $0x4000;
	[sflag:s16] =	ssyncset.done $0x0  }
.LBB2_2:
0x5b: {  	p0 =	sne.s32 s24, $0x4C000;
	[sflag:s16] =	ssyncadd.s32 $0xFFFFC000;
	s25 =	sadd.s32 $0x80, s25  }
0x5c: {  	[tilespmem:s3], [sflag:$0x3] =	stream.linear.gather [hbm4b:s25+s3], $0x400, $0x38;
	[tilespmem:$0x1C400] =	vst v63  }
0x5d: {  	s26 =	smov.u32 s24;
	s24 =	sadd.s32 $0x4000, s24;
	_ =	swait.ge [sflag:s11], $0x400  }
0x5e: {  	[sflag:s11] =	ssyncset.done $0x0  }
0x5f: {  	s26 =	sadd.s32 s26, s9;
	[sflag:s11] =	ssyncadd.s32 $0xFFFFFC00  }
0x60: {  	[tilespmem:s12], [sflag:$0x1] =	stream.linear.gather [hbm4b:s26+s3], $0x4000, $0x38;
	[tilespmem:$0x1C400] =	vst v63  }
0x61: {  	s28 =	sadd.s32 $0x800, s26  }
0x62: {  	[tilespmem:s13], [sflag:$0x1] =	stream.linear.gather [hbm4b:s28+s3], $0x4000, $0x38;
	[tilespmem:$0x1C400] =	vst v63  }
0x63: {  	_ =	swait.ge [sflag:s14], $0x4000  }
0x64: {  	[sflag:s14] =	ssyncset.done $0x0  }
0x65: {  	[sflag:s14] =	ssyncadd.s32 $0xFFFFC000  }
0x66: {  	[spmem:s2] =	stream.indirect.scatter.add.f32 [tilespmem:s12], [sflag:$0x2], $0x80, s3, s15, $0xb8;
	[tilespmem:$0x1C400] =	vst v63  }
0x67: {  	_ =	swait.ge [sflag:s16], $0x4000  }
0x68: {  	[sflag:s16] =	ssyncset.done $0x0  }
0x69: {  	s28 =	sadd.s32 $0x1000, s26;
	[sflag:s16] =	ssyncadd.s32 $0xFFFFC000  }
0x6a: {  	[tilespmem:s12], [sflag:$0x1] =	stream.linear.gather [hbm4b:s28+s3], $0x4000, $0x38;
	[tilespmem:$0x1C400] =	vst v63  }
0x6b: {  	_ =	swait.ge [sflag:s14], $0x4000  }
0x6c: {  	[sflag:s14] =	ssyncset.done $0x0  }
0x6d: {  	[sflag:s14] =	ssyncadd.s32 $0xFFFFC000  }
0x6e: {  	[spmem:s2] =	stream.indirect.scatter.add.f32 [tilespmem:s13], [sflag:$0x2], $0x80, s15, s15, $0xb8;
	[tilespmem:$0x1C400] =	vst v63  }
0x6f: {  	_ =	swait.ge [sflag:s16], $0x4000  }
0x70: {  	[sflag:s16] =	ssyncset.done $0x0  }
0x71: {  	s28 =	sadd.s32 $0x1800, s26;
	[sflag:s16] =	ssyncadd.s32 $0xFFFFC000  }
0x72: {  	[tilespmem:s13], [sflag:$0x1] =	stream.linear.gather [hbm4b:s28+s3], $0x4000, $0x38;
	[tilespmem:$0x1C400] =	vst v63  }
0x73: {  	_ =	swait.ge [sflag:s14], $0x4000  }
0x74: {  	[sflag:s14] =	ssyncset.done $0x0  }
0x75: {  	[sflag:s14] =	ssyncadd.s32 $0xFFFFC000  }
0x76: {  	[spmem:s2] =	stream.indirect.scatter.add.f32 [tilespmem:s12], [sflag:$0x2], $0x80, s17, s15, $0xb8;
	[tilespmem:$0x1C400] =	vst v63  }
0x77: {  	_ =	swait.ge [sflag:s16], $0x4000  }
0x78: {  	[sflag:s16] =	ssyncset.done $0x0  }
0x79: {  	s28 =	sadd.s32 $0x2000, s26;
	[sflag:s16] =	ssyncadd.s32 $0xFFFFC000  }
0x7a: {  	[tilespmem:s12], [sflag:$0x1] =	stream.linear.gather [hbm4b:s28+s3], $0x4000, $0x38;
	[tilespmem:$0x1C400] =	vst v63  }
0x7b: {  	_ =	swait.ge [sflag:s14], $0x4000  }
0x7c: {  	[sflag:s14] =	ssyncset.done $0x0  }
0x7d: {  	[sflag:s14] =	ssyncadd.s32 $0xFFFFC000  }
0x7e: {  	[spmem:s2] =	stream.indirect.scatter.add.f32 [tilespmem:s13], [sflag:$0x2], $0x80, s18, s15, $0xb8;
	[tilespmem:$0x1C400] =	vst v63  }
0x7f: {  	_ =	swait.ge [sflag:s16], $0x4000  }
0x80: {  	[sflag:s16] =	ssyncset.done $0x0  }
0x81: {  	s28 =	sadd.s32 $0x2800, s26;
	[sflag:s16] =	ssyncadd.s32 $0xFFFFC000  }
0x82: {  	[tilespmem:s13], [sflag:$0x1] =	stream.linear.gather [hbm4b:s28+s3], $0x4000, $0x38;
	[tilespmem:$0x1C400] =	vst v63  }
0x83: {  	_ =	swait.ge [sflag:s14], $0x4000  }
0x84: {  	[sflag:s14] =	ssyncset.done $0x0  }
0x85: {  	[sflag:s14] =	ssyncadd.s32 $0xFFFFC000  }
0x86: {  	[spmem:s2] =	stream.indirect.scatter.add.f32 [tilespmem:s12], [sflag:$0x2], $0x80, s19, s15, $0xb8;
	[tilespmem:$0x1C400] =	vst v63  }
0x87: {  	_ =	swait.ge [sflag:s16], $0x4000  }
0x88: {  	[sflag:s16] =	ssyncset.done $0x0  }
0x89: {  	s28 =	sadd.s32 $0x3000, s26;
	[sflag:s16] =	ssyncadd.s32 $0xFFFFC000  }
0x8a: {  	[tilespmem:s12], [sflag:$0x1] =	stream.linear.gather [hbm4b:s28+s3], $0x4000, $0x38;
	[tilespmem:$0x1C400] =	vst v63  }
0x8b: {  	_ =	swait.ge [sflag:s14], $0x4000  }
0x8c: {  	[sflag:s14] =	ssyncset.done $0x0  }
0x8d: {  	[sflag:s14] =	ssyncadd.s32 $0xFFFFC000  }
0x8e: {  	[spmem:s2] =	stream.indirect.scatter.add.f32 [tilespmem:s13], [sflag:$0x2], $0x80, s20, s15, $0xb8;
	[tilespmem:$0x1C400] =	vst v63  }
0x8f: {  	_ =	swait.ge [sflag:s16], $0x4000  }
0x90: {  	[sflag:s16] =	ssyncset.done $0x0  }
0x91: {  	s26 =	sadd.s32 $0x3800, s26;
	[sflag:s16] =	ssyncadd.s32 $0xFFFFC000  }
0x92: {  	[tilespmem:s13], [sflag:$0x1] =	stream.linear.gather [hbm4b:s26+s3], $0x4000, $0x38;
	[tilespmem:$0x1C400] =	vst v63  }
0x93: {  	_ =	swait.ge [sflag:s14], $0x4000  }
0x94: {  	[sflag:s14] =	ssyncset.done $0x0  }
0x95: {  	[sflag:s14] =	ssyncadd.s32 $0xFFFFC000  }
0x96: {  	[spmem:s2] =	stream.indirect.scatter.add.f32 [tilespmem:s12], [sflag:$0x2], $0x80, s21, s15, $0xb8;
	[tilespmem:$0x1C400] =	vst v63  }
0x97: {  	_ =	swait.ge [sflag:s14], $0x4000  }
0x98: {  	[sflag:s14] =	ssyncset.done $0x0  }
0x99: {  	[sflag:s14] =	ssyncadd.s32 $0xFFFFC000  }
0x9a: {  	[spmem:s2] =	stream.indirect.scatter.add.f32 [tilespmem:s13], [sflag:$0x2], $0x80, s22, s15, $0xb8;
	[tilespmem:$0x1C400] =	vst v63  }
.Ltmp0:
0x9b: {  	_ =	swait.ge [sflag:s16], $0x4000;
	(pc) =	sbr.rel @p0 .LBB2_2-.Ltmp0, $4  }
0x9c: {  	[sflag:s16] =	ssyncset.done $0x0  }
0x9d: {  	[sflag:s16] =	ssyncadd.s32 $0xFFFFC000  }
0x9e: {  	_ =	swait.ge [sflag:s16], $0x4000  }
0x9f: {  	[sflag:s16] =	ssyncset.done $0x0  }
0xa0: {  	s23 =	sadd.s32 $0x1, s23  }
0xa1: {  	[sflag:s16] =	ssyncadd.s32 $0xFFFFC000;
	p0 =	sne.s32 s23, s7  }
.Ltmp1:
0xa2: {  	[bflag:$0x0] =	sbarrier.arrive $0xFFFF;
	(pc) =	sbr.rel @p0 .LBB2_1-.Ltmp1, $4  }
0xa3: {  	[hbm:s6], [sflag:s5] =	dma.local [spmem:s10], $0x2800  }
0xa4: {  	_ =	swait.ge [sflag:s11], $0x2800  }
0xa5: {  	[sflag:s11] =	ssyncset.done $0x0  }
0xa6: {  	[sflag:s11] =	ssyncadd.s32 $0xFFFFD800  }
0xa7: {  	_ =	sfence.sel $0x180000  }
0xa8: {  	[bflag:$0x0] =	sbarrier.arrive $0xFFFF  }
0xa9: {  	p0 =	sne.s32 s1, $0x0;
	_ =	strace $0x90000056  }
0xaa: {  	s0 =	sadd.s32 @!p0 $0x100000, s0;
	[bflag:$0x2] =	sbarrier.arrive $0xFFFF  }
0xab: {  	[sflag:s0] =	ssyncadd.tile.s32 @!p0 $0x1;
	_ =	shalt  }
.Lfunc_end2:
_tile_overlayer_lowered:
.L_overlay_start_2:
0xac: {  	(tag) =	ssettag $0x2  }
0xad: {  	s0 =	rddreg [dreg:$0x0];
	s2 =	stileid.u32  }
0xae: {  	s1 =	rddreg [dreg:$0x1];
	p0 =	sne.s32 s2, $0x0  }
0xaf: {  	s3 =	rddreg [dreg:$0x2];
	[bflag:$0x3] =	sbarrier.arrive $0xFFFF;
	s2 =	simm.s32 @!p0 $0x1C03  }
0xb0: {  	[timem:s3], [sflag:s2] =	dma.local @!p0 [hbm:s0], s1  }
0xb1: {  	s0 =	simm.s32 @!p0 $0x3  }
0xb2: {  	_ =	swait.ge @!p0 [sflag:s0], s1  }
0xb3: {  	s1 =	ssub.s32 @!p0 $0x0, s1;
	[sflag:s0] =	ssyncset.done @!p0 $0x0  }
0xb4: {  	[sflag:s0] =	ssyncadd.s32 @!p0 s1  }
0xb5: {  	[bflag:$0x3] =	sbarrier.arrive $0xFFFF  }
0xb6: {  	_ =	shalt  }

// kernel: kernel.37.cloned.1.call-start
scs
__scs_entry_jumppad:
0x0: {  	(pc) =	sbr.rel $0x88, $3  }
0x1: {  	(tag) =	ssettag $0x0;
	lr =	simm.s32 $0x1  }
0x2: {  	[smem:$0x3F8A] =	sst lr;
	_ =	strace $0xD0000000  }
0x3: {  	_ = 	snop  }
0x4: {  	_ = 	snop  }
0x5: {  	_ = 	snop  }
0x6: {  	_ = 	snop  }
0x7: {  	_ = 	snop  }
__scs_overlays_trampoline_lowered:
0x8: {  	[smem:$0x3F99] =	sst s0  }
0x9: {  	[smem:$0x3F9A] =	sst s1  }
0xa: {  	[smem:$0x3F9B] =	sst s2  }
0xb: {  	[smem:$0x3F9C] =	sst s3  }
0xc: {  	[smem:$0x3F9D] =	sst s4  }
0xd: {  	[smem:$0x3F9E] =	sst s5  }
0xe: {  	[smem:$0x3F9F] =	sst s6  }
0xf: {  	[smem:$0x3FA0] =	sst s7  }
0x10: {  	[smem:$0x3FA1] =	sst s8  }
0x11: {  	[smem:$0x3FA2] =	sst s9;
	s0 =	simm.s32 @!p0 $0x0  }
0x12: {  	s1 =	sld [smem:$0x3F88];
	s0 =	simm.s32 @p0 $0x1  }
0x13: {  	[smem:$0x3FA3] =	sst s0;
	s0 =	simm.s32 @!p1 $0x0  }
0x14: {  	s2 =	sld [smem:$0x3F87];
	s0 =	simm.s32 @p1 $0x1  }
0x15: {  	[smem:$0x3FA4] =	sst s0;
	s0 =	simm.s32 @!p2 $0x0  }
0x16: {  	s3 =	sld [smem:$0x3FDB];
	s0 =	simm.s32 @p2 $0x1  }
0x17: {  	s4 =	simm.s32 $0x1BF5;
	[smem:$0x3FA6] =	sst s0  }
0x18: {  	s0 =	sld [smem:$0x3F89];
	_ =	swait.ge [sflag:s4], $0x0  }
0x19: {  	s7 =	sld [smem:$0x3F8A]  }
0x1a: {  	s8 =	sadd.s32 $0xFFFFE003, lr  }
0x1b: {  	s9 =	sadd.s32 $0xFFFFFEF7, lr;
	s5 =	simm.s32 $0xFFFFFFFF;
	p2 =	slt.u32 s8, $0xFFFFF086  }
0x1c: {  	p1 =	slt.u32 s9, $0xF7A;
	s5 =	simm.s32 @!p2 $0x0  }
0x1d: {  	s5 =	simm.s32 @p1 $0x1;
	p0 =	seq.s32 s7, s2  }
0x1e: {  	s7 =	smul.u32 @!p0 $0xF7A, s2;
	p2 =	seq.s32 @!p0 s5, $0x0  }
0x1f: {  	s9 =	smul.u32 $0xF7A, s1;
	s8 =	simm.s32 @!p0 $0x1BF5;
	p2 =	por !p2, p0  }
0x20: {  	[sflag:s8] =	ssyncset.s32 @!p0 $0xFFFFF086;
	s6 =	sadd.s32 @!p0 s3, s7;
	s7 =	simm.s32 @!p0 $0x108  }
0x21: {  	s3 =	sadd.s32 s3, s9;
	s6 =	sadd.s32 @!p0 $0x88, s6;
	s7 =	simm.s32 @p2 $0x1082  }
0x22: {  	[simem:s7], [sflag:s8] =	dma.local @!p0 [hbm:s6], $0xF7A  }
0x23: {  	s9 =	sor.u32 $0xD0000000, s2;
	s6 =	simm.s32 $0x108;
	_ =	swait.ge @!p0 [sflag:s8], $0x0  }
0x24: {  	s3 =	sadd.s32 $0x88, s3;
	s6 =	simm.s32 @!p1 $0x1082;
	[sflag:s4] =	ssyncset.s32 $0xFFFFF086  }
0x25: {  	[simem:s6], [sflag:s4] =	dma.local [hbm:s3], $0xF7A  }
0x26: {  	[smem:$0x3F8A] =	sst s1;
	(tag) =	ssettag s2;
	_ =	strace s9  }
0x27: {  	s1 =	sld [smem:$0x3F9A]  }
0x28: {  	s2 =	sld [smem:$0x3F9B]  }
0x29: {  	s4 =	sld [smem:$0x3F9D]  }
0x2a: {  	p0 =	seq.s32 s5, $0x0;
	s5 =	sld [smem:$0x3F9E]  }
0x2b: {  	s6 =	sld [smem:$0x3F9F]  }
0x2c: {  	s7 =	sld [smem:$0x3FA0]  }
0x2d: {  	s3 =	simm.s32 $0x108;
	s8 =	sld [smem:$0x3FA1]  }
0x2e: {  	s3 =	simm.s32 @!p0 $0x1082;
	s9 =	sld [smem:$0x3FA2]  }
0x2f: {  	lr =	sadd.s32 s0, s3;
	s0 =	sld [smem:$0x3F99]  }
0x30: {  	s3 =	sld [smem:$0x3F9C]  }
0x31: {  	[smem:$0x3FA5] =	sst s10  }
0x32: {  	s10 =	sld [smem:$0x3FA3];
	_ =	sdelay $0x3  }
0x33: {  	p0 =	seq.s32 s10, $0x1;
	s10 =	sld [smem:$0x3FA5];
	_ =	sdelay $0x3  }
0x34: {  	[smem:$0x3FA5] =	sst s10  }
0x35: {  	s10 =	sld [smem:$0x3FA4];
	_ =	sdelay $0x3  }
0x36: {  	p1 =	seq.s32 s10, $0x1;
	s10 =	sld [smem:$0x3FA5];
	_ =	sdelay $0x3  }
0x37: {  	[smem:$0x3FA5] =	sst s10  }
0x38: {  	s10 =	sld [smem:$0x3FA6]  }
0x39: {  	_ = 	snop;
	(pc) =	sbr.ind lr, $3  }
0x3a: {  	_ = 	snop  }
0x3b: {  	_ = 	snop  }
0x3c: {  	p2 =	seq.s32 s10, $0x1;
	s10 =	sld [smem:$0x3FA5]  }
0x3d: {  	_ =	shalt  }
0x3e: {  	_ =	shalt  }
0x3f: {  	_ =	shalt  }
0x40: {  	_ =	shalt  }
0x41: {  	_ =	shalt  }
0x42: {  	_ =	shalt  }
0x43: {  	_ =	shalt  }
0x44: {  	_ =	shalt  }
0x45: {  	_ =	shalt  }
0x46: {  	_ =	shalt  }
0x47: {  	_ =	shalt  }
0x48: {  	_ =	shalt  }
0x49: {  	_ =	shalt  }
0x4a: {  	_ =	shalt  }
0x4b: {  	_ =	shalt  }
0x4c: {  	_ =	shalt  }
0x4d: {  	_ =	shalt  }
0x4e: {  	_ =	shalt  }
0x4f: {  	_ =	shalt  }
0x50: {  	_ =	shalt  }
0x51: {  	_ =	shalt  }
0x52: {  	_ =	shalt  }
0x53: {  	_ =	shalt  }
0x54: {  	_ =	shalt  }
0x55: {  	_ =	shalt  }
0x56: {  	_ =	shalt  }
0x57: {  	_ =	shalt  }
0x58: {  	_ =	shalt  }
0x59: {  	_ =	shalt  }
0x5a: {  	_ =	shalt  }
0x5b: {  	_ =	shalt  }
0x5c: {  	_ =	shalt  }
0x5d: {  	_ =	shalt  }
0x5e: {  	_ =	shalt  }
0x5f: {  	_ =	shalt  }
0x60: {  	_ =	shalt  }
0x61: {  	_ =	shalt  }
0x62: {  	_ =	shalt  }
0x63: {  	_ =	shalt  }
0x64: {  	_ =	shalt  }
0x65: {  	_ =	shalt  }
0x66: {  	_ =	shalt  }
0x67: {  	_ =	shalt  }
0x68: {  	_ =	shalt  }
0x69: {  	_ =	shalt  }
0x6a: {  	_ =	shalt  }
0x6b: {  	_ =	shalt  }
0x6c: {  	_ =	shalt  }
0x6d: {  	_ =	shalt  }
0x6e: {  	_ =	shalt  }
0x6f: {  	_ =	shalt  }
0x70: {  	_ =	shalt  }
0x71: {  	_ =	shalt  }
0x72: {  	_ =	shalt  }
0x73: {  	_ =	shalt  }
0x74: {  	_ =	shalt  }
0x75: {  	_ =	shalt  }
0x76: {  	_ =	shalt  }
0x77: {  	_ =	shalt  }
0x78: {  	_ =	shalt  }
0x79: {  	_ =	shalt  }
0x7a: {  	_ =	shalt  }
0x7b: {  	_ =	shalt  }
0x7c: {  	_ =	shalt  }
0x7d: {  	_ =	shalt  }
0x7e: {  	_ =	shalt  }
0x7f: {  	_ =	shalt  }
0x80: {  	_ =	shalt  }
0x81: {  	_ =	shalt  }
0x82: {  	_ =	shalt  }
0x83: {  	_ =	shalt  }
0x84: {  	_ =	shalt  }
0x85: {  	_ =	shalt  }
0x86: {  	_ =	shalt  }
0x87: {  	_ =	shalt  }
.Lfunc_end0:
.L_simem_size_0:
called_computation.6_lowered:
.L_overlay_start_0:
0x88: {  	s2 =	sld [smem:$0x3FD9]  }
0x89: {  	s3 =	sld [smem:$0x3FFE];
	_ =	sdelay $0x1  }
0x8a: {  	s1 =	srdreg.scid  }
0x8b: {  	s0 =	sand.u32 $0x1, s1  }
0x8c: {  	s14 =	sshll.u32 s0, $0xA;
	s2 =	sadd.s32 s3, s2  }
0x8d: {  	s2 =	sadd.s32 s2, s14  }
0x8e: {  	[smem:$0x3FB1] =	sst s2  }
0x8f: {  	_ = 	snop  }
0x90: {  	s2 =	sld [smem:$0x3FD0];
	_ =	sdelay $0x2  }
0x91: {  	s15 =	simm.s32 $0xA;
	s4 =	simm.s32 $0x10  }
0x92: {  	[smem:s4], [sflag:s15] =	dma.local [hbm:s2], $0x1  }
0x93: {  	_ =	swait.eq [sflag:s15], $0x1  }
0x94: {  	[sflag:s15] =	ssyncset.done $0x0  }
0x95: {  	[sflag:s15] =	ssyncadd.s32 $0xFFFFFFFF  }
0x96: {  	s16 =	sld [smem:$0x10];
	(tm) =	ssettm $0x1  }
0x97: {  	s17 =	sld [smem:$0x3FFB];
	_ =	sdelay $0x3  }
0x98: {  	_ =	strace s17  }
0x99: {  	s3 =	sld [smem:$0x3FFC];
	_ =	sdelay $0x3  }
0x9a: {  	_ =	strace s3  }
0x9b: {  	s3 =	sld [smem:$0x3FFD];
	_ =	sdelay $0x3  }
0x9c: {  	_ =	strace s3  }
0x9d: {  	_ =	strace $0x8FFFFFFF  }
0x9e: {  	s18 =	sld [smem:$0x3FDB];
	_ =	sdelay $0x1  }
0x9f: {  	s19 =	simm.s32 $_scs_section_size  }
0xa0: {  	s5 =	simm.s32 $_size__tile_overlayer_lowered;
	s6 =	simm.s32 $_tile_overlayer_lowered  }
0xa1: {  	s22 =	simm.s32 $0x1BFF;
	s21 =	sshll.u32 s6, $0x1;
	s3 =	sadd.s32 s19, s18  }
0xa2: {  	s7 =	simm.s32 $0x0;
	s20 =	sshll.u32 s5, $0x1;
	s5 =	sadd.s32 s21, s3  }
0xa3: {  	[timem:s7], [sflag:s22] =	dma.local [hbm:s5], s20  }
0xa4: {  	_ =	swait.ge [sflag:s22], s20  }
0xa5: {  	s4 =	ssub.s32 $0x0, s20;
	[sflag:s22] =	ssyncset.done $0x0  }
0xa6: {  	[sflag:s22] =	ssyncadd.s32 s4;
	_ =	sdelay $0x1  }
0xa7: {  	s23 =	simm.s32 $0x1B8B  }
0xa8: {  	_ =	swait.ge [sflag:s23], $0x1  }
0xa9: {  	[sflag:s23] =	ssyncset.done $0x0  }
0xaa: {  	s25 =	simm.s32 $0x1B8E;
	s24 =	sld [smem:$0x3FFE];
	[sflag:s23] =	ssyncadd.s32 $0xFFFFFFFF  }
0xab: {  	s26 =	simm.s32 $execute0_lowered;
	[smem:$0x3FD2] =	sst s25  }
0xac: {  	s5 =	sshll.u32 s26, $0x1;
	_ =	strace $0x80000058;
	[dreg:$0x1] =	wrdreg $0xFFFFFFFF  }
0xad: {  	s28 =	simm.s32 $_size_execute0_lowered;
	s3 =	sadd.s32 s3, s5;
	[dreg:$0x0] =	wrdreg $0x0  }
0xae: {  	s5 =	sshll.u32 s28, $0x1;
	[dreg:$0x2] =	wrdreg s3  }
0xaf: {  	[dreg:$0x3] =	wrdreg s5  }
0xb0: {  	[dreg:$0x4] =	wrdreg $0xC0  }
0xb1: {  	_ =	task [dreg:s7], $0x5FFFF  }
0xb2: {  	[dreg:$0x1] =	wrdreg $0xFFFFFFFF  }
0xb3: {  	[dreg:$0x0] =	wrdreg $0x60  }
0xb4: {  	[dreg:$0x2] =	wrdreg s24  }
0xb5: {  	[dreg:$0x3] =	wrdreg s16  }
0xb6: {  	[dreg:$0x4] =	wrdreg $0x84000  }
0xb7: {  	[dreg:$0x5] =	wrdreg $0x9  }
0xb8: {  	_ =	task.clear_ibuf [dreg:s7], $0x6FFFF;
	_ =	strace $0x90000058  }
0xb9: {  	s29 =	simm.s32 $0x9;
	_ =	strace $0x8000005A  }
0xba: {  	_ =	swait.ge [sflag:s29], $0x1  }
0xbb: {  	[sflag:s29] =	ssyncadd.s32 $0xFFFFFFFF  }
0xbc: {  	_ =	strace $0x9000005A  }
0xbd: {  	_ =	sfence  }
0xbe: {  	s30 =	sld [smem:$0x0];
	_ =	sdelay $0x2  }
0xbf: {  	s31 =	sshll.u32 s1, $0xD;
	s1 =	sshrl.u32 s1, $0x2  }
0xc0: {  	s3 =	sand.u32 $0x4000, s31;
	s1 =	sadd.s32 s1, s30  }
0xc1: {  	s0 =	sor.u32 s3, s0;
	s1 =	sshll.u32 s1, $0x11  }
0xc2: {  	s0 =	sor.u32 s1, s0  }
0xc3: {  	s0 =	sadd.s32 $0x8F2B, s0  }
0xc4: {  	[sflag:s0] =	ssyncadd.remote.s32 $0x1  }
0xc5: {  	_ =	sfence.sel $0xFFFF  }
0xc6: {  	[dreg:$0x0] =	wrdreg $0xFFFFFFFF;
	(pc) =	sbr.abs _section_cstart, $3  }
0xc7: {  	[dreg:$0x1] =	wrdreg $0xFFFFFFFF  }
0xc8: {  	_ =	task.clear_ibuf [dreg:s7], $0x2FFFF;
	_ =	strace $0x9FFFFFFF  }
0xc9: {  	(tm) =	ssettm $0x7FFFFFFF  }
tec
execute0_lowered:
.L_overlay_start_1:
0x0: {  	(tag) =	ssettag $0x1  }
0x1: {  	s4 =	rddreg [dreg:$0x0]  }
0x2: {  	s0 =	srdreg.scid;
	s14 =	rddreg [dreg:$0x1]  }
0x3: {  	s2 =	rddreg [dreg:$0x2];
	s1 =	stileid.u32;
	s3 =	simm.s32 $0x0  }
0x4: {  	s20 =	simm.s32 $0x4400;
	s21 =	simm.s32 $0x1;
	s22 =	simm.s32 $0x80  }
0x5: {  	s23 =	simm.s32 $0x2;
	s28 =	simm.s32 $0x280;
	s29 =	simm.s32 $0x300  }
0x6: {  	s30 =	simm.s32 $0x380;
	s13 =	sand.u32 $0x1, s0;
	s0 =	rddreg [dreg:$0x3]  }
0x7: {  	[smem:$0x7FF] =	sst s3;
	s16 =	sshll.u32 s1, $0x7;
	s26 =	sshll.u32 s1, $0xA  }
0x8: {  	s31 =	sshll.u32 s1, $0x6;
	p0 =	sgt.u32 s1, $0x9;
	s5 =	smul.u32 $0xA, s13  }
0x9: {  	_ =	strace $0x80000059;
	s24 =	ssub.s32 $0x2, s13;
	s18 =	sadd.s32 s26, s2  }
0xa: {  	s19 =	sshll.u32 s13, $0xB;
	s26 =	simm.s32 $0x200;
	s25 =	sshrl.u32 s24, $0x1  }
0xb: {  	s5 =	sadd.s32 s1, s5;
	s17 =	ssub.s32 s24, s25;
	s24 =	simm.s32 $0x100  }
0xc: {  	s25 =	simm.s32 $0x180;
	s6 =	sshll.u32 s5, $0xE;
	s5 =	sshll.u32 s5, $0x7  }
0xd: {  	s15 =	sadd.s32 s6, s4;
	s7 =	sadd.s32 s5, s4;
	s4 =	sadd.s32 s16, s4  }
0xe: {  	s5 =	sor.u32 $0x1C03, s31;
	s16 =	sadd.s32 s14, s16;
	s4 =	sadd.s32 $0x56000, s4  }
.Ltmp0:
0xf: {  	s6 =	sadd.s32 $0x5600, s7;
	s7 =	sadd.s32 $0x6000, s15;
	(pc) =	sbr.rel .LBB2_1-.Ltmp0, $4  }
0x10: {  	s8 =	sadd.s32 $0x6800, s15;
	s9 =	sadd.s32 $0x7000, s15;
	s10 =	sadd.s32 $0x7800, s15  }
0x11: {  	s11 =	sadd.s32 $0x8000, s15;
	s12 =	sadd.s32 $0x8800, s15;
	s13 =	sadd.s32 $0x9000, s15  }
0x12: {  	s14 =	sadd.s32 $0x9800, s15;
	s15 =	sadd.s32 s19, s16;
	s16 =	smax.u32 s17, $0x1  }
0x13: {  	s17 =	sshrl.u32 s18, $0x3;
	s18 =	simm.s32 $0x3;
	s19 =	simm.s32 $0x400  }
.LBB2_3:
0x14: {  	s16 =	sadd.s32 $0xFFFFFFFF, s16  }
0x15: {  	p1 =	sne.s32 s16, $0x0  }
.Ltmp1:
0x16: {  	[bflag:$0x0] =	sbarrier.arrive $0xFFFF;
	(pc) =	sbr.rel @!p1 .LBB2_4-.Ltmp1, $4  }
0x17: {  	[hbm:s15], [sflag:s5] =	dma.local [spmem:s17], $0x80  }
0x18: {  	_ =	swait.ge [sflag:s18], $0x80  }
0x19: {  	[sflag:s18] =	ssyncset.done $0x0  }
0x1a: {  	[sflag:s18] =	ssyncadd.s32 $0xFFFFFF80  }
.LBB2_1:
0x1b: {  	[spmem:s17], [sflag:s5] =	dma.local [hbm:s4], $0x80  }
.Ltmp2:
0x1c: {  	_ =	swait.ge [sflag:s18], $0x80;
	(pc) =	sbr.rel @p0 .LBB2_3-.Ltmp2, $3  }
0x1d: {  	[sflag:s18] =	ssyncset.done $0x0  }
0x1e: {  	[sflag:s18] =	ssyncadd.s32 $0xFFFFFF80  }
0x1f: {  	[bflag:$0x0] =	sbarrier.arrive $0xFFFF;
	_ =	sdelay $0x1  }
0x20: {  	[tilespmem:s3], [sflag:$0x3] =	stream.linear.gather [hbm4b:s6+s3], $0x400, $0x38;
	[tilespmem:$0x8800] =	vst v63  }
0x21: {  	_ =	swait.ge [sflag:s18], $0x400  }
0x22: {  	[sflag:s18] =	ssyncset.done $0x0  }
0x23: {  	[sflag:s18] =	ssyncadd.s32 $0xFFFFFC00  }
0x24: {  	[tilespmem:s19], [sflag:$0x1] =	stream.linear.gather [hbm4b:s7+s3], $0x4000, $0x38;
	[tilespmem:$0x8800] =	vst v63  }
0x25: {  	_ = 	snop  }
0x26: {  	[tilespmem:s20], [sflag:$0x1] =	stream.linear.gather [hbm4b:s8+s3], $0x4000, $0x38;
	[tilespmem:$0x8800] =	vst v63  }
0x27: {  	_ =	swait.ge [sflag:s21], $0x4000  }
0x28: {  	[sflag:s21] =	ssyncset.done $0x0  }
0x29: {  	[sflag:s21] =	ssyncadd.s32 $0xFFFFC000  }
0x2a: {  	[spmem:s2] =	stream.indirect.scatter.add.f32 [tilespmem:s19], [sflag:$0x2], $0x80, s3, s22, $0xb8;
	[tilespmem:$0x8800] =	vst v63  }
0x2b: {  	_ =	swait.ge [sflag:s23], $0x4000  }
0x2c: {  	[sflag:s23] =	ssyncset.done $0x0  }
0x2d: {  	[sflag:s23] =	ssyncadd.s32 $0xFFFFC000  }
0x2e: {  	[tilespmem:s19], [sflag:$0x1] =	stream.linear.gather [hbm4b:s9+s3], $0x4000, $0x38;
	[tilespmem:$0x8800] =	vst v63  }
0x2f: {  	_ =	swait.ge [sflag:s21], $0x4000  }
0x30: {  	[sflag:s21] =	ssyncset.done $0x0  }
0x31: {  	[sflag:s21] =	ssyncadd.s32 $0xFFFFC000  }
0x32: {  	[spmem:s2] =	stream.indirect.scatter.add.f32 [tilespmem:s20], [sflag:$0x2], $0x80, s22, s22, $0xb8;
	[tilespmem:$0x8800] =	vst v63  }
0x33: {  	_ =	swait.ge [sflag:s23], $0x4000  }
0x34: {  	[sflag:s23] =	ssyncset.done $0x0  }
0x35: {  	[sflag:s23] =	ssyncadd.s32 $0xFFFFC000  }
0x36: {  	[tilespmem:s20], [sflag:$0x1] =	stream.linear.gather [hbm4b:s10+s3], $0x4000, $0x38;
	[tilespmem:$0x8800] =	vst v63  }
0x37: {  	_ =	swait.ge [sflag:s21], $0x4000  }
0x38: {  	[sflag:s21] =	ssyncset.done $0x0  }
0x39: {  	[sflag:s21] =	ssyncadd.s32 $0xFFFFC000  }
0x3a: {  	[spmem:s2] =	stream.indirect.scatter.add.f32 [tilespmem:s19], [sflag:$0x2], $0x80, s24, s22, $0xb8;
	[tilespmem:$0x8800] =	vst v63  }
0x3b: {  	_ =	swait.ge [sflag:s23], $0x4000  }
0x3c: {  	[sflag:s23] =	ssyncset.done $0x0  }
0x3d: {  	[sflag:s23] =	ssyncadd.s32 $0xFFFFC000  }
0x3e: {  	[tilespmem:s19], [sflag:$0x1] =	stream.linear.gather [hbm4b:s11+s3], $0x4000, $0x38;
	[tilespmem:$0x8800] =	vst v63  }
0x3f: {  	_ =	swait.ge [sflag:s21], $0x4000  }
0x40: {  	[sflag:s21] =	ssyncset.done $0x0  }
0x41: {  	[sflag:s21] =	ssyncadd.s32 $0xFFFFC000  }
0x42: {  	[spmem:s2] =	stream.indirect.scatter.add.f32 [tilespmem:s20], [sflag:$0x2], $0x80, s25, s22, $0xb8;
	[tilespmem:$0x8800] =	vst v63  }
0x43: {  	_ =	swait.ge [sflag:s23], $0x4000  }
0x44: {  	[sflag:s23] =	ssyncset.done $0x0  }
0x45: {  	[sflag:s23] =	ssyncadd.s32 $0xFFFFC000  }
0x46: {  	[tilespmem:s20], [sflag:$0x1] =	stream.linear.gather [hbm4b:s12+s3], $0x4000, $0x38;
	[tilespmem:$0x8800] =	vst v63  }
0x47: {  	_ =	swait.ge [sflag:s21], $0x4000  }
0x48: {  	[sflag:s21] =	ssyncset.done $0x0  }
0x49: {  	[sflag:s21] =	ssyncadd.s32 $0xFFFFC000  }
0x4a: {  	[spmem:s2] =	stream.indirect.scatter.add.f32 [tilespmem:s19], [sflag:$0x2], $0x80, s26, s22, $0xb8;
	[tilespmem:$0x8800] =	vst v63  }
0x4b: {  	_ =	swait.ge [sflag:s23], $0x4000  }
0x4c: {  	[sflag:s23] =	ssyncset.done $0x0  }
0x4d: {  	[sflag:s23] =	ssyncadd.s32 $0xFFFFC000  }
0x4e: {  	[tilespmem:s19], [sflag:$0x1] =	stream.linear.gather [hbm4b:s13+s3], $0x4000, $0x38;
	[tilespmem:$0x8800] =	vst v63  }
0x4f: {  	_ =	swait.ge [sflag:s21], $0x4000  }
0x50: {  	[sflag:s21] =	ssyncset.done $0x0  }
0x51: {  	[sflag:s21] =	ssyncadd.s32 $0xFFFFC000  }
0x52: {  	[spmem:s2] =	stream.indirect.scatter.add.f32 [tilespmem:s20], [sflag:$0x2], $0x80, s28, s22, $0xb8;
	[tilespmem:$0x8800] =	vst v63  }
0x53: {  	_ =	swait.ge [sflag:s23], $0x4000  }
0x54: {  	[sflag:s23] =	ssyncset.done $0x0  }
0x55: {  	[sflag:s23] =	ssyncadd.s32 $0xFFFFC000  }
0x56: {  	[tilespmem:s20], [sflag:$0x1] =	stream.linear.gather [hbm4b:s14+s3], $0x4000, $0x38;
	[tilespmem:$0x8800] =	vst v63  }
0x57: {  	_ =	swait.ge [sflag:s21], $0x4000  }
0x58: {  	[sflag:s21] =	ssyncset.done $0x0  }
0x59: {  	[sflag:s21] =	ssyncadd.s32 $0xFFFFC000  }
0x5a: {  	[spmem:s2] =	stream.indirect.scatter.add.f32 [tilespmem:s19], [sflag:$0x2], $0x80, s29, s22, $0xb8;
	[tilespmem:$0x8800] =	vst v63  }
0x5b: {  	_ =	swait.ge [sflag:s21], $0x4000  }
0x5c: {  	[sflag:s21] =	ssyncset.done $0x0  }
0x5d: {  	[sflag:s21] =	ssyncadd.s32 $0xFFFFC000  }
0x5e: {  	[spmem:s2] =	stream.indirect.scatter.add.f32 [tilespmem:s20], [sflag:$0x2], $0x80, s30, s22, $0xb8;
	[tilespmem:$0x8800] =	vst v63  }
0x5f: {  	_ =	swait.ge [sflag:s23], $0x4000  }
.Ltmp3:
0x60: {  	[sflag:s23] =	ssyncset.done $0x0;
	(pc) =	sbr.rel .LBB2_3-.Ltmp3, $4  }
0x61: {  	[sflag:s23] =	ssyncadd.s32 $0xFFFFC000  }
0x62: {  	_ =	swait.ge [sflag:s23], $0x4000  }
0x63: {  	[sflag:s23] =	ssyncset.done $0x0  }
0x64: {  	[sflag:s23] =	ssyncadd.s32 $0xFFFFC000  }
.LBB2_4:
0x65: {  	_ =	sfence.sel $0x180000  }
0x66: {  	[bflag:$0x0] =	sbarrier.arrive $0xFFFF  }
0x67: {  	p0 =	sne.s32 s1, $0x0;
	_ =	strace $0x90000059  }
0x68: {  	s0 =	sadd.s32 @!p0 $0x100000, s0;
	[bflag:$0x2] =	sbarrier.arrive $0xFFFF  }
0x69: {  	[sflag:s0] =	ssyncadd.tile.s32 @!p0 $0x1;
	_ =	shalt  }
.Lfunc_end2:
_tile_overlayer_lowered:
.L_overlay_start_2:
0x6a: {  	(tag) =	ssettag $0x2  }
0x6b: {  	s0 =	rddreg [dreg:$0x0];
	s2 =	stileid.u32  }
0x6c: {  	s1 =	rddreg [dreg:$0x1];
	p0 =	sne.s32 s2, $0x0  }
0x6d: {  	s3 =	rddreg [dreg:$0x2];
	[bflag:$0x3] =	sbarrier.arrive $0xFFFF;
	s2 =	simm.s32 @!p0 $0x1C03  }
0x6e: {  	[timem:s3], [sflag:s2] =	dma.local @!p0 [hbm:s0], s1  }
0x6f: {  	s0 =	simm.s32 @!p0 $0x3  }
0x70: {  	_ =	swait.ge @!p0 [sflag:s0], s1  }
0x71: {  	s1 =	ssub.s32 @!p0 $0x0, s1;
	[sflag:s0] =	ssyncset.done @!p0 $0x0  }
0x72: {  	[sflag:s0] =	ssyncadd.s32 @!p0 s1  }
0x73: {  	[bflag:$0x3] =	sbarrier.arrive $0xFFFF  }
0x74: {  	_ =	shalt  }

// kernel: kernel.40.cloned.1.call-start
scs
__scs_entry_jumppad:
0x0: {  	(pc) =	sbr.rel $0x88, $3  }
0x1: {  	(tag) =	ssettag $0x0;
	lr =	simm.s32 $0x1  }
0x2: {  	[smem:$0x3F8A] =	sst lr;
	_ =	strace $0xD0000000  }
0x3: {  	_ = 	snop  }
0x4: {  	_ = 	snop  }
0x5: {  	_ = 	snop  }
0x6: {  	_ = 	snop  }
0x7: {  	_ = 	snop  }
__scs_overlays_trampoline_lowered:
0x8: {  	[smem:$0x3F99] =	sst s0  }
0x9: {  	[smem:$0x3F9A] =	sst s1  }
0xa: {  	[smem:$0x3F9B] =	sst s2  }
0xb: {  	[smem:$0x3F9C] =	sst s3  }
0xc: {  	[smem:$0x3F9D] =	sst s4  }
0xd: {  	[smem:$0x3F9E] =	sst s5  }
0xe: {  	[smem:$0x3F9F] =	sst s6  }
0xf: {  	[smem:$0x3FA0] =	sst s7  }
0x10: {  	[smem:$0x3FA1] =	sst s8  }
0x11: {  	[smem:$0x3FA2] =	sst s9;
	s0 =	simm.s32 @!p0 $0x0  }
0x12: {  	s1 =	sld [smem:$0x3F88];
	s0 =	simm.s32 @p0 $0x1  }
0x13: {  	[smem:$0x3FA3] =	sst s0;
	s0 =	simm.s32 @!p1 $0x0  }
0x14: {  	s2 =	sld [smem:$0x3F87];
	s0 =	simm.s32 @p1 $0x1  }
0x15: {  	[smem:$0x3FA4] =	sst s0;
	s0 =	simm.s32 @!p2 $0x0  }
0x16: {  	s3 =	sld [smem:$0x3FDB];
	s0 =	simm.s32 @p2 $0x1  }
0x17: {  	s4 =	simm.s32 $0x1BF5;
	[smem:$0x3FA6] =	sst s0  }
0x18: {  	s0 =	sld [smem:$0x3F89];
	_ =	swait.ge [sflag:s4], $0x0  }
0x19: {  	s7 =	sld [smem:$0x3F8A]  }
0x1a: {  	s8 =	sadd.s32 $0xFFFFE003, lr  }
0x1b: {  	s9 =	sadd.s32 $0xFFFFFEF7, lr;
	s5 =	simm.s32 $0xFFFFFFFF;
	p2 =	slt.u32 s8, $0xFFFFF086  }
0x1c: {  	p1 =	slt.u32 s9, $0xF7A;
	s5 =	simm.s32 @!p2 $0x0  }
0x1d: {  	s5 =	simm.s32 @p1 $0x1;
	p0 =	seq.s32 s7, s2  }
0x1e: {  	s7 =	smul.u32 @!p0 $0xF7A, s2;
	p2 =	seq.s32 @!p0 s5, $0x0  }
0x1f: {  	s9 =	smul.u32 $0xF7A, s1;
	s8 =	simm.s32 @!p0 $0x1BF5;
	p2 =	por !p2, p0  }
0x20: {  	[sflag:s8] =	ssyncset.s32 @!p0 $0xFFFFF086;
	s6 =	sadd.s32 @!p0 s3, s7;
	s7 =	simm.s32 @!p0 $0x108  }
0x21: {  	s3 =	sadd.s32 s3, s9;
	s6 =	sadd.s32 @!p0 $0x88, s6;
	s7 =	simm.s32 @p2 $0x1082  }
0x22: {  	[simem:s7], [sflag:s8] =	dma.local @!p0 [hbm:s6], $0xF7A  }
0x23: {  	s9 =	sor.u32 $0xD0000000, s2;
	s6 =	simm.s32 $0x108;
	_ =	swait.ge @!p0 [sflag:s8], $0x0  }
0x24: {  	s3 =	sadd.s32 $0x88, s3;
	s6 =	simm.s32 @!p1 $0x1082;
	[sflag:s4] =	ssyncset.s32 $0xFFFFF086  }
0x25: {  	[simem:s6], [sflag:s4] =	dma.local [hbm:s3], $0xF7A  }
0x26: {  	[smem:$0x3F8A] =	sst s1;
	(tag) =	ssettag s2;
	_ =	strace s9  }
0x27: {  	s1 =	sld [smem:$0x3F9A]  }
0x28: {  	s2 =	sld [smem:$0x3F9B]  }
0x29: {  	s4 =	sld [smem:$0x3F9D]  }
0x2a: {  	p0 =	seq.s32 s5, $0x0;
	s5 =	sld [smem:$0x3F9E]  }
0x2b: {  	s6 =	sld [smem:$0x3F9F]  }
0x2c: {  	s7 =	sld [smem:$0x3FA0]  }
0x2d: {  	s3 =	simm.s32 $0x108;
	s8 =	sld [smem:$0x3FA1]  }
0x2e: {  	s3 =	simm.s32 @!p0 $0x1082;
	s9 =	sld [smem:$0x3FA2]  }
0x2f: {  	lr =	sadd.s32 s0, s3;
	s0 =	sld [smem:$0x3F99]  }
0x30: {  	s3 =	sld [smem:$0x3F9C]  }
0x31: {  	[smem:$0x3FA5] =	sst s10  }
0x32: {  	s10 =	sld [smem:$0x3FA3];
	_ =	sdelay $0x3  }
0x33: {  	p0 =	seq.s32 s10, $0x1;
	s10 =	sld [smem:$0x3FA5];
	_ =	sdelay $0x3  }
0x34: {  	[smem:$0x3FA5] =	sst s10  }
0x35: {  	s10 =	sld [smem:$0x3FA4];
	_ =	sdelay $0x3  }
0x36: {  	p1 =	seq.s32 s10, $0x1;
	s10 =	sld [smem:$0x3FA5];
	_ =	sdelay $0x3  }
0x37: {  	[smem:$0x3FA5] =	sst s10  }
0x38: {  	s10 =	sld [smem:$0x3FA6]  }
0x39: {  	_ = 	snop;
	(pc) =	sbr.ind lr, $3  }
0x3a: {  	_ = 	snop  }
0x3b: {  	_ = 	snop  }
0x3c: {  	p2 =	seq.s32 s10, $0x1;
	s10 =	sld [smem:$0x3FA5]  }
0x3d: {  	_ =	shalt  }
0x3e: {  	_ =	shalt  }
0x3f: {  	_ =	shalt  }
0x40: {  	_ =	shalt  }
0x41: {  	_ =	shalt  }
0x42: {  	_ =	shalt  }
0x43: {  	_ =	shalt  }
0x44: {  	_ =	shalt  }
0x45: {  	_ =	shalt  }
0x46: {  	_ =	shalt  }
0x47: {  	_ =	shalt  }
0x48: {  	_ =	shalt  }
0x49: {  	_ =	shalt  }
0x4a: {  	_ =	shalt  }
0x4b: {  	_ =	shalt  }
0x4c: {  	_ =	shalt  }
0x4d: {  	_ =	shalt  }
0x4e: {  	_ =	shalt  }
0x4f: {  	_ =	shalt  }
0x50: {  	_ =	shalt  }
0x51: {  	_ =	shalt  }
0x52: {  	_ =	shalt  }
0x53: {  	_ =	shalt  }
0x54: {  	_ =	shalt  }
0x55: {  	_ =	shalt  }
0x56: {  	_ =	shalt  }
0x57: {  	_ =	shalt  }
0x58: {  	_ =	shalt  }
0x59: {  	_ =	shalt  }
0x5a: {  	_ =	shalt  }
0x5b: {  	_ =	shalt  }
0x5c: {  	_ =	shalt  }
0x5d: {  	_ =	shalt  }
0x5e: {  	_ =	shalt  }
0x5f: {  	_ =	shalt  }
0x60: {  	_ =	shalt  }
0x61: {  	_ =	shalt  }
0x62: {  	_ =	shalt  }
0x63: {  	_ =	shalt  }
0x64: {  	_ =	shalt  }
0x65: {  	_ =	shalt  }
0x66: {  	_ =	shalt  }
0x67: {  	_ =	shalt  }
0x68: {  	_ =	shalt  }
0x69: {  	_ =	shalt  }
0x6a: {  	_ =	shalt  }
0x6b: {  	_ =	shalt  }
0x6c: {  	_ =	shalt  }
0x6d: {  	_ =	shalt  }
0x6e: {  	_ =	shalt  }
0x6f: {  	_ =	shalt  }
0x70: {  	_ =	shalt  }
0x71: {  	_ =	shalt  }
0x72: {  	_ =	shalt  }
0x73: {  	_ =	shalt  }
0x74: {  	_ =	shalt  }
0x75: {  	_ =	shalt  }
0x76: {  	_ =	shalt  }
0x77: {  	_ =	shalt  }
0x78: {  	_ =	shalt  }
0x79: {  	_ =	shalt  }
0x7a: {  	_ =	shalt  }
0x7b: {  	_ =	shalt  }
0x7c: {  	_ =	shalt  }
0x7d: {  	_ =	shalt  }
0x7e: {  	_ =	shalt  }
0x7f: {  	_ =	shalt  }
0x80: {  	_ =	shalt  }
0x81: {  	_ =	shalt  }
0x82: {  	_ =	shalt  }
0x83: {  	_ =	shalt  }
0x84: {  	_ =	shalt  }
0x85: {  	_ =	shalt  }
0x86: {  	_ =	shalt  }
0x87: {  	_ =	shalt  }
.Lfunc_end0:
.L_simem_size_0:
called_computation.7_lowered:
.L_overlay_start_0:
0x88: {  	s2 =	sld [smem:$0x3FD9]  }
0x89: {  	s3 =	sld [smem:$0x3FFE];
	_ =	sdelay $0x1  }
0x8a: {  	s1 =	srdreg.scid  }
0x8b: {  	s0 =	sand.u32 $0x1, s1  }
0x8c: {  	s14 =	sshll.u32 s0, $0xA;
	s2 =	sadd.s32 s3, s2  }
0x8d: {  	s2 =	sadd.s32 s2, s14  }
0x8e: {  	[smem:$0x3FB1] =	sst s2  }
0x8f: {  	_ = 	snop  }
0x90: {  	s2 =	sld [smem:$0x3FD0];
	_ =	sdelay $0x2  }
0x91: {  	s15 =	simm.s32 $0xA;
	s4 =	simm.s32 $0x10  }
0x92: {  	[smem:s4], [sflag:s15] =	dma.local [hbm:s2], $0x1  }
0x93: {  	_ =	swait.eq [sflag:s15], $0x1  }
0x94: {  	[sflag:s15] =	ssyncset.done $0x0  }
0x95: {  	[sflag:s15] =	ssyncadd.s32 $0xFFFFFFFF  }
0x96: {  	s16 =	sld [smem:$0x10];
	(tm) =	ssettm $0x1  }
0x97: {  	s17 =	sld [smem:$0x3FFB];
	_ =	sdelay $0x3  }
0x98: {  	_ =	strace s17  }
0x99: {  	s3 =	sld [smem:$0x3FFC];
	_ =	sdelay $0x3  }
0x9a: {  	_ =	strace s3  }
0x9b: {  	s3 =	sld [smem:$0x3FFD];
	_ =	sdelay $0x3  }
0x9c: {  	_ =	strace s3  }
0x9d: {  	_ =	strace $0x8FFFFFFF  }
0x9e: {  	s18 =	sld [smem:$0x3FDB];
	_ =	sdelay $0x1  }
0x9f: {  	s19 =	simm.s32 $_scs_section_size  }
0xa0: {  	s5 =	simm.s32 $_size__tile_overlayer_lowered;
	s6 =	simm.s32 $_tile_overlayer_lowered  }
0xa1: {  	s22 =	simm.s32 $0x1BFF;
	s21 =	sshll.u32 s6, $0x1;
	s3 =	sadd.s32 s19, s18  }
0xa2: {  	s7 =	simm.s32 $0x0;
	s20 =	sshll.u32 s5, $0x1;
	s5 =	sadd.s32 s21, s3  }
0xa3: {  	[timem:s7], [sflag:s22] =	dma.local [hbm:s5], s20  }
0xa4: {  	_ =	swait.ge [sflag:s22], s20  }
0xa5: {  	s4 =	ssub.s32 $0x0, s20;
	[sflag:s22] =	ssyncset.done $0x0  }
0xa6: {  	[sflag:s22] =	ssyncadd.s32 s4;
	_ =	sdelay $0x1  }
0xa7: {  	s23 =	simm.s32 $0x1B8B  }
0xa8: {  	_ =	swait.ge [sflag:s23], $0x1  }
0xa9: {  	[sflag:s23] =	ssyncset.done $0x0  }
0xaa: {  	s25 =	simm.s32 $0x1B8E;
	s24 =	sld [smem:$0x3FFE];
	[sflag:s23] =	ssyncadd.s32 $0xFFFFFFFF  }
0xab: {  	s26 =	simm.s32 $execute0_lowered;
	[smem:$0x3FD2] =	sst s25  }
0xac: {  	s5 =	sshll.u32 s26, $0x1;
	_ =	strace $0x8000005B;
	[dreg:$0x1] =	wrdreg $0xFFFFFFFF  }
0xad: {  	s28 =	simm.s32 $_size_execute0_lowered;
	s3 =	sadd.s32 s3, s5;
	[dreg:$0x0] =	wrdreg $0x0  }
0xae: {  	s5 =	sshll.u32 s28, $0x1;
	[dreg:$0x2] =	wrdreg s3  }
0xaf: {  	[dreg:$0x3] =	wrdreg s5  }
0xb0: {  	[dreg:$0x4] =	wrdreg $0xC0  }
0xb1: {  	_ =	task [dreg:s7], $0x5FFFF  }
0xb2: {  	[dreg:$0x1] =	wrdreg $0xFFFFFFFF  }
0xb3: {  	[dreg:$0x0] =	wrdreg $0x60  }
0xb4: {  	[dreg:$0x2] =	wrdreg s16  }
0xb5: {  	[dreg:$0x3] =	wrdreg s24  }
0xb6: {  	[dreg:$0x4] =	wrdreg $0x9  }
0xb7: {  	_ =	task.clear_ibuf [dreg:s7], $0x5FFFF;
	_ =	strace $0x9000005B  }
0xb8: {  	s29 =	simm.s32 $0x9;
	_ =	strace $0x8000005D  }
0xb9: {  	_ =	swait.ge [sflag:s29], $0x1  }
0xba: {  	[sflag:s29] =	ssyncadd.s32 $0xFFFFFFFF  }
0xbb: {  	_ =	strace $0x9000005D  }
0xbc: {  	_ =	sfence  }
0xbd: {  	s30 =	sld [smem:$0x0];
	_ =	sdelay $0x2  }
0xbe: {  	s31 =	sshll.u32 s1, $0xD;
	s1 =	sshrl.u32 s1, $0x2  }
0xbf: {  	s3 =	sand.u32 $0x4000, s31;
	s1 =	sadd.s32 s1, s30  }
0xc0: {  	s0 =	sor.u32 s3, s0;
	s1 =	sshll.u32 s1, $0x11  }
0xc1: {  	s0 =	sor.u32 s1, s0  }
0xc2: {  	s0 =	sadd.s32 $0x8F2B, s0  }
0xc3: {  	[sflag:s0] =	ssyncadd.remote.s32 $0x1  }
0xc4: {  	_ =	sfence.sel $0xFFFF  }
0xc5: {  	[dreg:$0x0] =	wrdreg $0xFFFFFFFF;
	(pc) =	sbr.abs _section_cstart, $3  }
0xc6: {  	[dreg:$0x1] =	wrdreg $0xFFFFFFFF  }
0xc7: {  	_ =	task.clear_ibuf [dreg:s7], $0x2FFFF;
	_ =	strace $0x9FFFFFFF  }
0xc8: {  	(tm) =	ssettm $0x7FFFFFFF  }
0xc9: {  	_ =	shalt  }
tec
execute0_lowered:
.L_overlay_start_1:
0x0: {  	(tag) =	ssettag $0x1  }
0x1: {  	s1 =	stileid.u32  }
0x2: {  	p0 =	sgt.u32 s1, $0x4  }
.Ltmp0:
0x3: {  	_ = 	snop;
	(pc) =	sbr.rel @p0 .LBB2_4-.Ltmp0, $4  }
0x4: {  	s2 =	rddreg [dreg:$0x0]  }
0x5: {  	s14 =	rddreg [dreg:$0x1];
	s3 =	simm.s32 $0x0  }
0x6: {  	[smem:$0x7FF] =	sst s3  }
0x7: {  	s0 =	rddreg [dreg:$0x2];
	_ =	strace $0x8000005C  }
0x8: {  	s4 =	srdreg.scid  }
0x9: {  	s29 =	sshll.u32 s1, $0x1;
	s19 =	sand.u32 $0x1, s4  }
0xa: {  	s15 =	sor.u32 s19, s29  }
0xb: {  	s30 =	sadd.s32 $0x56800, s14;
	s5 =	sshll.u32 s15, $0x7  }
0xc: {  	s4 =	simm.s32 $0x2;
	s5 =	sadd.s32 s30, s5  }
0xd: {  	[tilespmem:s3], [sflag:$0x2] =	stream.linear.gather [hbm4b:s5+s3], $0x400, $0x38;
	[tilespmem:$0x10400] =	vst v63  }
0xe: {  	_ =	swait.ge [sflag:s4], $0x400  }
0xf: {  	[sflag:s4] =	ssyncset.done $0x0  }
0x10: {  	s6 =	simm.s32 $0x80;
	s7 =	simm.s32 $0x400;
	[sflag:s4] =	ssyncadd.s32 $0xFFFFFC00  }
0x11: {  	[tilespmem:s7], [sflag:$0x1] =	stream.indirect.gather [hbm4b:s2+s6], $0x80, s3, s6, $0xb8;
	[tilespmem:$0x10400] =	vst v63  }
0x12: {  	s8 =	simm.s32 $0x4400  }
0x13: {  	[tilespmem:s8], [sflag:$0x1] =	stream.indirect.gather [hbm4b:s2+s6], $0x80, s6, s6, $0xb8;
	[tilespmem:$0x10400] =	vst v63  }
0x14: {  	s9 =	simm.s32 $0x100;
	s10 =	simm.s32 $0x8400  }
0x15: {  	[tilespmem:s10], [sflag:$0x1] =	stream.indirect.gather [hbm4b:s2+s6], $0x80, s9, s6, $0xb8;
	[tilespmem:$0x10400] =	vst v63  }
0x16: {  	s11 =	simm.s32 $0x180;
	s12 =	simm.s32 $0xC400;
	s13 =	simm.s32 $0x1  }
0x17: {  	[tilespmem:s12], [sflag:$0x1] =	stream.indirect.gather [hbm4b:s2+s6], $0x80, s11, s6, $0xb8;
	[tilespmem:$0x10400] =	vst v63  }
0x18: {  	_ =	swait.ge [sflag:s13], $0x4000  }
0x19: {  	[sflag:s13] =	ssyncset.done $0x0  }
0x1a: {  	[sflag:s13] =	ssyncadd.s32 $0xFFFFC000  }
0x1b: {  	_ =	swait.ge [sflag:s13], $0x4000  }
0x1c: {  	[sflag:s13] =	ssyncset.done $0x0  }
0x1d: {  	[sflag:s13] =	ssyncadd.s32 $0xFFFFC000  }
0x1e: {  	_ =	swait.ge [sflag:s13], $0x4000  }
0x1f: {  	[sflag:s13] =	ssyncset.done $0x0  }
0x20: {  	[sflag:s13] =	ssyncadd.s32 $0xFFFFC000  }
0x21: {  	s15 =	sshll.u32 s15, $0xE;
	_ =	swait.ge [sflag:s13], $0x4000  }
0x22: {  	s20 =	sadd.s32 s15, s14;
	[sflag:s13] =	ssyncset.done $0x0  }
0x23: {  	s14 =	sadd.s32 $0x56E00, s20;
	[sflag:s13] =	ssyncadd.s32 $0xFFFFC000  }
0x24: {  	[hbm4b:s14+s3] =	stream.linear.scatter [tilespmem:s7], [sflag:$0x2], $0x10000, $0x38;
	[tilespmem:$0x10400] =	vst v63  }
0x25: {  	_ =	swait.ge [sflag:s4], $0x10000  }
0x26: {  	[sflag:s4] =	ssyncset.done $0x0  }
0x27: {  	s15 =	simm.s32 $0x200;
	[sflag:s4] =	ssyncadd.s32 $0xFFFF0000  }
0x28: {  	[tilespmem:s7], [sflag:$0x1] =	stream.indirect.gather [hbm4b:s2+s6], $0x80, s15, s6, $0xb8;
	[tilespmem:$0x10400] =	vst v63  }
0x29: {  	s16 =	simm.s32 $0x280  }
0x2a: {  	[tilespmem:s8], [sflag:$0x1] =	stream.indirect.gather [hbm4b:s2+s6], $0x80, s16, s6, $0xb8;
	[tilespmem:$0x10400] =	vst v63  }
0x2b: {  	s17 =	simm.s32 $0x300  }
0x2c: {  	[tilespmem:s10], [sflag:$0x1] =	stream.indirect.gather [hbm4b:s2+s6], $0x80, s17, s6, $0xb8;
	[tilespmem:$0x10400] =	vst v63  }
0x2d: {  	s18 =	simm.s32 $0x380  }
0x2e: {  	[tilespmem:s12], [sflag:$0x1] =	stream.indirect.gather [hbm4b:s2+s6], $0x80, s18, s6, $0xb8;
	[tilespmem:$0x10400] =	vst v63  }
0x2f: {  	_ =	swait.ge [sflag:s13], $0x4000  }
0x30: {  	[sflag:s13] =	ssyncset.done $0x0  }
0x31: {  	[sflag:s13] =	ssyncadd.s32 $0xFFFFC000  }
0x32: {  	_ =	swait.ge [sflag:s13], $0x4000  }
0x33: {  	[sflag:s13] =	ssyncset.done $0x0  }
0x34: {  	s19 =	ssub.s32 $0x2, s19;
	[sflag:s13] =	ssyncadd.s32 $0xFFFFC000  }
0x35: {  	s21 =	sshrl.u32 s19, $0x1;
	_ =	swait.ge [sflag:s13], $0x4000  }
0x36: {  	s21 =	ssub.s32 s19, s21;
	[sflag:s13] =	ssyncset.done $0x0  }
0x37: {  	s31 =	smax.u32 s21, $0x1;
	[sflag:s13] =	ssyncadd.s32 $0xFFFFC000  }
0x38: {  	p0 =	sne.s32 s31, $0x1;
	_ =	swait.ge [sflag:s13], $0x4000  }
.Ltmp1:
0x39: {  	[sflag:s13] =	ssyncset.done $0x0;
	(pc) =	sbr.rel @!p0 .LBB2_3-.Ltmp1, $4  }
0x3a: {  	s19 =	sadd.s32 $0x58E00, s20;
	[sflag:s13] =	ssyncadd.s32 $0xFFFFC000  }
0x3b: {  	[hbm4b:s19+s3] =	stream.linear.scatter [tilespmem:s7], [sflag:$0x2], $0x10000, $0x38;
	[tilespmem:$0x10400] =	vst v63  }
0x3c: {  	_ =	swait.ge [sflag:s4], $0x10000  }
0x3d: {  	s20 =	sadd.s32 $0xFFFFFFFF, s31;
	[sflag:s4] =	ssyncset.done $0x0  }
.LBB2_2:
0x3e: {  	p0 =	sne.s32 s20, $0x1;
	s20 =	sadd.s32 $0xFFFFFFFF, s20;
	[sflag:s4] =	ssyncadd.s32 $0xFFFF0000  }
0x3f: {  	[tilespmem:s3], [sflag:$0x2] =	stream.linear.gather [hbm4b:s5+s3], $0x400, $0x38;
	[tilespmem:$0x10400] =	vst v63  }
0x40: {  	_ =	swait.ge [sflag:s4], $0x400  }
0x41: {  	[sflag:s4] =	ssyncset.done $0x0  }
0x42: {  	[sflag:s4] =	ssyncadd.s32 $0xFFFFFC00  }
0x43: {  	[tilespmem:s7], [sflag:$0x1] =	stream.indirect.gather [hbm4b:s2+s6], $0x80, s3, s6, $0xb8;
	[tilespmem:$0x10400] =	vst v63  }
0x44: {  	_ = 	snop  }
0x45: {  	[tilespmem:s8], [sflag:$0x1] =	stream.indirect.gather [hbm4b:s2+s6], $0x80, s6, s6, $0xb8;
	[tilespmem:$0x10400] =	vst v63  }
0x46: {  	_ = 	snop  }
0x47: {  	[tilespmem:s10], [sflag:$0x1] =	stream.indirect.gather [hbm4b:s2+s6], $0x80, s9, s6, $0xb8;
	[tilespmem:$0x10400] =	vst v63  }
0x48: {  	_ = 	snop  }
0x49: {  	[tilespmem:s12], [sflag:$0x1] =	stream.indirect.gather [hbm4b:s2+s6], $0x80, s11, s6, $0xb8;
	[tilespmem:$0x10400] =	vst v63  }
0x4a: {  	_ =	swait.ge [sflag:s13], $0x4000  }
0x4b: {  	[sflag:s13] =	ssyncset.done $0x0  }
0x4c: {  	[sflag:s13] =	ssyncadd.s32 $0xFFFFC000  }
0x4d: {  	_ =	swait.ge [sflag:s13], $0x4000  }
0x4e: {  	[sflag:s13] =	ssyncset.done $0x0  }
0x4f: {  	[sflag:s13] =	ssyncadd.s32 $0xFFFFC000  }
0x50: {  	_ =	swait.ge [sflag:s13], $0x4000  }
0x51: {  	[sflag:s13] =	ssyncset.done $0x0  }
0x52: {  	[sflag:s13] =	ssyncadd.s32 $0xFFFFC000  }
0x53: {  	_ =	swait.ge [sflag:s13], $0x4000  }
0x54: {  	[sflag:s13] =	ssyncset.done $0x0  }
0x55: {  	[sflag:s13] =	ssyncadd.s32 $0xFFFFC000  }
0x56: {  	[hbm4b:s14+s3] =	stream.linear.scatter [tilespmem:s7], [sflag:$0x2], $0x10000, $0x38;
	[tilespmem:$0x10400] =	vst v63  }
0x57: {  	_ =	swait.ge [sflag:s4], $0x10000  }
0x58: {  	[sflag:s4] =	ssyncset.done $0x0  }
0x59: {  	[sflag:s4] =	ssyncadd.s32 $0xFFFF0000  }
0x5a: {  	[tilespmem:s7], [sflag:$0x1] =	stream.indirect.gather [hbm4b:s2+s6], $0x80, s15, s6, $0xb8;
	[tilespmem:$0x10400] =	vst v63  }
0x5b: {  	_ = 	snop  }
0x5c: {  	[tilespmem:s8], [sflag:$0x1] =	stream.indirect.gather [hbm4b:s2+s6], $0x80, s16, s6, $0xb8;
	[tilespmem:$0x10400] =	vst v63  }
0x5d: {  	_ = 	snop  }
0x5e: {  	[tilespmem:s10], [sflag:$0x1] =	stream.indirect.gather [hbm4b:s2+s6], $0x80, s17, s6, $0xb8;
	[tilespmem:$0x10400] =	vst v63  }
0x5f: {  	_ = 	snop  }
0x60: {  	[tilespmem:s12], [sflag:$0x1] =	stream.indirect.gather [hbm4b:s2+s6], $0x80, s18, s6, $0xb8;
	[tilespmem:$0x10400] =	vst v63  }
0x61: {  	_ =	swait.ge [sflag:s13], $0x4000  }
0x62: {  	[sflag:s13] =	ssyncset.done $0x0  }
0x63: {  	[sflag:s13] =	ssyncadd.s32 $0xFFFFC000  }
0x64: {  	_ =	swait.ge [sflag:s13], $0x4000  }
0x65: {  	[sflag:s13] =	ssyncset.done $0x0  }
0x66: {  	[sflag:s13] =	ssyncadd.s32 $0xFFFFC000  }
0x67: {  	_ =	swait.ge [sflag:s13], $0x4000  }
0x68: {  	[sflag:s13] =	ssyncset.done $0x0  }
0x69: {  	[sflag:s13] =	ssyncadd.s32 $0xFFFFC000  }
0x6a: {  	_ =	swait.ge [sflag:s13], $0x4000  }
.Ltmp2:
0x6b: {  	[sflag:s13] =	ssyncset.done $0x0;
	(pc) =	sbr.rel @p0 .LBB2_2-.Ltmp2, $4  }
0x6c: {  	[sflag:s13] =	ssyncadd.s32 $0xFFFFC000  }
0x6d: {  	[hbm4b:s19+s3] =	stream.linear.scatter [tilespmem:s7], [sflag:$0x2], $0x10000, $0x38;
	[tilespmem:$0x10400] =	vst v63  }
0x6e: {  	_ =	swait.ge [sflag:s4], $0x10000  }
0x6f: {  	[sflag:s4] =	ssyncset.done $0x0  }
.LBB2_3:
0x70: {  	[sflag:s4] =	ssyncadd.s32 $0xFFFF0000  }
.LBB2_4:
0x71: {  	_ =	sfence.sel $0x180000  }
0x72: {  	[bflag:$0x0] =	sbarrier.arrive $0xFFFF  }
0x73: {  	p0 =	sne.s32 s1, $0x0;
	_ =	strace $0x9000005C  }
0x74: {  	s0 =	sadd.s32 @!p0 $0x100000, s0;
	[bflag:$0x2] =	sbarrier.arrive $0xFFFF  }
0x75: {  	[sflag:s0] =	ssyncadd.tile.s32 @!p0 $0x1;
	_ =	shalt  }
.Lfunc_end2:
_tile_overlayer_lowered:
.L_overlay_start_2:
0x76: {  	(tag) =	ssettag $0x2  }
0x77: {  	s0 =	rddreg [dreg:$0x0];
	s2 =	stileid.u32  }
0x78: {  	s1 =	rddreg [dreg:$0x1];
	p0 =	sne.s32 s2, $0x0  }
0x79: {  	s3 =	rddreg [dreg:$0x2];
	[bflag:$0x3] =	sbarrier.arrive $0xFFFF;
	s2 =	simm.s32 @!p0 $0x1C02  }
0x7a: {  	[timem:s3], [sflag:s2] =	dma.local @!p0 [hbm:s0], s1  }
0x7b: {  	s0 =	simm.s32 @!p0 $0x2  }
0x7c: {  	_ =	swait.ge @!p0 [sflag:s0], s1  }
0x7d: {  	s1 =	ssub.s32 @!p0 $0x0, s1;
	[sflag:s0] =	ssyncset.done @!p0 $0x0  }
0x7e: {  	[sflag:s0] =	ssyncadd.s32 @!p0 s1  }
0x7f: {  	[bflag:$0x3] =	sbarrier.arrive $0xFFFF  }
0x80: {  	_ =	shalt  }

</sc_bundles>
